<compile_context>
chip_gen: v7x
topology: tpu7x:2x2x1
jax: 0.10.2.dev20260603
libtpu: 0.0.44.dev20260713+nightly
codegen_flags: <defaults>
</compile_context>

<pallas_src>
import functools

import jax
import jax.numpy as jnp
from jax import lax
from jax.experimental import pallas as pl
from jax.experimental.pallas import tpu as pltpu
from jax.experimental.pallas import tpu_sc as plsc

N = 10000
E = 320000
D = 128
G = 64

NC = 2
NS = 16
NW = NC * NS
EPT = E // NW

TSTRIDE = 120
TSIZE = N * TSTRIDE
TSLICE = TSIZE // NS

_mesh = plsc.VectorSubcoreMesh(core_axis_name="c", subcore_axis_name="s")
_sc_params = pltpu.CompilerParams(needs_layout_passes=False)


def _rsqrt_sc(r2):
    i = plsc.bitcast(r2, jnp.int32)
    i = jnp.int32(0x5F3759DF) - (i >> 1)
    y = plsc.bitcast(i, jnp.float32)
    y = y * (1.5 - 0.5 * r2 * y * y)
    y = y * (1.5 - 0.5 * r2 * y * y)
    return y


@functools.partial(
    pl.kernel,
    out_type=jax.ShapeDtypeStruct((NC * TSIZE,), jnp.float32),
    mesh=_mesh,
    scratch_types=[
        pltpu.VMEM((2000,), jnp.int32),
        pltpu.VMEM((2000,), jnp.int32),
        pltpu.VMEM((N,), jnp.int32),
        pltpu.VMEM((3 * N,), jnp.float32),
        pltpu.VMEM((80,), jnp.float32),
        pltpu.VMEM((80,), jnp.int32),
        pltpu.VMEM((80,), jnp.float32),
        pltpu.VMEM((80,), jnp.int32),
        pltpu.VMEM((4000,), jnp.float32),
        pltpu.VMEM((4000,), jnp.float32),
        pltpu.VMEM_SHARED((TSIZE,), jnp.float32),
        pltpu.SemaphoreType.DMA,
        pltpu.SemaphoreType.DMA,
        pltpu.SemaphoreType.DMA,
        pltpu.SemaphoreType.DMA,
    ],
    compiler_params=_sc_params,
)
def _sc_pass1(coords_hbm, src_hbm, dst_hbm, z_hbm, out_hbm,
              src_v, dst_v, z_v, cf_v, envb_a, fidxb_a, envb_b, fidxb_b,
              zbuf, zbuf2, table, sem_a, sem_b, sem_z, sem_z2):
    c = lax.axis_index("c")
    s = lax.axis_index("s")
    w = s * NC + c

    z16 = jnp.zeros((16,), jnp.float32)

    def zfill(i, _):
        zbuf[pl.ds(i * 16, 16)] = z16
        return _

    lax.fori_loop(0, 250, zfill, None)
    base = s * TSLICE
    for k in range(18):
        pltpu.async_copy(zbuf, table.at[pl.ds(base + k * 4000, 4000)], sem_z)
    pltpu.async_copy(zbuf.at[pl.ds(0, 3000)],
                     table.at[pl.ds(base + 72000, 3000)], sem_z)

    pltpu.sync_copy(z_hbm, z_v)
    pltpu.sync_copy(coords_hbm, cf_v)
    for k in range(18):
        pltpu.make_async_copy(zbuf, table.at[pl.ds(base + k * 4000, 4000)],
                              sem_z).wait()
    pltpu.make_async_copy(zbuf.at[pl.ds(0, 3000)],
                          table.at[pl.ds(base + 72000, 3000)], sem_z).wait()
    plsc.subcore_barrier()

    def edge_vec(e0):
        s16 = src_v[pl.ds(e0, 16)]
        d16 = dst_v[pl.ds(e0, 16)]
        zx = plsc.load_gather(z_v, [s16])
        dx = (plsc.load_gather(cf_v, [s16]) - plsc.load_gather(cf_v, [d16]))
        dy = (plsc.load_gather(cf_v, [s16 + N]) - plsc.load_gather(cf_v, [d16 + N]))
        dz = (plsc.load_gather(cf_v, [s16 + 2 * N]) - plsc.load_gather(cf_v, [d16 + 2 * N]))
        r2 = dx * dx + dy * dy + dz * dz + 1e-12
        dist = r2 * _rsqrt_sc(r2)
        env = jnp.exp(-dist)
        fidx = d16 * TSTRIDE + zx
        return env, fidx

    def compute_chunk(cl, eb, fb):
        base_e = cl * 80
        for b in range(5):
            env, fidx = edge_vec(base_e + b * 16)
            eb[pl.ds(b * 16, 16)] = env
            fb[pl.ds(b * 16, 16)] = fidx

    def start_sc(eb, fb, sem):
        pltpu.async_copy(eb, table.at[fb], sem, add=True)

    def wait_sc(eb, fb, sem):
        pltpu.make_async_copy(eb, table.at[fb], sem).wait()

    def stage_body(st, _):
        e0 = w * EPT + st * 2000
        pltpu.sync_copy(src_hbm.at[pl.ds(e0, 2000)], src_v)
        pltpu.sync_copy(dst_hbm.at[pl.ds(e0, 2000)], dst_v)
        compute_chunk(0, envb_a, fidxb_a)
        start_sc(envb_a, fidxb_a, sem_a)
        compute_chunk(1, envb_b, fidxb_b)
        start_sc(envb_b, fidxb_b, sem_b)

        def pair_body(i, _):
            wait_sc(envb_a, fidxb_a, sem_a)
            compute_chunk(2 * i + 2, envb_a, fidxb_a)
            start_sc(envb_a, fidxb_a, sem_a)
            wait_sc(envb_b, fidxb_b, sem_b)
            compute_chunk(2 * i + 3, envb_b, fidxb_b)
            start_sc(envb_b, fidxb_b, sem_b)
            return _

        lax.fori_loop(0, 11, pair_body, None)
        wait_sc(envb_a, fidxb_a, sem_a)
        compute_chunk(24, envb_a, fidxb_a)
        start_sc(envb_a, fidxb_a, sem_a)
        wait_sc(envb_a, fidxb_a, sem_a)
        wait_sc(envb_b, fidxb_b, sem_b)
        return _

    lax.fori_loop(0, 5, stage_body, None)

    plsc.subcore_barrier()
    obase = c * TSIZE + base
    bufs = (zbuf, zbuf2)
    sems = (sem_z, sem_z2)
    for k in range(18):
        b_, sm = bufs[k % 2], sems[k % 2]
        if k >= 2:
            pltpu.make_async_copy(b_, out_hbm.at[pl.ds(obase + (k - 2) * 4000, 4000)], sm).wait()
        pltpu.sync_copy(table.at[pl.ds(base + k * 4000, 4000)], b_)
        pltpu.async_copy(b_, out_hbm.at[pl.ds(obase + k * 4000, 4000)], sm)
    pltpu.make_async_copy(zbuf, out_hbm.at[pl.ds(obase + 16 * 4000, 4000)], sem_z).wait()
    pltpu.sync_copy(table.at[pl.ds(base + 72000, 3000)], zbuf.at[pl.ds(0, 3000)])
    pltpu.async_copy(zbuf.at[pl.ds(0, 3000)],
                     out_hbm.at[pl.ds(obase + 72000, 3000)], sem_z)
    pltpu.make_async_copy(zbuf2, out_hbm.at[pl.ds(obase + 17 * 4000, 4000)], sem_z2).wait()
    pltpu.make_async_copy(zbuf.at[pl.ds(0, 3000)],
                          out_hbm.at[pl.ds(obase + 72000, 3000)], sem_z).wait()


CH2 = 80
NCH2 = EPT // CH2
NPAD = 10240
ROWS_PT = NPAD // NS
NRC = ROWS_PT // CH2


@functools.partial(
    pl.kernel,
    out_type=jax.ShapeDtypeStruct((NC, NPAD, D), jnp.float32),
    mesh=_mesh,
    scratch_types=[
        pltpu.VMEM((EPT,), jnp.int32),
        pltpu.VMEM((EPT,), jnp.int32),
        pltpu.VMEM((CH2,), jnp.int32),
        pltpu.VMEM((CH2, D), jnp.float32),
        pltpu.VMEM((CH2, D), jnp.float32),
        pltpu.VMEM_SHARED((NPAD, D), jnp.float32),
        pltpu.SemaphoreType.DMA,
        pltpu.SemaphoreType.DMA,
        pltpu.SemaphoreType.DMA,
    ],
    compiler_params=_sc_params,
)
def _sc_pass2(h_hbm, src_hbm, dst_hbm, out_hbm,
              src_v, dst_v, dstc, rows_a, rows_b, acc, sem_a, sem_b, sem_z):
    c = lax.axis_index("c")
    s = lax.axis_index("s")
    w = s * NC + c

    z16 = jnp.zeros((16,), jnp.float32)

    def zfill(i, _):
        rows_a[i // 8, pl.ds((i % 8) * 16, 16)] = z16
        return _

    lax.fori_loop(0, CH2 * 8, zfill, None)
    for k in range(NRC):
        pltpu.async_copy(rows_a, acc.at[pl.ds(s * ROWS_PT + k * CH2, CH2)],
                         sem_z)
    pltpu.sync_copy(src_hbm.at[pl.ds(w * EPT, EPT)], src_v)
    pltpu.sync_copy(dst_hbm.at[pl.ds(w * EPT, EPT)], dst_v)
    for k in range(NRC):
        pltpu.make_async_copy(rows_a, acc.at[pl.ds(s * ROWS_PT + k * CH2, CH2)],
                              sem_z).wait()
    plsc.subcore_barrier()

    def gather(ch, buf, sem):
        pltpu.async_copy(h_hbm.at[src_v.at[pl.ds(ch * CH2, CH2)]], buf, sem)

    def wait(ch, buf, sem):
        pltpu.make_async_copy(h_hbm.at[src_v.at[pl.ds(ch * CH2, CH2)]], buf, sem).wait()

    def scatter(ch, buf):
        for k in range(CH2 // 16):
            dstc[pl.ds(k * 16, 16)] = dst_v[pl.ds(ch * CH2 + k * 16, 16)]
        pltpu.sync_copy(buf, acc.at[dstc], add=True)

    gather(0, rows_a, sem_a)

    def pair_body(i, _):
        ca = 2 * i
        cb = 2 * i + 1
        gather(cb, rows_b, sem_b)
        wait(ca, rows_a, sem_a)
        scatter(ca, rows_a)
        gather(ca + 2, rows_a, sem_a)
        wait(cb, rows_b, sem_b)
        scatter(cb, rows_b)
        return _

    lax.fori_loop(0, NCH2 // 2, pair_body, None)
    wait(NCH2 - 1, rows_a, sem_a)
    scatter(NCH2 - 1, rows_a)

    plsc.subcore_barrier()
    obufs = (rows_a, rows_b)
    osems = (sem_a, sem_b)
    for k in range(NRC):
        b_, sm = obufs[k % 2], osems[k % 2]
        if k >= 2:
            pltpu.make_async_copy(
                b_, out_hbm.at[c, pl.ds(s * ROWS_PT + (k - 2) * CH2, CH2)],
                sm).wait()
        r0 = s * ROWS_PT + k * CH2
        pltpu.sync_copy(acc.at[pl.ds(r0, CH2)], b_)
        pltpu.async_copy(b_, out_hbm.at[c, pl.ds(r0, CH2)], sm)
    for k in (NRC - 2, NRC - 1):
        b_, sm = obufs[k % 2], osems[k % 2]
        pltpu.make_async_copy(
            b_, out_hbm.at[c, pl.ds(s * ROWS_PT + k * CH2, CH2)], sm).wait()


def _tc_mid_body(p_ref, embp_ref, wsph_ref, coordsp_ref, wc1_ref, bc1_ref,
                 wc2_ref, bc2_ref, batch_ref, latp_ref, wl1_ref, bl1_ref,
                 wl2_ref, bl2_ref, wcomb_ref, bcomb_ref, gamma_ref, beta_ref,
                 sem_ref, hn_ref):
    f32 = jnp.float32
    m1 = jnp.dot(embp_ref[...], wsph_ref[...], preferred_element_type=f32)
    wtab = p_ref[0] + p_ref[1]
    node_geo = jnp.maximum(jnp.dot(wtab, m1, preferred_element_type=f32), 0.0)
    cl = jnp.maximum(
        jnp.dot(coordsp_ref[...], wc1_ref[...], preferred_element_type=f32)
        + bc1_ref[...], 0.0)
    cl = jnp.dot(cl, wc2_ref[...], preferred_element_type=f32) + bc2_ref[...]
    h = jnp.concatenate([cl, node_geo], axis=1)

    oh = (batch_ref[...] == lax.broadcasted_iota(jnp.int32, (N, G), 1)).astype(f32)
    cnt = jnp.maximum(jnp.sum(oh, axis=0, keepdims=True), 1.0)
    sums = lax.dot_general(oh, h, (((0,), (0,)), ((), ())),
                           preferred_element_type=f32)
    mean = sums / cnt.T
    hc = h - jnp.dot(oh, mean, preferred_element_type=f32)
    var = lax.dot_general(oh, hc * hc, (((0,), (0,)), ((), ())),
                          preferred_element_type=f32) / cnt.T
    inv = lax.rsqrt(var + 1e-5)
    hn = hc * jnp.dot(oh, inv, preferred_element_type=f32) * gamma_ref[...] + beta_ref[...]
    hn_ref[...] = hn

    ll = jnp.maximum(
        jnp.dot(latp_ref[...], wl1_ref[...], preferred_element_type=f32)
        + bl1_ref[...], 0.0)
    ll = jnp.dot(ll, wl2_ref[...], preferred_element_type=f32) + bl2_ref[...]
    gsem = jnp.concatenate([mean[:, D // 2:], ll], axis=1)
    sem_ref[...] = jnp.dot(gsem, wcomb_ref[...], preferred_element_type=f32) + bcomb_ref[...]


def _tc_mid(p3, emb_p, W_sphere, coords_p, Wc1p, b_c1, W_c2, b_c2, batch2,
            lat_p, Wl1p, b_l1, W_l2, b_l2, W_comb, b_comb, gamma, beta):
    return pl.pallas_call(
        _tc_mid_body,
        out_shape=(jax.ShapeDtypeStruct((G, D), jnp.float32),
                   jax.ShapeDtypeStruct((N, D), jnp.float32)),
    )(p3, emb_p, W_sphere, coords_p, Wc1p, b_c1.reshape(1, -1), W_c2,
      b_c2.reshape(1, -1), batch2, lat_p, Wl1p, b_l1.reshape(1, -1), W_l2,
      b_l2.reshape(1, -1), W_comb, b_comb.reshape(1, -1),
      gamma.reshape(1, -1), beta.reshape(1, -1))


def _tc_tail_body(h_ref, a0_ref, a1_ref, wg_ref, bg_ref, wp_ref, bp_ref, out_ref):
    x = h_ref[...] + a0_ref[...] + a1_ref[...]
    y = jnp.maximum(jnp.dot(x, wg_ref[...], preferred_element_type=jnp.float32)
                    + bg_ref[...], 0.0)
    out_ref[...] = jnp.dot(y, wp_ref[...], preferred_element_type=jnp.float32) + bp_ref[...]


def _tc_tail(hn, a0, a1, W_gps, b_gps, W_proj, b_proj):
    BR = 1000
    return pl.pallas_call(
        _tc_tail_body,
        grid=(N // BR,),
        in_specs=[
            pl.BlockSpec((BR, D), lambda i: (i, 0)),
            pl.BlockSpec((BR, D), lambda i: (i, 0)),
            pl.BlockSpec((BR, D), lambda i: (i, 0)),
            pl.BlockSpec((D, D), lambda i: (0, 0)),
            pl.BlockSpec((1, D), lambda i: (0, 0)),
            pl.BlockSpec((D, D), lambda i: (0, 0)),
            pl.BlockSpec((1, D), lambda i: (0, 0)),
        ],
        out_specs=pl.BlockSpec((BR, D), lambda i: (i, 0)),
        out_shape=jax.ShapeDtypeStruct((N, D), jnp.float32),
    )(hn, a0, a1, W_gps, b_gps.reshape(1, D), W_proj, b_proj.reshape(1, D))


def kernel(z, coords, edge_index, batch, lengths_normed, angles_normed,
           num_atoms, emb_table, W_sphere, W_lat1, b_lat1, W_lat2, b_lat2,
           W_coord1, b_coord1, W_coord2, b_coord2, W_comb, b_comb, gn_gamma,
           gn_beta, W_gps, b_gps, W_proj, b_proj):
    src = edge_index[0].astype(jnp.int32)
    dst = edge_index[1].astype(jnp.int32)
    coords_f = jnp.ravel(jnp.transpose(coords))

    parts = _sc_pass1(coords_f, src, dst, z.astype(jnp.int32))
    p3 = parts.reshape(NC, N, TSTRIDE)

    emb_p = jnp.pad(emb_table, ((0, TSTRIDE - 118), (0, 0)))
    coords_p = jnp.pad(coords, ((0, 0), (0, 5)))
    Wc1p = jnp.pad(W_coord1, ((0, 5), (0, 0)))
    lat_p = jnp.pad(jnp.concatenate([lengths_normed, angles_normed], axis=1),
                    ((0, 0), (0, 2)))
    Wl1p = jnp.pad(W_lat1, ((0, 2), (0, 0)))
    batch2 = batch.astype(jnp.int32).reshape(N, 1)

    semantic, hn = _tc_mid(p3, emb_p, W_sphere, coords_p, Wc1p, b_coord1,
                           W_coord2, b_coord2, batch2, lat_p, Wl1p, b_lat1,
                           W_lat2, b_lat2, W_comb, b_comb, gn_gamma, gn_beta)

    agg2p = _sc_pass2(hn, src, dst)
    out = _tc_tail(hn, agg2p[0, :N], agg2p[1, :N], W_gps, b_gps, W_proj, b_proj)
    return semantic, out

# --- scband reference (transcript-rebuilt; emitter-appended) ---
"""Pipeline reference for scband-geom-vae-35983236006257 (READ-ONLY COPY).

The authoritative reference and input builder live on the scoring server;
editing this copy changes nothing except your own understanding.
"""

import jax, jax.numpy as jnp
import numpy as np

N = 10000
E = 320000
D = 128
G = 64

def setup_inputs(seed: int = 0) -> dict:
    key = jax.random.key(seed)
    ks = jax.random.split(key, 24)
    s = lambda k, shape: jax.random.normal(k, shape, dtype=jnp.float32) * 0.05
    inp = {}
    inp["z"] = jax.random.randint(ks[0], (N,), 0, 118)
    inp["coords"] = jax.random.normal(ks[1], (N, 3), dtype=jnp.float32)
    inp["edge_index"] = jax.random.randint(ks[2], (2, E), 0, N)
    inp["batch"] = jnp.sort(jax.random.randint(ks[3], (N,), 0, G))
    inp["lengths_normed"] = jax.random.normal(ks[4], (G, 3), dtype=jnp.float32)
    inp["angles_normed"] = jax.random.normal(ks[5], (G, 3), dtype=jnp.float32)
    inp["num_atoms"] = jax.random.randint(ks[6], (G,), 1, 200)
    inp["emb_table"] = s(ks[7], (118, D))
    inp["W_sphere"] = s(ks[8], (D, D // 2))
    inp["W_lat1"] = s(ks[9], (6, 32)); inp["b_lat1"] = jnp.zeros((32,), jnp.float32)
    inp["W_lat2"] = s(ks[10], (32, D // 2)); inp["b_lat2"] = jnp.zeros((D // 2,), jnp.float32)
    inp["W_coord1"] = s(ks[11], (3, 64)); inp["b_coord1"] = jnp.zeros((64,), jnp.float32)
    inp["W_coord2"] = s(ks[12], (64, D // 2)); inp["b_coord2"] = jnp.zeros((D // 2,), jnp.float32)
    inp["W_comb"] = s(ks[13], (D, D)); inp["b_comb"] = jnp.zeros((D,), jnp.float32)
    inp["gn_gamma"] = jnp.ones((D,), jnp.float32); inp["gn_beta"] = jnp.zeros((D,), jnp.float32)
    inp["W_gps"] = s(ks[14], (D, D)); inp["b_gps"] = jnp.zeros((D,), jnp.float32)
    inp["W_proj"] = s(ks[15], (D, D)); inp["b_proj"] = jnp.zeros((D,), jnp.float32)
    return inp

def _forward(z, coords, edge_index, batch, lengths, angles, emb_table, W_sphere, W_lat1, b_lat1, W_lat2, b_lat2, W_coord1, b_coord1, W_coord2, b_coord2, W_comb, b_comb, gn_gamma, gn_beta, W_gps, b_gps, W_proj, b_proj):
    src = edge_index[0]
    dst = edge_index[1]
    # element embedding lookup (gather)
    z_emb = jnp.take(emb_table, z, axis=0)
    # radial message passing (SphereNet-style distance envelope)
    rel = jnp.take(coords, src, axis=0) - jnp.take(coords, dst, axis=0)
    dist = jnp.sqrt(jnp.sum(rel * rel, axis=-1) + 1e-12)
    env = jnp.exp(-dist)
    msg = jnp.take(z_emb, src, axis=0) * env[:, None]
    agg = jax.ops.segment_sum(msg, dst, num_segments=N)
    node_geo = jax.nn.relu(agg @ W_sphere)
    # per-graph readout
    cnt = jax.ops.segment_sum(jnp.ones((N, 1), dtype=coords.dtype), batch, num_segments=G)
    cnt = jnp.maximum(cnt, 1.0)
    graph_geo = jax.ops.segment_sum(node_geo, batch, num_segments=G) / cnt
    # lattice encoder
    lat = jnp.concatenate([lengths, angles], axis=-1)
    lattice_latent = jax.nn.relu(lat @ W_lat1 + b_lat1) @ W_lat2 + b_lat2
    semantic = jnp.concatenate([graph_geo, lattice_latent], axis=-1) @ W_comb + b_comb
    # coords latent MLP
    coords_latent = jax.nn.relu(coords @ W_coord1 + b_coord1) @ W_coord2 + b_coord2
    h = jnp.concatenate([coords_latent, node_geo], axis=-1)
    # GraphNorm: per-graph mean/var via segment reductions
    mean = jax.ops.segment_sum(h, batch, num_segments=G) / cnt
    hc = h - jnp.take(mean, batch, axis=0)
    var = jax.ops.segment_sum(hc * hc, batch, num_segments=G) / cnt
    h = hc / jnp.sqrt(jnp.take(var, batch, axis=0) + 1e-5) * gn_gamma + gn_beta
    # GPS-style conv layer: gather neighbors, scatter-add, linear
    agg2 = jax.ops.segment_sum(jnp.take(h, src, axis=0), dst, num_segments=N)
    h = jax.nn.relu((h + agg2) @ W_gps + b_gps)
    out = h @ W_proj + b_proj
    return semantic, out

def reference(z, coords, edge_index, batch, lengths_normed, angles_normed, num_atoms, emb_table, W_sphere, W_lat1, b_lat1, W_lat2, b_lat2, W_coord1, b_coord1, W_coord2, b_coord2, W_comb, b_comb, gn_gamma, gn_beta, W_gps, b_gps, W_proj, b_proj):
    return _forward(z, coords, edge_index, batch, lengths_normed, angles_normed, emb_table, W_sphere, W_lat1, b_lat1, W_lat2, b_lat2, W_coord1, b_coord1, W_coord2, b_coord2, W_comb, b_comb, gn_gamma, gn_beta, W_gps, b_gps, W_proj, b_proj)

if __name__ == "__main__":
    import jax
    _d = setup_inputs()
    print(jax.jit(kernel)(*tuple(_d.values())))

</pallas_src>

<mosaic_0001>
#map = affine_map<(d0, d1) -> (0)>
module attributes {stable_mosaic.version = 14 : i64} {
  func.func @_sc_pass1(%arg0: i32, %arg1: i32, %arg2: memref<30000xf32, #tpu.memory_space<hbm>>, %arg3: memref<320000xi32, #tpu.memory_space<hbm>>, %arg4: memref<320000xi32, #tpu.memory_space<hbm>>, %arg5: memref<10000xi32, #tpu.memory_space<hbm>>, %arg6: memref<2400000xf32, #tpu.memory_space<hbm>>, %arg7: memref<2000xi32, #tpu.memory_space<vmem>>, %arg8: memref<2000xi32, #tpu.memory_space<vmem>>, %arg9: memref<10000xi32, #tpu.memory_space<vmem>>, %arg10: memref<30000xf32, #tpu.memory_space<vmem>>, %arg11: memref<80xf32, #tpu.memory_space<vmem>>, %arg12: memref<80xi32, #tpu.memory_space<vmem>>, %arg13: memref<80xf32, #tpu.memory_space<vmem>>, %arg14: memref<80xi32, #tpu.memory_space<vmem>>, %arg15: memref<4000xf32, #tpu.memory_space<vmem>>, %arg16: memref<4000xf32, #tpu.memory_space<vmem>>, %arg17: memref<1200000xf32, #tpu.memory_space<vmem_shared>>, %arg18: memref<!tpu.dma_semaphore, #tpu.memory_space<semaphore_mem>>, %arg19: memref<!tpu.dma_semaphore, #tpu.memory_space<semaphore_mem>>, %arg20: memref<!tpu.dma_semaphore, #tpu.memory_space<semaphore_mem>>, %arg21: memref<!tpu.dma_semaphore, #tpu.memory_space<semaphore_mem>>) attributes {dimension_semantics = [#tpu.dimension_semantics<core_parallel>, #tpu.dimension_semantics<subcore_parallel>], iteration_bounds = array<i64: 2, 16>, scalar_prefetch = 0 : i64, scratch_operands = 15 : i64, tpu.core_type = #tpu.core_type<sc_vector_subcore>, window_params = [{transform_indices = #map}, {transform_indices = #map}, {transform_indices = #map}, {transform_indices = #map}, {transform_indices = #map}]} {
    %mul3A = arith.constant 2 : i32
    %mul3A_0 = arith.muli %arg1, %mul3A : i32
    %add3A = arith.addi %mul3A_0, %arg0 : i32
    %broadcast_in_dim3A = arith.constant 0.000000e+00 : f32
    %broadcast_in_dim3A_1 = vector.broadcast %broadcast_in_dim3A : f32 to vector<16xf32>
    %scan3A = arith.constant 0 : i32
    %scan3A_2 = arith.constant 250 : i32
    %scan3A_3 = arith.addi %scan3A, %scan3A_2 : i32
    %scan3A_4 = arith.constant 1 : i32
    scf.for %scan3A_373 = %scan3A to %scan3A_3 step %scan3A_4  : i32 {
      %mul3A_374 = arith.constant 16 : i32
      %mul3A_375 = arith.muli %scan3A_373, %mul3A_374 : i32
      %swap3A = arith.index_cast %mul3A_375 : i32 to index
      %swap3A_376 = tpu.vector_load %arg15[%swap3A] {strides = array<i32>} : memref<4000xf32, #tpu.memory_space<vmem>>, vector<16xf32>,
      tpu.vector_store %arg15[%swap3A], %broadcast_in_dim3A_1 {strides = array<i32>} : memref<4000xf32, #tpu.memory_space<vmem>>, vector<16xf32>,
    }
    %scan3A_5 = arith.constant 250 : i32
    %mul3A_6 = arith.constant 75000 : i32
    %mul3A_7 = arith.muli %arg1, %mul3A_6 : i32
    %add3A_8 = arith.constant 0 : i32
    %add3A_9 = arith.addi %mul3A_7, %add3A_8 : i32
    %dma_start3A = tpu.memref_slice %arg17[%add3A_9] : memref<1200000xf32, #tpu.memory_space<vmem_shared>> -> memref<4000xf32, #tpu.memory_space<vmem_shared>>
    %dma_start3A_10 = tpu.memref_slice %arg17[%add3A_9] : memref<1200000xf32, #tpu.memory_space<vmem_shared>> -> memref<4000xf32, #tpu.memory_space<vmem_shared>>
    tpu.enqueue_dma source(%arg15 : memref<4000xf32, #tpu.memory_space<vmem>>) target(%dma_start3A_10 : memref<4000xf32, #tpu.memory_space<vmem_shared>>) target_semaphore(%arg20 : memref<!tpu.dma_semaphore, #tpu.memory_space<semaphore_mem>>)
    %add3A_11 = arith.constant 4000 : i32
    %add3A_12 = arith.addi %mul3A_7, %add3A_11 : i32
    %dma_start3A_13 = tpu.memref_slice %arg17[%add3A_12] : memref<1200000xf32, #tpu.memory_space<vmem_shared>> -> memref<4000xf32, #tpu.memory_space<vmem_shared>>
    %dma_start3A_14 = tpu.memref_slice %arg17[%add3A_12] : memref<1200000xf32, #tpu.memory_space<vmem_shared>> -> memref<4000xf32, #tpu.memory_space<vmem_shared>>
    tpu.enqueue_dma source(%arg15 : memref<4000xf32, #tpu.memory_space<vmem>>) target(%dma_start3A_14 : memref<4000xf32, #tpu.memory_space<vmem_shared>>) target_semaphore(%arg20 : memref<!tpu.dma_semaphore, #tpu.memory_space<semaphore_mem>>)
    %add3A_15 = arith.constant 8000 : i32
    %add3A_16 = arith.addi %mul3A_7, %add3A_15 : i32
    %dma_start3A_17 = tpu.memref_slice %arg17[%add3A_16] : memref<1200000xf32, #tpu.memory_space<vmem_shared>> -> memref<4000xf32, #tpu.memory_space<vmem_shared>>
    %dma_start3A_18 = tpu.memref_slice %arg17[%add3A_16] : memref<1200000xf32, #tpu.memory_space<vmem_shared>> -> memref<4000xf32, #tpu.memory_space<vmem_shared>>
    tpu.enqueue_dma source(%arg15 : memref<4000xf32, #tpu.memory_space<vmem>>) target(%dma_start3A_18 : memref<4000xf32, #tpu.memory_space<vmem_shared>>) target_semaphore(%arg20 : memref<!tpu.dma_semaphore, #tpu.memory_space<semaphore_mem>>)
    %add3A_19 = arith.constant 12000 : i32
    %add3A_20 = arith.addi %mul3A_7, %add3A_19 : i32
    %dma_start3A_21 = tpu.memref_slice %arg17[%add3A_20] : memref<1200000xf32, #tpu.memory_space<vmem_shared>> -> memref<4000xf32, #tpu.memory_space<vmem_shared>>
    %dma_start3A_22 = tpu.memref_slice %arg17[%add3A_20] : memref<1200000xf32, #tpu.memory_space<vmem_shared>> -> memref<4000xf32, #tpu.memory_space<vmem_shared>>
    tpu.enqueue_dma source(%arg15 : memref<4000xf32, #tpu.memory_space<vmem>>) target(%dma_start3A_22 : memref<4000xf32, #tpu.memory_space<vmem_shared>>) target_semaphore(%arg20 : memref<!tpu.dma_semaphore, #tpu.memory_space<semaphore_mem>>)
    %add3A_23 = arith.constant 16000 : i32
    %add3A_24 = arith.addi %mul3A_7, %add3A_23 : i32
    %dma_start3A_25 = tpu.memref_slice %arg17[%add3A_24] : memref<1200000xf32, #tpu.memory_space<vmem_shared>> -> memref<4000xf32, #tpu.memory_space<vmem_shared>>
    %dma_start3A_26 = tpu.memref_slice %arg17[%add3A_24] : memref<1200000xf32, #tpu.memory_space<vmem_shared>> -> memref<4000xf32, #tpu.memory_space<vmem_shared>>
    tpu.enqueue_dma source(%arg15 : memref<4000xf32, #tpu.memory_space<vmem>>) target(%dma_start3A_26 : memref<4000xf32, #tpu.memory_space<vmem_shared>>) target_semaphore(%arg20 : memref<!tpu.dma_semaphore, #tpu.memory_space<semaphore_mem>>)
    %add3A_27 = arith.constant 20000 : i32
    %add3A_28 = arith.addi %mul3A_7, %add3A_27 : i32
    %dma_start3A_29 = tpu.memref_slice %arg17[%add3A_28] : memref<1200000xf32, #tpu.memory_space<vmem_shared>> -> memref<4000xf32, #tpu.memory_space<vmem_shared>>
    %dma_start3A_30 = tpu.memref_slice %arg17[%add3A_28] : memref<1200000xf32, #tpu.memory_space<vmem_shared>> -> memref<4000xf32, #tpu.memory_space<vmem_shared>>
    tpu.enqueue_dma source(%arg15 : memref<4000xf32, #tpu.memory_space<vmem>>) target(%dma_start3A_30 : memref<4000xf32, #tpu.memory_space<vmem_shared>>) target_semaphore(%arg20 : memref<!tpu.dma_semaphore, #tpu.memory_space<semaphore_mem>>)
    %add3A_31 = arith.constant 24000 : i32
    %add3A_32 = arith.addi %mul3A_7, %add3A_31 : i32
    %dma_start3A_33 = tpu.memref_slice %arg17[%add3A_32] : memref<1200000xf32, #tpu.memory_space<vmem_shared>> -> memref<4000xf32, #tpu.memory_space<vmem_shared>>
    %dma_start3A_34 = tpu.memref_slice %arg17[%add3A_32] : memref<1200000xf32, #tpu.memory_space<vmem_shared>> -> memref<4000xf32, #tpu.memory_space<vmem_shared>>
    tpu.enqueue_dma source(%arg15 : memref<4000xf32, #tpu.memory_space<vmem>>) target(%dma_start3A_34 : memref<4000xf32, #tpu.memory_space<vmem_shared>>) target_semaphore(%arg20 : memref<!tpu.dma_semaphore, #tpu.memory_space<semaphore_mem>>)
    %add3A_35 = arith.constant 28000 : i32
    %add3A_36 = arith.addi %mul3A_7, %add3A_35 : i32
    %dma_start3A_37 = tpu.memref_slice %arg17[%add3A_36] : memref<1200000xf32, #tpu.memory_space<vmem_shared>> -> memref<4000xf32, #tpu.memory_space<vmem_shared>>
    %dma_start3A_38 = tpu.memref_slice %arg17[%add3A_36] : memref<1200000xf32, #tpu.memory_space<vmem_shared>> -> memref<4000xf32, #tpu.memory_space<vmem_shared>>
    tpu.enqueue_dma source(%arg15 : memref<4000xf32, #tpu.memory_space<vmem>>) target(%dma_start3A_38 : memref<4000xf32, #tpu.memory_space<vmem_shared>>) target_semaphore(%arg20 : memref<!tpu.dma_semaphore, #tpu.memory_space<semaphore_mem>>)
    %add3A_39 = arith.constant 32000 : i32
    %add3A_40 = arith.addi %mul3A_7, %add3A_39 : i32
    %dma_start3A_41 = tpu.memref_slice %arg17[%add3A_40] : memref<1200000xf32, #tpu.memory_space<vmem_shared>> -> memref<4000xf32, #tpu.memory_space<vmem_shared>>
    %dma_start3A_42 = tpu.memref_slice %arg17[%add3A_40] : memref<1200000xf32, #tpu.memory_space<vmem_shared>> -> memref<4000xf32, #tpu.memory_space<vmem_shared>>
    tpu.enqueue_dma source(%arg15 : memref<4000xf32, #tpu.memory_space<vmem>>) target(%dma_start3A_42 : memref<4000xf32, #tpu.memory_space<vmem_shared>>) target_semaphore(%arg20 : memref<!tpu.dma_semaphore, #tpu.memory_space<semaphore_mem>>)
    %add3A_43 = arith.constant 36000 : i32
    %add3A_44 = arith.addi %mul3A_7, %add3A_43 : i32
    %dma_start3A_45 = tpu.memref_slice %arg17[%add3A_44] : memref<1200000xf32, #tpu.memory_space<vmem_shared>> -> memref<4000xf32, #tpu.memory_space<vmem_shared>>
    %dma_start3A_46 = tpu.memref_slice %arg17[%add3A_44] : memref<1200000xf32, #tpu.memory_space<vmem_shared>> -> memref<4000xf32, #tpu.memory_space<vmem_shared>>
    tpu.enqueue_dma source(%arg15 : memref<4000xf32, #tpu.memory_space<vmem>>) target(%dma_start3A_46 : memref<4000xf32, #tpu.memory_space<vmem_shared>>) target_semaphore(%arg20 : memref<!tpu.dma_semaphore, #tpu.memory_space<semaphore_mem>>)
    %add3A_47 = arith.constant 40000 : i32
    %add3A_48 = arith.addi %mul3A_7, %add3A_47 : i32
    %dma_start3A_49 = tpu.memref_slice %arg17[%add3A_48] : memref<1200000xf32, #tpu.memory_space<vmem_shared>> -> memref<4000xf32, #tpu.memory_space<vmem_shared>>
    %dma_start3A_50 = tpu.memref_slice %arg17[%add3A_48] : memref<1200000xf32, #tpu.memory_space<vmem_shared>> -> memref<4000xf32, #tpu.memory_space<vmem_shared>>
    tpu.enqueue_dma source(%arg15 : memref<4000xf32, #tpu.memory_space<vmem>>) target(%dma_start3A_50 : memref<4000xf32, #tpu.memory_space<vmem_shared>>) target_semaphore(%arg20 : memref<!tpu.dma_semaphore, #tpu.memory_space<semaphore_mem>>)
    %add3A_51 = arith.constant 44000 : i32
    %add3A_52 = arith.addi %mul3A_7, %add3A_51 : i32
    %dma_start3A_53 = tpu.memref_slice %arg17[%add3A_52] : memref<1200000xf32, #tpu.memory_space<vmem_shared>> -> memref<4000xf32, #tpu.memory_space<vmem_shared>>
    %dma_start3A_54 = tpu.memref_slice %arg17[%add3A_52] : memref<1200000xf32, #tpu.memory_space<vmem_shared>> -> memref<4000xf32, #tpu.memory_space<vmem_shared>>
    tpu.enqueue_dma source(%arg15 : memref<4000xf32, #tpu.memory_space<vmem>>) target(%dma_start3A_54 : memref<4000xf32, #tpu.memory_space<vmem_shared>>) target_semaphore(%arg20 : memref<!tpu.dma_semaphore, #tpu.memory_space<semaphore_mem>>)
    %add3A_55 = arith.constant 48000 : i32
    %add3A_56 = arith.addi %mul3A_7, %add3A_55 : i32
    %dma_start3A_57 = tpu.memref_slice %arg17[%add3A_56] : memref<1200000xf32, #tpu.memory_space<vmem_shared>> -> memref<4000xf32, #tpu.memory_space<vmem_shared>>
    %dma_start3A_58 = tpu.memref_slice %arg17[%add3A_56] : memref<1200000xf32, #tpu.memory_space<vmem_shared>> -> memref<4000xf32, #tpu.memory_space<vmem_shared>>
    tpu.enqueue_dma source(%arg15 : memref<4000xf32, #tpu.memory_space<vmem>>) target(%dma_start3A_58 : memref<4000xf32, #tpu.memory_space<vmem_shared>>) target_semaphore(%arg20 : memref<!tpu.dma_semaphore, #tpu.memory_space<semaphore_mem>>)
    %add3A_59 = arith.constant 52000 : i32
    %add3A_60 = arith.addi %mul3A_7, %add3A_59 : i32
    %dma_start3A_61 = tpu.memref_slice %arg17[%add3A_60] : memref<1200000xf32, #tpu.memory_space<vmem_shared>> -> memref<4000xf32, #tpu.memory_space<vmem_shared>>
    %dma_start3A_62 = tpu.memref_slice %arg17[%add3A_60] : memref<1200000xf32, #tpu.memory_space<vmem_shared>> -> memref<4000xf32, #tpu.memory_space<vmem_shared>>
    tpu.enqueue_dma source(%arg15 : memref<4000xf32, #tpu.memory_space<vmem>>) target(%dma_start3A_62 : memref<4000xf32, #tpu.memory_space<vmem_shared>>) target_semaphore(%arg20 : memref<!tpu.dma_semaphore, #tpu.memory_space<semaphore_mem>>)
    %add3A_63 = arith.constant 56000 : i32
    %add3A_64 = arith.addi %mul3A_7, %add3A_63 : i32
    %dma_start3A_65 = tpu.memref_slice %arg17[%add3A_64] : memref<1200000xf32, #tpu.memory_space<vmem_shared>> -> memref<4000xf32, #tpu.memory_space<vmem_shared>>
    %dma_start3A_66 = tpu.memref_slice %arg17[%add3A_64] : memref<1200000xf32, #tpu.memory_space<vmem_shared>> -> memref<4000xf32, #tpu.memory_space<vmem_shared>>
    tpu.enqueue_dma source(%arg15 : memref<4000xf32, #tpu.memory_space<vmem>>) target(%dma_start3A_66 : memref<4000xf32, #tpu.memory_space<vmem_shared>>) target_semaphore(%arg20 : memref<!tpu.dma_semaphore, #tpu.memory_space<semaphore_mem>>)
    %add3A_67 = arith.constant 60000 : i32
    %add3A_68 = arith.addi %mul3A_7, %add3A_67 : i32
    %dma_start3A_69 = tpu.memref_slice %arg17[%add3A_68] : memref<1200000xf32, #tpu.memory_space<vmem_shared>> -> memref<4000xf32, #tpu.memory_space<vmem_shared>>
    %dma_start3A_70 = tpu.memref_slice %arg17[%add3A_68] : memref<1200000xf32, #tpu.memory_space<vmem_shared>> -> memref<4000xf32, #tpu.memory_space<vmem_shared>>
    tpu.enqueue_dma source(%arg15 : memref<4000xf32, #tpu.memory_space<vmem>>) target(%dma_start3A_70 : memref<4000xf32, #tpu.memory_space<vmem_shared>>) target_semaphore(%arg20 : memref<!tpu.dma_semaphore, #tpu.memory_space<semaphore_mem>>)
    %add3A_71 = arith.constant 64000 : i32
    %add3A_72 = arith.addi %mul3A_7, %add3A_71 : i32
    %dma_start3A_73 = tpu.memref_slice %arg17[%add3A_72] : memref<1200000xf32, #tpu.memory_space<vmem_shared>> -> memref<4000xf32, #tpu.memory_space<vmem_shared>>
    %dma_start3A_74 = tpu.memref_slice %arg17[%add3A_72] : memref<1200000xf32, #tpu.memory_space<vmem_shared>> -> memref<4000xf32, #tpu.memory_space<vmem_shared>>
    tpu.enqueue_dma source(%arg15 : memref<4000xf32, #tpu.memory_space<vmem>>) target(%dma_start3A_74 : memref<4000xf32, #tpu.memory_space<vmem_shared>>) target_semaphore(%arg20 : memref<!tpu.dma_semaphore, #tpu.memory_space<semaphore_mem>>)
    %add3A_75 = arith.constant 68000 : i32
    %add3A_76 = arith.addi %mul3A_7, %add3A_75 : i32
    %dma_start3A_77 = tpu.memref_slice %arg17[%add3A_76] : memref<1200000xf32, #tpu.memory_space<vmem_shared>> -> memref<4000xf32, #tpu.memory_space<vmem_shared>>
    %dma_start3A_78 = tpu.memref_slice %arg17[%add3A_76] : memref<1200000xf32, #tpu.memory_space<vmem_shared>> -> memref<4000xf32, #tpu.memory_space<vmem_shared>>
    tpu.enqueue_dma source(%arg15 : memref<4000xf32, #tpu.memory_space<vmem>>) target(%dma_start3A_78 : memref<4000xf32, #tpu.memory_space<vmem_shared>>) target_semaphore(%arg20 : memref<!tpu.dma_semaphore, #tpu.memory_space<semaphore_mem>>)
    %add3A_79 = arith.constant 72000 : i32
    %add3A_80 = arith.addi %mul3A_7, %add3A_79 : i32
    %dma_start3A_81 = arith.constant 0 : i32
    %dma_start3A_82 = tpu.memref_slice %arg15[%dma_start3A_81] : memref<4000xf32, #tpu.memory_space<vmem>> -> memref<3000xf32, #tpu.memory_space<vmem>>
    %dma_start3A_83 = tpu.memref_slice %arg17[%add3A_80] : memref<1200000xf32, #tpu.memory_space<vmem_shared>> -> memref<3000xf32, #tpu.memory_space<vmem_shared>>
    %dma_start3A_84 = tpu.memref_slice %arg17[%add3A_80] : memref<1200000xf32, #tpu.memory_space<vmem_shared>> -> memref<3000xf32, #tpu.memory_space<vmem_shared>>
    %dma_start3A_85 = arith.constant 0 : i32
    %dma_start3A_86 = tpu.memref_slice %arg15[%dma_start3A_85] : memref<4000xf32, #tpu.memory_space<vmem>> -> memref<3000xf32, #tpu.memory_space<vmem>>
    tpu.enqueue_dma source(%dma_start3A_86 : memref<3000xf32, #tpu.memory_space<vmem>>) target(%dma_start3A_84 : memref<3000xf32, #tpu.memory_space<vmem_shared>>) target_semaphore(%arg20 : memref<!tpu.dma_semaphore, #tpu.memory_space<semaphore_mem>>)
    "tpu.region"() ({
      %run_scoped3A = tpu.sem_alloc : memref<!tpu.dma_semaphore, #tpu.memory_space<semaphore_mem>>
      tpu.enqueue_dma source(%arg5 : memref<10000xi32, #tpu.memory_space<hbm>>) target(%arg9 : memref<10000xi32, #tpu.memory_space<vmem>>) target_semaphore(%run_scoped3A : memref<!tpu.dma_semaphore, #tpu.memory_space<semaphore_mem>>)
      tpu.wait_dma2 semaphore(%run_scoped3A : memref<!tpu.dma_semaphore, #tpu.memory_space<semaphore_mem>>) src(%arg5 : memref<10000xi32, #tpu.memory_space<hbm>>) dst(%arg9 : memref<10000xi32, #tpu.memory_space<vmem>>)
      tpu.yield
    }) : () -> ()
    "tpu.region"() ({
      %run_scoped3A = tpu.sem_alloc : memref<!tpu.dma_semaphore, #tpu.memory_space<semaphore_mem>>
      tpu.enqueue_dma source(%arg2 : memref<30000xf32, #tpu.memory_space<hbm>>) target(%arg10 : memref<30000xf32, #tpu.memory_space<vmem>>) target_semaphore(%run_scoped3A : memref<!tpu.dma_semaphore, #tpu.memory_space<semaphore_mem>>)
      tpu.wait_dma2 semaphore(%run_scoped3A : memref<!tpu.dma_semaphore, #tpu.memory_space<semaphore_mem>>) src(%arg2 : memref<30000xf32, #tpu.memory_space<hbm>>) dst(%arg10 : memref<30000xf32, #tpu.memory_space<vmem>>)
      tpu.yield
    }) : () -> ()
    %add3A_87 = arith.constant 0 : i32
    %add3A_88 = arith.addi %mul3A_7, %add3A_87 : i32
    %dma_wait3A = tpu.memref_slice %arg17[%add3A_88] : memref<1200000xf32, #tpu.memory_space<vmem_shared>> -> memref<4000xf32, #tpu.memory_space<vmem_shared>>
    %dma_wait3A_89 = tpu.memref_slice %arg17[%add3A_88] : memref<1200000xf32, #tpu.memory_space<vmem_shared>> -> memref<4000xf32, #tpu.memory_space<vmem_shared>>
    tpu.wait_dma2 semaphore(%arg20 : memref<!tpu.dma_semaphore, #tpu.memory_space<semaphore_mem>>) src(%arg15 : memref<4000xf32, #tpu.memory_space<vmem>>) dst(%dma_wait3A_89 : memref<4000xf32, #tpu.memory_space<vmem_shared>>)
    %add3A_90 = arith.constant 4000 : i32
    %add3A_91 = arith.addi %mul3A_7, %add3A_90 : i32
    %dma_wait3A_92 = tpu.memref_slice %arg17[%add3A_91] : memref<1200000xf32, #tpu.memory_space<vmem_shared>> -> memref<4000xf32, #tpu.memory_space<vmem_shared>>
    %dma_wait3A_93 = tpu.memref_slice %arg17[%add3A_91] : memref<1200000xf32, #tpu.memory_space<vmem_shared>> -> memref<4000xf32, #tpu.memory_space<vmem_shared>>
    tpu.wait_dma2 semaphore(%arg20 : memref<!tpu.dma_semaphore, #tpu.memory_space<semaphore_mem>>) src(%arg15 : memref<4000xf32, #tpu.memory_space<vmem>>) dst(%dma_wait3A_93 : memref<4000xf32, #tpu.memory_space<vmem_shared>>)
    %add3A_94 = arith.constant 8000 : i32
    %add3A_95 = arith.addi %mul3A_7, %add3A_94 : i32
    %dma_wait3A_96 = tpu.memref_slice %arg17[%add3A_95] : memref<1200000xf32, #tpu.memory_space<vmem_shared>> -> memref<4000xf32, #tpu.memory_space<vmem_shared>>
    %dma_wait3A_97 = tpu.memref_slice %arg17[%add3A_95] : memref<1200000xf32, #tpu.memory_space<vmem_shared>> -> memref<4000xf32, #tpu.memory_space<vmem_shared>>
    tpu.wait_dma2 semaphore(%arg20 : memref<!tpu.dma_semaphore, #tpu.memory_space<semaphore_mem>>) src(%arg15 : memref<4000xf32, #tpu.memory_space<vmem>>) dst(%dma_wait3A_97 : memref<4000xf32, #tpu.memory_space<vmem_shared>>)
    %add3A_98 = arith.constant 12000 : i32
    %add3A_99 = arith.addi %mul3A_7, %add3A_98 : i32
    %dma_wait3A_100 = tpu.memref_slice %arg17[%add3A_99] : memref<1200000xf32, #tpu.memory_space<vmem_shared>> -> memref<4000xf32, #tpu.memory_space<vmem_shared>>
    %dma_wait3A_101 = tpu.memref_slice %arg17[%add3A_99] : memref<1200000xf32, #tpu.memory_space<vmem_shared>> -> memref<4000xf32, #tpu.memory_space<vmem_shared>>
    tpu.wait_dma2 semaphore(%arg20 : memref<!tpu.dma_semaphore, #tpu.memory_space<semaphore_mem>>) src(%arg15 : memref<4000xf32, #tpu.memory_space<vmem>>) dst(%dma_wait3A_101 : memref<4000xf32, #tpu.memory_space<vmem_shared>>)
    %add3A_102 = arith.constant 16000 : i32
    %add3A_103 = arith.addi %mul3A_7, %add3A_102 : i32
    %dma_wait3A_104 = tpu.memref_slice %arg17[%add3A_103] : memref<1200000xf32, #tpu.memory_space<vmem_shared>> -> memref<4000xf32, #tpu.memory_space<vmem_shared>>
    %dma_wait3A_105 = tpu.memref_slice %arg17[%add3A_103] : memref<1200000xf32, #tpu.memory_space<vmem_shared>> -> memref<4000xf32, #tpu.memory_space<vmem_shared>>
    tpu.wait_dma2 semaphore(%arg20 : memref<!tpu.dma_semaphore, #tpu.memory_space<semaphore_mem>>) src(%arg15 : memref<4000xf32, #tpu.memory_space<vmem>>) dst(%dma_wait3A_105 : memref<4000xf32, #tpu.memory_space<vmem_shared>>)
    %add3A_106 = arith.constant 20000 : i32
    %add3A_107 = arith.addi %mul3A_7, %add3A_106 : i32
    %dma_wait3A_108 = tpu.memref_slice %arg17[%add3A_107] : memref<1200000xf32, #tpu.memory_space<vmem_shared>> -> memref<4000xf32, #tpu.memory_space<vmem_shared>>
    %dma_wait3A_109 = tpu.memref_slice %arg17[%add3A_107] : memref<1200000xf32, #tpu.memory_space<vmem_shared>> -> memref<4000xf32, #tpu.memory_space<vmem_shared>>
    tpu.wait_dma2 semaphore(%arg20 : memref<!tpu.dma_semaphore, #tpu.memory_space<semaphore_mem>>) src(%arg15 : memref<4000xf32, #tpu.memory_space<vmem>>) dst(%dma_wait3A_109 : memref<4000xf32, #tpu.memory_space<vmem_shared>>)
    %add3A_110 = arith.constant 24000 : i32
    %add3A_111 = arith.addi %mul3A_7, %add3A_110 : i32
    %dma_wait3A_112 = tpu.memref_slice %arg17[%add3A_111] : memref<1200000xf32, #tpu.memory_space<vmem_shared>> -> memref<4000xf32, #tpu.memory_space<vmem_shared>>
    %dma_wait3A_113 = tpu.memref_slice %arg17[%add3A_111] : memref<1200000xf32, #tpu.memory_space<vmem_shared>> -> memref<4000xf32, #tpu.memory_space<vmem_shared>>
    tpu.wait_dma2 semaphore(%arg20 : memref<!tpu.dma_semaphore, #tpu.memory_space<semaphore_mem>>) src(%arg15 : memref<4000xf32, #tpu.memory_space<vmem>>) dst(%dma_wait3A_113 : memref<4000xf32, #tpu.memory_space<vmem_shared>>)
    %add3A_114 = arith.constant 28000 : i32
    %add3A_115 = arith.addi %mul3A_7, %add3A_114 : i32
    %dma_wait3A_116 = tpu.memref_slice %arg17[%add3A_115] : memref<1200000xf32, #tpu.memory_space<vmem_shared>> -> memref<4000xf32, #tpu.memory_space<vmem_shared>>
    %dma_wait3A_117 = tpu.memref_slice %arg17[%add3A_115] : memref<1200000xf32, #tpu.memory_space<vmem_shared>> -> memref<4000xf32, #tpu.memory_space<vmem_shared>>
    tpu.wait_dma2 semaphore(%arg20 : memref<!tpu.dma_semaphore, #tpu.memory_space<semaphore_mem>>) src(%arg15 : memref<4000xf32, #tpu.memory_space<vmem>>) dst(%dma_wait3A_117 : memref<4000xf32, #tpu.memory_space<vmem_shared>>)
    %add3A_118 = arith.constant 32000 : i32
    %add3A_119 = arith.addi %mul3A_7, %add3A_118 : i32
    %dma_wait3A_120 = tpu.memref_slice %arg17[%add3A_119] : memref<1200000xf32, #tpu.memory_space<vmem_shared>> -> memref<4000xf32, #tpu.memory_space<vmem_shared>>
    %dma_wait3A_121 = tpu.memref_slice %arg17[%add3A_119] : memref<1200000xf32, #tpu.memory_space<vmem_shared>> -> memref<4000xf32, #tpu.memory_space<vmem_shared>>
    tpu.wait_dma2 semaphore(%arg20 : memref<!tpu.dma_semaphore, #tpu.memory_space<semaphore_mem>>) src(%arg15 : memref<4000xf32, #tpu.memory_space<vmem>>) dst(%dma_wait3A_121 : memref<4000xf32, #tpu.memory_space<vmem_shared>>)
    %add3A_122 = arith.constant 36000 : i32
    %add3A_123 = arith.addi %mul3A_7, %add3A_122 : i32
    %dma_wait3A_124 = tpu.memref_slice %arg17[%add3A_123] : memref<1200000xf32, #tpu.memory_space<vmem_shared>> -> memref<4000xf32, #tpu.memory_space<vmem_shared>>
    %dma_wait3A_125 = tpu.memref_slice %arg17[%add3A_123] : memref<1200000xf32, #tpu.memory_space<vmem_shared>> -> memref<4000xf32, #tpu.memory_space<vmem_shared>>
    tpu.wait_dma2 semaphore(%arg20 : memref<!tpu.dma_semaphore, #tpu.memory_space<semaphore_mem>>) src(%arg15 : memref<4000xf32, #tpu.memory_space<vmem>>) dst(%dma_wait3A_125 : memref<4000xf32, #tpu.memory_space<vmem_shared>>)
    %add3A_126 = arith.constant 40000 : i32
    %add3A_127 = arith.addi %mul3A_7, %add3A_126 : i32
    %dma_wait3A_128 = tpu.memref_slice %arg17[%add3A_127] : memref<1200000xf32, #tpu.memory_space<vmem_shared>> -> memref<4000xf32, #tpu.memory_space<vmem_shared>>
    %dma_wait3A_129 = tpu.memref_slice %arg17[%add3A_127] : memref<1200000xf32, #tpu.memory_space<vmem_shared>> -> memref<4000xf32, #tpu.memory_space<vmem_shared>>
    tpu.wait_dma2 semaphore(%arg20 : memref<!tpu.dma_semaphore, #tpu.memory_space<semaphore_mem>>) src(%arg15 : memref<4000xf32, #tpu.memory_space<vmem>>) dst(%dma_wait3A_129 : memref<4000xf32, #tpu.memory_space<vmem_shared>>)
    %add3A_130 = arith.constant 44000 : i32
    %add3A_131 = arith.addi %mul3A_7, %add3A_130 : i32
    %dma_wait3A_132 = tpu.memref_slice %arg17[%add3A_131] : memref<1200000xf32, #tpu.memory_space<vmem_shared>> -> memref<4000xf32, #tpu.memory_space<vmem_shared>>
    %dma_wait3A_133 = tpu.memref_slice %arg17[%add3A_131] : memref<1200000xf32, #tpu.memory_space<vmem_shared>> -> memref<4000xf32, #tpu.memory_space<vmem_shared>>
    tpu.wait_dma2 semaphore(%arg20 : memref<!tpu.dma_semaphore, #tpu.memory_space<semaphore_mem>>) src(%arg15 : memref<4000xf32, #tpu.memory_space<vmem>>) dst(%dma_wait3A_133 : memref<4000xf32, #tpu.memory_space<vmem_shared>>)
    %add3A_134 = arith.constant 48000 : i32
    %add3A_135 = arith.addi %mul3A_7, %add3A_134 : i32
    %dma_wait3A_136 = tpu.memref_slice %arg17[%add3A_135] : memref<1200000xf32, #tpu.memory_space<vmem_shared>> -> memref<4000xf32, #tpu.memory_space<vmem_shared>>
    %dma_wait3A_137 = tpu.memref_slice %arg17[%add3A_135] : memref<1200000xf32, #tpu.memory_space<vmem_shared>> -> memref<4000xf32, #tpu.memory_space<vmem_shared>>
    tpu.wait_dma2 semaphore(%arg20 : memref<!tpu.dma_semaphore, #tpu.memory_space<semaphore_mem>>) src(%arg15 : memref<4000xf32, #tpu.memory_space<vmem>>) dst(%dma_wait3A_137 : memref<4000xf32, #tpu.memory_space<vmem_shared>>)
    %add3A_138 = arith.constant 52000 : i32
    %add3A_139 = arith.addi %mul3A_7, %add3A_138 : i32
    %dma_wait3A_140 = tpu.memref_slice %arg17[%add3A_139] : memref<1200000xf32, #tpu.memory_space<vmem_shared>> -> memref<4000xf32, #tpu.memory_space<vmem_shared>>
    %dma_wait3A_141 = tpu.memref_slice %arg17[%add3A_139] : memref<1200000xf32, #tpu.memory_space<vmem_shared>> -> memref<4000xf32, #tpu.memory_space<vmem_shared>>
    tpu.wait_dma2 semaphore(%arg20 : memref<!tpu.dma_semaphore, #tpu.memory_space<semaphore_mem>>) src(%arg15 : memref<4000xf32, #tpu.memory_space<vmem>>) dst(%dma_wait3A_141 : memref<4000xf32, #tpu.memory_space<vmem_shared>>)
    %add3A_142 = arith.constant 56000 : i32
    %add3A_143 = arith.addi %mul3A_7, %add3A_142 : i32
    %dma_wait3A_144 = tpu.memref_slice %arg17[%add3A_143] : memref<1200000xf32, #tpu.memory_space<vmem_shared>> -> memref<4000xf32, #tpu.memory_space<vmem_shared>>
    %dma_wait3A_145 = tpu.memref_slice %arg17[%add3A_143] : memref<1200000xf32, #tpu.memory_space<vmem_shared>> -> memref<4000xf32, #tpu.memory_space<vmem_shared>>
    tpu.wait_dma2 semaphore(%arg20 : memref<!tpu.dma_semaphore, #tpu.memory_space<semaphore_mem>>) src(%arg15 : memref<4000xf32, #tpu.memory_space<vmem>>) dst(%dma_wait3A_145 : memref<4000xf32, #tpu.memory_space<vmem_shared>>)
    %add3A_146 = arith.constant 60000 : i32
    %add3A_147 = arith.addi %mul3A_7, %add3A_146 : i32
    %dma_wait3A_148 = tpu.memref_slice %arg17[%add3A_147] : memref<1200000xf32, #tpu.memory_space<vmem_shared>> -> memref<4000xf32, #tpu.memory_space<vmem_shared>>
    %dma_wait3A_149 = tpu.memref_slice %arg17[%add3A_147] : memref<1200000xf32, #tpu.memory_space<vmem_shared>> -> memref<4000xf32, #tpu.memory_space<vmem_shared>>
    tpu.wait_dma2 semaphore(%arg20 : memref<!tpu.dma_semaphore, #tpu.memory_space<semaphore_mem>>) src(%arg15 : memref<4000xf32, #tpu.memory_space<vmem>>) dst(%dma_wait3A_149 : memref<4000xf32, #tpu.memory_space<vmem_shared>>)
    %add3A_150 = arith.constant 64000 : i32
    %add3A_151 = arith.addi %mul3A_7, %add3A_150 : i32
    %dma_wait3A_152 = tpu.memref_slice %arg17[%add3A_151] : memref<1200000xf32, #tpu.memory_space<vmem_shared>> -> memref<4000xf32, #tpu.memory_space<vmem_shared>>
    %dma_wait3A_153 = tpu.memref_slice %arg17[%add3A_151] : memref<1200000xf32, #tpu.memory_space<vmem_shared>> -> memref<4000xf32, #tpu.memory_space<vmem_shared>>
    tpu.wait_dma2 semaphore(%arg20 : memref<!tpu.dma_semaphore, #tpu.memory_space<semaphore_mem>>) src(%arg15 : memref<4000xf32, #tpu.memory_space<vmem>>) dst(%dma_wait3A_153 : memref<4000xf32, #tpu.memory_space<vmem_shared>>)
    %add3A_154 = arith.constant 68000 : i32
    %add3A_155 = arith.addi %mul3A_7, %add3A_154 : i32
    %dma_wait3A_156 = tpu.memref_slice %arg17[%add3A_155] : memref<1200000xf32, #tpu.memory_space<vmem_shared>> -> memref<4000xf32, #tpu.memory_space<vmem_shared>>
    %dma_wait3A_157 = tpu.memref_slice %arg17[%add3A_155] : memref<1200000xf32, #tpu.memory_space<vmem_shared>> -> memref<4000xf32, #tpu.memory_space<vmem_shared>>
    tpu.wait_dma2 semaphore(%arg20 : memref<!tpu.dma_semaphore, #tpu.memory_space<semaphore_mem>>) src(%arg15 : memref<4000xf32, #tpu.memory_space<vmem>>) dst(%dma_wait3A_157 : memref<4000xf32, #tpu.memory_space<vmem_shared>>)
    %add3A_158 = arith.constant 72000 : i32
    %add3A_159 = arith.addi %mul3A_7, %add3A_158 : i32
    %dma_wait3A_160 = arith.constant 0 : i32
    %dma_wait3A_161 = tpu.memref_slice %arg15[%dma_wait3A_160] : memref<4000xf32, #tpu.memory_space<vmem>> -> memref<3000xf32, #tpu.memory_space<vmem>>
    %dma_wait3A_162 = tpu.memref_slice %arg17[%add3A_159] : memref<1200000xf32, #tpu.memory_space<vmem_shared>> -> memref<3000xf32, #tpu.memory_space<vmem_shared>>
    %dma_wait3A_163 = tpu.memref_slice %arg17[%add3A_159] : memref<1200000xf32, #tpu.memory_space<vmem_shared>> -> memref<3000xf32, #tpu.memory_space<vmem_shared>>
    %dma_wait3A_164 = arith.constant 0 : i32
    %dma_wait3A_165 = tpu.memref_slice %arg15[%dma_wait3A_164] : memref<4000xf32, #tpu.memory_space<vmem>> -> memref<3000xf32, #tpu.memory_space<vmem>>
    tpu.wait_dma2 semaphore(%arg20 : memref<!tpu.dma_semaphore, #tpu.memory_space<semaphore_mem>>) src(%dma_wait3A_165 : memref<3000xf32, #tpu.memory_space<vmem>>) dst(%dma_wait3A_163 : memref<3000xf32, #tpu.memory_space<vmem_shared>>)
    %barrier3A = arith.constant 0 : index
    tpu.barrier barrier_id(%barrier3A)
    %scan3A_166 = arith.constant 0 : i32
    %scan3A_167 = arith.constant 5 : i32
    %scan3A_168 = arith.addi %scan3A_166, %scan3A_167 : i32
    %scan3A_169 = arith.constant 1 : i32
    scf.for %scan3A_373 = %scan3A_166 to %scan3A_168 step %scan3A_169  : i32 {
      %mul3A_374 = arith.constant 10000 : i32
      %mul3A_375 = arith.muli %add3A, %mul3A_374 : i32
      %mul3A_376 = arith.constant 2000 : i32
      %mul3A_377 = arith.muli %scan3A_373, %mul3A_376 : i32
      %add3A_378 = arith.addi %mul3A_375, %mul3A_377 : i32
      "tpu.region"() ({
        %run_scoped3A = tpu.sem_alloc : memref<!tpu.dma_semaphore, #tpu.memory_space<semaphore_mem>>
        %dma_start3A_1483 = tpu.memref_slice %arg3[%add3A_378] : memref<320000xi32, #tpu.memory_space<hbm>> -> memref<2000xi32, #tpu.memory_space<hbm>>
        %dma_start3A_1484 = tpu.memref_slice %arg3[%add3A_378] : memref<320000xi32, #tpu.memory_space<hbm>> -> memref<2000xi32, #tpu.memory_space<hbm>>
        tpu.enqueue_dma source(%dma_start3A_1484 : memref<2000xi32, #tpu.memory_space<hbm>>) target(%arg7 : memref<2000xi32, #tpu.memory_space<vmem>>) target_semaphore(%run_scoped3A : memref<!tpu.dma_semaphore, #tpu.memory_space<semaphore_mem>>)
        %dma_wait3A_1485 = tpu.memref_slice %arg3[%add3A_378] : memref<320000xi32, #tpu.memory_space<hbm>> -> memref<2000xi32, #tpu.memory_space<hbm>>
        %dma_wait3A_1486 = tpu.memref_slice %arg3[%add3A_378] : memref<320000xi32, #tpu.memory_space<hbm>> -> memref<2000xi32, #tpu.memory_space<hbm>>
        tpu.wait_dma2 semaphore(%run_scoped3A : memref<!tpu.dma_semaphore, #tpu.memory_space<semaphore_mem>>) src(%dma_wait3A_1486 : memref<2000xi32, #tpu.memory_space<hbm>>) dst(%arg7 : memref<2000xi32, #tpu.memory_space<vmem>>)
        tpu.yield
      }) : () -> ()
      "tpu.region"() ({
        %run_scoped3A = tpu.sem_alloc : memref<!tpu.dma_semaphore, #tpu.memory_space<semaphore_mem>>
        %dma_start3A_1483 = tpu.memref_slice %arg4[%add3A_378] : memref<320000xi32, #tpu.memory_space<hbm>> -> memref<2000xi32, #tpu.memory_space<hbm>>
        %dma_start3A_1484 = tpu.memref_slice %arg4[%add3A_378] : memref<320000xi32, #tpu.memory_space<hbm>> -> memref<2000xi32, #tpu.memory_space<hbm>>
        tpu.enqueue_dma source(%dma_start3A_1484 : memref<2000xi32, #tpu.memory_space<hbm>>) target(%arg8 : memref<2000xi32, #tpu.memory_space<vmem>>) target_semaphore(%run_scoped3A : memref<!tpu.dma_semaphore, #tpu.memory_space<semaphore_mem>>)
        %dma_wait3A_1485 = tpu.memref_slice %arg4[%add3A_378] : memref<320000xi32, #tpu.memory_space<hbm>> -> memref<2000xi32, #tpu.memory_space<hbm>>
        %dma_wait3A_1486 = tpu.memref_slice %arg4[%add3A_378] : memref<320000xi32, #tpu.memory_space<hbm>> -> memref<2000xi32, #tpu.memory_space<hbm>>
        tpu.wait_dma2 semaphore(%run_scoped3A : memref<!tpu.dma_semaphore, #tpu.memory_space<semaphore_mem>>) src(%dma_wait3A_1486 : memref<2000xi32, #tpu.memory_space<hbm>>) dst(%arg8 : memref<2000xi32, #tpu.memory_space<vmem>>)
        tpu.yield
      }) : () -> ()
      %get3A = arith.constant 0 : index
      %get3A_379 = tpu.vector_load %arg7[%get3A] {strides = array<i32>} : memref<2000xi32, #tpu.memory_space<vmem>>, vector<16xi32>,
      %get3A_380 = arith.constant 0 : index
      %get3A_381 = tpu.vector_load %arg8[%get3A_380] {strides = array<i32>} : memref<2000xi32, #tpu.memory_space<vmem>>, vector<16xi32>,
      %gather3A = tpu.vector_load_idx %arg9[%get3A_379] : memref<10000xi32, #tpu.memory_space<vmem>>[vector<16xi32>], vector<16xi32>,
      %gather3A_382 = tpu.vector_load_idx %arg10[%get3A_379] : memref<30000xf32, #tpu.memory_space<vmem>>[vector<16xi32>], vector<16xf32>,
      %gather3A_383 = tpu.vector_load_idx %arg10[%get3A_381] : memref<30000xf32, #tpu.memory_space<vmem>>[vector<16xi32>], vector<16xf32>,
      %sub3A = arith.subf %gather3A_382, %gather3A_383 : vector<16xf32>
      %add3A_384 = arith.constant 10000 : i32
      %add3A_385 = vector.broadcast %add3A_384 : i32 to vector<16xi32>
      %add3A_386 = arith.addi %get3A_379, %add3A_385 : vector<16xi32>
      %gather3A_387 = tpu.vector_load_idx %arg10[%add3A_386] : memref<30000xf32, #tpu.memory_space<vmem>>[vector<16xi32>], vector<16xf32>,
      %add3A_388 = arith.constant 10000 : i32
      %add3A_389 = vector.broadcast %add3A_388 : i32 to vector<16xi32>
      %add3A_390 = arith.addi %get3A_381, %add3A_389 : vector<16xi32>
      %gather3A_391 = tpu.vector_load_idx %arg10[%add3A_390] : memref<30000xf32, #tpu.memory_space<vmem>>[vector<16xi32>], vector<16xf32>,
      %sub3A_392 = arith.subf %gather3A_387, %gather3A_391 : vector<16xf32>
      %add3A_393 = arith.constant 20000 : i32
      %add3A_394 = vector.broadcast %add3A_393 : i32 to vector<16xi32>
      %add3A_395 = arith.addi %get3A_379, %add3A_394 : vector<16xi32>
      %gather3A_396 = tpu.vector_load_idx %arg10[%add3A_395] : memref<30000xf32, #tpu.memory_space<vmem>>[vector<16xi32>], vector<16xf32>,
      %add3A_397 = arith.constant 20000 : i32
      %add3A_398 = vector.broadcast %add3A_397 : i32 to vector<16xi32>
      %add3A_399 = arith.addi %get3A_381, %add3A_398 : vector<16xi32>
      %gather3A_400 = tpu.vector_load_idx %arg10[%add3A_399] : memref<30000xf32, #tpu.memory_space<vmem>>[vector<16xi32>], vector<16xf32>,
      %sub3A_401 = arith.subf %gather3A_396, %gather3A_400 : vector<16xf32>
      %mul3A_402 = arith.mulf %sub3A, %sub3A : vector<16xf32>
      %mul3A_403 = arith.mulf %sub3A_392, %sub3A_392 : vector<16xf32>
      %add3A_404 = arith.addf %mul3A_402, %mul3A_403 : vector<16xf32>
      %mul3A_405 = arith.mulf %sub3A_401, %sub3A_401 : vector<16xf32>
      %add3A_406 = arith.addf %add3A_404, %mul3A_405 : vector<16xf32>
      %add3A_407 = arith.constant 9.99999996E-13 : f32
      %add3A_408 = vector.broadcast %add3A_407 : f32 to vector<16xf32>
      %add3A_409 = arith.addf %add3A_406, %add3A_408 : vector<16xf32>
      %bitcast3A = vector.bitcast %add3A_409 : vector<16xf32> to vector<16xi32>
      %shift_right_arithmetic3A = arith.constant 1 : i32
      %shift_right_arithmetic3A_410 = vector.broadcast %shift_right_arithmetic3A : i32 to vector<16xi32>
      %shift_right_arithmetic3A_411 = arith.shrsi %bitcast3A, %shift_right_arithmetic3A_410 : vector<16xi32>
      %sub3A_412 = arith.constant 1597463007 : i32
      %sub3A_413 = vector.broadcast %sub3A_412 : i32 to vector<16xi32>
      %sub3A_414 = arith.subi %sub3A_413, %shift_right_arithmetic3A_411 : vector<16xi32>
      %bitcast3A_415 = vector.bitcast %sub3A_414 : vector<16xi32> to vector<16xf32>
      %mul3A_416 = arith.constant 5.000000e-01 : f32
      %mul3A_417 = vector.broadcast %mul3A_416 : f32 to vector<16xf32>
      %mul3A_418 = arith.mulf %mul3A_417, %add3A_409 : vector<16xf32>
      %mul3A_419 = arith.mulf %mul3A_418, %bitcast3A_415 : vector<16xf32>
      %mul3A_420 = arith.mulf %mul3A_419, %bitcast3A_415 : vector<16xf32>
      %sub3A_421 = arith.constant 1.500000e+00 : f32
      %sub3A_422 = vector.broadcast %sub3A_421 : f32 to vector<16xf32>
      %sub3A_423 = arith.subf %sub3A_422, %mul3A_420 : vector<16xf32>
      %mul3A_424 = arith.mulf %bitcast3A_415, %sub3A_423 : vector<16xf32>
      %mul3A_425 = arith.constant 5.000000e-01 : f32
      %mul3A_426 = vector.broadcast %mul3A_425 : f32 to vector<16xf32>
      %mul3A_427 = arith.mulf %mul3A_426, %add3A_409 : vector<16xf32>
      %mul3A_428 = arith.mulf %mul3A_427, %mul3A_424 : vector<16xf32>
      %mul3A_429 = arith.mulf %mul3A_428, %mul3A_424 : vector<16xf32>
      %sub3A_430 = arith.constant 1.500000e+00 : f32
      %sub3A_431 = vector.broadcast %sub3A_430 : f32 to vector<16xf32>
      %sub3A_432 = arith.subf %sub3A_431, %mul3A_429 : vector<16xf32>
      %mul3A_433 = arith.mulf %mul3A_424, %sub3A_432 : vector<16xf32>
      %mul3A_434 = arith.mulf %add3A_409, %mul3A_433 : vector<16xf32>
      %neg3A = arith.constant 0.000000e+00 : f32
      %neg3A_435 = vector.broadcast %neg3A : f32 to vector<16xf32>
      %neg3A_436 = arith.subf %neg3A_435, %mul3A_434 : vector<16xf32>
      %exp3A = math.exp %neg3A_436 : vector<16xf32>
      %mul3A_437 = arith.constant 120 : i32
      %mul3A_438 = vector.broadcast %mul3A_437 : i32 to vector<16xi32>
      %mul3A_439 = arith.muli %get3A_381, %mul3A_438 : vector<16xi32>
      %add3A_440 = arith.addi %mul3A_439, %gather3A : vector<16xi32>
      %swap3A = arith.constant 0 : index
      %swap3A_441 = tpu.vector_load %arg11[%swap3A] {strides = array<i32>} : memref<80xf32, #tpu.memory_space<vmem>>, vector<16xf32>,
      tpu.vector_store %arg11[%swap3A], %exp3A {strides = array<i32>} : memref<80xf32, #tpu.memory_space<vmem>>, vector<16xf32>,
      %swap3A_442 = arith.constant 0 : index
      %swap3A_443 = tpu.vector_load %arg12[%swap3A_442] {strides = array<i32>} : memref<80xi32, #tpu.memory_space<vmem>>, vector<16xi32>,
      tpu.vector_store %arg12[%swap3A_442], %add3A_440 {strides = array<i32>} : memref<80xi32, #tpu.memory_space<vmem>>, vector<16xi32>,
      %get3A_444 = arith.constant 16 : index
      %get3A_445 = tpu.vector_load %arg7[%get3A_444] {strides = array<i32>} : memref<2000xi32, #tpu.memory_space<vmem>>, vector<16xi32>,
      %get3A_446 = arith.constant 16 : index
      %get3A_447 = tpu.vector_load %arg8[%get3A_446] {strides = array<i32>} : memref<2000xi32, #tpu.memory_space<vmem>>, vector<16xi32>,
      %gather3A_448 = tpu.vector_load_idx %arg9[%get3A_445] : memref<10000xi32, #tpu.memory_space<vmem>>[vector<16xi32>], vector<16xi32>,
      %gather3A_449 = tpu.vector_load_idx %arg10[%get3A_445] : memref<30000xf32, #tpu.memory_space<vmem>>[vector<16xi32>], vector<16xf32>,
      %gather3A_450 = tpu.vector_load_idx %arg10[%get3A_447] : memref<30000xf32, #tpu.memory_space<vmem>>[vector<16xi32>], vector<16xf32>,
      %sub3A_451 = arith.subf %gather3A_449, %gather3A_450 : vector<16xf32>
      %add3A_452 = arith.constant 10000 : i32
      %add3A_453 = vector.broadcast %add3A_452 : i32 to vector<16xi32>
      %add3A_454 = arith.addi %get3A_445, %add3A_453 : vector<16xi32>
      %gather3A_455 = tpu.vector_load_idx %arg10[%add3A_454] : memref<30000xf32, #tpu.memory_space<vmem>>[vector<16xi32>], vector<16xf32>,
      %add3A_456 = arith.constant 10000 : i32
      %add3A_457 = vector.broadcast %add3A_456 : i32 to vector<16xi32>
      %add3A_458 = arith.addi %get3A_447, %add3A_457 : vector<16xi32>
      %gather3A_459 = tpu.vector_load_idx %arg10[%add3A_458] : memref<30000xf32, #tpu.memory_space<vmem>>[vector<16xi32>], vector<16xf32>,
      %sub3A_460 = arith.subf %gather3A_455, %gather3A_459 : vector<16xf32>
      %add3A_461 = arith.constant 20000 : i32
      %add3A_462 = vector.broadcast %add3A_461 : i32 to vector<16xi32>
      %add3A_463 = arith.addi %get3A_445, %add3A_462 : vector<16xi32>
      %gather3A_464 = tpu.vector_load_idx %arg10[%add3A_463] : memref<30000xf32, #tpu.memory_space<vmem>>[vector<16xi32>], vector<16xf32>,
      %add3A_465 = arith.constant 20000 : i32
      %add3A_466 = vector.broadcast %add3A_465 : i32 to vector<16xi32>
      %add3A_467 = arith.addi %get3A_447, %add3A_466 : vector<16xi32>
      %gather3A_468 = tpu.vector_load_idx %arg10[%add3A_467] : memref<30000xf32, #tpu.memory_space<vmem>>[vector<16xi32>], vector<16xf32>,
      %sub3A_469 = arith.subf %gather3A_464, %gather3A_468 : vector<16xf32>
      %mul3A_470 = arith.mulf %sub3A_451, %sub3A_451 : vector<16xf32>
      %mul3A_471 = arith.mulf %sub3A_460, %sub3A_460 : vector<16xf32>
      %add3A_472 = arith.addf %mul3A_470, %mul3A_471 : vector<16xf32>
      %mul3A_473 = arith.mulf %sub3A_469, %sub3A_469 : vector<16xf32>
      %add3A_474 = arith.addf %add3A_472, %mul3A_473 : vector<16xf32>
      %add3A_475 = arith.constant 9.99999996E-13 : f32
      %add3A_476 = vector.broadcast %add3A_475 : f32 to vector<16xf32>
      %add3A_477 = arith.addf %add3A_474, %add3A_476 : vector<16xf32>
      %bitcast3A_478 = vector.bitcast %add3A_477 : vector<16xf32> to vector<16xi32>
      %shift_right_arithmetic3A_479 = arith.constant 1 : i32
      %shift_right_arithmetic3A_480 = vector.broadcast %shift_right_arithmetic3A_479 : i32 to vector<16xi32>
      %shift_right_arithmetic3A_481 = arith.shrsi %bitcast3A_478, %shift_right_arithmetic3A_480 : vector<16xi32>
      %sub3A_482 = arith.constant 1597463007 : i32
      %sub3A_483 = vector.broadcast %sub3A_482 : i32 to vector<16xi32>
      %sub3A_484 = arith.subi %sub3A_483, %shift_right_arithmetic3A_481 : vector<16xi32>
      %bitcast3A_485 = vector.bitcast %sub3A_484 : vector<16xi32> to vector<16xf32>
      %mul3A_486 = arith.constant 5.000000e-01 : f32
      %mul3A_487 = vector.broadcast %mul3A_486 : f32 to vector<16xf32>
      %mul3A_488 = arith.mulf %mul3A_487, %add3A_477 : vector<16xf32>
      %mul3A_489 = arith.mulf %mul3A_488, %bitcast3A_485 : vector<16xf32>
      %mul3A_490 = arith.mulf %mul3A_489, %bitcast3A_485 : vector<16xf32>
      %sub3A_491 = arith.constant 1.500000e+00 : f32
      %sub3A_492 = vector.broadcast %sub3A_491 : f32 to vector<16xf32>
      %sub3A_493 = arith.subf %sub3A_492, %mul3A_490 : vector<16xf32>
      %mul3A_494 = arith.mulf %bitcast3A_485, %sub3A_493 : vector<16xf32>
      %mul3A_495 = arith.constant 5.000000e-01 : f32
      %mul3A_496 = vector.broadcast %mul3A_495 : f32 to vector<16xf32>
      %mul3A_497 = arith.mulf %mul3A_496, %add3A_477 : vector<16xf32>
      %mul3A_498 = arith.mulf %mul3A_497, %mul3A_494 : vector<16xf32>
      %mul3A_499 = arith.mulf %mul3A_498, %mul3A_494 : vector<16xf32>
      %sub3A_500 = arith.constant 1.500000e+00 : f32
      %sub3A_501 = vector.broadcast %sub3A_500 : f32 to vector<16xf32>
      %sub3A_502 = arith.subf %sub3A_501, %mul3A_499 : vector<16xf32>
      %mul3A_503 = arith.mulf %mul3A_494, %sub3A_502 : vector<16xf32>
      %mul3A_504 = arith.mulf %add3A_477, %mul3A_503 : vector<16xf32>
      %neg3A_505 = arith.constant 0.000000e+00 : f32
      %neg3A_506 = vector.broadcast %neg3A_505 : f32 to vector<16xf32>
      %neg3A_507 = arith.subf %neg3A_506, %mul3A_504 : vector<16xf32>
      %exp3A_508 = math.exp %neg3A_507 : vector<16xf32>
      %mul3A_509 = arith.constant 120 : i32
      %mul3A_510 = vector.broadcast %mul3A_509 : i32 to vector<16xi32>
      %mul3A_511 = arith.muli %get3A_447, %mul3A_510 : vector<16xi32>
      %add3A_512 = arith.addi %mul3A_511, %gather3A_448 : vector<16xi32>
      %swap3A_513 = arith.constant 16 : index
      %swap3A_514 = tpu.vector_load %arg11[%swap3A_513] {strides = array<i32>} : memref<80xf32, #tpu.memory_space<vmem>>, vector<16xf32>,
      tpu.vector_store %arg11[%swap3A_513], %exp3A_508 {strides = array<i32>} : memref<80xf32, #tpu.memory_space<vmem>>, vector<16xf32>,
      %swap3A_515 = arith.constant 16 : index
      %swap3A_516 = tpu.vector_load %arg12[%swap3A_515] {strides = array<i32>} : memref<80xi32, #tpu.memory_space<vmem>>, vector<16xi32>,
      tpu.vector_store %arg12[%swap3A_515], %add3A_512 {strides = array<i32>} : memref<80xi32, #tpu.memory_space<vmem>>, vector<16xi32>,
      %get3A_517 = arith.constant 32 : index
      %get3A_518 = tpu.vector_load %arg7[%get3A_517] {strides = array<i32>} : memref<2000xi32, #tpu.memory_space<vmem>>, vector<16xi32>,
      %get3A_519 = arith.constant 32 : index
      %get3A_520 = tpu.vector_load %arg8[%get3A_519] {strides = array<i32>} : memref<2000xi32, #tpu.memory_space<vmem>>, vector<16xi32>,
      %gather3A_521 = tpu.vector_load_idx %arg9[%get3A_518] : memref<10000xi32, #tpu.memory_space<vmem>>[vector<16xi32>], vector<16xi32>,
      %gather3A_522 = tpu.vector_load_idx %arg10[%get3A_518] : memref<30000xf32, #tpu.memory_space<vmem>>[vector<16xi32>], vector<16xf32>,
      %gather3A_523 = tpu.vector_load_idx %arg10[%get3A_520] : memref<30000xf32, #tpu.memory_space<vmem>>[vector<16xi32>], vector<16xf32>,
      %sub3A_524 = arith.subf %gather3A_522, %gather3A_523 : vector<16xf32>
      %add3A_525 = arith.constant 10000 : i32
      %add3A_526 = vector.broadcast %add3A_525 : i32 to vector<16xi32>
      %add3A_527 = arith.addi %get3A_518, %add3A_526 : vector<16xi32>
      %gather3A_528 = tpu.vector_load_idx %arg10[%add3A_527] : memref<30000xf32, #tpu.memory_space<vmem>>[vector<16xi32>], vector<16xf32>,
      %add3A_529 = arith.constant 10000 : i32
      %add3A_530 = vector.broadcast %add3A_529 : i32 to vector<16xi32>
      %add3A_531 = arith.addi %get3A_520, %add3A_530 : vector<16xi32>
      %gather3A_532 = tpu.vector_load_idx %arg10[%add3A_531] : memref<30000xf32, #tpu.memory_space<vmem>>[vector<16xi32>], vector<16xf32>,
      %sub3A_533 = arith.subf %gather3A_528, %gather3A_532 : vector<16xf32>
      %add3A_534 = arith.constant 20000 : i32
      %add3A_535 = vector.broadcast %add3A_534 : i32 to vector<16xi32>
      %add3A_536 = arith.addi %get3A_518, %add3A_535 : vector<16xi32>
      %gather3A_537 = tpu.vector_load_idx %arg10[%add3A_536] : memref<30000xf32, #tpu.memory_space<vmem>>[vector<16xi32>], vector<16xf32>,
      %add3A_538 = arith.constant 20000 : i32
      %add3A_539 = vector.broadcast %add3A_538 : i32 to vector<16xi32>
      %add3A_540 = arith.addi %get3A_520, %add3A_539 : vector<16xi32>
      %gather3A_541 = tpu.vector_load_idx %arg10[%add3A_540] : memref<30000xf32, #tpu.memory_space<vmem>>[vector<16xi32>], vector<16xf32>,
      %sub3A_542 = arith.subf %gather3A_537, %gather3A_541 : vector<16xf32>
      %mul3A_543 = arith.mulf %sub3A_524, %sub3A_524 : vector<16xf32>
      %mul3A_544 = arith.mulf %sub3A_533, %sub3A_533 : vector<16xf32>
      %add3A_545 = arith.addf %mul3A_543, %mul3A_544 : vector<16xf32>
      %mul3A_546 = arith.mulf %sub3A_542, %sub3A_542 : vector<16xf32>
      %add3A_547 = arith.addf %add3A_545, %mul3A_546 : vector<16xf32>
      %add3A_548 = arith.constant 9.99999996E-13 : f32
      %add3A_549 = vector.broadcast %add3A_548 : f32 to vector<16xf32>
      %add3A_550 = arith.addf %add3A_547, %add3A_549 : vector<16xf32>
      %bitcast3A_551 = vector.bitcast %add3A_550 : vector<16xf32> to vector<16xi32>
      %shift_right_arithmetic3A_552 = arith.constant 1 : i32
      %shift_right_arithmetic3A_553 = vector.broadcast %shift_right_arithmetic3A_552 : i32 to vector<16xi32>
      %shift_right_arithmetic3A_554 = arith.shrsi %bitcast3A_551, %shift_right_arithmetic3A_553 : vector<16xi32>
      %sub3A_555 = arith.constant 1597463007 : i32
      %sub3A_556 = vector.broadcast %sub3A_555 : i32 to vector<16xi32>
      %sub3A_557 = arith.subi %sub3A_556, %shift_right_arithmetic3A_554 : vector<16xi32>
      %bitcast3A_558 = vector.bitcast %sub3A_557 : vector<16xi32> to vector<16xf32>
      %mul3A_559 = arith.constant 5.000000e-01 : f32
      %mul3A_560 = vector.broadcast %mul3A_559 : f32 to vector<16xf32>
      %mul3A_561 = arith.mulf %mul3A_560, %add3A_550 : vector<16xf32>
      %mul3A_562 = arith.mulf %mul3A_561, %bitcast3A_558 : vector<16xf32>
      %mul3A_563 = arith.mulf %mul3A_562, %bitcast3A_558 : vector<16xf32>
      %sub3A_564 = arith.constant 1.500000e+00 : f32
      %sub3A_565 = vector.broadcast %sub3A_564 : f32 to vector<16xf32>
      %sub3A_566 = arith.subf %sub3A_565, %mul3A_563 : vector<16xf32>
      %mul3A_567 = arith.mulf %bitcast3A_558, %sub3A_566 : vector<16xf32>
      %mul3A_568 = arith.constant 5.000000e-01 : f32
      %mul3A_569 = vector.broadcast %mul3A_568 : f32 to vector<16xf32>
      %mul3A_570 = arith.mulf %mul3A_569, %add3A_550 : vector<16xf32>
      %mul3A_571 = arith.mulf %mul3A_570, %mul3A_567 : vector<16xf32>
      %mul3A_572 = arith.mulf %mul3A_571, %mul3A_567 : vector<16xf32>
      %sub3A_573 = arith.constant 1.500000e+00 : f32
      %sub3A_574 = vector.broadcast %sub3A_573 : f32 to vector<16xf32>
      %sub3A_575 = arith.subf %sub3A_574, %mul3A_572 : vector<16xf32>
      %mul3A_576 = arith.mulf %mul3A_567, %sub3A_575 : vector<16xf32>
      %mul3A_577 = arith.mulf %add3A_550, %mul3A_576 : vector<16xf32>
      %neg3A_578 = arith.constant 0.000000e+00 : f32
      %neg3A_579 = vector.broadcast %neg3A_578 : f32 to vector<16xf32>
      %neg3A_580 = arith.subf %neg3A_579, %mul3A_577 : vector<16xf32>
      %exp3A_581 = math.exp %neg3A_580 : vector<16xf32>
      %mul3A_582 = arith.constant 120 : i32
      %mul3A_583 = vector.broadcast %mul3A_582 : i32 to vector<16xi32>
      %mul3A_584 = arith.muli %get3A_520, %mul3A_583 : vector<16xi32>
      %add3A_585 = arith.addi %mul3A_584, %gather3A_521 : vector<16xi32>
      %swap3A_586 = arith.constant 32 : index
      %swap3A_587 = tpu.vector_load %arg11[%swap3A_586] {strides = array<i32>} : memref<80xf32, #tpu.memory_space<vmem>>, vector<16xf32>,
      tpu.vector_store %arg11[%swap3A_586], %exp3A_581 {strides = array<i32>} : memref<80xf32, #tpu.memory_space<vmem>>, vector<16xf32>,
      %swap3A_588 = arith.constant 32 : index
      %swap3A_589 = tpu.vector_load %arg12[%swap3A_588] {strides = array<i32>} : memref<80xi32, #tpu.memory_space<vmem>>, vector<16xi32>,
      tpu.vector_store %arg12[%swap3A_588], %add3A_585 {strides = array<i32>} : memref<80xi32, #tpu.memory_space<vmem>>, vector<16xi32>,
      %get3A_590 = arith.constant 48 : index
      %get3A_591 = tpu.vector_load %arg7[%get3A_590] {strides = array<i32>} : memref<2000xi32, #tpu.memory_space<vmem>>, vector<16xi32>,
      %get3A_592 = arith.constant 48 : index
      %get3A_593 = tpu.vector_load %arg8[%get3A_592] {strides = array<i32>} : memref<2000xi32, #tpu.memory_space<vmem>>, vector<16xi32>,
      %gather3A_594 = tpu.vector_load_idx %arg9[%get3A_591] : memref<10000xi32, #tpu.memory_space<vmem>>[vector<16xi32>], vector<16xi32>,
      %gather3A_595 = tpu.vector_load_idx %arg10[%get3A_591] : memref<30000xf32, #tpu.memory_space<vmem>>[vector<16xi32>], vector<16xf32>,
      %gather3A_596 = tpu.vector_load_idx %arg10[%get3A_593] : memref<30000xf32, #tpu.memory_space<vmem>>[vector<16xi32>], vector<16xf32>,
      %sub3A_597 = arith.subf %gather3A_595, %gather3A_596 : vector<16xf32>
      %add3A_598 = arith.constant 10000 : i32
      %add3A_599 = vector.broadcast %add3A_598 : i32 to vector<16xi32>
      %add3A_600 = arith.addi %get3A_591, %add3A_599 : vector<16xi32>
      %gather3A_601 = tpu.vector_load_idx %arg10[%add3A_600] : memref<30000xf32, #tpu.memory_space<vmem>>[vector<16xi32>], vector<16xf32>,
      %add3A_602 = arith.constant 10000 : i32
      %add3A_603 = vector.broadcast %add3A_602 : i32 to vector<16xi32>
      %add3A_604 = arith.addi %get3A_593, %add3A_603 : vector<16xi32>
      %gather3A_605 = tpu.vector_load_idx %arg10[%add3A_604] : memref<30000xf32, #tpu.memory_space<vmem>>[vector<16xi32>], vector<16xf32>,
      %sub3A_606 = arith.subf %gather3A_601, %gather3A_605 : vector<16xf32>
      %add3A_607 = arith.constant 20000 : i32
      %add3A_608 = vector.broadcast %add3A_607 : i32 to vector<16xi32>
      %add3A_609 = arith.addi %get3A_591, %add3A_608 : vector<16xi32>
      %gather3A_610 = tpu.vector_load_idx %arg10[%add3A_609] : memref<30000xf32, #tpu.memory_space<vmem>>[vector<16xi32>], vector<16xf32>,
      %add3A_611 = arith.constant 20000 : i32
      %add3A_612 = vector.broadcast %add3A_611 : i32 to vector<16xi32>
      %add3A_613 = arith.addi %get3A_593, %add3A_612 : vector<16xi32>
      %gather3A_614 = tpu.vector_load_idx %arg10[%add3A_613] : memref<30000xf32, #tpu.memory_space<vmem>>[vector<16xi32>], vector<16xf32>,
      %sub3A_615 = arith.subf %gather3A_610, %gather3A_614 : vector<16xf32>
      %mul3A_616 = arith.mulf %sub3A_597, %sub3A_597 : vector<16xf32>
      %mul3A_617 = arith.mulf %sub3A_606, %sub3A_606 : vector<16xf32>
      %add3A_618 = arith.addf %mul3A_616, %mul3A_617 : vector<16xf32>
      %mul3A_619 = arith.mulf %sub3A_615, %sub3A_615 : vector<16xf32>
      %add3A_620 = arith.addf %add3A_618, %mul3A_619 : vector<16xf32>
      %add3A_621 = arith.constant 9.99999996E-13 : f32
      %add3A_622 = vector.broadcast %add3A_621 : f32 to vector<16xf32>
      %add3A_623 = arith.addf %add3A_620, %add3A_622 : vector<16xf32>
      %bitcast3A_624 = vector.bitcast %add3A_623 : vector<16xf32> to vector<16xi32>
      %shift_right_arithmetic3A_625 = arith.constant 1 : i32
      %shift_right_arithmetic3A_626 = vector.broadcast %shift_right_arithmetic3A_625 : i32 to vector<16xi32>
      %shift_right_arithmetic3A_627 = arith.shrsi %bitcast3A_624, %shift_right_arithmetic3A_626 : vector<16xi32>
      %sub3A_628 = arith.constant 1597463007 : i32
      %sub3A_629 = vector.broadcast %sub3A_628 : i32 to vector<16xi32>
      %sub3A_630 = arith.subi %sub3A_629, %shift_right_arithmetic3A_627 : vector<16xi32>
      %bitcast3A_631 = vector.bitcast %sub3A_630 : vector<16xi32> to vector<16xf32>
      %mul3A_632 = arith.constant 5.000000e-01 : f32
      %mul3A_633 = vector.broadcast %mul3A_632 : f32 to vector<16xf32>
      %mul3A_634 = arith.mulf %mul3A_633, %add3A_623 : vector<16xf32>
      %mul3A_635 = arith.mulf %mul3A_634, %bitcast3A_631 : vector<16xf32>
      %mul3A_636 = arith.mulf %mul3A_635, %bitcast3A_631 : vector<16xf32>
      %sub3A_637 = arith.constant 1.500000e+00 : f32
      %sub3A_638 = vector.broadcast %sub3A_637 : f32 to vector<16xf32>
      %sub3A_639 = arith.subf %sub3A_638, %mul3A_636 : vector<16xf32>
      %mul3A_640 = arith.mulf %bitcast3A_631, %sub3A_639 : vector<16xf32>
      %mul3A_641 = arith.constant 5.000000e-01 : f32
      %mul3A_642 = vector.broadcast %mul3A_641 : f32 to vector<16xf32>
      %mul3A_643 = arith.mulf %mul3A_642, %add3A_623 : vector<16xf32>
      %mul3A_644 = arith.mulf %mul3A_643, %mul3A_640 : vector<16xf32>
      %mul3A_645 = arith.mulf %mul3A_644, %mul3A_640 : vector<16xf32>
      %sub3A_646 = arith.constant 1.500000e+00 : f32
      %sub3A_647 = vector.broadcast %sub3A_646 : f32 to vector<16xf32>
      %sub3A_648 = arith.subf %sub3A_647, %mul3A_645 : vector<16xf32>
      %mul3A_649 = arith.mulf %mul3A_640, %sub3A_648 : vector<16xf32>
      %mul3A_650 = arith.mulf %add3A_623, %mul3A_649 : vector<16xf32>
      %neg3A_651 = arith.constant 0.000000e+00 : f32
      %neg3A_652 = vector.broadcast %neg3A_651 : f32 to vector<16xf32>
      %neg3A_653 = arith.subf %neg3A_652, %mul3A_650 : vector<16xf32>
      %exp3A_654 = math.exp %neg3A_653 : vector<16xf32>
      %mul3A_655 = arith.constant 120 : i32
      %mul3A_656 = vector.broadcast %mul3A_655 : i32 to vector<16xi32>
      %mul3A_657 = arith.muli %get3A_593, %mul3A_656 : vector<16xi32>
      %add3A_658 = arith.addi %mul3A_657, %gather3A_594 : vector<16xi32>
      %swap3A_659 = arith.constant 48 : index
      %swap3A_660 = tpu.vector_load %arg11[%swap3A_659] {strides = array<i32>} : memref<80xf32, #tpu.memory_space<vmem>>, vector<16xf32>,
      tpu.vector_store %arg11[%swap3A_659], %exp3A_654 {strides = array<i32>} : memref<80xf32, #tpu.memory_space<vmem>>, vector<16xf32>,
      %swap3A_661 = arith.constant 48 : index
      %swap3A_662 = tpu.vector_load %arg12[%swap3A_661] {strides = array<i32>} : memref<80xi32, #tpu.memory_space<vmem>>, vector<16xi32>,
      tpu.vector_store %arg12[%swap3A_661], %add3A_658 {strides = array<i32>} : memref<80xi32, #tpu.memory_space<vmem>>, vector<16xi32>,
      %get3A_663 = arith.constant 64 : index
      %get3A_664 = tpu.vector_load %arg7[%get3A_663] {strides = array<i32>} : memref<2000xi32, #tpu.memory_space<vmem>>, vector<16xi32>,
      %get3A_665 = arith.constant 64 : index
      %get3A_666 = tpu.vector_load %arg8[%get3A_665] {strides = array<i32>} : memref<2000xi32, #tpu.memory_space<vmem>>, vector<16xi32>,
      %gather3A_667 = tpu.vector_load_idx %arg9[%get3A_664] : memref<10000xi32, #tpu.memory_space<vmem>>[vector<16xi32>], vector<16xi32>,
      %gather3A_668 = tpu.vector_load_idx %arg10[%get3A_664] : memref<30000xf32, #tpu.memory_space<vmem>>[vector<16xi32>], vector<16xf32>,
      %gather3A_669 = tpu.vector_load_idx %arg10[%get3A_666] : memref<30000xf32, #tpu.memory_space<vmem>>[vector<16xi32>], vector<16xf32>,
      %sub3A_670 = arith.subf %gather3A_668, %gather3A_669 : vector<16xf32>
      %add3A_671 = arith.constant 10000 : i32
      %add3A_672 = vector.broadcast %add3A_671 : i32 to vector<16xi32>
      %add3A_673 = arith.addi %get3A_664, %add3A_672 : vector<16xi32>
      %gather3A_674 = tpu.vector_load_idx %arg10[%add3A_673] : memref<30000xf32, #tpu.memory_space<vmem>>[vector<16xi32>], vector<16xf32>,
      %add3A_675 = arith.constant 10000 : i32
      %add3A_676 = vector.broadcast %add3A_675 : i32 to vector<16xi32>
      %add3A_677 = arith.addi %get3A_666, %add3A_676 : vector<16xi32>
      %gather3A_678 = tpu.vector_load_idx %arg10[%add3A_677] : memref<30000xf32, #tpu.memory_space<vmem>>[vector<16xi32>], vector<16xf32>,
      %sub3A_679 = arith.subf %gather3A_674, %gather3A_678 : vector<16xf32>
      %add3A_680 = arith.constant 20000 : i32
      %add3A_681 = vector.broadcast %add3A_680 : i32 to vector<16xi32>
      %add3A_682 = arith.addi %get3A_664, %add3A_681 : vector<16xi32>
      %gather3A_683 = tpu.vector_load_idx %arg10[%add3A_682] : memref<30000xf32, #tpu.memory_space<vmem>>[vector<16xi32>], vector<16xf32>,
      %add3A_684 = arith.constant 20000 : i32
      %add3A_685 = vector.broadcast %add3A_684 : i32 to vector<16xi32>
      %add3A_686 = arith.addi %get3A_666, %add3A_685 : vector<16xi32>
      %gather3A_687 = tpu.vector_load_idx %arg10[%add3A_686] : memref<30000xf32, #tpu.memory_space<vmem>>[vector<16xi32>], vector<16xf32>,
      %sub3A_688 = arith.subf %gather3A_683, %gather3A_687 : vector<16xf32>
      %mul3A_689 = arith.mulf %sub3A_670, %sub3A_670 : vector<16xf32>
      %mul3A_690 = arith.mulf %sub3A_679, %sub3A_679 : vector<16xf32>
      %add3A_691 = arith.addf %mul3A_689, %mul3A_690 : vector<16xf32>
      %mul3A_692 = arith.mulf %sub3A_688, %sub3A_688 : vector<16xf32>
      %add3A_693 = arith.addf %add3A_691, %mul3A_692 : vector<16xf32>
      %add3A_694 = arith.constant 9.99999996E-13 : f32
      %add3A_695 = vector.broadcast %add3A_694 : f32 to vector<16xf32>
      %add3A_696 = arith.addf %add3A_693, %add3A_695 : vector<16xf32>
      %bitcast3A_697 = vector.bitcast %add3A_696 : vector<16xf32> to vector<16xi32>
      %shift_right_arithmetic3A_698 = arith.constant 1 : i32
      %shift_right_arithmetic3A_699 = vector.broadcast %shift_right_arithmetic3A_698 : i32 to vector<16xi32>
      %shift_right_arithmetic3A_700 = arith.shrsi %bitcast3A_697, %shift_right_arithmetic3A_699 : vector<16xi32>
      %sub3A_701 = arith.constant 1597463007 : i32
      %sub3A_702 = vector.broadcast %sub3A_701 : i32 to vector<16xi32>
      %sub3A_703 = arith.subi %sub3A_702, %shift_right_arithmetic3A_700 : vector<16xi32>
      %bitcast3A_704 = vector.bitcast %sub3A_703 : vector<16xi32> to vector<16xf32>
      %mul3A_705 = arith.constant 5.000000e-01 : f32
      %mul3A_706 = vector.broadcast %mul3A_705 : f32 to vector<16xf32>
      %mul3A_707 = arith.mulf %mul3A_706, %add3A_696 : vector<16xf32>
      %mul3A_708 = arith.mulf %mul3A_707, %bitcast3A_704 : vector<16xf32>
      %mul3A_709 = arith.mulf %mul3A_708, %bitcast3A_704 : vector<16xf32>
      %sub3A_710 = arith.constant 1.500000e+00 : f32
      %sub3A_711 = vector.broadcast %sub3A_710 : f32 to vector<16xf32>
      %sub3A_712 = arith.subf %sub3A_711, %mul3A_709 : vector<16xf32>
      %mul3A_713 = arith.mulf %bitcast3A_704, %sub3A_712 : vector<16xf32>
      %mul3A_714 = arith.constant 5.000000e-01 : f32
      %mul3A_715 = vector.broadcast %mul3A_714 : f32 to vector<16xf32>
      %mul3A_716 = arith.mulf %mul3A_715, %add3A_696 : vector<16xf32>
      %mul3A_717 = arith.mulf %mul3A_716, %mul3A_713 : vector<16xf32>
      %mul3A_718 = arith.mulf %mul3A_717, %mul3A_713 : vector<16xf32>
      %sub3A_719 = arith.constant 1.500000e+00 : f32
      %sub3A_720 = vector.broadcast %sub3A_719 : f32 to vector<16xf32>
      %sub3A_721 = arith.subf %sub3A_720, %mul3A_718 : vector<16xf32>
      %mul3A_722 = arith.mulf %mul3A_713, %sub3A_721 : vector<16xf32>
      %mul3A_723 = arith.mulf %add3A_696, %mul3A_722 : vector<16xf32>
      %neg3A_724 = arith.constant 0.000000e+00 : f32
      %neg3A_725 = vector.broadcast %neg3A_724 : f32 to vector<16xf32>
      %neg3A_726 = arith.subf %neg3A_725, %mul3A_723 : vector<16xf32>
      %exp3A_727 = math.exp %neg3A_726 : vector<16xf32>
      %mul3A_728 = arith.constant 120 : i32
      %mul3A_729 = vector.broadcast %mul3A_728 : i32 to vector<16xi32>
      %mul3A_730 = arith.muli %get3A_666, %mul3A_729 : vector<16xi32>
      %add3A_731 = arith.addi %mul3A_730, %gather3A_667 : vector<16xi32>
      %swap3A_732 = arith.constant 64 : index
      %swap3A_733 = tpu.vector_load %arg11[%swap3A_732] {strides = array<i32>} : memref<80xf32, #tpu.memory_space<vmem>>, vector<16xf32>,
      tpu.vector_store %arg11[%swap3A_732], %exp3A_727 {strides = array<i32>} : memref<80xf32, #tpu.memory_space<vmem>>, vector<16xf32>,
      %swap3A_734 = arith.constant 64 : index
      %swap3A_735 = tpu.vector_load %arg12[%swap3A_734] {strides = array<i32>} : memref<80xi32, #tpu.memory_space<vmem>>, vector<16xi32>,
      tpu.vector_store %arg12[%swap3A_734], %add3A_731 {strides = array<i32>} : memref<80xi32, #tpu.memory_space<vmem>>, vector<16xi32>,
      %dma_start3A_736 = arith.constant 0 : i32
      %dma_start3A_737 = tpu.memref_slice %arg17[%dma_start3A_736] : memref<1200000xf32, #tpu.memory_space<vmem_shared>> -> memref<1200000xf32, #tpu.memory_space<vmem_shared>>
      tpu.enqueue_indirect_dma source(%arg11 : memref<80xf32, #tpu.memory_space<vmem>>) target(%dma_start3A_737 : memref<1200000xf32, #tpu.memory_space<vmem_shared>>) offsets(%arg12 : memref<80xi32, #tpu.memory_space<vmem>>) semaphore(%arg18 : memref<!tpu.dma_semaphore, #tpu.memory_space<semaphore_mem>>) {add = true}
      %get3A_738 = arith.constant 80 : index
      %get3A_739 = tpu.vector_load %arg7[%get3A_738] {strides = array<i32>} : memref<2000xi32, #tpu.memory_space<vmem>>, vector<16xi32>,
      %get3A_740 = arith.constant 80 : index
      %get3A_741 = tpu.vector_load %arg8[%get3A_740] {strides = array<i32>} : memref<2000xi32, #tpu.memory_space<vmem>>, vector<16xi32>,
      %gather3A_742 = tpu.vector_load_idx %arg9[%get3A_739] : memref<10000xi32, #tpu.memory_space<vmem>>[vector<16xi32>], vector<16xi32>,
      %gather3A_743 = tpu.vector_load_idx %arg10[%get3A_739] : memref<30000xf32, #tpu.memory_space<vmem>>[vector<16xi32>], vector<16xf32>,
      %gather3A_744 = tpu.vector_load_idx %arg10[%get3A_741] : memref<30000xf32, #tpu.memory_space<vmem>>[vector<16xi32>], vector<16xf32>,
      %sub3A_745 = arith.subf %gather3A_743, %gather3A_744 : vector<16xf32>
      %add3A_746 = arith.constant 10000 : i32
      %add3A_747 = vector.broadcast %add3A_746 : i32 to vector<16xi32>
      %add3A_748 = arith.addi %get3A_739, %add3A_747 : vector<16xi32>
      %gather3A_749 = tpu.vector_load_idx %arg10[%add3A_748] : memref<30000xf32, #tpu.memory_space<vmem>>[vector<16xi32>], vector<16xf32>,
      %add3A_750 = arith.constant 10000 : i32
      %add3A_751 = vector.broadcast %add3A_750 : i32 to vector<16xi32>
      %add3A_752 = arith.addi %get3A_741, %add3A_751 : vector<16xi32>
      %gather3A_753 = tpu.vector_load_idx %arg10[%add3A_752] : memref<30000xf32, #tpu.memory_space<vmem>>[vector<16xi32>], vector<16xf32>,
      %sub3A_754 = arith.subf %gather3A_749, %gather3A_753 : vector<16xf32>
      %add3A_755 = arith.constant 20000 : i32
      %add3A_756 = vector.broadcast %add3A_755 : i32 to vector<16xi32>
      %add3A_757 = arith.addi %get3A_739, %add3A_756 : vector<16xi32>
      %gather3A_758 = tpu.vector_load_idx %arg10[%add3A_757] : memref<30000xf32, #tpu.memory_space<vmem>>[vector<16xi32>], vector<16xf32>,
      %add3A_759 = arith.constant 20000 : i32
      %add3A_760 = vector.broadcast %add3A_759 : i32 to vector<16xi32>
      %add3A_761 = arith.addi %get3A_741, %add3A_760 : vector<16xi32>
      %gather3A_762 = tpu.vector_load_idx %arg10[%add3A_761] : memref<30000xf32, #tpu.memory_space<vmem>>[vector<16xi32>], vector<16xf32>,
      %sub3A_763 = arith.subf %gather3A_758, %gather3A_762 : vector<16xf32>
      %mul3A_764 = arith.mulf %sub3A_745, %sub3A_745 : vector<16xf32>
      %mul3A_765 = arith.mulf %sub3A_754, %sub3A_754 : vector<16xf32>
      %add3A_766 = arith.addf %mul3A_764, %mul3A_765 : vector<16xf32>
      %mul3A_767 = arith.mulf %sub3A_763, %sub3A_763 : vector<16xf32>
      %add3A_768 = arith.addf %add3A_766, %mul3A_767 : vector<16xf32>
      %add3A_769 = arith.constant 9.99999996E-13 : f32
      %add3A_770 = vector.broadcast %add3A_769 : f32 to vector<16xf32>
      %add3A_771 = arith.addf %add3A_768, %add3A_770 : vector<16xf32>
      %bitcast3A_772 = vector.bitcast %add3A_771 : vector<16xf32> to vector<16xi32>
      %shift_right_arithmetic3A_773 = arith.constant 1 : i32
      %shift_right_arithmetic3A_774 = vector.broadcast %shift_right_arithmetic3A_773 : i32 to vector<16xi32>
      %shift_right_arithmetic3A_775 = arith.shrsi %bitcast3A_772, %shift_right_arithmetic3A_774 : vector<16xi32>
      %sub3A_776 = arith.constant 1597463007 : i32
      %sub3A_777 = vector.broadcast %sub3A_776 : i32 to vector<16xi32>
      %sub3A_778 = arith.subi %sub3A_777, %shift_right_arithmetic3A_775 : vector<16xi32>
      %bitcast3A_779 = vector.bitcast %sub3A_778 : vector<16xi32> to vector<16xf32>
      %mul3A_780 = arith.constant 5.000000e-01 : f32
      %mul3A_781 = vector.broadcast %mul3A_780 : f32 to vector<16xf32>
      %mul3A_782 = arith.mulf %mul3A_781, %add3A_771 : vector<16xf32>
      %mul3A_783 = arith.mulf %mul3A_782, %bitcast3A_779 : vector<16xf32>
      %mul3A_784 = arith.mulf %mul3A_783, %bitcast3A_779 : vector<16xf32>
      %sub3A_785 = arith.constant 1.500000e+00 : f32
      %sub3A_786 = vector.broadcast %sub3A_785 : f32 to vector<16xf32>
      %sub3A_787 = arith.subf %sub3A_786, %mul3A_784 : vector<16xf32>
      %mul3A_788 = arith.mulf %bitcast3A_779, %sub3A_787 : vector<16xf32>
      %mul3A_789 = arith.constant 5.000000e-01 : f32
      %mul3A_790 = vector.broadcast %mul3A_789 : f32 to vector<16xf32>
      %mul3A_791 = arith.mulf %mul3A_790, %add3A_771 : vector<16xf32>
      %mul3A_792 = arith.mulf %mul3A_791, %mul3A_788 : vector<16xf32>
      %mul3A_793 = arith.mulf %mul3A_792, %mul3A_788 : vector<16xf32>
      %sub3A_794 = arith.constant 1.500000e+00 : f32
      %sub3A_795 = vector.broadcast %sub3A_794 : f32 to vector<16xf32>
      %sub3A_796 = arith.subf %sub3A_795, %mul3A_793 : vector<16xf32>
      %mul3A_797 = arith.mulf %mul3A_788, %sub3A_796 : vector<16xf32>
      %mul3A_798 = arith.mulf %add3A_771, %mul3A_797 : vector<16xf32>
      %neg3A_799 = arith.constant 0.000000e+00 : f32
      %neg3A_800 = vector.broadcast %neg3A_799 : f32 to vector<16xf32>
      %neg3A_801 = arith.subf %neg3A_800, %mul3A_798 : vector<16xf32>
      %exp3A_802 = math.exp %neg3A_801 : vector<16xf32>
      %mul3A_803 = arith.constant 120 : i32
      %mul3A_804 = vector.broadcast %mul3A_803 : i32 to vector<16xi32>
      %mul3A_805 = arith.muli %get3A_741, %mul3A_804 : vector<16xi32>
      %add3A_806 = arith.addi %mul3A_805, %gather3A_742 : vector<16xi32>
      %swap3A_807 = arith.constant 0 : index
      %swap3A_808 = tpu.vector_load %arg13[%swap3A_807] {strides = array<i32>} : memref<80xf32, #tpu.memory_space<vmem>>, vector<16xf32>,
      tpu.vector_store %arg13[%swap3A_807], %exp3A_802 {strides = array<i32>} : memref<80xf32, #tpu.memory_space<vmem>>, vector<16xf32>,
      %swap3A_809 = arith.constant 0 : index
      %swap3A_810 = tpu.vector_load %arg14[%swap3A_809] {strides = array<i32>} : memref<80xi32, #tpu.memory_space<vmem>>, vector<16xi32>,
      tpu.vector_store %arg14[%swap3A_809], %add3A_806 {strides = array<i32>} : memref<80xi32, #tpu.memory_space<vmem>>, vector<16xi32>,
      %get3A_811 = arith.constant 96 : index
      %get3A_812 = tpu.vector_load %arg7[%get3A_811] {strides = array<i32>} : memref<2000xi32, #tpu.memory_space<vmem>>, vector<16xi32>,
      %get3A_813 = arith.constant 96 : index
      %get3A_814 = tpu.vector_load %arg8[%get3A_813] {strides = array<i32>} : memref<2000xi32, #tpu.memory_space<vmem>>, vector<16xi32>,
      %gather3A_815 = tpu.vector_load_idx %arg9[%get3A_812] : memref<10000xi32, #tpu.memory_space<vmem>>[vector<16xi32>], vector<16xi32>,
      %gather3A_816 = tpu.vector_load_idx %arg10[%get3A_812] : memref<30000xf32, #tpu.memory_space<vmem>>[vector<16xi32>], vector<16xf32>,
      %gather3A_817 = tpu.vector_load_idx %arg10[%get3A_814] : memref<30000xf32, #tpu.memory_space<vmem>>[vector<16xi32>], vector<16xf32>,
      %sub3A_818 = arith.subf %gather3A_816, %gather3A_817 : vector<16xf32>
      %add3A_819 = arith.constant 10000 : i32
      %add3A_820 = vector.broadcast %add3A_819 : i32 to vector<16xi32>
      %add3A_821 = arith.addi %get3A_812, %add3A_820 : vector<16xi32>
      %gather3A_822 = tpu.vector_load_idx %arg10[%add3A_821] : memref<30000xf32, #tpu.memory_space<vmem>>[vector<16xi32>], vector<16xf32>,
      %add3A_823 = arith.constant 10000 : i32
      %add3A_824 = vector.broadcast %add3A_823 : i32 to vector<16xi32>
      %add3A_825 = arith.addi %get3A_814, %add3A_824 : vector<16xi32>
      %gather3A_826 = tpu.vector_load_idx %arg10[%add3A_825] : memref<30000xf32, #tpu.memory_space<vmem>>[vector<16xi32>], vector<16xf32>,
      %sub3A_827 = arith.subf %gather3A_822, %gather3A_826 : vector<16xf32>
      %add3A_828 = arith.constant 20000 : i32
      %add3A_829 = vector.broadcast %add3A_828 : i32 to vector<16xi32>
      %add3A_830 = arith.addi %get3A_812, %add3A_829 : vector<16xi32>
      %gather3A_831 = tpu.vector_load_idx %arg10[%add3A_830] : memref<30000xf32, #tpu.memory_space<vmem>>[vector<16xi32>], vector<16xf32>,
      %add3A_832 = arith.constant 20000 : i32
      %add3A_833 = vector.broadcast %add3A_832 : i32 to vector<16xi32>
      %add3A_834 = arith.addi %get3A_814, %add3A_833 : vector<16xi32>
      %gather3A_835 = tpu.vector_load_idx %arg10[%add3A_834] : memref<30000xf32, #tpu.memory_space<vmem>>[vector<16xi32>], vector<16xf32>,
      %sub3A_836 = arith.subf %gather3A_831, %gather3A_835 : vector<16xf32>
      %mul3A_837 = arith.mulf %sub3A_818, %sub3A_818 : vector<16xf32>
      %mul3A_838 = arith.mulf %sub3A_827, %sub3A_827 : vector<16xf32>
      %add3A_839 = arith.addf %mul3A_837, %mul3A_838 : vector<16xf32>
      %mul3A_840 = arith.mulf %sub3A_836, %sub3A_836 : vector<16xf32>
      %add3A_841 = arith.addf %add3A_839, %mul3A_840 : vector<16xf32>
      %add3A_842 = arith.constant 9.99999996E-13 : f32
      %add3A_843 = vector.broadcast %add3A_842 : f32 to vector<16xf32>
      %add3A_844 = arith.addf %add3A_841, %add3A_843 : vector<16xf32>
      %bitcast3A_845 = vector.bitcast %add3A_844 : vector<16xf32> to vector<16xi32>
      %shift_right_arithmetic3A_846 = arith.constant 1 : i32
      %shift_right_arithmetic3A_847 = vector.broadcast %shift_right_arithmetic3A_846 : i32 to vector<16xi32>
      %shift_right_arithmetic3A_848 = arith.shrsi %bitcast3A_845, %shift_right_arithmetic3A_847 : vector<16xi32>
      %sub3A_849 = arith.constant 1597463007 : i32
      %sub3A_850 = vector.broadcast %sub3A_849 : i32 to vector<16xi32>
      %sub3A_851 = arith.subi %sub3A_850, %shift_right_arithmetic3A_848 : vector<16xi32>
      %bitcast3A_852 = vector.bitcast %sub3A_851 : vector<16xi32> to vector<16xf32>
      %mul3A_853 = arith.constant 5.000000e-01 : f32
      %mul3A_854 = vector.broadcast %mul3A_853 : f32 to vector<16xf32>
      %mul3A_855 = arith.mulf %mul3A_854, %add3A_844 : vector<16xf32>
      %mul3A_856 = arith.mulf %mul3A_855, %bitcast3A_852 : vector<16xf32>
      %mul3A_857 = arith.mulf %mul3A_856, %bitcast3A_852 : vector<16xf32>
      %sub3A_858 = arith.constant 1.500000e+00 : f32
      %sub3A_859 = vector.broadcast %sub3A_858 : f32 to vector<16xf32>
      %sub3A_860 = arith.subf %sub3A_859, %mul3A_857 : vector<16xf32>
      %mul3A_861 = arith.mulf %bitcast3A_852, %sub3A_860 : vector<16xf32>
      %mul3A_862 = arith.constant 5.000000e-01 : f32
      %mul3A_863 = vector.broadcast %mul3A_862 : f32 to vector<16xf32>
      %mul3A_864 = arith.mulf %mul3A_863, %add3A_844 : vector<16xf32>
      %mul3A_865 = arith.mulf %mul3A_864, %mul3A_861 : vector<16xf32>
      %mul3A_866 = arith.mulf %mul3A_865, %mul3A_861 : vector<16xf32>
      %sub3A_867 = arith.constant 1.500000e+00 : f32
      %sub3A_868 = vector.broadcast %sub3A_867 : f32 to vector<16xf32>
      %sub3A_869 = arith.subf %sub3A_868, %mul3A_866 : vector<16xf32>
      %mul3A_870 = arith.mulf %mul3A_861, %sub3A_869 : vector<16xf32>
      %mul3A_871 = arith.mulf %add3A_844, %mul3A_870 : vector<16xf32>
      %neg3A_872 = arith.constant 0.000000e+00 : f32
      %neg3A_873 = vector.broadcast %neg3A_872 : f32 to vector<16xf32>
      %neg3A_874 = arith.subf %neg3A_873, %mul3A_871 : vector<16xf32>
      %exp3A_875 = math.exp %neg3A_874 : vector<16xf32>
      %mul3A_876 = arith.constant 120 : i32
      %mul3A_877 = vector.broadcast %mul3A_876 : i32 to vector<16xi32>
      %mul3A_878 = arith.muli %get3A_814, %mul3A_877 : vector<16xi32>
      %add3A_879 = arith.addi %mul3A_878, %gather3A_815 : vector<16xi32>
      %swap3A_880 = arith.constant 16 : index
      %swap3A_881 = tpu.vector_load %arg13[%swap3A_880] {strides = array<i32>} : memref<80xf32, #tpu.memory_space<vmem>>, vector<16xf32>,
      tpu.vector_store %arg13[%swap3A_880], %exp3A_875 {strides = array<i32>} : memref<80xf32, #tpu.memory_space<vmem>>, vector<16xf32>,
      %swap3A_882 = arith.constant 16 : index
      %swap3A_883 = tpu.vector_load %arg14[%swap3A_882] {strides = array<i32>} : memref<80xi32, #tpu.memory_space<vmem>>, vector<16xi32>,
      tpu.vector_store %arg14[%swap3A_882], %add3A_879 {strides = array<i32>} : memref<80xi32, #tpu.memory_space<vmem>>, vector<16xi32>,
      %get3A_884 = arith.constant 112 : index
      %get3A_885 = tpu.vector_load %arg7[%get3A_884] {strides = array<i32>} : memref<2000xi32, #tpu.memory_space<vmem>>, vector<16xi32>,
      %get3A_886 = arith.constant 112 : index
      %get3A_887 = tpu.vector_load %arg8[%get3A_886] {strides = array<i32>} : memref<2000xi32, #tpu.memory_space<vmem>>, vector<16xi32>,
      %gather3A_888 = tpu.vector_load_idx %arg9[%get3A_885] : memref<10000xi32, #tpu.memory_space<vmem>>[vector<16xi32>], vector<16xi32>,
      %gather3A_889 = tpu.vector_load_idx %arg10[%get3A_885] : memref<30000xf32, #tpu.memory_space<vmem>>[vector<16xi32>], vector<16xf32>,
      %gather3A_890 = tpu.vector_load_idx %arg10[%get3A_887] : memref<30000xf32, #tpu.memory_space<vmem>>[vector<16xi32>], vector<16xf32>,
      %sub3A_891 = arith.subf %gather3A_889, %gather3A_890 : vector<16xf32>
      %add3A_892 = arith.constant 10000 : i32
      %add3A_893 = vector.broadcast %add3A_892 : i32 to vector<16xi32>
      %add3A_894 = arith.addi %get3A_885, %add3A_893 : vector<16xi32>
      %gather3A_895 = tpu.vector_load_idx %arg10[%add3A_894] : memref<30000xf32, #tpu.memory_space<vmem>>[vector<16xi32>], vector<16xf32>,
      %add3A_896 = arith.constant 10000 : i32
      %add3A_897 = vector.broadcast %add3A_896 : i32 to vector<16xi32>
      %add3A_898 = arith.addi %get3A_887, %add3A_897 : vector<16xi32>
      %gather3A_899 = tpu.vector_load_idx %arg10[%add3A_898] : memref<30000xf32, #tpu.memory_space<vmem>>[vector<16xi32>], vector<16xf32>,
      %sub3A_900 = arith.subf %gather3A_895, %gather3A_899 : vector<16xf32>
      %add3A_901 = arith.constant 20000 : i32
      %add3A_902 = vector.broadcast %add3A_901 : i32 to vector<16xi32>
      %add3A_903 = arith.addi %get3A_885, %add3A_902 : vector<16xi32>
      %gather3A_904 = tpu.vector_load_idx %arg10[%add3A_903] : memref<30000xf32, #tpu.memory_space<vmem>>[vector<16xi32>], vector<16xf32>,
      %add3A_905 = arith.constant 20000 : i32
      %add3A_906 = vector.broadcast %add3A_905 : i32 to vector<16xi32>
      %add3A_907 = arith.addi %get3A_887, %add3A_906 : vector<16xi32>
      %gather3A_908 = tpu.vector_load_idx %arg10[%add3A_907] : memref<30000xf32, #tpu.memory_space<vmem>>[vector<16xi32>], vector<16xf32>,
      %sub3A_909 = arith.subf %gather3A_904, %gather3A_908 : vector<16xf32>
      %mul3A_910 = arith.mulf %sub3A_891, %sub3A_891 : vector<16xf32>
      %mul3A_911 = arith.mulf %sub3A_900, %sub3A_900 : vector<16xf32>
      %add3A_912 = arith.addf %mul3A_910, %mul3A_911 : vector<16xf32>
      %mul3A_913 = arith.mulf %sub3A_909, %sub3A_909 : vector<16xf32>
      %add3A_914 = arith.addf %add3A_912, %mul3A_913 : vector<16xf32>
      %add3A_915 = arith.constant 9.99999996E-13 : f32
      %add3A_916 = vector.broadcast %add3A_915 : f32 to vector<16xf32>
      %add3A_917 = arith.addf %add3A_914, %add3A_916 : vector<16xf32>
      %bitcast3A_918 = vector.bitcast %add3A_917 : vector<16xf32> to vector<16xi32>
      %shift_right_arithmetic3A_919 = arith.constant 1 : i32
      %shift_right_arithmetic3A_920 = vector.broadcast %shift_right_arithmetic3A_919 : i32 to vector<16xi32>
      %shift_right_arithmetic3A_921 = arith.shrsi %bitcast3A_918, %shift_right_arithmetic3A_920 : vector<16xi32>
      %sub3A_922 = arith.constant 1597463007 : i32
      %sub3A_923 = vector.broadcast %sub3A_922 : i32 to vector<16xi32>
      %sub3A_924 = arith.subi %sub3A_923, %shift_right_arithmetic3A_921 : vector<16xi32>
      %bitcast3A_925 = vector.bitcast %sub3A_924 : vector<16xi32> to vector<16xf32>
      %mul3A_926 = arith.constant 5.000000e-01 : f32
      %mul3A_927 = vector.broadcast %mul3A_926 : f32 to vector<16xf32>
      %mul3A_928 = arith.mulf %mul3A_927, %add3A_917 : vector<16xf32>
      %mul3A_929 = arith.mulf %mul3A_928, %bitcast3A_925 : vector<16xf32>
      %mul3A_930 = arith.mulf %mul3A_929, %bitcast3A_925 : vector<16xf32>
      %sub3A_931 = arith.constant 1.500000e+00 : f32
      %sub3A_932 = vector.broadcast %sub3A_931 : f32 to vector<16xf32>
      %sub3A_933 = arith.subf %sub3A_932, %mul3A_930 : vector<16xf32>
      %mul3A_934 = arith.mulf %bitcast3A_925, %sub3A_933 : vector<16xf32>
      %mul3A_935 = arith.constant 5.000000e-01 : f32
      %mul3A_936 = vector.broadcast %mul3A_935 : f32 to vector<16xf32>
      %mul3A_937 = arith.mulf %mul3A_936, %add3A_917 : vector<16xf32>
      %mul3A_938 = arith.mulf %mul3A_937, %mul3A_934 : vector<16xf32>
      %mul3A_939 = arith.mulf %mul3A_938, %mul3A_934 : vector<16xf32>
      %sub3A_940 = arith.constant 1.500000e+00 : f32
      %sub3A_941 = vector.broadcast %sub3A_940 : f32 to vector<16xf32>
      %sub3A_942 = arith.subf %sub3A_941, %mul3A_939 : vector<16xf32>
      %mul3A_943 = arith.mulf %mul3A_934, %sub3A_942 : vector<16xf32>
      %mul3A_944 = arith.mulf %add3A_917, %mul3A_943 : vector<16xf32>
      %neg3A_945 = arith.constant 0.000000e+00 : f32
      %neg3A_946 = vector.broadcast %neg3A_945 : f32 to vector<16xf32>
      %neg3A_947 = arith.subf %neg3A_946, %mul3A_944 : vector<16xf32>
      %exp3A_948 = math.exp %neg3A_947 : vector<16xf32>
      %mul3A_949 = arith.constant 120 : i32
      %mul3A_950 = vector.broadcast %mul3A_949 : i32 to vector<16xi32>
      %mul3A_951 = arith.muli %get3A_887, %mul3A_950 : vector<16xi32>
      %add3A_952 = arith.addi %mul3A_951, %gather3A_888 : vector<16xi32>
      %swap3A_953 = arith.constant 32 : index
      %swap3A_954 = tpu.vector_load %arg13[%swap3A_953] {strides = array<i32>} : memref<80xf32, #tpu.memory_space<vmem>>, vector<16xf32>,
      tpu.vector_store %arg13[%swap3A_953], %exp3A_948 {strides = array<i32>} : memref<80xf32, #tpu.memory_space<vmem>>, vector<16xf32>,
      %swap3A_955 = arith.constant 32 : index
      %swap3A_956 = tpu.vector_load %arg14[%swap3A_955] {strides = array<i32>} : memref<80xi32, #tpu.memory_space<vmem>>, vector<16xi32>,
      tpu.vector_store %arg14[%swap3A_955], %add3A_952 {strides = array<i32>} : memref<80xi32, #tpu.memory_space<vmem>>, vector<16xi32>,
      %get3A_957 = arith.constant 128 : index
      %get3A_958 = tpu.vector_load %arg7[%get3A_957] {strides = array<i32>} : memref<2000xi32, #tpu.memory_space<vmem>>, vector<16xi32>,
      %get3A_959 = arith.constant 128 : index
      %get3A_960 = tpu.vector_load %arg8[%get3A_959] {strides = array<i32>} : memref<2000xi32, #tpu.memory_space<vmem>>, vector<16xi32>,
      %gather3A_961 = tpu.vector_load_idx %arg9[%get3A_958] : memref<10000xi32, #tpu.memory_space<vmem>>[vector<16xi32>], vector<16xi32>,
      %gather3A_962 = tpu.vector_load_idx %arg10[%get3A_958] : memref<30000xf32, #tpu.memory_space<vmem>>[vector<16xi32>], vector<16xf32>,
      %gather3A_963 = tpu.vector_load_idx %arg10[%get3A_960] : memref<30000xf32, #tpu.memory_space<vmem>>[vector<16xi32>], vector<16xf32>,
      %sub3A_964 = arith.subf %gather3A_962, %gather3A_963 : vector<16xf32>
      %add3A_965 = arith.constant 10000 : i32
      %add3A_966 = vector.broadcast %add3A_965 : i32 to vector<16xi32>
      %add3A_967 = arith.addi %get3A_958, %add3A_966 : vector<16xi32>
      %gather3A_968 = tpu.vector_load_idx %arg10[%add3A_967] : memref<30000xf32, #tpu.memory_space<vmem>>[vector<16xi32>], vector<16xf32>,
      %add3A_969 = arith.constant 10000 : i32
      %add3A_970 = vector.broadcast %add3A_969 : i32 to vector<16xi32>
      %add3A_971 = arith.addi %get3A_960, %add3A_970 : vector<16xi32>
      %gather3A_972 = tpu.vector_load_idx %arg10[%add3A_971] : memref<30000xf32, #tpu.memory_space<vmem>>[vector<16xi32>], vector<16xf32>,
      %sub3A_973 = arith.subf %gather3A_968, %gather3A_972 : vector<16xf32>
      %add3A_974 = arith.constant 20000 : i32
      %add3A_975 = vector.broadcast %add3A_974 : i32 to vector<16xi32>
      %add3A_976 = arith.addi %get3A_958, %add3A_975 : vector<16xi32>
      %gather3A_977 = tpu.vector_load_idx %arg10[%add3A_976] : memref<30000xf32, #tpu.memory_space<vmem>>[vector<16xi32>], vector<16xf32>,
      %add3A_978 = arith.constant 20000 : i32
      %add3A_979 = vector.broadcast %add3A_978 : i32 to vector<16xi32>
      %add3A_980 = arith.addi %get3A_960, %add3A_979 : vector<16xi32>
      %gather3A_981 = tpu.vector_load_idx %arg10[%add3A_980] : memref<30000xf32, #tpu.memory_space<vmem>>[vector<16xi32>], vector<16xf32>,
      %sub3A_982 = arith.subf %gather3A_977, %gather3A_981 : vector<16xf32>
      %mul3A_983 = arith.mulf %sub3A_964, %sub3A_964 : vector<16xf32>
      %mul3A_984 = arith.mulf %sub3A_973, %sub3A_973 : vector<16xf32>
      %add3A_985 = arith.addf %mul3A_983, %mul3A_984 : vector<16xf32>
      %mul3A_986 = arith.mulf %sub3A_982, %sub3A_982 : vector<16xf32>
      %add3A_987 = arith.addf %add3A_985, %mul3A_986 : vector<16xf32>
      %add3A_988 = arith.constant 9.99999996E-13 : f32
      %add3A_989 = vector.broadcast %add3A_988 : f32 to vector<16xf32>
      %add3A_990 = arith.addf %add3A_987, %add3A_989 : vector<16xf32>
      %bitcast3A_991 = vector.bitcast %add3A_990 : vector<16xf32> to vector<16xi32>
      %shift_right_arithmetic3A_992 = arith.constant 1 : i32
      %shift_right_arithmetic3A_993 = vector.broadcast %shift_right_arithmetic3A_992 : i32 to vector<16xi32>
      %shift_right_arithmetic3A_994 = arith.shrsi %bitcast3A_991, %shift_right_arithmetic3A_993 : vector<16xi32>
      %sub3A_995 = arith.constant 1597463007 : i32
      %sub3A_996 = vector.broadcast %sub3A_995 : i32 to vector<16xi32>
      %sub3A_997 = arith.subi %sub3A_996, %shift_right_arithmetic3A_994 : vector<16xi32>
      %bitcast3A_998 = vector.bitcast %sub3A_997 : vector<16xi32> to vector<16xf32>
      %mul3A_999 = arith.constant 5.000000e-01 : f32
      %mul3A_1000 = vector.broadcast %mul3A_999 : f32 to vector<16xf32>
      %mul3A_1001 = arith.mulf %mul3A_1000, %add3A_990 : vector<16xf32>
      %mul3A_1002 = arith.mulf %mul3A_1001, %bitcast3A_998 : vector<16xf32>
      %mul3A_1003 = arith.mulf %mul3A_1002, %bitcast3A_998 : vector<16xf32>
      %sub3A_1004 = arith.constant 1.500000e+00 : f32
      %sub3A_1005 = vector.broadcast %sub3A_1004 : f32 to vector<16xf32>
      %sub3A_1006 = arith.subf %sub3A_1005, %mul3A_1003 : vector<16xf32>
      %mul3A_1007 = arith.mulf %bitcast3A_998, %sub3A_1006 : vector<16xf32>
      %mul3A_1008 = arith.constant 5.000000e-01 : f32
      %mul3A_1009 = vector.broadcast %mul3A_1008 : f32 to vector<16xf32>
      %mul3A_1010 = arith.mulf %mul3A_1009, %add3A_990 : vector<16xf32>
      %mul3A_1011 = arith.mulf %mul3A_1010, %mul3A_1007 : vector<16xf32>
      %mul3A_1012 = arith.mulf %mul3A_1011, %mul3A_1007 : vector<16xf32>
      %sub3A_1013 = arith.constant 1.500000e+00 : f32
      %sub3A_1014 = vector.broadcast %sub3A_1013 : f32 to vector<16xf32>
      %sub3A_1015 = arith.subf %sub3A_1014, %mul3A_1012 : vector<16xf32>
      %mul3A_1016 = arith.mulf %mul3A_1007, %sub3A_1015 : vector<16xf32>
      %mul3A_1017 = arith.mulf %add3A_990, %mul3A_1016 : vector<16xf32>
      %neg3A_1018 = arith.constant 0.000000e+00 : f32
      %neg3A_1019 = vector.broadcast %neg3A_1018 : f32 to vector<16xf32>
      %neg3A_1020 = arith.subf %neg3A_1019, %mul3A_1017 : vector<16xf32>
      %exp3A_1021 = math.exp %neg3A_1020 : vector<16xf32>
      %mul3A_1022 = arith.constant 120 : i32
      %mul3A_1023 = vector.broadcast %mul3A_1022 : i32 to vector<16xi32>
      %mul3A_1024 = arith.muli %get3A_960, %mul3A_1023 : vector<16xi32>
      %add3A_1025 = arith.addi %mul3A_1024, %gather3A_961 : vector<16xi32>
      %swap3A_1026 = arith.constant 48 : index
      %swap3A_1027 = tpu.vector_load %arg13[%swap3A_1026] {strides = array<i32>} : memref<80xf32, #tpu.memory_space<vmem>>, vector<16xf32>,
      tpu.vector_store %arg13[%swap3A_1026], %exp3A_1021 {strides = array<i32>} : memref<80xf32, #tpu.memory_space<vmem>>, vector<16xf32>,
      %swap3A_1028 = arith.constant 48 : index
      %swap3A_1029 = tpu.vector_load %arg14[%swap3A_1028] {strides = array<i32>} : memref<80xi32, #tpu.memory_space<vmem>>, vector<16xi32>,
      tpu.vector_store %arg14[%swap3A_1028], %add3A_1025 {strides = array<i32>} : memref<80xi32, #tpu.memory_space<vmem>>, vector<16xi32>,
      %get3A_1030 = arith.constant 144 : index
      %get3A_1031 = tpu.vector_load %arg7[%get3A_1030] {strides = array<i32>} : memref<2000xi32, #tpu.memory_space<vmem>>, vector<16xi32>,
      %get3A_1032 = arith.constant 144 : index
      %get3A_1033 = tpu.vector_load %arg8[%get3A_1032] {strides = array<i32>} : memref<2000xi32, #tpu.memory_space<vmem>>, vector<16xi32>,
      %gather3A_1034 = tpu.vector_load_idx %arg9[%get3A_1031] : memref<10000xi32, #tpu.memory_space<vmem>>[vector<16xi32>], vector<16xi32>,
      %gather3A_1035 = tpu.vector_load_idx %arg10[%get3A_1031] : memref<30000xf32, #tpu.memory_space<vmem>>[vector<16xi32>], vector<16xf32>,
      %gather3A_1036 = tpu.vector_load_idx %arg10[%get3A_1033] : memref<30000xf32, #tpu.memory_space<vmem>>[vector<16xi32>], vector<16xf32>,
      %sub3A_1037 = arith.subf %gather3A_1035, %gather3A_1036 : vector<16xf32>
      %add3A_1038 = arith.constant 10000 : i32
      %add3A_1039 = vector.broadcast %add3A_1038 : i32 to vector<16xi32>
      %add3A_1040 = arith.addi %get3A_1031, %add3A_1039 : vector<16xi32>
      %gather3A_1041 = tpu.vector_load_idx %arg10[%add3A_1040] : memref<30000xf32, #tpu.memory_space<vmem>>[vector<16xi32>], vector<16xf32>,
      %add3A_1042 = arith.constant 10000 : i32
      %add3A_1043 = vector.broadcast %add3A_1042 : i32 to vector<16xi32>
      %add3A_1044 = arith.addi %get3A_1033, %add3A_1043 : vector<16xi32>
      %gather3A_1045 = tpu.vector_load_idx %arg10[%add3A_1044] : memref<30000xf32, #tpu.memory_space<vmem>>[vector<16xi32>], vector<16xf32>,
      %sub3A_1046 = arith.subf %gather3A_1041, %gather3A_1045 : vector<16xf32>
      %add3A_1047 = arith.constant 20000 : i32
      %add3A_1048 = vector.broadcast %add3A_1047 : i32 to vector<16xi32>
      %add3A_1049 = arith.addi %get3A_1031, %add3A_1048 : vector<16xi32>
      %gather3A_1050 = tpu.vector_load_idx %arg10[%add3A_1049] : memref<30000xf32, #tpu.memory_space<vmem>>[vector<16xi32>], vector<16xf32>,
      %add3A_1051 = arith.constant 20000 : i32
      %add3A_1052 = vector.broadcast %add3A_1051 : i32 to vector<16xi32>
      %add3A_1053 = arith.addi %get3A_1033, %add3A_1052 : vector<16xi32>
      %gather3A_1054 = tpu.vector_load_idx %arg10[%add3A_1053] : memref<30000xf32, #tpu.memory_space<vmem>>[vector<16xi32>], vector<16xf32>,
      %sub3A_1055 = arith.subf %gather3A_1050, %gather3A_1054 : vector<16xf32>
      %mul3A_1056 = arith.mulf %sub3A_1037, %sub3A_1037 : vector<16xf32>
      %mul3A_1057 = arith.mulf %sub3A_1046, %sub3A_1046 : vector<16xf32>
      %add3A_1058 = arith.addf %mul3A_1056, %mul3A_1057 : vector<16xf32>
      %mul3A_1059 = arith.mulf %sub3A_1055, %sub3A_1055 : vector<16xf32>
      %add3A_1060 = arith.addf %add3A_1058, %mul3A_1059 : vector<16xf32>
      %add3A_1061 = arith.constant 9.99999996E-13 : f32
      %add3A_1062 = vector.broadcast %add3A_1061 : f32 to vector<16xf32>
      %add3A_1063 = arith.addf %add3A_1060, %add3A_1062 : vector<16xf32>
      %bitcast3A_1064 = vector.bitcast %add3A_1063 : vector<16xf32> to vector<16xi32>
      %shift_right_arithmetic3A_1065 = arith.constant 1 : i32
      %shift_right_arithmetic3A_1066 = vector.broadcast %shift_right_arithmetic3A_1065 : i32 to vector<16xi32>
      %shift_right_arithmetic3A_1067 = arith.shrsi %bitcast3A_1064, %shift_right_arithmetic3A_1066 : vector<16xi32>
      %sub3A_1068 = arith.constant 1597463007 : i32
      %sub3A_1069 = vector.broadcast %sub3A_1068 : i32 to vector<16xi32>
      %sub3A_1070 = arith.subi %sub3A_1069, %shift_right_arithmetic3A_1067 : vector<16xi32>
      %bitcast3A_1071 = vector.bitcast %sub3A_1070 : vector<16xi32> to vector<16xf32>
      %mul3A_1072 = arith.constant 5.000000e-01 : f32
      %mul3A_1073 = vector.broadcast %mul3A_1072 : f32 to vector<16xf32>
      %mul3A_1074 = arith.mulf %mul3A_1073, %add3A_1063 : vector<16xf32>
      %mul3A_1075 = arith.mulf %mul3A_1074, %bitcast3A_1071 : vector<16xf32>
      %mul3A_1076 = arith.mulf %mul3A_1075, %bitcast3A_1071 : vector<16xf32>
      %sub3A_1077 = arith.constant 1.500000e+00 : f32
      %sub3A_1078 = vector.broadcast %sub3A_1077 : f32 to vector<16xf32>
      %sub3A_1079 = arith.subf %sub3A_1078, %mul3A_1076 : vector<16xf32>
      %mul3A_1080 = arith.mulf %bitcast3A_1071, %sub3A_1079 : vector<16xf32>
      %mul3A_1081 = arith.constant 5.000000e-01 : f32
      %mul3A_1082 = vector.broadcast %mul3A_1081 : f32 to vector<16xf32>
      %mul3A_1083 = arith.mulf %mul3A_1082, %add3A_1063 : vector<16xf32>
      %mul3A_1084 = arith.mulf %mul3A_1083, %mul3A_1080 : vector<16xf32>
      %mul3A_1085 = arith.mulf %mul3A_1084, %mul3A_1080 : vector<16xf32>
      %sub3A_1086 = arith.constant 1.500000e+00 : f32
      %sub3A_1087 = vector.broadcast %sub3A_1086 : f32 to vector<16xf32>
      %sub3A_1088 = arith.subf %sub3A_1087, %mul3A_1085 : vector<16xf32>
      %mul3A_1089 = arith.mulf %mul3A_1080, %sub3A_1088 : vector<16xf32>
      %mul3A_1090 = arith.mulf %add3A_1063, %mul3A_1089 : vector<16xf32>
      %neg3A_1091 = arith.constant 0.000000e+00 : f32
      %neg3A_1092 = vector.broadcast %neg3A_1091 : f32 to vector<16xf32>
      %neg3A_1093 = arith.subf %neg3A_1092, %mul3A_1090 : vector<16xf32>
      %exp3A_1094 = math.exp %neg3A_1093 : vector<16xf32>
      %mul3A_1095 = arith.constant 120 : i32
      %mul3A_1096 = vector.broadcast %mul3A_1095 : i32 to vector<16xi32>
      %mul3A_1097 = arith.muli %get3A_1033, %mul3A_1096 : vector<16xi32>
      %add3A_1098 = arith.addi %mul3A_1097, %gather3A_1034 : vector<16xi32>
      %swap3A_1099 = arith.constant 64 : index
      %swap3A_1100 = tpu.vector_load %arg13[%swap3A_1099] {strides = array<i32>} : memref<80xf32, #tpu.memory_space<vmem>>, vector<16xf32>,
      tpu.vector_store %arg13[%swap3A_1099], %exp3A_1094 {strides = array<i32>} : memref<80xf32, #tpu.memory_space<vmem>>, vector<16xf32>,
      %swap3A_1101 = arith.constant 64 : index
      %swap3A_1102 = tpu.vector_load %arg14[%swap3A_1101] {strides = array<i32>} : memref<80xi32, #tpu.memory_space<vmem>>, vector<16xi32>,
      tpu.vector_store %arg14[%swap3A_1101], %add3A_1098 {strides = array<i32>} : memref<80xi32, #tpu.memory_space<vmem>>, vector<16xi32>,
      %dma_start3A_1103 = arith.constant 0 : i32
      %dma_start3A_1104 = tpu.memref_slice %arg17[%dma_start3A_1103] : memref<1200000xf32, #tpu.memory_space<vmem_shared>> -> memref<1200000xf32, #tpu.memory_space<vmem_shared>>
      tpu.enqueue_indirect_dma source(%arg13 : memref<80xf32, #tpu.memory_space<vmem>>) target(%dma_start3A_1104 : memref<1200000xf32, #tpu.memory_space<vmem_shared>>) offsets(%arg14 : memref<80xi32, #tpu.memory_space<vmem>>) semaphore(%arg19 : memref<!tpu.dma_semaphore, #tpu.memory_space<semaphore_mem>>) {add = true}
      %scan3A_1105 = arith.constant 0 : i32
      %scan3A_1106 = arith.constant 11 : i32
      %scan3A_1107 = arith.addi %scan3A_1105, %scan3A_1106 : i32
      %scan3A_1108 = arith.constant 1 : i32
      scf.for %scan3A_1483 = %scan3A_1105 to %scan3A_1107 step %scan3A_1108  : i32 {
        %dma_wait3A_1484 = arith.constant 0 : i32
        %dma_wait3A_1485 = tpu.memref_slice %arg17[%dma_wait3A_1484] : memref<1200000xf32, #tpu.memory_space<vmem_shared>> -> memref<1200000xf32, #tpu.memory_space<vmem_shared>>
        tpu.wait_indirect_dma semaphore(%arg18 : memref<!tpu.dma_semaphore, #tpu.memory_space<semaphore_mem>>) src(%arg11 : memref<80xf32, #tpu.memory_space<vmem>>) dst(%dma_wait3A_1485 : memref<1200000xf32, #tpu.memory_space<vmem_shared>>)
        %mul3A_1486 = arith.constant 2 : i32
        %mul3A_1487 = arith.muli %mul3A_1486, %scan3A_1483 : i32
        %add3A_1488 = arith.constant 2 : i32
        %add3A_1489 = arith.addi %mul3A_1487, %add3A_1488 : i32
        %mul3A_1490 = arith.constant 80 : i32
        %mul3A_1491 = arith.muli %add3A_1489, %mul3A_1490 : i32
        %add3A_1492 = arith.constant 0 : i32
        %add3A_1493 = arith.addi %mul3A_1491, %add3A_1492 : i32
        %get3A_1494 = arith.index_cast %add3A_1493 : i32 to index
        %get3A_1495 = tpu.vector_load %arg7[%get3A_1494] {strides = array<i32>} : memref<2000xi32, #tpu.memory_space<vmem>>, vector<16xi32>,
        %get3A_1496 = arith.index_cast %add3A_1493 : i32 to index
        %get3A_1497 = tpu.vector_load %arg8[%get3A_1496] {strides = array<i32>} : memref<2000xi32, #tpu.memory_space<vmem>>, vector<16xi32>,
        %gather3A_1498 = tpu.vector_load_idx %arg9[%get3A_1495] : memref<10000xi32, #tpu.memory_space<vmem>>[vector<16xi32>], vector<16xi32>,
        %gather3A_1499 = tpu.vector_load_idx %arg10[%get3A_1495] : memref<30000xf32, #tpu.memory_space<vmem>>[vector<16xi32>], vector<16xf32>,
        %gather3A_1500 = tpu.vector_load_idx %arg10[%get3A_1497] : memref<30000xf32, #tpu.memory_space<vmem>>[vector<16xi32>], vector<16xf32>,
        %sub3A_1501 = arith.subf %gather3A_1499, %gather3A_1500 : vector<16xf32>
        %add3A_1502 = arith.constant 10000 : i32
        %add3A_1503 = vector.broadcast %add3A_1502 : i32 to vector<16xi32>
        %add3A_1504 = arith.addi %get3A_1495, %add3A_1503 : vector<16xi32>
        %gather3A_1505 = tpu.vector_load_idx %arg10[%add3A_1504] : memref<30000xf32, #tpu.memory_space<vmem>>[vector<16xi32>], vector<16xf32>,
        %add3A_1506 = arith.constant 10000 : i32
        %add3A_1507 = vector.broadcast %add3A_1506 : i32 to vector<16xi32>
        %add3A_1508 = arith.addi %get3A_1497, %add3A_1507 : vector<16xi32>
        %gather3A_1509 = tpu.vector_load_idx %arg10[%add3A_1508] : memref<30000xf32, #tpu.memory_space<vmem>>[vector<16xi32>], vector<16xf32>,
        %sub3A_1510 = arith.subf %gather3A_1505, %gather3A_1509 : vector<16xf32>
        %add3A_1511 = arith.constant 20000 : i32
        %add3A_1512 = vector.broadcast %add3A_1511 : i32 to vector<16xi32>
        %add3A_1513 = arith.addi %get3A_1495, %add3A_1512 : vector<16xi32>
        %gather3A_1514 = tpu.vector_load_idx %arg10[%add3A_1513] : memref<30000xf32, #tpu.memory_space<vmem>>[vector<16xi32>], vector<16xf32>,
        %add3A_1515 = arith.constant 20000 : i32
        %add3A_1516 = vector.broadcast %add3A_1515 : i32 to vector<16xi32>
        %add3A_1517 = arith.addi %get3A_1497, %add3A_1516 : vector<16xi32>
        %gather3A_1518 = tpu.vector_load_idx %arg10[%add3A_1517] : memref<30000xf32, #tpu.memory_space<vmem>>[vector<16xi32>], vector<16xf32>,
        %sub3A_1519 = arith.subf %gather3A_1514, %gather3A_1518 : vector<16xf32>
        %mul3A_1520 = arith.mulf %sub3A_1501, %sub3A_1501 : vector<16xf32>
        %mul3A_1521 = arith.mulf %sub3A_1510, %sub3A_1510 : vector<16xf32>
        %add3A_1522 = arith.addf %mul3A_1520, %mul3A_1521 : vector<16xf32>
        %mul3A_1523 = arith.mulf %sub3A_1519, %sub3A_1519 : vector<16xf32>
        %add3A_1524 = arith.addf %add3A_1522, %mul3A_1523 : vector<16xf32>
        %add3A_1525 = arith.constant 9.99999996E-13 : f32
        %add3A_1526 = vector.broadcast %add3A_1525 : f32 to vector<16xf32>
        %add3A_1527 = arith.addf %add3A_1524, %add3A_1526 : vector<16xf32>
        %bitcast3A_1528 = vector.bitcast %add3A_1527 : vector<16xf32> to vector<16xi32>
        %shift_right_arithmetic3A_1529 = arith.constant 1 : i32
        %shift_right_arithmetic3A_1530 = vector.broadcast %shift_right_arithmetic3A_1529 : i32 to vector<16xi32>
        %shift_right_arithmetic3A_1531 = arith.shrsi %bitcast3A_1528, %shift_right_arithmetic3A_1530 : vector<16xi32>
        %sub3A_1532 = arith.constant 1597463007 : i32
        %sub3A_1533 = vector.broadcast %sub3A_1532 : i32 to vector<16xi32>
        %sub3A_1534 = arith.subi %sub3A_1533, %shift_right_arithmetic3A_1531 : vector<16xi32>
        %bitcast3A_1535 = vector.bitcast %sub3A_1534 : vector<16xi32> to vector<16xf32>
        %mul3A_1536 = arith.constant 5.000000e-01 : f32
        %mul3A_1537 = vector.broadcast %mul3A_1536 : f32 to vector<16xf32>
        %mul3A_1538 = arith.mulf %mul3A_1537, %add3A_1527 : vector<16xf32>
        %mul3A_1539 = arith.mulf %mul3A_1538, %bitcast3A_1535 : vector<16xf32>
        %mul3A_1540 = arith.mulf %mul3A_1539, %bitcast3A_1535 : vector<16xf32>
        %sub3A_1541 = arith.constant 1.500000e+00 : f32
        %sub3A_1542 = vector.broadcast %sub3A_1541 : f32 to vector<16xf32>
        %sub3A_1543 = arith.subf %sub3A_1542, %mul3A_1540 : vector<16xf32>
        %mul3A_1544 = arith.mulf %bitcast3A_1535, %sub3A_1543 : vector<16xf32>
        %mul3A_1545 = arith.constant 5.000000e-01 : f32
        %mul3A_1546 = vector.broadcast %mul3A_1545 : f32 to vector<16xf32>
        %mul3A_1547 = arith.mulf %mul3A_1546, %add3A_1527 : vector<16xf32>
        %mul3A_1548 = arith.mulf %mul3A_1547, %mul3A_1544 : vector<16xf32>
        %mul3A_1549 = arith.mulf %mul3A_1548, %mul3A_1544 : vector<16xf32>
        %sub3A_1550 = arith.constant 1.500000e+00 : f32
        %sub3A_1551 = vector.broadcast %sub3A_1550 : f32 to vector<16xf32>
        %sub3A_1552 = arith.subf %sub3A_1551, %mul3A_1549 : vector<16xf32>
        %mul3A_1553 = arith.mulf %mul3A_1544, %sub3A_1552 : vector<16xf32>
        %mul3A_1554 = arith.mulf %add3A_1527, %mul3A_1553 : vector<16xf32>
        %neg3A_1555 = arith.constant 0.000000e+00 : f32
        %neg3A_1556 = vector.broadcast %neg3A_1555 : f32 to vector<16xf32>
        %neg3A_1557 = arith.subf %neg3A_1556, %mul3A_1554 : vector<16xf32>
        %exp3A_1558 = math.exp %neg3A_1557 : vector<16xf32>
        %mul3A_1559 = arith.constant 120 : i32
        %mul3A_1560 = vector.broadcast %mul3A_1559 : i32 to vector<16xi32>
        %mul3A_1561 = arith.muli %get3A_1497, %mul3A_1560 : vector<16xi32>
        %add3A_1562 = arith.addi %mul3A_1561, %gather3A_1498 : vector<16xi32>
        %swap3A_1563 = arith.constant 0 : index
        %swap3A_1564 = tpu.vector_load %arg11[%swap3A_1563] {strides = array<i32>} : memref<80xf32, #tpu.memory_space<vmem>>, vector<16xf32>,
        tpu.vector_store %arg11[%swap3A_1563], %exp3A_1558 {strides = array<i32>} : memref<80xf32, #tpu.memory_space<vmem>>, vector<16xf32>,
        %swap3A_1565 = arith.constant 0 : index
        %swap3A_1566 = tpu.vector_load %arg12[%swap3A_1565] {strides = array<i32>} : memref<80xi32, #tpu.memory_space<vmem>>, vector<16xi32>,
        tpu.vector_store %arg12[%swap3A_1565], %add3A_1562 {strides = array<i32>} : memref<80xi32, #tpu.memory_space<vmem>>, vector<16xi32>,
        %add3A_1567 = arith.constant 16 : i32
        %add3A_1568 = arith.addi %mul3A_1491, %add3A_1567 : i32
        %get3A_1569 = arith.index_cast %add3A_1568 : i32 to index
        %get3A_1570 = tpu.vector_load %arg7[%get3A_1569] {strides = array<i32>} : memref<2000xi32, #tpu.memory_space<vmem>>, vector<16xi32>,
        %get3A_1571 = arith.index_cast %add3A_1568 : i32 to index
        %get3A_1572 = tpu.vector_load %arg8[%get3A_1571] {strides = array<i32>} : memref<2000xi32, #tpu.memory_space<vmem>>, vector<16xi32>,
        %gather3A_1573 = tpu.vector_load_idx %arg9[%get3A_1570] : memref<10000xi32, #tpu.memory_space<vmem>>[vector<16xi32>], vector<16xi32>,
        %gather3A_1574 = tpu.vector_load_idx %arg10[%get3A_1570] : memref<30000xf32, #tpu.memory_space<vmem>>[vector<16xi32>], vector<16xf32>,
        %gather3A_1575 = tpu.vector_load_idx %arg10[%get3A_1572] : memref<30000xf32, #tpu.memory_space<vmem>>[vector<16xi32>], vector<16xf32>,
        %sub3A_1576 = arith.subf %gather3A_1574, %gather3A_1575 : vector<16xf32>
        %add3A_1577 = arith.constant 10000 : i32
        %add3A_1578 = vector.broadcast %add3A_1577 : i32 to vector<16xi32>
        %add3A_1579 = arith.addi %get3A_1570, %add3A_1578 : vector<16xi32>
        %gather3A_1580 = tpu.vector_load_idx %arg10[%add3A_1579] : memref<30000xf32, #tpu.memory_space<vmem>>[vector<16xi32>], vector<16xf32>,
        %add3A_1581 = arith.constant 10000 : i32
        %add3A_1582 = vector.broadcast %add3A_1581 : i32 to vector<16xi32>
        %add3A_1583 = arith.addi %get3A_1572, %add3A_1582 : vector<16xi32>
        %gather3A_1584 = tpu.vector_load_idx %arg10[%add3A_1583] : memref<30000xf32, #tpu.memory_space<vmem>>[vector<16xi32>], vector<16xf32>,
        %sub3A_1585 = arith.subf %gather3A_1580, %gather3A_1584 : vector<16xf32>
        %add3A_1586 = arith.constant 20000 : i32
        %add3A_1587 = vector.broadcast %add3A_1586 : i32 to vector<16xi32>
        %add3A_1588 = arith.addi %get3A_1570, %add3A_1587 : vector<16xi32>
        %gather3A_1589 = tpu.vector_load_idx %arg10[%add3A_1588] : memref<30000xf32, #tpu.memory_space<vmem>>[vector<16xi32>], vector<16xf32>,
        %add3A_1590 = arith.constant 20000 : i32
        %add3A_1591 = vector.broadcast %add3A_1590 : i32 to vector<16xi32>
        %add3A_1592 = arith.addi %get3A_1572, %add3A_1591 : vector<16xi32>
        %gather3A_1593 = tpu.vector_load_idx %arg10[%add3A_1592] : memref<30000xf32, #tpu.memory_space<vmem>>[vector<16xi32>], vector<16xf32>,
        %sub3A_1594 = arith.subf %gather3A_1589, %gather3A_1593 : vector<16xf32>
        %mul3A_1595 = arith.mulf %sub3A_1576, %sub3A_1576 : vector<16xf32>
        %mul3A_1596 = arith.mulf %sub3A_1585, %sub3A_1585 : vector<16xf32>
        %add3A_1597 = arith.addf %mul3A_1595, %mul3A_1596 : vector<16xf32>
        %mul3A_1598 = arith.mulf %sub3A_1594, %sub3A_1594 : vector<16xf32>
        %add3A_1599 = arith.addf %add3A_1597, %mul3A_1598 : vector<16xf32>
        %add3A_1600 = arith.constant 9.99999996E-13 : f32
        %add3A_1601 = vector.broadcast %add3A_1600 : f32 to vector<16xf32>
        %add3A_1602 = arith.addf %add3A_1599, %add3A_1601 : vector<16xf32>
        %bitcast3A_1603 = vector.bitcast %add3A_1602 : vector<16xf32> to vector<16xi32>
        %shift_right_arithmetic3A_1604 = arith.constant 1 : i32
        %shift_right_arithmetic3A_1605 = vector.broadcast %shift_right_arithmetic3A_1604 : i32 to vector<16xi32>
        %shift_right_arithmetic3A_1606 = arith.shrsi %bitcast3A_1603, %shift_right_arithmetic3A_1605 : vector<16xi32>
        %sub3A_1607 = arith.constant 1597463007 : i32
        %sub3A_1608 = vector.broadcast %sub3A_1607 : i32 to vector<16xi32>
        %sub3A_1609 = arith.subi %sub3A_1608, %shift_right_arithmetic3A_1606 : vector<16xi32>
        %bitcast3A_1610 = vector.bitcast %sub3A_1609 : vector<16xi32> to vector<16xf32>
        %mul3A_1611 = arith.constant 5.000000e-01 : f32
        %mul3A_1612 = vector.broadcast %mul3A_1611 : f32 to vector<16xf32>
        %mul3A_1613 = arith.mulf %mul3A_1612, %add3A_1602 : vector<16xf32>
        %mul3A_1614 = arith.mulf %mul3A_1613, %bitcast3A_1610 : vector<16xf32>
        %mul3A_1615 = arith.mulf %mul3A_1614, %bitcast3A_1610 : vector<16xf32>
        %sub3A_1616 = arith.constant 1.500000e+00 : f32
        %sub3A_1617 = vector.broadcast %sub3A_1616 : f32 to vector<16xf32>
        %sub3A_1618 = arith.subf %sub3A_1617, %mul3A_1615 : vector<16xf32>
        %mul3A_1619 = arith.mulf %bitcast3A_1610, %sub3A_1618 : vector<16xf32>
        %mul3A_1620 = arith.constant 5.000000e-01 : f32
        %mul3A_1621 = vector.broadcast %mul3A_1620 : f32 to vector<16xf32>
        %mul3A_1622 = arith.mulf %mul3A_1621, %add3A_1602 : vector<16xf32>
        %mul3A_1623 = arith.mulf %mul3A_1622, %mul3A_1619 : vector<16xf32>
        %mul3A_1624 = arith.mulf %mul3A_1623, %mul3A_1619 : vector<16xf32>
        %sub3A_1625 = arith.constant 1.500000e+00 : f32
        %sub3A_1626 = vector.broadcast %sub3A_1625 : f32 to vector<16xf32>
        %sub3A_1627 = arith.subf %sub3A_1626, %mul3A_1624 : vector<16xf32>
        %mul3A_1628 = arith.mulf %mul3A_1619, %sub3A_1627 : vector<16xf32>
        %mul3A_1629 = arith.mulf %add3A_1602, %mul3A_1628 : vector<16xf32>
        %neg3A_1630 = arith.constant 0.000000e+00 : f32
        %neg3A_1631 = vector.broadcast %neg3A_1630 : f32 to vector<16xf32>
        %neg3A_1632 = arith.subf %neg3A_1631, %mul3A_1629 : vector<16xf32>
        %exp3A_1633 = math.exp %neg3A_1632 : vector<16xf32>
        %mul3A_1634 = arith.constant 120 : i32
        %mul3A_1635 = vector.broadcast %mul3A_1634 : i32 to vector<16xi32>
        %mul3A_1636 = arith.muli %get3A_1572, %mul3A_1635 : vector<16xi32>
        %add3A_1637 = arith.addi %mul3A_1636, %gather3A_1573 : vector<16xi32>
        %swap3A_1638 = arith.constant 16 : index
        %swap3A_1639 = tpu.vector_load %arg11[%swap3A_1638] {strides = array<i32>} : memref<80xf32, #tpu.memory_space<vmem>>, vector<16xf32>,
        tpu.vector_store %arg11[%swap3A_1638], %exp3A_1633 {strides = array<i32>} : memref<80xf32, #tpu.memory_space<vmem>>, vector<16xf32>,
        %swap3A_1640 = arith.constant 16 : index
        %swap3A_1641 = tpu.vector_load %arg12[%swap3A_1640] {strides = array<i32>} : memref<80xi32, #tpu.memory_space<vmem>>, vector<16xi32>,
        tpu.vector_store %arg12[%swap3A_1640], %add3A_1637 {strides = array<i32>} : memref<80xi32, #tpu.memory_space<vmem>>, vector<16xi32>,
        %add3A_1642 = arith.constant 32 : i32
        %add3A_1643 = arith.addi %mul3A_1491, %add3A_1642 : i32
        %get3A_1644 = arith.index_cast %add3A_1643 : i32 to index
        %get3A_1645 = tpu.vector_load %arg7[%get3A_1644] {strides = array<i32>} : memref<2000xi32, #tpu.memory_space<vmem>>, vector<16xi32>,
        %get3A_1646 = arith.index_cast %add3A_1643 : i32 to index
        %get3A_1647 = tpu.vector_load %arg8[%get3A_1646] {strides = array<i32>} : memref<2000xi32, #tpu.memory_space<vmem>>, vector<16xi32>,
        %gather3A_1648 = tpu.vector_load_idx %arg9[%get3A_1645] : memref<10000xi32, #tpu.memory_space<vmem>>[vector<16xi32>], vector<16xi32>,
        %gather3A_1649 = tpu.vector_load_idx %arg10[%get3A_1645] : memref<30000xf32, #tpu.memory_space<vmem>>[vector<16xi32>], vector<16xf32>,
        %gather3A_1650 = tpu.vector_load_idx %arg10[%get3A_1647] : memref<30000xf32, #tpu.memory_space<vmem>>[vector<16xi32>], vector<16xf32>,
        %sub3A_1651 = arith.subf %gather3A_1649, %gather3A_1650 : vector<16xf32>
        %add3A_1652 = arith.constant 10000 : i32
        %add3A_1653 = vector.broadcast %add3A_1652 : i32 to vector<16xi32>
        %add3A_1654 = arith.addi %get3A_1645, %add3A_1653 : vector<16xi32>
        %gather3A_1655 = tpu.vector_load_idx %arg10[%add3A_1654] : memref<30000xf32, #tpu.memory_space<vmem>>[vector<16xi32>], vector<16xf32>,
        %add3A_1656 = arith.constant 10000 : i32
        %add3A_1657 = vector.broadcast %add3A_1656 : i32 to vector<16xi32>
        %add3A_1658 = arith.addi %get3A_1647, %add3A_1657 : vector<16xi32>
        %gather3A_1659 = tpu.vector_load_idx %arg10[%add3A_1658] : memref<30000xf32, #tpu.memory_space<vmem>>[vector<16xi32>], vector<16xf32>,
        %sub3A_1660 = arith.subf %gather3A_1655, %gather3A_1659 : vector<16xf32>
        %add3A_1661 = arith.constant 20000 : i32
        %add3A_1662 = vector.broadcast %add3A_1661 : i32 to vector<16xi32>
        %add3A_1663 = arith.addi %get3A_1645, %add3A_1662 : vector<16xi32>
        %gather3A_1664 = tpu.vector_load_idx %arg10[%add3A_1663] : memref<30000xf32, #tpu.memory_space<vmem>>[vector<16xi32>], vector<16xf32>,
        %add3A_1665 = arith.constant 20000 : i32
        %add3A_1666 = vector.broadcast %add3A_1665 : i32 to vector<16xi32>
        %add3A_1667 = arith.addi %get3A_1647, %add3A_1666 : vector<16xi32>
        %gather3A_1668 = tpu.vector_load_idx %arg10[%add3A_1667] : memref<30000xf32, #tpu.memory_space<vmem>>[vector<16xi32>], vector<16xf32>,
        %sub3A_1669 = arith.subf %gather3A_1664, %gather3A_1668 : vector<16xf32>
        %mul3A_1670 = arith.mulf %sub3A_1651, %sub3A_1651 : vector<16xf32>
        %mul3A_1671 = arith.mulf %sub3A_1660, %sub3A_1660 : vector<16xf32>
        %add3A_1672 = arith.addf %mul3A_1670, %mul3A_1671 : vector<16xf32>
        %mul3A_1673 = arith.mulf %sub3A_1669, %sub3A_1669 : vector<16xf32>
        %add3A_1674 = arith.addf %add3A_1672, %mul3A_1673 : vector<16xf32>
        %add3A_1675 = arith.constant 9.99999996E-13 : f32
        %add3A_1676 = vector.broadcast %add3A_1675 : f32 to vector<16xf32>
        %add3A_1677 = arith.addf %add3A_1674, %add3A_1676 : vector<16xf32>
        %bitcast3A_1678 = vector.bitcast %add3A_1677 : vector<16xf32> to vector<16xi32>
        %shift_right_arithmetic3A_1679 = arith.constant 1 : i32
        %shift_right_arithmetic3A_1680 = vector.broadcast %shift_right_arithmetic3A_1679 : i32 to vector<16xi32>
        %shift_right_arithmetic3A_1681 = arith.shrsi %bitcast3A_1678, %shift_right_arithmetic3A_1680 : vector<16xi32>
        %sub3A_1682 = arith.constant 1597463007 : i32
        %sub3A_1683 = vector.broadcast %sub3A_1682 : i32 to vector<16xi32>
        %sub3A_1684 = arith.subi %sub3A_1683, %shift_right_arithmetic3A_1681 : vector<16xi32>
        %bitcast3A_1685 = vector.bitcast %sub3A_1684 : vector<16xi32> to vector<16xf32>
        %mul3A_1686 = arith.constant 5.000000e-01 : f32
        %mul3A_1687 = vector.broadcast %mul3A_1686 : f32 to vector<16xf32>
        %mul3A_1688 = arith.mulf %mul3A_1687, %add3A_1677 : vector<16xf32>
        %mul3A_1689 = arith.mulf %mul3A_1688, %bitcast3A_1685 : vector<16xf32>
        %mul3A_1690 = arith.mulf %mul3A_1689, %bitcast3A_1685 : vector<16xf32>
        %sub3A_1691 = arith.constant 1.500000e+00 : f32
        %sub3A_1692 = vector.broadcast %sub3A_1691 : f32 to vector<16xf32>
        %sub3A_1693 = arith.subf %sub3A_1692, %mul3A_1690 : vector<16xf32>
        %mul3A_1694 = arith.mulf %bitcast3A_1685, %sub3A_1693 : vector<16xf32>
        %mul3A_1695 = arith.constant 5.000000e-01 : f32
        %mul3A_1696 = vector.broadcast %mul3A_1695 : f32 to vector<16xf32>
        %mul3A_1697 = arith.mulf %mul3A_1696, %add3A_1677 : vector<16xf32>
        %mul3A_1698 = arith.mulf %mul3A_1697, %mul3A_1694 : vector<16xf32>
        %mul3A_1699 = arith.mulf %mul3A_1698, %mul3A_1694 : vector<16xf32>
        %sub3A_1700 = arith.constant 1.500000e+00 : f32
        %sub3A_1701 = vector.broadcast %sub3A_1700 : f32 to vector<16xf32>
        %sub3A_1702 = arith.subf %sub3A_1701, %mul3A_1699 : vector<16xf32>
        %mul3A_1703 = arith.mulf %mul3A_1694, %sub3A_1702 : vector<16xf32>
        %mul3A_1704 = arith.mulf %add3A_1677, %mul3A_1703 : vector<16xf32>
        %neg3A_1705 = arith.constant 0.000000e+00 : f32
        %neg3A_1706 = vector.broadcast %neg3A_1705 : f32 to vector<16xf32>
        %neg3A_1707 = arith.subf %neg3A_1706, %mul3A_1704 : vector<16xf32>
        %exp3A_1708 = math.exp %neg3A_1707 : vector<16xf32>
        %mul3A_1709 = arith.constant 120 : i32
        %mul3A_1710 = vector.broadcast %mul3A_1709 : i32 to vector<16xi32>
        %mul3A_1711 = arith.muli %get3A_1647, %mul3A_1710 : vector<16xi32>
        %add3A_1712 = arith.addi %mul3A_1711, %gather3A_1648 : vector<16xi32>
        %swap3A_1713 = arith.constant 32 : index
        %swap3A_1714 = tpu.vector_load %arg11[%swap3A_1713] {strides = array<i32>} : memref<80xf32, #tpu.memory_space<vmem>>, vector<16xf32>,
        tpu.vector_store %arg11[%swap3A_1713], %exp3A_1708 {strides = array<i32>} : memref<80xf32, #tpu.memory_space<vmem>>, vector<16xf32>,
        %swap3A_1715 = arith.constant 32 : index
        %swap3A_1716 = tpu.vector_load %arg12[%swap3A_1715] {strides = array<i32>} : memref<80xi32, #tpu.memory_space<vmem>>, vector<16xi32>,
        tpu.vector_store %arg12[%swap3A_1715], %add3A_1712 {strides = array<i32>} : memref<80xi32, #tpu.memory_space<vmem>>, vector<16xi32>,
        %add3A_1717 = arith.constant 48 : i32
        %add3A_1718 = arith.addi %mul3A_1491, %add3A_1717 : i32
        %get3A_1719 = arith.index_cast %add3A_1718 : i32 to index
        %get3A_1720 = tpu.vector_load %arg7[%get3A_1719] {strides = array<i32>} : memref<2000xi32, #tpu.memory_space<vmem>>, vector<16xi32>,
        %get3A_1721 = arith.index_cast %add3A_1718 : i32 to index
        %get3A_1722 = tpu.vector_load %arg8[%get3A_1721] {strides = array<i32>} : memref<2000xi32, #tpu.memory_space<vmem>>, vector<16xi32>,
        %gather3A_1723 = tpu.vector_load_idx %arg9[%get3A_1720] : memref<10000xi32, #tpu.memory_space<vmem>>[vector<16xi32>], vector<16xi32>,
        %gather3A_1724 = tpu.vector_load_idx %arg10[%get3A_1720] : memref<30000xf32, #tpu.memory_space<vmem>>[vector<16xi32>], vector<16xf32>,
        %gather3A_1725 = tpu.vector_load_idx %arg10[%get3A_1722] : memref<30000xf32, #tpu.memory_space<vmem>>[vector<16xi32>], vector<16xf32>,
        %sub3A_1726 = arith.subf %gather3A_1724, %gather3A_1725 : vector<16xf32>
        %add3A_1727 = arith.constant 10000 : i32
        %add3A_1728 = vector.broadcast %add3A_1727 : i32 to vector<16xi32>
        %add3A_1729 = arith.addi %get3A_1720, %add3A_1728 : vector<16xi32>
        %gather3A_1730 = tpu.vector_load_idx %arg10[%add3A_1729] : memref<30000xf32, #tpu.memory_space<vmem>>[vector<16xi32>], vector<16xf32>,
        %add3A_1731 = arith.constant 10000 : i32
        %add3A_1732 = vector.broadcast %add3A_1731 : i32 to vector<16xi32>
        %add3A_1733 = arith.addi %get3A_1722, %add3A_1732 : vector<16xi32>
        %gather3A_1734 = tpu.vector_load_idx %arg10[%add3A_1733] : memref<30000xf32, #tpu.memory_space<vmem>>[vector<16xi32>], vector<16xf32>,
        %sub3A_1735 = arith.subf %gather3A_1730, %gather3A_1734 : vector<16xf32>
        %add3A_1736 = arith.constant 20000 : i32
        %add3A_1737 = vector.broadcast %add3A_1736 : i32 to vector<16xi32>
        %add3A_1738 = arith.addi %get3A_1720, %add3A_1737 : vector<16xi32>
        %gather3A_1739 = tpu.vector_load_idx %arg10[%add3A_1738] : memref<30000xf32, #tpu.memory_space<vmem>>[vector<16xi32>], vector<16xf32>,
        %add3A_1740 = arith.constant 20000 : i32
        %add3A_1741 = vector.broadcast %add3A_1740 : i32 to vector<16xi32>
        %add3A_1742 = arith.addi %get3A_1722, %add3A_1741 : vector<16xi32>
        %gather3A_1743 = tpu.vector_load_idx %arg10[%add3A_1742] : memref<30000xf32, #tpu.memory_space<vmem>>[vector<16xi32>], vector<16xf32>,
        %sub3A_1744 = arith.subf %gather3A_1739, %gather3A_1743 : vector<16xf32>
        %mul3A_1745 = arith.mulf %sub3A_1726, %sub3A_1726 : vector<16xf32>
        %mul3A_1746 = arith.mulf %sub3A_1735, %sub3A_1735 : vector<16xf32>
        %add3A_1747 = arith.addf %mul3A_1745, %mul3A_1746 : vector<16xf32>
        %mul3A_1748 = arith.mulf %sub3A_1744, %sub3A_1744 : vector<16xf32>
        %add3A_1749 = arith.addf %add3A_1747, %mul3A_1748 : vector<16xf32>
        %add3A_1750 = arith.constant 9.99999996E-13 : f32
        %add3A_1751 = vector.broadcast %add3A_1750 : f32 to vector<16xf32>
        %add3A_1752 = arith.addf %add3A_1749, %add3A_1751 : vector<16xf32>
        %bitcast3A_1753 = vector.bitcast %add3A_1752 : vector<16xf32> to vector<16xi32>
        %shift_right_arithmetic3A_1754 = arith.constant 1 : i32
        %shift_right_arithmetic3A_1755 = vector.broadcast %shift_right_arithmetic3A_1754 : i32 to vector<16xi32>
        %shift_right_arithmetic3A_1756 = arith.shrsi %bitcast3A_1753, %shift_right_arithmetic3A_1755 : vector<16xi32>
        %sub3A_1757 = arith.constant 1597463007 : i32
        %sub3A_1758 = vector.broadcast %sub3A_1757 : i32 to vector<16xi32>
        %sub3A_1759 = arith.subi %sub3A_1758, %shift_right_arithmetic3A_1756 : vector<16xi32>
        %bitcast3A_1760 = vector.bitcast %sub3A_1759 : vector<16xi32> to vector<16xf32>
        %mul3A_1761 = arith.constant 5.000000e-01 : f32
        %mul3A_1762 = vector.broadcast %mul3A_1761 : f32 to vector<16xf32>
        %mul3A_1763 = arith.mulf %mul3A_1762, %add3A_1752 : vector<16xf32>
        %mul3A_1764 = arith.mulf %mul3A_1763, %bitcast3A_1760 : vector<16xf32>
        %mul3A_1765 = arith.mulf %mul3A_1764, %bitcast3A_1760 : vector<16xf32>
        %sub3A_1766 = arith.constant 1.500000e+00 : f32
        %sub3A_1767 = vector.broadcast %sub3A_1766 : f32 to vector<16xf32>
        %sub3A_1768 = arith.subf %sub3A_1767, %mul3A_1765 : vector<16xf32>
        %mul3A_1769 = arith.mulf %bitcast3A_1760, %sub3A_1768 : vector<16xf32>
        %mul3A_1770 = arith.constant 5.000000e-01 : f32
        %mul3A_1771 = vector.broadcast %mul3A_1770 : f32 to vector<16xf32>
        %mul3A_1772 = arith.mulf %mul3A_1771, %add3A_1752 : vector<16xf32>
        %mul3A_1773 = arith.mulf %mul3A_1772, %mul3A_1769 : vector<16xf32>
        %mul3A_1774 = arith.mulf %mul3A_1773, %mul3A_1769 : vector<16xf32>
        %sub3A_1775 = arith.constant 1.500000e+00 : f32
        %sub3A_1776 = vector.broadcast %sub3A_1775 : f32 to vector<16xf32>
        %sub3A_1777 = arith.subf %sub3A_1776, %mul3A_1774 : vector<16xf32>
        %mul3A_1778 = arith.mulf %mul3A_1769, %sub3A_1777 : vector<16xf32>
        %mul3A_1779 = arith.mulf %add3A_1752, %mul3A_1778 : vector<16xf32>
        %neg3A_1780 = arith.constant 0.000000e+00 : f32
        %neg3A_1781 = vector.broadcast %neg3A_1780 : f32 to vector<16xf32>
        %neg3A_1782 = arith.subf %neg3A_1781, %mul3A_1779 : vector<16xf32>
        %exp3A_1783 = math.exp %neg3A_1782 : vector<16xf32>
        %mul3A_1784 = arith.constant 120 : i32
        %mul3A_1785 = vector.broadcast %mul3A_1784 : i32 to vector<16xi32>
        %mul3A_1786 = arith.muli %get3A_1722, %mul3A_1785 : vector<16xi32>
        %add3A_1787 = arith.addi %mul3A_1786, %gather3A_1723 : vector<16xi32>
        %swap3A_1788 = arith.constant 48 : index
        %swap3A_1789 = tpu.vector_load %arg11[%swap3A_1788] {strides = array<i32>} : memref<80xf32, #tpu.memory_space<vmem>>, vector<16xf32>,
        tpu.vector_store %arg11[%swap3A_1788], %exp3A_1783 {strides = array<i32>} : memref<80xf32, #tpu.memory_space<vmem>>, vector<16xf32>,
        %swap3A_1790 = arith.constant 48 : index
        %swap3A_1791 = tpu.vector_load %arg12[%swap3A_1790] {strides = array<i32>} : memref<80xi32, #tpu.memory_space<vmem>>, vector<16xi32>,
        tpu.vector_store %arg12[%swap3A_1790], %add3A_1787 {strides = array<i32>} : memref<80xi32, #tpu.memory_space<vmem>>, vector<16xi32>,
        %add3A_1792 = arith.constant 64 : i32
        %add3A_1793 = arith.addi %mul3A_1491, %add3A_1792 : i32
        %get3A_1794 = arith.index_cast %add3A_1793 : i32 to index
        %get3A_1795 = tpu.vector_load %arg7[%get3A_1794] {strides = array<i32>} : memref<2000xi32, #tpu.memory_space<vmem>>, vector<16xi32>,
        %get3A_1796 = arith.index_cast %add3A_1793 : i32 to index
        %get3A_1797 = tpu.vector_load %arg8[%get3A_1796] {strides = array<i32>} : memref<2000xi32, #tpu.memory_space<vmem>>, vector<16xi32>,
        %gather3A_1798 = tpu.vector_load_idx %arg9[%get3A_1795] : memref<10000xi32, #tpu.memory_space<vmem>>[vector<16xi32>], vector<16xi32>,
        %gather3A_1799 = tpu.vector_load_idx %arg10[%get3A_1795] : memref<30000xf32, #tpu.memory_space<vmem>>[vector<16xi32>], vector<16xf32>,
        %gather3A_1800 = tpu.vector_load_idx %arg10[%get3A_1797] : memref<30000xf32, #tpu.memory_space<vmem>>[vector<16xi32>], vector<16xf32>,
        %sub3A_1801 = arith.subf %gather3A_1799, %gather3A_1800 : vector<16xf32>
        %add3A_1802 = arith.constant 10000 : i32
        %add3A_1803 = vector.broadcast %add3A_1802 : i32 to vector<16xi32>
        %add3A_1804 = arith.addi %get3A_1795, %add3A_1803 : vector<16xi32>
        %gather3A_1805 = tpu.vector_load_idx %arg10[%add3A_1804] : memref<30000xf32, #tpu.memory_space<vmem>>[vector<16xi32>], vector<16xf32>,
        %add3A_1806 = arith.constant 10000 : i32
        %add3A_1807 = vector.broadcast %add3A_1806 : i32 to vector<16xi32>
        %add3A_1808 = arith.addi %get3A_1797, %add3A_1807 : vector<16xi32>
        %gather3A_1809 = tpu.vector_load_idx %arg10[%add3A_1808] : memref<30000xf32, #tpu.memory_space<vmem>>[vector<16xi32>], vector<16xf32>,
        %sub3A_1810 = arith.subf %gather3A_1805, %gather3A_1809 : vector<16xf32>
        %add3A_1811 = arith.constant 20000 : i32
        %add3A_1812 = vector.broadcast %add3A_1811 : i32 to vector<16xi32>
        %add3A_1813 = arith.addi %get3A_1795, %add3A_1812 : vector<16xi32>
        %gather3A_1814 = tpu.vector_load_idx %arg10[%add3A_1813] : memref<30000xf32, #tpu.memory_space<vmem>>[vector<16xi32>], vector<16xf32>,
        %add3A_1815 = arith.constant 20000 : i32
        %add3A_1816 = vector.broadcast %add3A_1815 : i32 to vector<16xi32>
        %add3A_1817 = arith.addi %get3A_1797, %add3A_1816 : vector<16xi32>
        %gather3A_1818 = tpu.vector_load_idx %arg10[%add3A_1817] : memref<30000xf32, #tpu.memory_space<vmem>>[vector<16xi32>], vector<16xf32>,
        %sub3A_1819 = arith.subf %gather3A_1814, %gather3A_1818 : vector<16xf32>
        %mul3A_1820 = arith.mulf %sub3A_1801, %sub3A_1801 : vector<16xf32>
        %mul3A_1821 = arith.mulf %sub3A_1810, %sub3A_1810 : vector<16xf32>
        %add3A_1822 = arith.addf %mul3A_1820, %mul3A_1821 : vector<16xf32>
        %mul3A_1823 = arith.mulf %sub3A_1819, %sub3A_1819 : vector<16xf32>
        %add3A_1824 = arith.addf %add3A_1822, %mul3A_1823 : vector<16xf32>
        %add3A_1825 = arith.constant 9.99999996E-13 : f32
        %add3A_1826 = vector.broadcast %add3A_1825 : f32 to vector<16xf32>
        %add3A_1827 = arith.addf %add3A_1824, %add3A_1826 : vector<16xf32>
        %bitcast3A_1828 = vector.bitcast %add3A_1827 : vector<16xf32> to vector<16xi32>
        %shift_right_arithmetic3A_1829 = arith.constant 1 : i32
        %shift_right_arithmetic3A_1830 = vector.broadcast %shift_right_arithmetic3A_1829 : i32 to vector<16xi32>
        %shift_right_arithmetic3A_1831 = arith.shrsi %bitcast3A_1828, %shift_right_arithmetic3A_1830 : vector<16xi32>
        %sub3A_1832 = arith.constant 1597463007 : i32
        %sub3A_1833 = vector.broadcast %sub3A_1832 : i32 to vector<16xi32>
        %sub3A_1834 = arith.subi %sub3A_1833, %shift_right_arithmetic3A_1831 : vector<16xi32>
        %bitcast3A_1835 = vector.bitcast %sub3A_1834 : vector<16xi32> to vector<16xf32>
        %mul3A_1836 = arith.constant 5.000000e-01 : f32
        %mul3A_1837 = vector.broadcast %mul3A_1836 : f32 to vector<16xf32>
        %mul3A_1838 = arith.mulf %mul3A_1837, %add3A_1827 : vector<16xf32>
        %mul3A_1839 = arith.mulf %mul3A_1838, %bitcast3A_1835 : vector<16xf32>
        %mul3A_1840 = arith.mulf %mul3A_1839, %bitcast3A_1835 : vector<16xf32>
        %sub3A_1841 = arith.constant 1.500000e+00 : f32
        %sub3A_1842 = vector.broadcast %sub3A_1841 : f32 to vector<16xf32>
        %sub3A_1843 = arith.subf %sub3A_1842, %mul3A_1840 : vector<16xf32>
        %mul3A_1844 = arith.mulf %bitcast3A_1835, %sub3A_1843 : vector<16xf32>
        %mul3A_1845 = arith.constant 5.000000e-01 : f32
        %mul3A_1846 = vector.broadcast %mul3A_1845 : f32 to vector<16xf32>
        %mul3A_1847 = arith.mulf %mul3A_1846, %add3A_1827 : vector<16xf32>
        %mul3A_1848 = arith.mulf %mul3A_1847, %mul3A_1844 : vector<16xf32>
        %mul3A_1849 = arith.mulf %mul3A_1848, %mul3A_1844 : vector<16xf32>
        %sub3A_1850 = arith.constant 1.500000e+00 : f32
        %sub3A_1851 = vector.broadcast %sub3A_1850 : f32 to vector<16xf32>
        %sub3A_1852 = arith.subf %sub3A_1851, %mul3A_1849 : vector<16xf32>
        %mul3A_1853 = arith.mulf %mul3A_1844, %sub3A_1852 : vector<16xf32>
        %mul3A_1854 = arith.mulf %add3A_1827, %mul3A_1853 : vector<16xf32>
        %neg3A_1855 = arith.constant 0.000000e+00 : f32
        %neg3A_1856 = vector.broadcast %neg3A_1855 : f32 to vector<16xf32>
        %neg3A_1857 = arith.subf %neg3A_1856, %mul3A_1854 : vector<16xf32>
        %exp3A_1858 = math.exp %neg3A_1857 : vector<16xf32>
        %mul3A_1859 = arith.constant 120 : i32
        %mul3A_1860 = vector.broadcast %mul3A_1859 : i32 to vector<16xi32>
        %mul3A_1861 = arith.muli %get3A_1797, %mul3A_1860 : vector<16xi32>
        %add3A_1862 = arith.addi %mul3A_1861, %gather3A_1798 : vector<16xi32>
        %swap3A_1863 = arith.constant 64 : index
        %swap3A_1864 = tpu.vector_load %arg11[%swap3A_1863] {strides = array<i32>} : memref<80xf32, #tpu.memory_space<vmem>>, vector<16xf32>,
        tpu.vector_store %arg11[%swap3A_1863], %exp3A_1858 {strides = array<i32>} : memref<80xf32, #tpu.memory_space<vmem>>, vector<16xf32>,
        %swap3A_1865 = arith.constant 64 : index
        %swap3A_1866 = tpu.vector_load %arg12[%swap3A_1865] {strides = array<i32>} : memref<80xi32, #tpu.memory_space<vmem>>, vector<16xi32>,
        tpu.vector_store %arg12[%swap3A_1865], %add3A_1862 {strides = array<i32>} : memref<80xi32, #tpu.memory_space<vmem>>, vector<16xi32>,
        %dma_start3A_1867 = arith.constant 0 : i32
        %dma_start3A_1868 = tpu.memref_slice %arg17[%dma_start3A_1867] : memref<1200000xf32, #tpu.memory_space<vmem_shared>> -> memref<1200000xf32, #tpu.memory_space<vmem_shared>>
        tpu.enqueue_indirect_dma source(%arg11 : memref<80xf32, #tpu.memory_space<vmem>>) target(%dma_start3A_1868 : memref<1200000xf32, #tpu.memory_space<vmem_shared>>) offsets(%arg12 : memref<80xi32, #tpu.memory_space<vmem>>) semaphore(%arg18 : memref<!tpu.dma_semaphore, #tpu.memory_space<semaphore_mem>>) {add = true}
        %dma_wait3A_1869 = arith.constant 0 : i32
        %dma_wait3A_1870 = tpu.memref_slice %arg17[%dma_wait3A_1869] : memref<1200000xf32, #tpu.memory_space<vmem_shared>> -> memref<1200000xf32, #tpu.memory_space<vmem_shared>>
        tpu.wait_indirect_dma semaphore(%arg19 : memref<!tpu.dma_semaphore, #tpu.memory_space<semaphore_mem>>) src(%arg13 : memref<80xf32, #tpu.memory_space<vmem>>) dst(%dma_wait3A_1870 : memref<1200000xf32, #tpu.memory_space<vmem_shared>>)
        %mul3A_1871 = arith.constant 2 : i32
        %mul3A_1872 = arith.muli %mul3A_1871, %scan3A_1483 : i32
        %add3A_1873 = arith.constant 3 : i32
        %add3A_1874 = arith.addi %mul3A_1872, %add3A_1873 : i32
        %mul3A_1875 = arith.constant 80 : i32
        %mul3A_1876 = arith.muli %add3A_1874, %mul3A_1875 : i32
        %add3A_1877 = arith.constant 0 : i32
        %add3A_1878 = arith.addi %mul3A_1876, %add3A_1877 : i32
        %get3A_1879 = arith.index_cast %add3A_1878 : i32 to index
        %get3A_1880 = tpu.vector_load %arg7[%get3A_1879] {strides = array<i32>} : memref<2000xi32, #tpu.memory_space<vmem>>, vector<16xi32>,
        %get3A_1881 = arith.index_cast %add3A_1878 : i32 to index
        %get3A_1882 = tpu.vector_load %arg8[%get3A_1881] {strides = array<i32>} : memref<2000xi32, #tpu.memory_space<vmem>>, vector<16xi32>,
        %gather3A_1883 = tpu.vector_load_idx %arg9[%get3A_1880] : memref<10000xi32, #tpu.memory_space<vmem>>[vector<16xi32>], vector<16xi32>,
        %gather3A_1884 = tpu.vector_load_idx %arg10[%get3A_1880] : memref<30000xf32, #tpu.memory_space<vmem>>[vector<16xi32>], vector<16xf32>,
        %gather3A_1885 = tpu.vector_load_idx %arg10[%get3A_1882] : memref<30000xf32, #tpu.memory_space<vmem>>[vector<16xi32>], vector<16xf32>,
        %sub3A_1886 = arith.subf %gather3A_1884, %gather3A_1885 : vector<16xf32>
        %add3A_1887 = arith.constant 10000 : i32
        %add3A_1888 = vector.broadcast %add3A_1887 : i32 to vector<16xi32>
        %add3A_1889 = arith.addi %get3A_1880, %add3A_1888 : vector<16xi32>
        %gather3A_1890 = tpu.vector_load_idx %arg10[%add3A_1889] : memref<30000xf32, #tpu.memory_space<vmem>>[vector<16xi32>], vector<16xf32>,
        %add3A_1891 = arith.constant 10000 : i32
        %add3A_1892 = vector.broadcast %add3A_1891 : i32 to vector<16xi32>
        %add3A_1893 = arith.addi %get3A_1882, %add3A_1892 : vector<16xi32>
        %gather3A_1894 = tpu.vector_load_idx %arg10[%add3A_1893] : memref<30000xf32, #tpu.memory_space<vmem>>[vector<16xi32>], vector<16xf32>,
        %sub3A_1895 = arith.subf %gather3A_1890, %gather3A_1894 : vector<16xf32>
        %add3A_1896 = arith.constant 20000 : i32
        %add3A_1897 = vector.broadcast %add3A_1896 : i32 to vector<16xi32>
        %add3A_1898 = arith.addi %get3A_1880, %add3A_1897 : vector<16xi32>
        %gather3A_1899 = tpu.vector_load_idx %arg10[%add3A_1898] : memref<30000xf32, #tpu.memory_space<vmem>>[vector<16xi32>], vector<16xf32>,
        %add3A_1900 = arith.constant 20000 : i32
        %add3A_1901 = vector.broadcast %add3A_1900 : i32 to vector<16xi32>
        %add3A_1902 = arith.addi %get3A_1882, %add3A_1901 : vector<16xi32>
        %gather3A_1903 = tpu.vector_load_idx %arg10[%add3A_1902] : memref<30000xf32, #tpu.memory_space<vmem>>[vector<16xi32>], vector<16xf32>,
        %sub3A_1904 = arith.subf %gather3A_1899, %gather3A_1903 : vector<16xf32>
        %mul3A_1905 = arith.mulf %sub3A_1886, %sub3A_1886 : vector<16xf32>
        %mul3A_1906 = arith.mulf %sub3A_1895, %sub3A_1895 : vector<16xf32>
        %add3A_1907 = arith.addf %mul3A_1905, %mul3A_1906 : vector<16xf32>
        %mul3A_1908 = arith.mulf %sub3A_1904, %sub3A_1904 : vector<16xf32>
        %add3A_1909 = arith.addf %add3A_1907, %mul3A_1908 : vector<16xf32>
        %add3A_1910 = arith.constant 9.99999996E-13 : f32
        %add3A_1911 = vector.broadcast %add3A_1910 : f32 to vector<16xf32>
        %add3A_1912 = arith.addf %add3A_1909, %add3A_1911 : vector<16xf32>
        %bitcast3A_1913 = vector.bitcast %add3A_1912 : vector<16xf32> to vector<16xi32>
        %shift_right_arithmetic3A_1914 = arith.constant 1 : i32
        %shift_right_arithmetic3A_1915 = vector.broadcast %shift_right_arithmetic3A_1914 : i32 to vector<16xi32>
        %shift_right_arithmetic3A_1916 = arith.shrsi %bitcast3A_1913, %shift_right_arithmetic3A_1915 : vector<16xi32>
        %sub3A_1917 = arith.constant 1597463007 : i32
        %sub3A_1918 = vector.broadcast %sub3A_1917 : i32 to vector<16xi32>
        %sub3A_1919 = arith.subi %sub3A_1918, %shift_right_arithmetic3A_1916 : vector<16xi32>
        %bitcast3A_1920 = vector.bitcast %sub3A_1919 : vector<16xi32> to vector<16xf32>
        %mul3A_1921 = arith.constant 5.000000e-01 : f32
        %mul3A_1922 = vector.broadcast %mul3A_1921 : f32 to vector<16xf32>
        %mul3A_1923 = arith.mulf %mul3A_1922, %add3A_1912 : vector<16xf32>
        %mul3A_1924 = arith.mulf %mul3A_1923, %bitcast3A_1920 : vector<16xf32>
        %mul3A_1925 = arith.mulf %mul3A_1924, %bitcast3A_1920 : vector<16xf32>
        %sub3A_1926 = arith.constant 1.500000e+00 : f32
        %sub3A_1927 = vector.broadcast %sub3A_1926 : f32 to vector<16xf32>
        %sub3A_1928 = arith.subf %sub3A_1927, %mul3A_1925 : vector<16xf32>
        %mul3A_1929 = arith.mulf %bitcast3A_1920, %sub3A_1928 : vector<16xf32>
        %mul3A_1930 = arith.constant 5.000000e-01 : f32
        %mul3A_1931 = vector.broadcast %mul3A_1930 : f32 to vector<16xf32>
        %mul3A_1932 = arith.mulf %mul3A_1931, %add3A_1912 : vector<16xf32>
        %mul3A_1933 = arith.mulf %mul3A_1932, %mul3A_1929 : vector<16xf32>
        %mul3A_1934 = arith.mulf %mul3A_1933, %mul3A_1929 : vector<16xf32>
        %sub3A_1935 = arith.constant 1.500000e+00 : f32
        %sub3A_1936 = vector.broadcast %sub3A_1935 : f32 to vector<16xf32>
        %sub3A_1937 = arith.subf %sub3A_1936, %mul3A_1934 : vector<16xf32>
        %mul3A_1938 = arith.mulf %mul3A_1929, %sub3A_1937 : vector<16xf32>
        %mul3A_1939 = arith.mulf %add3A_1912, %mul3A_1938 : vector<16xf32>
        %neg3A_1940 = arith.constant 0.000000e+00 : f32
        %neg3A_1941 = vector.broadcast %neg3A_1940 : f32 to vector<16xf32>
        %neg3A_1942 = arith.subf %neg3A_1941, %mul3A_1939 : vector<16xf32>
        %exp3A_1943 = math.exp %neg3A_1942 : vector<16xf32>
        %mul3A_1944 = arith.constant 120 : i32
        %mul3A_1945 = vector.broadcast %mul3A_1944 : i32 to vector<16xi32>
        %mul3A_1946 = arith.muli %get3A_1882, %mul3A_1945 : vector<16xi32>
        %add3A_1947 = arith.addi %mul3A_1946, %gather3A_1883 : vector<16xi32>
        %swap3A_1948 = arith.constant 0 : index
        %swap3A_1949 = tpu.vector_load %arg13[%swap3A_1948] {strides = array<i32>} : memref<80xf32, #tpu.memory_space<vmem>>, vector<16xf32>,
        tpu.vector_store %arg13[%swap3A_1948], %exp3A_1943 {strides = array<i32>} : memref<80xf32, #tpu.memory_space<vmem>>, vector<16xf32>,
        %swap3A_1950 = arith.constant 0 : index
        %swap3A_1951 = tpu.vector_load %arg14[%swap3A_1950] {strides = array<i32>} : memref<80xi32, #tpu.memory_space<vmem>>, vector<16xi32>,
        tpu.vector_store %arg14[%swap3A_1950], %add3A_1947 {strides = array<i32>} : memref<80xi32, #tpu.memory_space<vmem>>, vector<16xi32>,
        %add3A_1952 = arith.constant 16 : i32
        %add3A_1953 = arith.addi %mul3A_1876, %add3A_1952 : i32
        %get3A_1954 = arith.index_cast %add3A_1953 : i32 to index
        %get3A_1955 = tpu.vector_load %arg7[%get3A_1954] {strides = array<i32>} : memref<2000xi32, #tpu.memory_space<vmem>>, vector<16xi32>,
        %get3A_1956 = arith.index_cast %add3A_1953 : i32 to index
        %get3A_1957 = tpu.vector_load %arg8[%get3A_1956] {strides = array<i32>} : memref<2000xi32, #tpu.memory_space<vmem>>, vector<16xi32>,
        %gather3A_1958 = tpu.vector_load_idx %arg9[%get3A_1955] : memref<10000xi32, #tpu.memory_space<vmem>>[vector<16xi32>], vector<16xi32>,
        %gather3A_1959 = tpu.vector_load_idx %arg10[%get3A_1955] : memref<30000xf32, #tpu.memory_space<vmem>>[vector<16xi32>], vector<16xf32>,
        %gather3A_1960 = tpu.vector_load_idx %arg10[%get3A_1957] : memref<30000xf32, #tpu.memory_space<vmem>>[vector<16xi32>], vector<16xf32>,
        %sub3A_1961 = arith.subf %gather3A_1959, %gather3A_1960 : vector<16xf32>
        %add3A_1962 = arith.constant 10000 : i32
        %add3A_1963 = vector.broadcast %add3A_1962 : i32 to vector<16xi32>
        %add3A_1964 = arith.addi %get3A_1955, %add3A_1963 : vector<16xi32>
        %gather3A_1965 = tpu.vector_load_idx %arg10[%add3A_1964] : memref<30000xf32, #tpu.memory_space<vmem>>[vector<16xi32>], vector<16xf32>,
        %add3A_1966 = arith.constant 10000 : i32
        %add3A_1967 = vector.broadcast %add3A_1966 : i32 to vector<16xi32>
        %add3A_1968 = arith.addi %get3A_1957, %add3A_1967 : vector<16xi32>
        %gather3A_1969 = tpu.vector_load_idx %arg10[%add3A_1968] : memref<30000xf32, #tpu.memory_space<vmem>>[vector<16xi32>], vector<16xf32>,
        %sub3A_1970 = arith.subf %gather3A_1965, %gather3A_1969 : vector<16xf32>
        %add3A_1971 = arith.constant 20000 : i32
        %add3A_1972 = vector.broadcast %add3A_1971 : i32 to vector<16xi32>
        %add3A_1973 = arith.addi %get3A_1955, %add3A_1972 : vector<16xi32>
        %gather3A_1974 = tpu.vector_load_idx %arg10[%add3A_1973] : memref<30000xf32, #tpu.memory_space<vmem>>[vector<16xi32>], vector<16xf32>,
        %add3A_1975 = arith.constant 20000 : i32
        %add3A_1976 = vector.broadcast %add3A_1975 : i32 to vector<16xi32>
        %add3A_1977 = arith.addi %get3A_1957, %add3A_1976 : vector<16xi32>
        %gather3A_1978 = tpu.vector_load_idx %arg10[%add3A_1977] : memref<30000xf32, #tpu.memory_space<vmem>>[vector<16xi32>], vector<16xf32>,
        %sub3A_1979 = arith.subf %gather3A_1974, %gather3A_1978 : vector<16xf32>
        %mul3A_1980 = arith.mulf %sub3A_1961, %sub3A_1961 : vector<16xf32>
        %mul3A_1981 = arith.mulf %sub3A_1970, %sub3A_1970 : vector<16xf32>
        %add3A_1982 = arith.addf %mul3A_1980, %mul3A_1981 : vector<16xf32>
        %mul3A_1983 = arith.mulf %sub3A_1979, %sub3A_1979 : vector<16xf32>
        %add3A_1984 = arith.addf %add3A_1982, %mul3A_1983 : vector<16xf32>
        %add3A_1985 = arith.constant 9.99999996E-13 : f32
        %add3A_1986 = vector.broadcast %add3A_1985 : f32 to vector<16xf32>
        %add3A_1987 = arith.addf %add3A_1984, %add3A_1986 : vector<16xf32>
        %bitcast3A_1988 = vector.bitcast %add3A_1987 : vector<16xf32> to vector<16xi32>
        %shift_right_arithmetic3A_1989 = arith.constant 1 : i32
        %shift_right_arithmetic3A_1990 = vector.broadcast %shift_right_arithmetic3A_1989 : i32 to vector<16xi32>
        %shift_right_arithmetic3A_1991 = arith.shrsi %bitcast3A_1988, %shift_right_arithmetic3A_1990 : vector<16xi32>
        %sub3A_1992 = arith.constant 1597463007 : i32
        %sub3A_1993 = vector.broadcast %sub3A_1992 : i32 to vector<16xi32>
        %sub3A_1994 = arith.subi %sub3A_1993, %shift_right_arithmetic3A_1991 : vector<16xi32>
        %bitcast3A_1995 = vector.bitcast %sub3A_1994 : vector<16xi32> to vector<16xf32>
        %mul3A_1996 = arith.constant 5.000000e-01 : f32
        %mul3A_1997 = vector.broadcast %mul3A_1996 : f32 to vector<16xf32>
        %mul3A_1998 = arith.mulf %mul3A_1997, %add3A_1987 : vector<16xf32>
        %mul3A_1999 = arith.mulf %mul3A_1998, %bitcast3A_1995 : vector<16xf32>
        %mul3A_2000 = arith.mulf %mul3A_1999, %bitcast3A_1995 : vector<16xf32>
        %sub3A_2001 = arith.constant 1.500000e+00 : f32
        %sub3A_2002 = vector.broadcast %sub3A_2001 : f32 to vector<16xf32>
        %sub3A_2003 = arith.subf %sub3A_2002, %mul3A_2000 : vector<16xf32>
        %mul3A_2004 = arith.mulf %bitcast3A_1995, %sub3A_2003 : vector<16xf32>
        %mul3A_2005 = arith.constant 5.000000e-01 : f32
        %mul3A_2006 = vector.broadcast %mul3A_2005 : f32 to vector<16xf32>
        %mul3A_2007 = arith.mulf %mul3A_2006, %add3A_1987 : vector<16xf32>
        %mul3A_2008 = arith.mulf %mul3A_2007, %mul3A_2004 : vector<16xf32>
        %mul3A_2009 = arith.mulf %mul3A_2008, %mul3A_2004 : vector<16xf32>
        %sub3A_2010 = arith.constant 1.500000e+00 : f32
        %sub3A_2011 = vector.broadcast %sub3A_2010 : f32 to vector<16xf32>
        %sub3A_2012 = arith.subf %sub3A_2011, %mul3A_2009 : vector<16xf32>
        %mul3A_2013 = arith.mulf %mul3A_2004, %sub3A_2012 : vector<16xf32>
        %mul3A_2014 = arith.mulf %add3A_1987, %mul3A_2013 : vector<16xf32>
        %neg3A_2015 = arith.constant 0.000000e+00 : f32
        %neg3A_2016 = vector.broadcast %neg3A_2015 : f32 to vector<16xf32>
        %neg3A_2017 = arith.subf %neg3A_2016, %mul3A_2014 : vector<16xf32>
        %exp3A_2018 = math.exp %neg3A_2017 : vector<16xf32>
        %mul3A_2019 = arith.constant 120 : i32
        %mul3A_2020 = vector.broadcast %mul3A_2019 : i32 to vector<16xi32>
        %mul3A_2021 = arith.muli %get3A_1957, %mul3A_2020 : vector<16xi32>
        %add3A_2022 = arith.addi %mul3A_2021, %gather3A_1958 : vector<16xi32>
        %swap3A_2023 = arith.constant 16 : index
        %swap3A_2024 = tpu.vector_load %arg13[%swap3A_2023] {strides = array<i32>} : memref<80xf32, #tpu.memory_space<vmem>>, vector<16xf32>,
        tpu.vector_store %arg13[%swap3A_2023], %exp3A_2018 {strides = array<i32>} : memref<80xf32, #tpu.memory_space<vmem>>, vector<16xf32>,
        %swap3A_2025 = arith.constant 16 : index
        %swap3A_2026 = tpu.vector_load %arg14[%swap3A_2025] {strides = array<i32>} : memref<80xi32, #tpu.memory_space<vmem>>, vector<16xi32>,
        tpu.vector_store %arg14[%swap3A_2025], %add3A_2022 {strides = array<i32>} : memref<80xi32, #tpu.memory_space<vmem>>, vector<16xi32>,
        %add3A_2027 = arith.constant 32 : i32
        %add3A_2028 = arith.addi %mul3A_1876, %add3A_2027 : i32
        %get3A_2029 = arith.index_cast %add3A_2028 : i32 to index
        %get3A_2030 = tpu.vector_load %arg7[%get3A_2029] {strides = array<i32>} : memref<2000xi32, #tpu.memory_space<vmem>>, vector<16xi32>,
        %get3A_2031 = arith.index_cast %add3A_2028 : i32 to index
        %get3A_2032 = tpu.vector_load %arg8[%get3A_2031] {strides = array<i32>} : memref<2000xi32, #tpu.memory_space<vmem>>, vector<16xi32>,
        %gather3A_2033 = tpu.vector_load_idx %arg9[%get3A_2030] : memref<10000xi32, #tpu.memory_space<vmem>>[vector<16xi32>], vector<16xi32>,
        %gather3A_2034 = tpu.vector_load_idx %arg10[%get3A_2030] : memref<30000xf32, #tpu.memory_space<vmem>>[vector<16xi32>], vector<16xf32>,
        %gather3A_2035 = tpu.vector_load_idx %arg10[%get3A_2032] : memref<30000xf32, #tpu.memory_space<vmem>>[vector<16xi32>], vector<16xf32>,
        %sub3A_2036 = arith.subf %gather3A_2034, %gather3A_2035 : vector<16xf32>
        %add3A_2037 = arith.constant 10000 : i32
        %add3A_2038 = vector.broadcast %add3A_2037 : i32 to vector<16xi32>
        %add3A_2039 = arith.addi %get3A_2030, %add3A_2038 : vector<16xi32>
        %gather3A_2040 = tpu.vector_load_idx %arg10[%add3A_2039] : memref<30000xf32, #tpu.memory_space<vmem>>[vector<16xi32>], vector<16xf32>,
        %add3A_2041 = arith.constant 10000 : i32
        %add3A_2042 = vector.broadcast %add3A_2041 : i32 to vector<16xi32>
        %add3A_2043 = arith.addi %get3A_2032, %add3A_2042 : vector<16xi32>
        %gather3A_2044 = tpu.vector_load_idx %arg10[%add3A_2043] : memref<30000xf32, #tpu.memory_space<vmem>>[vector<16xi32>], vector<16xf32>,
        %sub3A_2045 = arith.subf %gather3A_2040, %gather3A_2044 : vector<16xf32>
        %add3A_2046 = arith.constant 20000 : i32
        %add3A_2047 = vector.broadcast %add3A_2046 : i32 to vector<16xi32>
        %add3A_2048 = arith.addi %get3A_2030, %add3A_2047 : vector<16xi32>
        %gather3A_2049 = tpu.vector_load_idx %arg10[%add3A_2048] : memref<30000xf32, #tpu.memory_space<vmem>>[vector<16xi32>], vector<16xf32>,
        %add3A_2050 = arith.constant 20000 : i32
        %add3A_2051 = vector.broadcast %add3A_2050 : i32 to vector<16xi32>
        %add3A_2052 = arith.addi %get3A_2032, %add3A_2051 : vector<16xi32>
        %gather3A_2053 = tpu.vector_load_idx %arg10[%add3A_2052] : memref<30000xf32, #tpu.memory_space<vmem>>[vector<16xi32>], vector<16xf32>,
        %sub3A_2054 = arith.subf %gather3A_2049, %gather3A_2053 : vector<16xf32>
        %mul3A_2055 = arith.mulf %sub3A_2036, %sub3A_2036 : vector<16xf32>
        %mul3A_2056 = arith.mulf %sub3A_2045, %sub3A_2045 : vector<16xf32>
        %add3A_2057 = arith.addf %mul3A_2055, %mul3A_2056 : vector<16xf32>
        %mul3A_2058 = arith.mulf %sub3A_2054, %sub3A_2054 : vector<16xf32>
        %add3A_2059 = arith.addf %add3A_2057, %mul3A_2058 : vector<16xf32>
        %add3A_2060 = arith.constant 9.99999996E-13 : f32
        %add3A_2061 = vector.broadcast %add3A_2060 : f32 to vector<16xf32>
        %add3A_2062 = arith.addf %add3A_2059, %add3A_2061 : vector<16xf32>
        %bitcast3A_2063 = vector.bitcast %add3A_2062 : vector<16xf32> to vector<16xi32>
        %shift_right_arithmetic3A_2064 = arith.constant 1 : i32
        %shift_right_arithmetic3A_2065 = vector.broadcast %shift_right_arithmetic3A_2064 : i32 to vector<16xi32>
        %shift_right_arithmetic3A_2066 = arith.shrsi %bitcast3A_2063, %shift_right_arithmetic3A_2065 : vector<16xi32>
        %sub3A_2067 = arith.constant 1597463007 : i32
        %sub3A_2068 = vector.broadcast %sub3A_2067 : i32 to vector<16xi32>
        %sub3A_2069 = arith.subi %sub3A_2068, %shift_right_arithmetic3A_2066 : vector<16xi32>
        %bitcast3A_2070 = vector.bitcast %sub3A_2069 : vector<16xi32> to vector<16xf32>
        %mul3A_2071 = arith.constant 5.000000e-01 : f32
        %mul3A_2072 = vector.broadcast %mul3A_2071 : f32 to vector<16xf32>
        %mul3A_2073 = arith.mulf %mul3A_2072, %add3A_2062 : vector<16xf32>
        %mul3A_2074 = arith.mulf %mul3A_2073, %bitcast3A_2070 : vector<16xf32>
        %mul3A_2075 = arith.mulf %mul3A_2074, %bitcast3A_2070 : vector<16xf32>
        %sub3A_2076 = arith.constant 1.500000e+00 : f32
        %sub3A_2077 = vector.broadcast %sub3A_2076 : f32 to vector<16xf32>
        %sub3A_2078 = arith.subf %sub3A_2077, %mul3A_2075 : vector<16xf32>
        %mul3A_2079 = arith.mulf %bitcast3A_2070, %sub3A_2078 : vector<16xf32>
        %mul3A_2080 = arith.constant 5.000000e-01 : f32
        %mul3A_2081 = vector.broadcast %mul3A_2080 : f32 to vector<16xf32>
        %mul3A_2082 = arith.mulf %mul3A_2081, %add3A_2062 : vector<16xf32>
        %mul3A_2083 = arith.mulf %mul3A_2082, %mul3A_2079 : vector<16xf32>
        %mul3A_2084 = arith.mulf %mul3A_2083, %mul3A_2079 : vector<16xf32>
        %sub3A_2085 = arith.constant 1.500000e+00 : f32
        %sub3A_2086 = vector.broadcast %sub3A_2085 : f32 to vector<16xf32>
        %sub3A_2087 = arith.subf %sub3A_2086, %mul3A_2084 : vector<16xf32>
        %mul3A_2088 = arith.mulf %mul3A_2079, %sub3A_2087 : vector<16xf32>
        %mul3A_2089 = arith.mulf %add3A_2062, %mul3A_2088 : vector<16xf32>
        %neg3A_2090 = arith.constant 0.000000e+00 : f32
        %neg3A_2091 = vector.broadcast %neg3A_2090 : f32 to vector<16xf32>
        %neg3A_2092 = arith.subf %neg3A_2091, %mul3A_2089 : vector<16xf32>
        %exp3A_2093 = math.exp %neg3A_2092 : vector<16xf32>
        %mul3A_2094 = arith.constant 120 : i32
        %mul3A_2095 = vector.broadcast %mul3A_2094 : i32 to vector<16xi32>
        %mul3A_2096 = arith.muli %get3A_2032, %mul3A_2095 : vector<16xi32>
        %add3A_2097 = arith.addi %mul3A_2096, %gather3A_2033 : vector<16xi32>
        %swap3A_2098 = arith.constant 32 : index
        %swap3A_2099 = tpu.vector_load %arg13[%swap3A_2098] {strides = array<i32>} : memref<80xf32, #tpu.memory_space<vmem>>, vector<16xf32>,
        tpu.vector_store %arg13[%swap3A_2098], %exp3A_2093 {strides = array<i32>} : memref<80xf32, #tpu.memory_space<vmem>>, vector<16xf32>,
        %swap3A_2100 = arith.constant 32 : index
        %swap3A_2101 = tpu.vector_load %arg14[%swap3A_2100] {strides = array<i32>} : memref<80xi32, #tpu.memory_space<vmem>>, vector<16xi32>,
        tpu.vector_store %arg14[%swap3A_2100], %add3A_2097 {strides = array<i32>} : memref<80xi32, #tpu.memory_space<vmem>>, vector<16xi32>,
        %add3A_2102 = arith.constant 48 : i32
        %add3A_2103 = arith.addi %mul3A_1876, %add3A_2102 : i32
        %get3A_2104 = arith.index_cast %add3A_2103 : i32 to index
        %get3A_2105 = tpu.vector_load %arg7[%get3A_2104] {strides = array<i32>} : memref<2000xi32, #tpu.memory_space<vmem>>, vector<16xi32>,
        %get3A_2106 = arith.index_cast %add3A_2103 : i32 to index
        %get3A_2107 = tpu.vector_load %arg8[%get3A_2106] {strides = array<i32>} : memref<2000xi32, #tpu.memory_space<vmem>>, vector<16xi32>,
        %gather3A_2108 = tpu.vector_load_idx %arg9[%get3A_2105] : memref<10000xi32, #tpu.memory_space<vmem>>[vector<16xi32>], vector<16xi32>,
        %gather3A_2109 = tpu.vector_load_idx %arg10[%get3A_2105] : memref<30000xf32, #tpu.memory_space<vmem>>[vector<16xi32>], vector<16xf32>,
        %gather3A_2110 = tpu.vector_load_idx %arg10[%get3A_2107] : memref<30000xf32, #tpu.memory_space<vmem>>[vector<16xi32>], vector<16xf32>,
        %sub3A_2111 = arith.subf %gather3A_2109, %gather3A_2110 : vector<16xf32>
        %add3A_2112 = arith.constant 10000 : i32
        %add3A_2113 = vector.broadcast %add3A_2112 : i32 to vector<16xi32>
        %add3A_2114 = arith.addi %get3A_2105, %add3A_2113 : vector<16xi32>
        %gather3A_2115 = tpu.vector_load_idx %arg10[%add3A_2114] : memref<30000xf32, #tpu.memory_space<vmem>>[vector<16xi32>], vector<16xf32>,
        %add3A_2116 = arith.constant 10000 : i32
        %add3A_2117 = vector.broadcast %add3A_2116 : i32 to vector<16xi32>
        %add3A_2118 = arith.addi %get3A_2107, %add3A_2117 : vector<16xi32>
        %gather3A_2119 = tpu.vector_load_idx %arg10[%add3A_2118] : memref<30000xf32, #tpu.memory_space<vmem>>[vector<16xi32>], vector<16xf32>,
        %sub3A_2120 = arith.subf %gather3A_2115, %gather3A_2119 : vector<16xf32>
        %add3A_2121 = arith.constant 20000 : i32
        %add3A_2122 = vector.broadcast %add3A_2121 : i32 to vector<16xi32>
        %add3A_2123 = arith.addi %get3A_2105, %add3A_2122 : vector<16xi32>
        %gather3A_2124 = tpu.vector_load_idx %arg10[%add3A_2123] : memref<30000xf32, #tpu.memory_space<vmem>>[vector<16xi32>], vector<16xf32>,
        %add3A_2125 = arith.constant 20000 : i32
        %add3A_2126 = vector.broadcast %add3A_2125 : i32 to vector<16xi32>
        %add3A_2127 = arith.addi %get3A_2107, %add3A_2126 : vector<16xi32>
        %gather3A_2128 = tpu.vector_load_idx %arg10[%add3A_2127] : memref<30000xf32, #tpu.memory_space<vmem>>[vector<16xi32>], vector<16xf32>,
        %sub3A_2129 = arith.subf %gather3A_2124, %gather3A_2128 : vector<16xf32>
        %mul3A_2130 = arith.mulf %sub3A_2111, %sub3A_2111 : vector<16xf32>
        %mul3A_2131 = arith.mulf %sub3A_2120, %sub3A_2120 : vector<16xf32>
        %add3A_2132 = arith.addf %mul3A_2130, %mul3A_2131 : vector<16xf32>
        %mul3A_2133 = arith.mulf %sub3A_2129, %sub3A_2129 : vector<16xf32>
        %add3A_2134 = arith.addf %add3A_2132, %mul3A_2133 : vector<16xf32>
        %add3A_2135 = arith.constant 9.99999996E-13 : f32
        %add3A_2136 = vector.broadcast %add3A_2135 : f32 to vector<16xf32>
        %add3A_2137 = arith.addf %add3A_2134, %add3A_2136 : vector<16xf32>
        %bitcast3A_2138 = vector.bitcast %add3A_2137 : vector<16xf32> to vector<16xi32>
        %shift_right_arithmetic3A_2139 = arith.constant 1 : i32
        %shift_right_arithmetic3A_2140 = vector.broadcast %shift_right_arithmetic3A_2139 : i32 to vector<16xi32>
        %shift_right_arithmetic3A_2141 = arith.shrsi %bitcast3A_2138, %shift_right_arithmetic3A_2140 : vector<16xi32>
        %sub3A_2142 = arith.constant 1597463007 : i32
        %sub3A_2143 = vector.broadcast %sub3A_2142 : i32 to vector<16xi32>
        %sub3A_2144 = arith.subi %sub3A_2143, %shift_right_arithmetic3A_2141 : vector<16xi32>
        %bitcast3A_2145 = vector.bitcast %sub3A_2144 : vector<16xi32> to vector<16xf32>
        %mul3A_2146 = arith.constant 5.000000e-01 : f32
        %mul3A_2147 = vector.broadcast %mul3A_2146 : f32 to vector<16xf32>
        %mul3A_2148 = arith.mulf %mul3A_2147, %add3A_2137 : vector<16xf32>
        %mul3A_2149 = arith.mulf %mul3A_2148, %bitcast3A_2145 : vector<16xf32>
        %mul3A_2150 = arith.mulf %mul3A_2149, %bitcast3A_2145 : vector<16xf32>
        %sub3A_2151 = arith.constant 1.500000e+00 : f32
        %sub3A_2152 = vector.broadcast %sub3A_2151 : f32 to vector<16xf32>
        %sub3A_2153 = arith.subf %sub3A_2152, %mul3A_2150 : vector<16xf32>
        %mul3A_2154 = arith.mulf %bitcast3A_2145, %sub3A_2153 : vector<16xf32>
        %mul3A_2155 = arith.constant 5.000000e-01 : f32
        %mul3A_2156 = vector.broadcast %mul3A_2155 : f32 to vector<16xf32>
        %mul3A_2157 = arith.mulf %mul3A_2156, %add3A_2137 : vector<16xf32>
        %mul3A_2158 = arith.mulf %mul3A_2157, %mul3A_2154 : vector<16xf32>
        %mul3A_2159 = arith.mulf %mul3A_2158, %mul3A_2154 : vector<16xf32>
        %sub3A_2160 = arith.constant 1.500000e+00 : f32
        %sub3A_2161 = vector.broadcast %sub3A_2160 : f32 to vector<16xf32>
        %sub3A_2162 = arith.subf %sub3A_2161, %mul3A_2159 : vector<16xf32>
        %mul3A_2163 = arith.mulf %mul3A_2154, %sub3A_2162 : vector<16xf32>
        %mul3A_2164 = arith.mulf %add3A_2137, %mul3A_2163 : vector<16xf32>
        %neg3A_2165 = arith.constant 0.000000e+00 : f32
        %neg3A_2166 = vector.broadcast %neg3A_2165 : f32 to vector<16xf32>
        %neg3A_2167 = arith.subf %neg3A_2166, %mul3A_2164 : vector<16xf32>
        %exp3A_2168 = math.exp %neg3A_2167 : vector<16xf32>
        %mul3A_2169 = arith.constant 120 : i32
        %mul3A_2170 = vector.broadcast %mul3A_2169 : i32 to vector<16xi32>
        %mul3A_2171 = arith.muli %get3A_2107, %mul3A_2170 : vector<16xi32>
        %add3A_2172 = arith.addi %mul3A_2171, %gather3A_2108 : vector<16xi32>
        %swap3A_2173 = arith.constant 48 : index
        %swap3A_2174 = tpu.vector_load %arg13[%swap3A_2173] {strides = array<i32>} : memref<80xf32, #tpu.memory_space<vmem>>, vector<16xf32>,
        tpu.vector_store %arg13[%swap3A_2173], %exp3A_2168 {strides = array<i32>} : memref<80xf32, #tpu.memory_space<vmem>>, vector<16xf32>,
        %swap3A_2175 = arith.constant 48 : index
        %swap3A_2176 = tpu.vector_load %arg14[%swap3A_2175] {strides = array<i32>} : memref<80xi32, #tpu.memory_space<vmem>>, vector<16xi32>,
        tpu.vector_store %arg14[%swap3A_2175], %add3A_2172 {strides = array<i32>} : memref<80xi32, #tpu.memory_space<vmem>>, vector<16xi32>,
        %add3A_2177 = arith.constant 64 : i32
        %add3A_2178 = arith.addi %mul3A_1876, %add3A_2177 : i32
        %get3A_2179 = arith.index_cast %add3A_2178 : i32 to index
        %get3A_2180 = tpu.vector_load %arg7[%get3A_2179] {strides = array<i32>} : memref<2000xi32, #tpu.memory_space<vmem>>, vector<16xi32>,
        %get3A_2181 = arith.index_cast %add3A_2178 : i32 to index
        %get3A_2182 = tpu.vector_load %arg8[%get3A_2181] {strides = array<i32>} : memref<2000xi32, #tpu.memory_space<vmem>>, vector<16xi32>,
        %gather3A_2183 = tpu.vector_load_idx %arg9[%get3A_2180] : memref<10000xi32, #tpu.memory_space<vmem>>[vector<16xi32>], vector<16xi32>,
        %gather3A_2184 = tpu.vector_load_idx %arg10[%get3A_2180] : memref<30000xf32, #tpu.memory_space<vmem>>[vector<16xi32>], vector<16xf32>,
        %gather3A_2185 = tpu.vector_load_idx %arg10[%get3A_2182] : memref<30000xf32, #tpu.memory_space<vmem>>[vector<16xi32>], vector<16xf32>,
        %sub3A_2186 = arith.subf %gather3A_2184, %gather3A_2185 : vector<16xf32>
        %add3A_2187 = arith.constant 10000 : i32
        %add3A_2188 = vector.broadcast %add3A_2187 : i32 to vector<16xi32>
        %add3A_2189 = arith.addi %get3A_2180, %add3A_2188 : vector<16xi32>
        %gather3A_2190 = tpu.vector_load_idx %arg10[%add3A_2189] : memref<30000xf32, #tpu.memory_space<vmem>>[vector<16xi32>], vector<16xf32>,
        %add3A_2191 = arith.constant 10000 : i32
        %add3A_2192 = vector.broadcast %add3A_2191 : i32 to vector<16xi32>
        %add3A_2193 = arith.addi %get3A_2182, %add3A_2192 : vector<16xi32>
        %gather3A_2194 = tpu.vector_load_idx %arg10[%add3A_2193] : memref<30000xf32, #tpu.memory_space<vmem>>[vector<16xi32>], vector<16xf32>,
        %sub3A_2195 = arith.subf %gather3A_2190, %gather3A_2194 : vector<16xf32>
        %add3A_2196 = arith.constant 20000 : i32
        %add3A_2197 = vector.broadcast %add3A_2196 : i32 to vector<16xi32>
        %add3A_2198 = arith.addi %get3A_2180, %add3A_2197 : vector<16xi32>
        %gather3A_2199 = tpu.vector_load_idx %arg10[%add3A_2198] : memref<30000xf32, #tpu.memory_space<vmem>>[vector<16xi32>], vector<16xf32>,
        %add3A_2200 = arith.constant 20000 : i32
        %add3A_2201 = vector.broadcast %add3A_2200 : i32 to vector<16xi32>
        %add3A_2202 = arith.addi %get3A_2182, %add3A_2201 : vector<16xi32>
        %gather3A_2203 = tpu.vector_load_idx %arg10[%add3A_2202] : memref<30000xf32, #tpu.memory_space<vmem>>[vector<16xi32>], vector<16xf32>,
        %sub3A_2204 = arith.subf %gather3A_2199, %gather3A_2203 : vector<16xf32>
        %mul3A_2205 = arith.mulf %sub3A_2186, %sub3A_2186 : vector<16xf32>
        %mul3A_2206 = arith.mulf %sub3A_2195, %sub3A_2195 : vector<16xf32>
        %add3A_2207 = arith.addf %mul3A_2205, %mul3A_2206 : vector<16xf32>
        %mul3A_2208 = arith.mulf %sub3A_2204, %sub3A_2204 : vector<16xf32>
        %add3A_2209 = arith.addf %add3A_2207, %mul3A_2208 : vector<16xf32>
        %add3A_2210 = arith.constant 9.99999996E-13 : f32
        %add3A_2211 = vector.broadcast %add3A_2210 : f32 to vector<16xf32>
        %add3A_2212 = arith.addf %add3A_2209, %add3A_2211 : vector<16xf32>
        %bitcast3A_2213 = vector.bitcast %add3A_2212 : vector<16xf32> to vector<16xi32>
        %shift_right_arithmetic3A_2214 = arith.constant 1 : i32
        %shift_right_arithmetic3A_2215 = vector.broadcast %shift_right_arithmetic3A_2214 : i32 to vector<16xi32>
        %shift_right_arithmetic3A_2216 = arith.shrsi %bitcast3A_2213, %shift_right_arithmetic3A_2215 : vector<16xi32>
        %sub3A_2217 = arith.constant 1597463007 : i32
        %sub3A_2218 = vector.broadcast %sub3A_2217 : i32 to vector<16xi32>
        %sub3A_2219 = arith.subi %sub3A_2218, %shift_right_arithmetic3A_2216 : vector<16xi32>
        %bitcast3A_2220 = vector.bitcast %sub3A_2219 : vector<16xi32> to vector<16xf32>
        %mul3A_2221 = arith.constant 5.000000e-01 : f32
        %mul3A_2222 = vector.broadcast %mul3A_2221 : f32 to vector<16xf32>
        %mul3A_2223 = arith.mulf %mul3A_2222, %add3A_2212 : vector<16xf32>
        %mul3A_2224 = arith.mulf %mul3A_2223, %bitcast3A_2220 : vector<16xf32>
        %mul3A_2225 = arith.mulf %mul3A_2224, %bitcast3A_2220 : vector<16xf32>
        %sub3A_2226 = arith.constant 1.500000e+00 : f32
        %sub3A_2227 = vector.broadcast %sub3A_2226 : f32 to vector<16xf32>
        %sub3A_2228 = arith.subf %sub3A_2227, %mul3A_2225 : vector<16xf32>
        %mul3A_2229 = arith.mulf %bitcast3A_2220, %sub3A_2228 : vector<16xf32>
        %mul3A_2230 = arith.constant 5.000000e-01 : f32
        %mul3A_2231 = vector.broadcast %mul3A_2230 : f32 to vector<16xf32>
        %mul3A_2232 = arith.mulf %mul3A_2231, %add3A_2212 : vector<16xf32>
        %mul3A_2233 = arith.mulf %mul3A_2232, %mul3A_2229 : vector<16xf32>
        %mul3A_2234 = arith.mulf %mul3A_2233, %mul3A_2229 : vector<16xf32>
        %sub3A_2235 = arith.constant 1.500000e+00 : f32
        %sub3A_2236 = vector.broadcast %sub3A_2235 : f32 to vector<16xf32>
        %sub3A_2237 = arith.subf %sub3A_2236, %mul3A_2234 : vector<16xf32>
        %mul3A_2238 = arith.mulf %mul3A_2229, %sub3A_2237 : vector<16xf32>
        %mul3A_2239 = arith.mulf %add3A_2212, %mul3A_2238 : vector<16xf32>
        %neg3A_2240 = arith.constant 0.000000e+00 : f32
        %neg3A_2241 = vector.broadcast %neg3A_2240 : f32 to vector<16xf32>
        %neg3A_2242 = arith.subf %neg3A_2241, %mul3A_2239 : vector<16xf32>
        %exp3A_2243 = math.exp %neg3A_2242 : vector<16xf32>
        %mul3A_2244 = arith.constant 120 : i32
        %mul3A_2245 = vector.broadcast %mul3A_2244 : i32 to vector<16xi32>
        %mul3A_2246 = arith.muli %get3A_2182, %mul3A_2245 : vector<16xi32>
        %add3A_2247 = arith.addi %mul3A_2246, %gather3A_2183 : vector<16xi32>
        %swap3A_2248 = arith.constant 64 : index
        %swap3A_2249 = tpu.vector_load %arg13[%swap3A_2248] {strides = array<i32>} : memref<80xf32, #tpu.memory_space<vmem>>, vector<16xf32>,
        tpu.vector_store %arg13[%swap3A_2248], %exp3A_2243 {strides = array<i32>} : memref<80xf32, #tpu.memory_space<vmem>>, vector<16xf32>,
        %swap3A_2250 = arith.constant 64 : index
        %swap3A_2251 = tpu.vector_load %arg14[%swap3A_2250] {strides = array<i32>} : memref<80xi32, #tpu.memory_space<vmem>>, vector<16xi32>,
        tpu.vector_store %arg14[%swap3A_2250], %add3A_2247 {strides = array<i32>} : memref<80xi32, #tpu.memory_space<vmem>>, vector<16xi32>,
        %dma_start3A_2252 = arith.constant 0 : i32
        %dma_start3A_2253 = tpu.memref_slice %arg17[%dma_start3A_2252] : memref<1200000xf32, #tpu.memory_space<vmem_shared>> -> memref<1200000xf32, #tpu.memory_space<vmem_shared>>
        tpu.enqueue_indirect_dma source(%arg13 : memref<80xf32, #tpu.memory_space<vmem>>) target(%dma_start3A_2253 : memref<1200000xf32, #tpu.memory_space<vmem_shared>>) offsets(%arg14 : memref<80xi32, #tpu.memory_space<vmem>>) semaphore(%arg19 : memref<!tpu.dma_semaphore, #tpu.memory_space<semaphore_mem>>) {add = true}
      }
      %scan3A_1109 = arith.constant 11 : i32
      %dma_wait3A_1110 = arith.constant 0 : i32
      %dma_wait3A_1111 = tpu.memref_slice %arg17[%dma_wait3A_1110] : memref<1200000xf32, #tpu.memory_space<vmem_shared>> -> memref<1200000xf32, #tpu.memory_space<vmem_shared>>
      tpu.wait_indirect_dma semaphore(%arg18 : memref<!tpu.dma_semaphore, #tpu.memory_space<semaphore_mem>>) src(%arg11 : memref<80xf32, #tpu.memory_space<vmem>>) dst(%dma_wait3A_1111 : memref<1200000xf32, #tpu.memory_space<vmem_shared>>)
      %get3A_1112 = arith.constant 1920 : index
      %get3A_1113 = tpu.vector_load %arg7[%get3A_1112] {strides = array<i32>} : memref<2000xi32, #tpu.memory_space<vmem>>, vector<16xi32>,
      %get3A_1114 = arith.constant 1920 : index
      %get3A_1115 = tpu.vector_load %arg8[%get3A_1114] {strides = array<i32>} : memref<2000xi32, #tpu.memory_space<vmem>>, vector<16xi32>,
      %gather3A_1116 = tpu.vector_load_idx %arg9[%get3A_1113] : memref<10000xi32, #tpu.memory_space<vmem>>[vector<16xi32>], vector<16xi32>,
      %gather3A_1117 = tpu.vector_load_idx %arg10[%get3A_1113] : memref<30000xf32, #tpu.memory_space<vmem>>[vector<16xi32>], vector<16xf32>,
      %gather3A_1118 = tpu.vector_load_idx %arg10[%get3A_1115] : memref<30000xf32, #tpu.memory_space<vmem>>[vector<16xi32>], vector<16xf32>,
      %sub3A_1119 = arith.subf %gather3A_1117, %gather3A_1118 : vector<16xf32>
      %add3A_1120 = arith.constant 10000 : i32
      %add3A_1121 = vector.broadcast %add3A_1120 : i32 to vector<16xi32>
      %add3A_1122 = arith.addi %get3A_1113, %add3A_1121 : vector<16xi32>
      %gather3A_1123 = tpu.vector_load_idx %arg10[%add3A_1122] : memref<30000xf32, #tpu.memory_space<vmem>>[vector<16xi32>], vector<16xf32>,
      %add3A_1124 = arith.constant 10000 : i32
      %add3A_1125 = vector.broadcast %add3A_1124 : i32 to vector<16xi32>
      %add3A_1126 = arith.addi %get3A_1115, %add3A_1125 : vector<16xi32>
      %gather3A_1127 = tpu.vector_load_idx %arg10[%add3A_1126] : memref<30000xf32, #tpu.memory_space<vmem>>[vector<16xi32>], vector<16xf32>,
      %sub3A_1128 = arith.subf %gather3A_1123, %gather3A_1127 : vector<16xf32>
      %add3A_1129 = arith.constant 20000 : i32
      %add3A_1130 = vector.broadcast %add3A_1129 : i32 to vector<16xi32>
      %add3A_1131 = arith.addi %get3A_1113, %add3A_1130 : vector<16xi32>
      %gather3A_1132 = tpu.vector_load_idx %arg10[%add3A_1131] : memref<30000xf32, #tpu.memory_space<vmem>>[vector<16xi32>], vector<16xf32>,
      %add3A_1133 = arith.constant 20000 : i32
      %add3A_1134 = vector.broadcast %add3A_1133 : i32 to vector<16xi32>
      %add3A_1135 = arith.addi %get3A_1115, %add3A_1134 : vector<16xi32>
      %gather3A_1136 = tpu.vector_load_idx %arg10[%add3A_1135] : memref<30000xf32, #tpu.memory_space<vmem>>[vector<16xi32>], vector<16xf32>,
      %sub3A_1137 = arith.subf %gather3A_1132, %gather3A_1136 : vector<16xf32>
      %mul3A_1138 = arith.mulf %sub3A_1119, %sub3A_1119 : vector<16xf32>
      %mul3A_1139 = arith.mulf %sub3A_1128, %sub3A_1128 : vector<16xf32>
      %add3A_1140 = arith.addf %mul3A_1138, %mul3A_1139 : vector<16xf32>
      %mul3A_1141 = arith.mulf %sub3A_1137, %sub3A_1137 : vector<16xf32>
      %add3A_1142 = arith.addf %add3A_1140, %mul3A_1141 : vector<16xf32>
      %add3A_1143 = arith.constant 9.99999996E-13 : f32
      %add3A_1144 = vector.broadcast %add3A_1143 : f32 to vector<16xf32>
      %add3A_1145 = arith.addf %add3A_1142, %add3A_1144 : vector<16xf32>
      %bitcast3A_1146 = vector.bitcast %add3A_1145 : vector<16xf32> to vector<16xi32>
      %shift_right_arithmetic3A_1147 = arith.constant 1 : i32
      %shift_right_arithmetic3A_1148 = vector.broadcast %shift_right_arithmetic3A_1147 : i32 to vector<16xi32>
      %shift_right_arithmetic3A_1149 = arith.shrsi %bitcast3A_1146, %shift_right_arithmetic3A_1148 : vector<16xi32>
      %sub3A_1150 = arith.constant 1597463007 : i32
      %sub3A_1151 = vector.broadcast %sub3A_1150 : i32 to vector<16xi32>
      %sub3A_1152 = arith.subi %sub3A_1151, %shift_right_arithmetic3A_1149 : vector<16xi32>
      %bitcast3A_1153 = vector.bitcast %sub3A_1152 : vector<16xi32> to vector<16xf32>
      %mul3A_1154 = arith.constant 5.000000e-01 : f32
      %mul3A_1155 = vector.broadcast %mul3A_1154 : f32 to vector<16xf32>
      %mul3A_1156 = arith.mulf %mul3A_1155, %add3A_1145 : vector<16xf32>
      %mul3A_1157 = arith.mulf %mul3A_1156, %bitcast3A_1153 : vector<16xf32>
      %mul3A_1158 = arith.mulf %mul3A_1157, %bitcast3A_1153 : vector<16xf32>
      %sub3A_1159 = arith.constant 1.500000e+00 : f32
      %sub3A_1160 = vector.broadcast %sub3A_1159 : f32 to vector<16xf32>
      %sub3A_1161 = arith.subf %sub3A_1160, %mul3A_1158 : vector<16xf32>
      %mul3A_1162 = arith.mulf %bitcast3A_1153, %sub3A_1161 : vector<16xf32>
      %mul3A_1163 = arith.constant 5.000000e-01 : f32
      %mul3A_1164 = vector.broadcast %mul3A_1163 : f32 to vector<16xf32>
      %mul3A_1165 = arith.mulf %mul3A_1164, %add3A_1145 : vector<16xf32>
      %mul3A_1166 = arith.mulf %mul3A_1165, %mul3A_1162 : vector<16xf32>
      %mul3A_1167 = arith.mulf %mul3A_1166, %mul3A_1162 : vector<16xf32>
      %sub3A_1168 = arith.constant 1.500000e+00 : f32
      %sub3A_1169 = vector.broadcast %sub3A_1168 : f32 to vector<16xf32>
      %sub3A_1170 = arith.subf %sub3A_1169, %mul3A_1167 : vector<16xf32>
      %mul3A_1171 = arith.mulf %mul3A_1162, %sub3A_1170 : vector<16xf32>
      %mul3A_1172 = arith.mulf %add3A_1145, %mul3A_1171 : vector<16xf32>
      %neg3A_1173 = arith.constant 0.000000e+00 : f32
      %neg3A_1174 = vector.broadcast %neg3A_1173 : f32 to vector<16xf32>
      %neg3A_1175 = arith.subf %neg3A_1174, %mul3A_1172 : vector<16xf32>
      %exp3A_1176 = math.exp %neg3A_1175 : vector<16xf32>
      %mul3A_1177 = arith.constant 120 : i32
      %mul3A_1178 = vector.broadcast %mul3A_1177 : i32 to vector<16xi32>
      %mul3A_1179 = arith.muli %get3A_1115, %mul3A_1178 : vector<16xi32>
      %add3A_1180 = arith.addi %mul3A_1179, %gather3A_1116 : vector<16xi32>
      %swap3A_1181 = arith.constant 0 : index
      %swap3A_1182 = tpu.vector_load %arg11[%swap3A_1181] {strides = array<i32>} : memref<80xf32, #tpu.memory_space<vmem>>, vector<16xf32>,
      tpu.vector_store %arg11[%swap3A_1181], %exp3A_1176 {strides = array<i32>} : memref<80xf32, #tpu.memory_space<vmem>>, vector<16xf32>,
      %swap3A_1183 = arith.constant 0 : index
      %swap3A_1184 = tpu.vector_load %arg12[%swap3A_1183] {strides = array<i32>} : memref<80xi32, #tpu.memory_space<vmem>>, vector<16xi32>,
      tpu.vector_store %arg12[%swap3A_1183], %add3A_1180 {strides = array<i32>} : memref<80xi32, #tpu.memory_space<vmem>>, vector<16xi32>,
      %get3A_1185 = arith.constant 1936 : index
      %get3A_1186 = tpu.vector_load %arg7[%get3A_1185] {strides = array<i32>} : memref<2000xi32, #tpu.memory_space<vmem>>, vector<16xi32>,
      %get3A_1187 = arith.constant 1936 : index
      %get3A_1188 = tpu.vector_load %arg8[%get3A_1187] {strides = array<i32>} : memref<2000xi32, #tpu.memory_space<vmem>>, vector<16xi32>,
      %gather3A_1189 = tpu.vector_load_idx %arg9[%get3A_1186] : memref<10000xi32, #tpu.memory_space<vmem>>[vector<16xi32>], vector<16xi32>,
      %gather3A_1190 = tpu.vector_load_idx %arg10[%get3A_1186] : memref<30000xf32, #tpu.memory_space<vmem>>[vector<16xi32>], vector<16xf32>,
      %gather3A_1191 = tpu.vector_load_idx %arg10[%get3A_1188] : memref<30000xf32, #tpu.memory_space<vmem>>[vector<16xi32>], vector<16xf32>,
      %sub3A_1192 = arith.subf %gather3A_1190, %gather3A_1191 : vector<16xf32>
      %add3A_1193 = arith.constant 10000 : i32
      %add3A_1194 = vector.broadcast %add3A_1193 : i32 to vector<16xi32>
      %add3A_1195 = arith.addi %get3A_1186, %add3A_1194 : vector<16xi32>
      %gather3A_1196 = tpu.vector_load_idx %arg10[%add3A_1195] : memref<30000xf32, #tpu.memory_space<vmem>>[vector<16xi32>], vector<16xf32>,
      %add3A_1197 = arith.constant 10000 : i32
      %add3A_1198 = vector.broadcast %add3A_1197 : i32 to vector<16xi32>
      %add3A_1199 = arith.addi %get3A_1188, %add3A_1198 : vector<16xi32>
      %gather3A_1200 = tpu.vector_load_idx %arg10[%add3A_1199] : memref<30000xf32, #tpu.memory_space<vmem>>[vector<16xi32>], vector<16xf32>,
      %sub3A_1201 = arith.subf %gather3A_1196, %gather3A_1200 : vector<16xf32>
      %add3A_1202 = arith.constant 20000 : i32
      %add3A_1203 = vector.broadcast %add3A_1202 : i32 to vector<16xi32>
      %add3A_1204 = arith.addi %get3A_1186, %add3A_1203 : vector<16xi32>
      %gather3A_1205 = tpu.vector_load_idx %arg10[%add3A_1204] : memref<30000xf32, #tpu.memory_space<vmem>>[vector<16xi32>], vector<16xf32>,
      %add3A_1206 = arith.constant 20000 : i32
      %add3A_1207 = vector.broadcast %add3A_1206 : i32 to vector<16xi32>
      %add3A_1208 = arith.addi %get3A_1188, %add3A_1207 : vector<16xi32>
      %gather3A_1209 = tpu.vector_load_idx %arg10[%add3A_1208] : memref<30000xf32, #tpu.memory_space<vmem>>[vector<16xi32>], vector<16xf32>,
      %sub3A_1210 = arith.subf %gather3A_1205, %gather3A_1209 : vector<16xf32>
      %mul3A_1211 = arith.mulf %sub3A_1192, %sub3A_1192 : vector<16xf32>
      %mul3A_1212 = arith.mulf %sub3A_1201, %sub3A_1201 : vector<16xf32>
      %add3A_1213 = arith.addf %mul3A_1211, %mul3A_1212 : vector<16xf32>
      %mul3A_1214 = arith.mulf %sub3A_1210, %sub3A_1210 : vector<16xf32>
      %add3A_1215 = arith.addf %add3A_1213, %mul3A_1214 : vector<16xf32>
      %add3A_1216 = arith.constant 9.99999996E-13 : f32
      %add3A_1217 = vector.broadcast %add3A_1216 : f32 to vector<16xf32>
      %add3A_1218 = arith.addf %add3A_1215, %add3A_1217 : vector<16xf32>
      %bitcast3A_1219 = vector.bitcast %add3A_1218 : vector<16xf32> to vector<16xi32>
      %shift_right_arithmetic3A_1220 = arith.constant 1 : i32
      %shift_right_arithmetic3A_1221 = vector.broadcast %shift_right_arithmetic3A_1220 : i32 to vector<16xi32>
      %shift_right_arithmetic3A_1222 = arith.shrsi %bitcast3A_1219, %shift_right_arithmetic3A_1221 : vector<16xi32>
      %sub3A_1223 = arith.constant 1597463007 : i32
      %sub3A_1224 = vector.broadcast %sub3A_1223 : i32 to vector<16xi32>
      %sub3A_1225 = arith.subi %sub3A_1224, %shift_right_arithmetic3A_1222 : vector<16xi32>
      %bitcast3A_1226 = vector.bitcast %sub3A_1225 : vector<16xi32> to vector<16xf32>
      %mul3A_1227 = arith.constant 5.000000e-01 : f32
      %mul3A_1228 = vector.broadcast %mul3A_1227 : f32 to vector<16xf32>
      %mul3A_1229 = arith.mulf %mul3A_1228, %add3A_1218 : vector<16xf32>
      %mul3A_1230 = arith.mulf %mul3A_1229, %bitcast3A_1226 : vector<16xf32>
      %mul3A_1231 = arith.mulf %mul3A_1230, %bitcast3A_1226 : vector<16xf32>
      %sub3A_1232 = arith.constant 1.500000e+00 : f32
      %sub3A_1233 = vector.broadcast %sub3A_1232 : f32 to vector<16xf32>
      %sub3A_1234 = arith.subf %sub3A_1233, %mul3A_1231 : vector<16xf32>
      %mul3A_1235 = arith.mulf %bitcast3A_1226, %sub3A_1234 : vector<16xf32>
      %mul3A_1236 = arith.constant 5.000000e-01 : f32
      %mul3A_1237 = vector.broadcast %mul3A_1236 : f32 to vector<16xf32>
      %mul3A_1238 = arith.mulf %mul3A_1237, %add3A_1218 : vector<16xf32>
      %mul3A_1239 = arith.mulf %mul3A_1238, %mul3A_1235 : vector<16xf32>
      %mul3A_1240 = arith.mulf %mul3A_1239, %mul3A_1235 : vector<16xf32>
      %sub3A_1241 = arith.constant 1.500000e+00 : f32
      %sub3A_1242 = vector.broadcast %sub3A_1241 : f32 to vector<16xf32>
      %sub3A_1243 = arith.subf %sub3A_1242, %mul3A_1240 : vector<16xf32>
      %mul3A_1244 = arith.mulf %mul3A_1235, %sub3A_1243 : vector<16xf32>
      %mul3A_1245 = arith.mulf %add3A_1218, %mul3A_1244 : vector<16xf32>
      %neg3A_1246 = arith.constant 0.000000e+00 : f32
      %neg3A_1247 = vector.broadcast %neg3A_1246 : f32 to vector<16xf32>
      %neg3A_1248 = arith.subf %neg3A_1247, %mul3A_1245 : vector<16xf32>
      %exp3A_1249 = math.exp %neg3A_1248 : vector<16xf32>
      %mul3A_1250 = arith.constant 120 : i32
      %mul3A_1251 = vector.broadcast %mul3A_1250 : i32 to vector<16xi32>
      %mul3A_1252 = arith.muli %get3A_1188, %mul3A_1251 : vector<16xi32>
      %add3A_1253 = arith.addi %mul3A_1252, %gather3A_1189 : vector<16xi32>
      %swap3A_1254 = arith.constant 16 : index
      %swap3A_1255 = tpu.vector_load %arg11[%swap3A_1254] {strides = array<i32>} : memref<80xf32, #tpu.memory_space<vmem>>, vector<16xf32>,
      tpu.vector_store %arg11[%swap3A_1254], %exp3A_1249 {strides = array<i32>} : memref<80xf32, #tpu.memory_space<vmem>>, vector<16xf32>,
      %swap3A_1256 = arith.constant 16 : index
      %swap3A_1257 = tpu.vector_load %arg12[%swap3A_1256] {strides = array<i32>} : memref<80xi32, #tpu.memory_space<vmem>>, vector<16xi32>,
      tpu.vector_store %arg12[%swap3A_1256], %add3A_1253 {strides = array<i32>} : memref<80xi32, #tpu.memory_space<vmem>>, vector<16xi32>,
      %get3A_1258 = arith.constant 1952 : index
      %get3A_1259 = tpu.vector_load %arg7[%get3A_1258] {strides = array<i32>} : memref<2000xi32, #tpu.memory_space<vmem>>, vector<16xi32>,
      %get3A_1260 = arith.constant 1952 : index
      %get3A_1261 = tpu.vector_load %arg8[%get3A_1260] {strides = array<i32>} : memref<2000xi32, #tpu.memory_space<vmem>>, vector<16xi32>,
      %gather3A_1262 = tpu.vector_load_idx %arg9[%get3A_1259] : memref<10000xi32, #tpu.memory_space<vmem>>[vector<16xi32>], vector<16xi32>,
      %gather3A_1263 = tpu.vector_load_idx %arg10[%get3A_1259] : memref<30000xf32, #tpu.memory_space<vmem>>[vector<16xi32>], vector<16xf32>,
      %gather3A_1264 = tpu.vector_load_idx %arg10[%get3A_1261] : memref<30000xf32, #tpu.memory_space<vmem>>[vector<16xi32>], vector<16xf32>,
      %sub3A_1265 = arith.subf %gather3A_1263, %gather3A_1264 : vector<16xf32>
      %add3A_1266 = arith.constant 10000 : i32
      %add3A_1267 = vector.broadcast %add3A_1266 : i32 to vector<16xi32>
      %add3A_1268 = arith.addi %get3A_1259, %add3A_1267 : vector<16xi32>
      %gather3A_1269 = tpu.vector_load_idx %arg10[%add3A_1268] : memref<30000xf32, #tpu.memory_space<vmem>>[vector<16xi32>], vector<16xf32>,
      %add3A_1270 = arith.constant 10000 : i32
      %add3A_1271 = vector.broadcast %add3A_1270 : i32 to vector<16xi32>
      %add3A_1272 = arith.addi %get3A_1261, %add3A_1271 : vector<16xi32>
      %gather3A_1273 = tpu.vector_load_idx %arg10[%add3A_1272] : memref<30000xf32, #tpu.memory_space<vmem>>[vector<16xi32>], vector<16xf32>,
      %sub3A_1274 = arith.subf %gather3A_1269, %gather3A_1273 : vector<16xf32>
      %add3A_1275 = arith.constant 20000 : i32
      %add3A_1276 = vector.broadcast %add3A_1275 : i32 to vector<16xi32>
      %add3A_1277 = arith.addi %get3A_1259, %add3A_1276 : vector<16xi32>
      %gather3A_1278 = tpu.vector_load_idx %arg10[%add3A_1277] : memref<30000xf32, #tpu.memory_space<vmem>>[vector<16xi32>], vector<16xf32>,
      %add3A_1279 = arith.constant 20000 : i32
      %add3A_1280 = vector.broadcast %add3A_1279 : i32 to vector<16xi32>
      %add3A_1281 = arith.addi %get3A_1261, %add3A_1280 : vector<16xi32>
      %gather3A_1282 = tpu.vector_load_idx %arg10[%add3A_1281] : memref<30000xf32, #tpu.memory_space<vmem>>[vector<16xi32>], vector<16xf32>,
      %sub3A_1283 = arith.subf %gather3A_1278, %gather3A_1282 : vector<16xf32>
      %mul3A_1284 = arith.mulf %sub3A_1265, %sub3A_1265 : vector<16xf32>
      %mul3A_1285 = arith.mulf %sub3A_1274, %sub3A_1274 : vector<16xf32>
      %add3A_1286 = arith.addf %mul3A_1284, %mul3A_1285 : vector<16xf32>
      %mul3A_1287 = arith.mulf %sub3A_1283, %sub3A_1283 : vector<16xf32>
      %add3A_1288 = arith.addf %add3A_1286, %mul3A_1287 : vector<16xf32>
      %add3A_1289 = arith.constant 9.99999996E-13 : f32
      %add3A_1290 = vector.broadcast %add3A_1289 : f32 to vector<16xf32>
      %add3A_1291 = arith.addf %add3A_1288, %add3A_1290 : vector<16xf32>
      %bitcast3A_1292 = vector.bitcast %add3A_1291 : vector<16xf32> to vector<16xi32>
      %shift_right_arithmetic3A_1293 = arith.constant 1 : i32
      %shift_right_arithmetic3A_1294 = vector.broadcast %shift_right_arithmetic3A_1293 : i32 to vector<16xi32>
      %shift_right_arithmetic3A_1295 = arith.shrsi %bitcast3A_1292, %shift_right_arithmetic3A_1294 : vector<16xi32>
      %sub3A_1296 = arith.constant 1597463007 : i32
      %sub3A_1297 = vector.broadcast %sub3A_1296 : i32 to vector<16xi32>
      %sub3A_1298 = arith.subi %sub3A_1297, %shift_right_arithmetic3A_1295 : vector<16xi32>
      %bitcast3A_1299 = vector.bitcast %sub3A_1298 : vector<16xi32> to vector<16xf32>
      %mul3A_1300 = arith.constant 5.000000e-01 : f32
      %mul3A_1301 = vector.broadcast %mul3A_1300 : f32 to vector<16xf32>
      %mul3A_1302 = arith.mulf %mul3A_1301, %add3A_1291 : vector<16xf32>
      %mul3A_1303 = arith.mulf %mul3A_1302, %bitcast3A_1299 : vector<16xf32>
      %mul3A_1304 = arith.mulf %mul3A_1303, %bitcast3A_1299 : vector<16xf32>
      %sub3A_1305 = arith.constant 1.500000e+00 : f32
      %sub3A_1306 = vector.broadcast %sub3A_1305 : f32 to vector<16xf32>
      %sub3A_1307 = arith.subf %sub3A_1306, %mul3A_1304 : vector<16xf32>
      %mul3A_1308 = arith.mulf %bitcast3A_1299, %sub3A_1307 : vector<16xf32>
      %mul3A_1309 = arith.constant 5.000000e-01 : f32
      %mul3A_1310 = vector.broadcast %mul3A_1309 : f32 to vector<16xf32>
      %mul3A_1311 = arith.mulf %mul3A_1310, %add3A_1291 : vector<16xf32>
      %mul3A_1312 = arith.mulf %mul3A_1311, %mul3A_1308 : vector<16xf32>
      %mul3A_1313 = arith.mulf %mul3A_1312, %mul3A_1308 : vector<16xf32>
      %sub3A_1314 = arith.constant 1.500000e+00 : f32
      %sub3A_1315 = vector.broadcast %sub3A_1314 : f32 to vector<16xf32>
      %sub3A_1316 = arith.subf %sub3A_1315, %mul3A_1313 : vector<16xf32>
      %mul3A_1317 = arith.mulf %mul3A_1308, %sub3A_1316 : vector<16xf32>
      %mul3A_1318 = arith.mulf %add3A_1291, %mul3A_1317 : vector<16xf32>
      %neg3A_1319 = arith.constant 0.000000e+00 : f32
      %neg3A_1320 = vector.broadcast %neg3A_1319 : f32 to vector<16xf32>
      %neg3A_1321 = arith.subf %neg3A_1320, %mul3A_1318 : vector<16xf32>
      %exp3A_1322 = math.exp %neg3A_1321 : vector<16xf32>
      %mul3A_1323 = arith.constant 120 : i32
      %mul3A_1324 = vector.broadcast %mul3A_1323 : i32 to vector<16xi32>
      %mul3A_1325 = arith.muli %get3A_1261, %mul3A_1324 : vector<16xi32>
      %add3A_1326 = arith.addi %mul3A_1325, %gather3A_1262 : vector<16xi32>
      %swap3A_1327 = arith.constant 32 : index
      %swap3A_1328 = tpu.vector_load %arg11[%swap3A_1327] {strides = array<i32>} : memref<80xf32, #tpu.memory_space<vmem>>, vector<16xf32>,
      tpu.vector_store %arg11[%swap3A_1327], %exp3A_1322 {strides = array<i32>} : memref<80xf32, #tpu.memory_space<vmem>>, vector<16xf32>,
      %swap3A_1329 = arith.constant 32 : index
      %swap3A_1330 = tpu.vector_load %arg12[%swap3A_1329] {strides = array<i32>} : memref<80xi32, #tpu.memory_space<vmem>>, vector<16xi32>,
      tpu.vector_store %arg12[%swap3A_1329], %add3A_1326 {strides = array<i32>} : memref<80xi32, #tpu.memory_space<vmem>>, vector<16xi32>,
      %get3A_1331 = arith.constant 1968 : index
      %get3A_1332 = tpu.vector_load %arg7[%get3A_1331] {strides = array<i32>} : memref<2000xi32, #tpu.memory_space<vmem>>, vector<16xi32>,
      %get3A_1333 = arith.constant 1968 : index
      %get3A_1334 = tpu.vector_load %arg8[%get3A_1333] {strides = array<i32>} : memref<2000xi32, #tpu.memory_space<vmem>>, vector<16xi32>,
      %gather3A_1335 = tpu.vector_load_idx %arg9[%get3A_1332] : memref<10000xi32, #tpu.memory_space<vmem>>[vector<16xi32>], vector<16xi32>,
      %gather3A_1336 = tpu.vector_load_idx %arg10[%get3A_1332] : memref<30000xf32, #tpu.memory_space<vmem>>[vector<16xi32>], vector<16xf32>,
      %gather3A_1337 = tpu.vector_load_idx %arg10[%get3A_1334] : memref<30000xf32, #tpu.memory_space<vmem>>[vector<16xi32>], vector<16xf32>,
      %sub3A_1338 = arith.subf %gather3A_1336, %gather3A_1337 : vector<16xf32>
      %add3A_1339 = arith.constant 10000 : i32
      %add3A_1340 = vector.broadcast %add3A_1339 : i32 to vector<16xi32>
      %add3A_1341 = arith.addi %get3A_1332, %add3A_1340 : vector<16xi32>
      %gather3A_1342 = tpu.vector_load_idx %arg10[%add3A_1341] : memref<30000xf32, #tpu.memory_space<vmem>>[vector<16xi32>], vector<16xf32>,
      %add3A_1343 = arith.constant 10000 : i32
      %add3A_1344 = vector.broadcast %add3A_1343 : i32 to vector<16xi32>
      %add3A_1345 = arith.addi %get3A_1334, %add3A_1344 : vector<16xi32>
      %gather3A_1346 = tpu.vector_load_idx %arg10[%add3A_1345] : memref<30000xf32, #tpu.memory_space<vmem>>[vector<16xi32>], vector<16xf32>,
      %sub3A_1347 = arith.subf %gather3A_1342, %gather3A_1346 : vector<16xf32>
      %add3A_1348 = arith.constant 20000 : i32
      %add3A_1349 = vector.broadcast %add3A_1348 : i32 to vector<16xi32>
      %add3A_1350 = arith.addi %get3A_1332, %add3A_1349 : vector<16xi32>
      %gather3A_1351 = tpu.vector_load_idx %arg10[%add3A_1350] : memref<30000xf32, #tpu.memory_space<vmem>>[vector<16xi32>], vector<16xf32>,
      %add3A_1352 = arith.constant 20000 : i32
      %add3A_1353 = vector.broadcast %add3A_1352 : i32 to vector<16xi32>
      %add3A_1354 = arith.addi %get3A_1334, %add3A_1353 : vector<16xi32>
      %gather3A_1355 = tpu.vector_load_idx %arg10[%add3A_1354] : memref<30000xf32, #tpu.memory_space<vmem>>[vector<16xi32>], vector<16xf32>,
      %sub3A_1356 = arith.subf %gather3A_1351, %gather3A_1355 : vector<16xf32>
      %mul3A_1357 = arith.mulf %sub3A_1338, %sub3A_1338 : vector<16xf32>
      %mul3A_1358 = arith.mulf %sub3A_1347, %sub3A_1347 : vector<16xf32>
      %add3A_1359 = arith.addf %mul3A_1357, %mul3A_1358 : vector<16xf32>
      %mul3A_1360 = arith.mulf %sub3A_1356, %sub3A_1356 : vector<16xf32>
      %add3A_1361 = arith.addf %add3A_1359, %mul3A_1360 : vector<16xf32>
      %add3A_1362 = arith.constant 9.99999996E-13 : f32
      %add3A_1363 = vector.broadcast %add3A_1362 : f32 to vector<16xf32>
      %add3A_1364 = arith.addf %add3A_1361, %add3A_1363 : vector<16xf32>
      %bitcast3A_1365 = vector.bitcast %add3A_1364 : vector<16xf32> to vector<16xi32>
      %shift_right_arithmetic3A_1366 = arith.constant 1 : i32
      %shift_right_arithmetic3A_1367 = vector.broadcast %shift_right_arithmetic3A_1366 : i32 to vector<16xi32>
      %shift_right_arithmetic3A_1368 = arith.shrsi %bitcast3A_1365, %shift_right_arithmetic3A_1367 : vector<16xi32>
      %sub3A_1369 = arith.constant 1597463007 : i32
      %sub3A_1370 = vector.broadcast %sub3A_1369 : i32 to vector<16xi32>
      %sub3A_1371 = arith.subi %sub3A_1370, %shift_right_arithmetic3A_1368 : vector<16xi32>
      %bitcast3A_1372 = vector.bitcast %sub3A_1371 : vector<16xi32> to vector<16xf32>
      %mul3A_1373 = arith.constant 5.000000e-01 : f32
      %mul3A_1374 = vector.broadcast %mul3A_1373 : f32 to vector<16xf32>
      %mul3A_1375 = arith.mulf %mul3A_1374, %add3A_1364 : vector<16xf32>
      %mul3A_1376 = arith.mulf %mul3A_1375, %bitcast3A_1372 : vector<16xf32>
      %mul3A_1377 = arith.mulf %mul3A_1376, %bitcast3A_1372 : vector<16xf32>
      %sub3A_1378 = arith.constant 1.500000e+00 : f32
      %sub3A_1379 = vector.broadcast %sub3A_1378 : f32 to vector<16xf32>
      %sub3A_1380 = arith.subf %sub3A_1379, %mul3A_1377 : vector<16xf32>
      %mul3A_1381 = arith.mulf %bitcast3A_1372, %sub3A_1380 : vector<16xf32>
      %mul3A_1382 = arith.constant 5.000000e-01 : f32
      %mul3A_1383 = vector.broadcast %mul3A_1382 : f32 to vector<16xf32>
      %mul3A_1384 = arith.mulf %mul3A_1383, %add3A_1364 : vector<16xf32>
      %mul3A_1385 = arith.mulf %mul3A_1384, %mul3A_1381 : vector<16xf32>
      %mul3A_1386 = arith.mulf %mul3A_1385, %mul3A_1381 : vector<16xf32>
      %sub3A_1387 = arith.constant 1.500000e+00 : f32
      %sub3A_1388 = vector.broadcast %sub3A_1387 : f32 to vector<16xf32>
      %sub3A_1389 = arith.subf %sub3A_1388, %mul3A_1386 : vector<16xf32>
      %mul3A_1390 = arith.mulf %mul3A_1381, %sub3A_1389 : vector<16xf32>
      %mul3A_1391 = arith.mulf %add3A_1364, %mul3A_1390 : vector<16xf32>
      %neg3A_1392 = arith.constant 0.000000e+00 : f32
      %neg3A_1393 = vector.broadcast %neg3A_1392 : f32 to vector<16xf32>
      %neg3A_1394 = arith.subf %neg3A_1393, %mul3A_1391 : vector<16xf32>
      %exp3A_1395 = math.exp %neg3A_1394 : vector<16xf32>
      %mul3A_1396 = arith.constant 120 : i32
      %mul3A_1397 = vector.broadcast %mul3A_1396 : i32 to vector<16xi32>
      %mul3A_1398 = arith.muli %get3A_1334, %mul3A_1397 : vector<16xi32>
      %add3A_1399 = arith.addi %mul3A_1398, %gather3A_1335 : vector<16xi32>
      %swap3A_1400 = arith.constant 48 : index
      %swap3A_1401 = tpu.vector_load %arg11[%swap3A_1400] {strides = array<i32>} : memref<80xf32, #tpu.memory_space<vmem>>, vector<16xf32>,
      tpu.vector_store %arg11[%swap3A_1400], %exp3A_1395 {strides = array<i32>} : memref<80xf32, #tpu.memory_space<vmem>>, vector<16xf32>,
      %swap3A_1402 = arith.constant 48 : index
      %swap3A_1403 = tpu.vector_load %arg12[%swap3A_1402] {strides = array<i32>} : memref<80xi32, #tpu.memory_space<vmem>>, vector<16xi32>,
      tpu.vector_store %arg12[%swap3A_1402], %add3A_1399 {strides = array<i32>} : memref<80xi32, #tpu.memory_space<vmem>>, vector<16xi32>,
      %get3A_1404 = arith.constant 1984 : index
      %get3A_1405 = tpu.vector_load %arg7[%get3A_1404] {strides = array<i32>} : memref<2000xi32, #tpu.memory_space<vmem>>, vector<16xi32>,
      %get3A_1406 = arith.constant 1984 : index
      %get3A_1407 = tpu.vector_load %arg8[%get3A_1406] {strides = array<i32>} : memref<2000xi32, #tpu.memory_space<vmem>>, vector<16xi32>,
      %gather3A_1408 = tpu.vector_load_idx %arg9[%get3A_1405] : memref<10000xi32, #tpu.memory_space<vmem>>[vector<16xi32>], vector<16xi32>,
      %gather3A_1409 = tpu.vector_load_idx %arg10[%get3A_1405] : memref<30000xf32, #tpu.memory_space<vmem>>[vector<16xi32>], vector<16xf32>,
      %gather3A_1410 = tpu.vector_load_idx %arg10[%get3A_1407] : memref<30000xf32, #tpu.memory_space<vmem>>[vector<16xi32>], vector<16xf32>,
      %sub3A_1411 = arith.subf %gather3A_1409, %gather3A_1410 : vector<16xf32>
      %add3A_1412 = arith.constant 10000 : i32
      %add3A_1413 = vector.broadcast %add3A_1412 : i32 to vector<16xi32>
      %add3A_1414 = arith.addi %get3A_1405, %add3A_1413 : vector<16xi32>
      %gather3A_1415 = tpu.vector_load_idx %arg10[%add3A_1414] : memref<30000xf32, #tpu.memory_space<vmem>>[vector<16xi32>], vector<16xf32>,
      %add3A_1416 = arith.constant 10000 : i32
      %add3A_1417 = vector.broadcast %add3A_1416 : i32 to vector<16xi32>
      %add3A_1418 = arith.addi %get3A_1407, %add3A_1417 : vector<16xi32>
      %gather3A_1419 = tpu.vector_load_idx %arg10[%add3A_1418] : memref<30000xf32, #tpu.memory_space<vmem>>[vector<16xi32>], vector<16xf32>,
      %sub3A_1420 = arith.subf %gather3A_1415, %gather3A_1419 : vector<16xf32>
      %add3A_1421 = arith.constant 20000 : i32
      %add3A_1422 = vector.broadcast %add3A_1421 : i32 to vector<16xi32>
      %add3A_1423 = arith.addi %get3A_1405, %add3A_1422 : vector<16xi32>
      %gather3A_1424 = tpu.vector_load_idx %arg10[%add3A_1423] : memref<30000xf32, #tpu.memory_space<vmem>>[vector<16xi32>], vector<16xf32>,
      %add3A_1425 = arith.constant 20000 : i32
      %add3A_1426 = vector.broadcast %add3A_1425 : i32 to vector<16xi32>
      %add3A_1427 = arith.addi %get3A_1407, %add3A_1426 : vector<16xi32>
      %gather3A_1428 = tpu.vector_load_idx %arg10[%add3A_1427] : memref<30000xf32, #tpu.memory_space<vmem>>[vector<16xi32>], vector<16xf32>,
      %sub3A_1429 = arith.subf %gather3A_1424, %gather3A_1428 : vector<16xf32>
      %mul3A_1430 = arith.mulf %sub3A_1411, %sub3A_1411 : vector<16xf32>
      %mul3A_1431 = arith.mulf %sub3A_1420, %sub3A_1420 : vector<16xf32>
      %add3A_1432 = arith.addf %mul3A_1430, %mul3A_1431 : vector<16xf32>
      %mul3A_1433 = arith.mulf %sub3A_1429, %sub3A_1429 : vector<16xf32>
      %add3A_1434 = arith.addf %add3A_1432, %mul3A_1433 : vector<16xf32>
      %add3A_1435 = arith.constant 9.99999996E-13 : f32
      %add3A_1436 = vector.broadcast %add3A_1435 : f32 to vector<16xf32>
      %add3A_1437 = arith.addf %add3A_1434, %add3A_1436 : vector<16xf32>
      %bitcast3A_1438 = vector.bitcast %add3A_1437 : vector<16xf32> to vector<16xi32>
      %shift_right_arithmetic3A_1439 = arith.constant 1 : i32
      %shift_right_arithmetic3A_1440 = vector.broadcast %shift_right_arithmetic3A_1439 : i32 to vector<16xi32>
      %shift_right_arithmetic3A_1441 = arith.shrsi %bitcast3A_1438, %shift_right_arithmetic3A_1440 : vector<16xi32>
      %sub3A_1442 = arith.constant 1597463007 : i32
      %sub3A_1443 = vector.broadcast %sub3A_1442 : i32 to vector<16xi32>
      %sub3A_1444 = arith.subi %sub3A_1443, %shift_right_arithmetic3A_1441 : vector<16xi32>
      %bitcast3A_1445 = vector.bitcast %sub3A_1444 : vector<16xi32> to vector<16xf32>
      %mul3A_1446 = arith.constant 5.000000e-01 : f32
      %mul3A_1447 = vector.broadcast %mul3A_1446 : f32 to vector<16xf32>
      %mul3A_1448 = arith.mulf %mul3A_1447, %add3A_1437 : vector<16xf32>
      %mul3A_1449 = arith.mulf %mul3A_1448, %bitcast3A_1445 : vector<16xf32>
      %mul3A_1450 = arith.mulf %mul3A_1449, %bitcast3A_1445 : vector<16xf32>
      %sub3A_1451 = arith.constant 1.500000e+00 : f32
      %sub3A_1452 = vector.broadcast %sub3A_1451 : f32 to vector<16xf32>
      %sub3A_1453 = arith.subf %sub3A_1452, %mul3A_1450 : vector<16xf32>
      %mul3A_1454 = arith.mulf %bitcast3A_1445, %sub3A_1453 : vector<16xf32>
      %mul3A_1455 = arith.constant 5.000000e-01 : f32
      %mul3A_1456 = vector.broadcast %mul3A_1455 : f32 to vector<16xf32>
      %mul3A_1457 = arith.mulf %mul3A_1456, %add3A_1437 : vector<16xf32>
      %mul3A_1458 = arith.mulf %mul3A_1457, %mul3A_1454 : vector<16xf32>
      %mul3A_1459 = arith.mulf %mul3A_1458, %mul3A_1454 : vector<16xf32>
      %sub3A_1460 = arith.constant 1.500000e+00 : f32
      %sub3A_1461 = vector.broadcast %sub3A_1460 : f32 to vector<16xf32>
      %sub3A_1462 = arith.subf %sub3A_1461, %mul3A_1459 : vector<16xf32>
      %mul3A_1463 = arith.mulf %mul3A_1454, %sub3A_1462 : vector<16xf32>
      %mul3A_1464 = arith.mulf %add3A_1437, %mul3A_1463 : vector<16xf32>
      %neg3A_1465 = arith.constant 0.000000e+00 : f32
      %neg3A_1466 = vector.broadcast %neg3A_1465 : f32 to vector<16xf32>
      %neg3A_1467 = arith.subf %neg3A_1466, %mul3A_1464 : vector<16xf32>
      %exp3A_1468 = math.exp %neg3A_1467 : vector<16xf32>
      %mul3A_1469 = arith.constant 120 : i32
      %mul3A_1470 = vector.broadcast %mul3A_1469 : i32 to vector<16xi32>
      %mul3A_1471 = arith.muli %get3A_1407, %mul3A_1470 : vector<16xi32>
      %add3A_1472 = arith.addi %mul3A_1471, %gather3A_1408 : vector<16xi32>
      %swap3A_1473 = arith.constant 64 : index
      %swap3A_1474 = tpu.vector_load %arg11[%swap3A_1473] {strides = array<i32>} : memref<80xf32, #tpu.memory_space<vmem>>, vector<16xf32>,
      tpu.vector_store %arg11[%swap3A_1473], %exp3A_1468 {strides = array<i32>} : memref<80xf32, #tpu.memory_space<vmem>>, vector<16xf32>,
      %swap3A_1475 = arith.constant 64 : index
      %swap3A_1476 = tpu.vector_load %arg12[%swap3A_1475] {strides = array<i32>} : memref<80xi32, #tpu.memory_space<vmem>>, vector<16xi32>,
      tpu.vector_store %arg12[%swap3A_1475], %add3A_1472 {strides = array<i32>} : memref<80xi32, #tpu.memory_space<vmem>>, vector<16xi32>,
      %dma_start3A_1477 = arith.constant 0 : i32
      %dma_start3A_1478 = tpu.memref_slice %arg17[%dma_start3A_1477] : memref<1200000xf32, #tpu.memory_space<vmem_shared>> -> memref<1200000xf32, #tpu.memory_space<vmem_shared>>
      tpu.enqueue_indirect_dma source(%arg11 : memref<80xf32, #tpu.memory_space<vmem>>) target(%dma_start3A_1478 : memref<1200000xf32, #tpu.memory_space<vmem_shared>>) offsets(%arg12 : memref<80xi32, #tpu.memory_space<vmem>>) semaphore(%arg18 : memref<!tpu.dma_semaphore, #tpu.memory_space<semaphore_mem>>) {add = true}
      %dma_wait3A_1479 = arith.constant 0 : i32
      %dma_wait3A_1480 = tpu.memref_slice %arg17[%dma_wait3A_1479] : memref<1200000xf32, #tpu.memory_space<vmem_shared>> -> memref<1200000xf32, #tpu.memory_space<vmem_shared>>
      tpu.wait_indirect_dma semaphore(%arg18 : memref<!tpu.dma_semaphore, #tpu.memory_space<semaphore_mem>>) src(%arg11 : memref<80xf32, #tpu.memory_space<vmem>>) dst(%dma_wait3A_1480 : memref<1200000xf32, #tpu.memory_space<vmem_shared>>)
      %dma_wait3A_1481 = arith.constant 0 : i32
      %dma_wait3A_1482 = tpu.memref_slice %arg17[%dma_wait3A_1481] : memref<1200000xf32, #tpu.memory_space<vmem_shared>> -> memref<1200000xf32, #tpu.memory_space<vmem_shared>>
      tpu.wait_indirect_dma semaphore(%arg19 : memref<!tpu.dma_semaphore, #tpu.memory_space<semaphore_mem>>) src(%arg13 : memref<80xf32, #tpu.memory_space<vmem>>) dst(%dma_wait3A_1482 : memref<1200000xf32, #tpu.memory_space<vmem_shared>>)
    }
    %scan3A_170 = arith.constant 5 : i32
    %barrier3A_171 = arith.constant 0 : index
    tpu.barrier barrier_id(%barrier3A_171)
    %mul3A_172 = arith.constant 1200000 : i32
    %mul3A_173 = arith.muli %arg0, %mul3A_172 : i32
    %add3A_174 = arith.addi %mul3A_173, %mul3A_7 : i32
    %add3A_175 = arith.constant 0 : i32
    %add3A_176 = arith.addi %mul3A_7, %add3A_175 : i32
    "tpu.region"() ({
      %run_scoped3A = tpu.sem_alloc : memref<!tpu.dma_semaphore, #tpu.memory_space<semaphore_mem>>
      %dma_start3A_373 = tpu.memref_slice %arg17[%add3A_176] : memref<1200000xf32, #tpu.memory_space<vmem_shared>> -> memref<4000xf32, #tpu.memory_space<vmem_shared>>
      %dma_start3A_374 = tpu.memref_slice %arg17[%add3A_176] : memref<1200000xf32, #tpu.memory_space<vmem_shared>> -> memref<4000xf32, #tpu.memory_space<vmem_shared>>
      tpu.enqueue_dma source(%dma_start3A_374 : memref<4000xf32, #tpu.memory_space<vmem_shared>>) target(%arg15 : memref<4000xf32, #tpu.memory_space<vmem>>) target_semaphore(%run_scoped3A : memref<!tpu.dma_semaphore, #tpu.memory_space<semaphore_mem>>)
      %dma_wait3A_375 = tpu.memref_slice %arg17[%add3A_176] : memref<1200000xf32, #tpu.memory_space<vmem_shared>> -> memref<4000xf32, #tpu.memory_space<vmem_shared>>
      %dma_wait3A_376 = tpu.memref_slice %arg17[%add3A_176] : memref<1200000xf32, #tpu.memory_space<vmem_shared>> -> memref<4000xf32, #tpu.memory_space<vmem_shared>>
      tpu.wait_dma2 semaphore(%run_scoped3A : memref<!tpu.dma_semaphore, #tpu.memory_space<semaphore_mem>>) src(%dma_wait3A_376 : memref<4000xf32, #tpu.memory_space<vmem_shared>>) dst(%arg15 : memref<4000xf32, #tpu.memory_space<vmem>>)
      tpu.yield
    }) : () -> ()
    %add3A_177 = arith.constant 0 : i32
    %add3A_178 = arith.addi %add3A_174, %add3A_177 : i32
    %dma_start3A_179 = tpu.memref_slice %arg6[%add3A_178] : memref<2400000xf32, #tpu.memory_space<hbm>> -> memref<4000xf32, #tpu.memory_space<hbm>>
    %dma_start3A_180 = tpu.memref_slice %arg6[%add3A_178] : memref<2400000xf32, #tpu.memory_space<hbm>> -> memref<4000xf32, #tpu.memory_space<hbm>>
    tpu.enqueue_dma source(%arg15 : memref<4000xf32, #tpu.memory_space<vmem>>) target(%dma_start3A_180 : memref<4000xf32, #tpu.memory_space<hbm>>) target_semaphore(%arg20 : memref<!tpu.dma_semaphore, #tpu.memory_space<semaphore_mem>>)
    %add3A_181 = arith.constant 4000 : i32
    %add3A_182 = arith.addi %mul3A_7, %add3A_181 : i32
    "tpu.region"() ({
      %run_scoped3A = tpu.sem_alloc : memref<!tpu.dma_semaphore, #tpu.memory_space<semaphore_mem>>
      %dma_start3A_373 = tpu.memref_slice %arg17[%add3A_182] : memref<1200000xf32, #tpu.memory_space<vmem_shared>> -> memref<4000xf32, #tpu.memory_space<vmem_shared>>
      %dma_start3A_374 = tpu.memref_slice %arg17[%add3A_182] : memref<1200000xf32, #tpu.memory_space<vmem_shared>> -> memref<4000xf32, #tpu.memory_space<vmem_shared>>
      tpu.enqueue_dma source(%dma_start3A_374 : memref<4000xf32, #tpu.memory_space<vmem_shared>>) target(%arg16 : memref<4000xf32, #tpu.memory_space<vmem>>) target_semaphore(%run_scoped3A : memref<!tpu.dma_semaphore, #tpu.memory_space<semaphore_mem>>)
      %dma_wait3A_375 = tpu.memref_slice %arg17[%add3A_182] : memref<1200000xf32, #tpu.memory_space<vmem_shared>> -> memref<4000xf32, #tpu.memory_space<vmem_shared>>
      %dma_wait3A_376 = tpu.memref_slice %arg17[%add3A_182] : memref<1200000xf32, #tpu.memory_space<vmem_shared>> -> memref<4000xf32, #tpu.memory_space<vmem_shared>>
      tpu.wait_dma2 semaphore(%run_scoped3A : memref<!tpu.dma_semaphore, #tpu.memory_space<semaphore_mem>>) src(%dma_wait3A_376 : memref<4000xf32, #tpu.memory_space<vmem_shared>>) dst(%arg16 : memref<4000xf32, #tpu.memory_space<vmem>>)
      tpu.yield
    }) : () -> ()
    %add3A_183 = arith.constant 4000 : i32
    %add3A_184 = arith.addi %add3A_174, %add3A_183 : i32
    %dma_start3A_185 = tpu.memref_slice %arg6[%add3A_184] : memref<2400000xf32, #tpu.memory_space<hbm>> -> memref<4000xf32, #tpu.memory_space<hbm>>
    %dma_start3A_186 = tpu.memref_slice %arg6[%add3A_184] : memref<2400000xf32, #tpu.memory_space<hbm>> -> memref<4000xf32, #tpu.memory_space<hbm>>
    tpu.enqueue_dma source(%arg16 : memref<4000xf32, #tpu.memory_space<vmem>>) target(%dma_start3A_186 : memref<4000xf32, #tpu.memory_space<hbm>>) target_semaphore(%arg21 : memref<!tpu.dma_semaphore, #tpu.memory_space<semaphore_mem>>)
    %add3A_187 = arith.constant 0 : i32
    %add3A_188 = arith.addi %add3A_174, %add3A_187 : i32
    %dma_wait3A_189 = tpu.memref_slice %arg6[%add3A_188] : memref<2400000xf32, #tpu.memory_space<hbm>> -> memref<4000xf32, #tpu.memory_space<hbm>>
    %dma_wait3A_190 = tpu.memref_slice %arg6[%add3A_188] : memref<2400000xf32, #tpu.memory_space<hbm>> -> memref<4000xf32, #tpu.memory_space<hbm>>
    tpu.wait_dma2 semaphore(%arg20 : memref<!tpu.dma_semaphore, #tpu.memory_space<semaphore_mem>>) src(%arg15 : memref<4000xf32, #tpu.memory_space<vmem>>) dst(%dma_wait3A_190 : memref<4000xf32, #tpu.memory_space<hbm>>)
    %add3A_191 = arith.constant 8000 : i32
    %add3A_192 = arith.addi %mul3A_7, %add3A_191 : i32
    "tpu.region"() ({
      %run_scoped3A = tpu.sem_alloc : memref<!tpu.dma_semaphore, #tpu.memory_space<semaphore_mem>>
      %dma_start3A_373 = tpu.memref_slice %arg17[%add3A_192] : memref<1200000xf32, #tpu.memory_space<vmem_shared>> -> memref<4000xf32, #tpu.memory_space<vmem_shared>>
      %dma_start3A_374 = tpu.memref_slice %arg17[%add3A_192] : memref<1200000xf32, #tpu.memory_space<vmem_shared>> -> memref<4000xf32, #tpu.memory_space<vmem_shared>>
      tpu.enqueue_dma source(%dma_start3A_374 : memref<4000xf32, #tpu.memory_space<vmem_shared>>) target(%arg15 : memref<4000xf32, #tpu.memory_space<vmem>>) target_semaphore(%run_scoped3A : memref<!tpu.dma_semaphore, #tpu.memory_space<semaphore_mem>>)
      %dma_wait3A_375 = tpu.memref_slice %arg17[%add3A_192] : memref<1200000xf32, #tpu.memory_space<vmem_shared>> -> memref<4000xf32, #tpu.memory_space<vmem_shared>>
      %dma_wait3A_376 = tpu.memref_slice %arg17[%add3A_192] : memref<1200000xf32, #tpu.memory_space<vmem_shared>> -> memref<4000xf32, #tpu.memory_space<vmem_shared>>
      tpu.wait_dma2 semaphore(%run_scoped3A : memref<!tpu.dma_semaphore, #tpu.memory_space<semaphore_mem>>) src(%dma_wait3A_376 : memref<4000xf32, #tpu.memory_space<vmem_shared>>) dst(%arg15 : memref<4000xf32, #tpu.memory_space<vmem>>)
      tpu.yield
    }) : () -> ()
    %add3A_193 = arith.constant 8000 : i32
    %add3A_194 = arith.addi %add3A_174, %add3A_193 : i32
    %dma_start3A_195 = tpu.memref_slice %arg6[%add3A_194] : memref<2400000xf32, #tpu.memory_space<hbm>> -> memref<4000xf32, #tpu.memory_space<hbm>>
    %dma_start3A_196 = tpu.memref_slice %arg6[%add3A_194] : memref<2400000xf32, #tpu.memory_space<hbm>> -> memref<4000xf32, #tpu.memory_space<hbm>>
    tpu.enqueue_dma source(%arg15 : memref<4000xf32, #tpu.memory_space<vmem>>) target(%dma_start3A_196 : memref<4000xf32, #tpu.memory_space<hbm>>) target_semaphore(%arg20 : memref<!tpu.dma_semaphore, #tpu.memory_space<semaphore_mem>>)
    %add3A_197 = arith.constant 4000 : i32
    %add3A_198 = arith.addi %add3A_174, %add3A_197 : i32
    %dma_wait3A_199 = tpu.memref_slice %arg6[%add3A_198] : memref<2400000xf32, #tpu.memory_space<hbm>> -> memref<4000xf32, #tpu.memory_space<hbm>>
    %dma_wait3A_200 = tpu.memref_slice %arg6[%add3A_198] : memref<2400000xf32, #tpu.memory_space<hbm>> -> memref<4000xf32, #tpu.memory_space<hbm>>
    tpu.wait_dma2 semaphore(%arg21 : memref<!tpu.dma_semaphore, #tpu.memory_space<semaphore_mem>>) src(%arg16 : memref<4000xf32, #tpu.memory_space<vmem>>) dst(%dma_wait3A_200 : memref<4000xf32, #tpu.memory_space<hbm>>)
    %add3A_201 = arith.constant 12000 : i32
    %add3A_202 = arith.addi %mul3A_7, %add3A_201 : i32
    "tpu.region"() ({
      %run_scoped3A = tpu.sem_alloc : memref<!tpu.dma_semaphore, #tpu.memory_space<semaphore_mem>>
      %dma_start3A_373 = tpu.memref_slice %arg17[%add3A_202] : memref<1200000xf32, #tpu.memory_space<vmem_shared>> -> memref<4000xf32, #tpu.memory_space<vmem_shared>>
      %dma_start3A_374 = tpu.memref_slice %arg17[%add3A_202] : memref<1200000xf32, #tpu.memory_space<vmem_shared>> -> memref<4000xf32, #tpu.memory_space<vmem_shared>>
      tpu.enqueue_dma source(%dma_start3A_374 : memref<4000xf32, #tpu.memory_space<vmem_shared>>) target(%arg16 : memref<4000xf32, #tpu.memory_space<vmem>>) target_semaphore(%run_scoped3A : memref<!tpu.dma_semaphore, #tpu.memory_space<semaphore_mem>>)
      %dma_wait3A_375 = tpu.memref_slice %arg17[%add3A_202] : memref<1200000xf32, #tpu.memory_space<vmem_shared>> -> memref<4000xf32, #tpu.memory_space<vmem_shared>>
      %dma_wait3A_376 = tpu.memref_slice %arg17[%add3A_202] : memref<1200000xf32, #tpu.memory_space<vmem_shared>> -> memref<4000xf32, #tpu.memory_space<vmem_shared>>
      tpu.wait_dma2 semaphore(%run_scoped3A : memref<!tpu.dma_semaphore, #tpu.memory_space<semaphore_mem>>) src(%dma_wait3A_376 : memref<4000xf32, #tpu.memory_space<vmem_shared>>) dst(%arg16 : memref<4000xf32, #tpu.memory_space<vmem>>)
      tpu.yield
    }) : () -> ()
    %add3A_203 = arith.constant 12000 : i32
    %add3A_204 = arith.addi %add3A_174, %add3A_203 : i32
    %dma_start3A_205 = tpu.memref_slice %arg6[%add3A_204] : memref<2400000xf32, #tpu.memory_space<hbm>> -> memref<4000xf32, #tpu.memory_space<hbm>>
    %dma_start3A_206 = tpu.memref_slice %arg6[%add3A_204] : memref<2400000xf32, #tpu.memory_space<hbm>> -> memref<4000xf32, #tpu.memory_space<hbm>>
    tpu.enqueue_dma source(%arg16 : memref<4000xf32, #tpu.memory_space<vmem>>) target(%dma_start3A_206 : memref<4000xf32, #tpu.memory_space<hbm>>) target_semaphore(%arg21 : memref<!tpu.dma_semaphore, #tpu.memory_space<semaphore_mem>>)
    %add3A_207 = arith.constant 8000 : i32
    %add3A_208 = arith.addi %add3A_174, %add3A_207 : i32
    %dma_wait3A_209 = tpu.memref_slice %arg6[%add3A_208] : memref<2400000xf32, #tpu.memory_space<hbm>> -> memref<4000xf32, #tpu.memory_space<hbm>>
    %dma_wait3A_210 = tpu.memref_slice %arg6[%add3A_208] : memref<2400000xf32, #tpu.memory_space<hbm>> -> memref<4000xf32, #tpu.memory_space<hbm>>
    tpu.wait_dma2 semaphore(%arg20 : memref<!tpu.dma_semaphore, #tpu.memory_space<semaphore_mem>>) src(%arg15 : memref<4000xf32, #tpu.memory_space<vmem>>) dst(%dma_wait3A_210 : memref<4000xf32, #tpu.memory_space<hbm>>)
    %add3A_211 = arith.constant 16000 : i32
    %add3A_212 = arith.addi %mul3A_7, %add3A_211 : i32
    "tpu.region"() ({
      %run_scoped3A = tpu.sem_alloc : memref<!tpu.dma_semaphore, #tpu.memory_space<semaphore_mem>>
      %dma_start3A_373 = tpu.memref_slice %arg17[%add3A_212] : memref<1200000xf32, #tpu.memory_space<vmem_shared>> -> memref<4000xf32, #tpu.memory_space<vmem_shared>>
      %dma_start3A_374 = tpu.memref_slice %arg17[%add3A_212] : memref<1200000xf32, #tpu.memory_space<vmem_shared>> -> memref<4000xf32, #tpu.memory_space<vmem_shared>>
      tpu.enqueue_dma source(%dma_start3A_374 : memref<4000xf32, #tpu.memory_space<vmem_shared>>) target(%arg15 : memref<4000xf32, #tpu.memory_space<vmem>>) target_semaphore(%run_scoped3A : memref<!tpu.dma_semaphore, #tpu.memory_space<semaphore_mem>>)
      %dma_wait3A_375 = tpu.memref_slice %arg17[%add3A_212] : memref<1200000xf32, #tpu.memory_space<vmem_shared>> -> memref<4000xf32, #tpu.memory_space<vmem_shared>>
      %dma_wait3A_376 = tpu.memref_slice %arg17[%add3A_212] : memref<1200000xf32, #tpu.memory_space<vmem_shared>> -> memref<4000xf32, #tpu.memory_space<vmem_shared>>
      tpu.wait_dma2 semaphore(%run_scoped3A : memref<!tpu.dma_semaphore, #tpu.memory_space<semaphore_mem>>) src(%dma_wait3A_376 : memref<4000xf32, #tpu.memory_space<vmem_shared>>) dst(%arg15 : memref<4000xf32, #tpu.memory_space<vmem>>)
      tpu.yield
    }) : () -> ()
    %add3A_213 = arith.constant 16000 : i32
    %add3A_214 = arith.addi %add3A_174, %add3A_213 : i32
    %dma_start3A_215 = tpu.memref_slice %arg6[%add3A_214] : memref<2400000xf32, #tpu.memory_space<hbm>> -> memref<4000xf32, #tpu.memory_space<hbm>>
    %dma_start3A_216 = tpu.memref_slice %arg6[%add3A_214] : memref<2400000xf32, #tpu.memory_space<hbm>> -> memref<4000xf32, #tpu.memory_space<hbm>>
    tpu.enqueue_dma source(%arg15 : memref<4000xf32, #tpu.memory_space<vmem>>) target(%dma_start3A_216 : memref<4000xf32, #tpu.memory_space<hbm>>) target_semaphore(%arg20 : memref<!tpu.dma_semaphore, #tpu.memory_space<semaphore_mem>>)
    %add3A_217 = arith.constant 12000 : i32
    %add3A_218 = arith.addi %add3A_174, %add3A_217 : i32
    %dma_wait3A_219 = tpu.memref_slice %arg6[%add3A_218] : memref<2400000xf32, #tpu.memory_space<hbm>> -> memref<4000xf32, #tpu.memory_space<hbm>>
    %dma_wait3A_220 = tpu.memref_slice %arg6[%add3A_218] : memref<2400000xf32, #tpu.memory_space<hbm>> -> memref<4000xf32, #tpu.memory_space<hbm>>
    tpu.wait_dma2 semaphore(%arg21 : memref<!tpu.dma_semaphore, #tpu.memory_space<semaphore_mem>>) src(%arg16 : memref<4000xf32, #tpu.memory_space<vmem>>) dst(%dma_wait3A_220 : memref<4000xf32, #tpu.memory_space<hbm>>)
    %add3A_221 = arith.constant 20000 : i32
    %add3A_222 = arith.addi %mul3A_7, %add3A_221 : i32
    "tpu.region"() ({
      %run_scoped3A = tpu.sem_alloc : memref<!tpu.dma_semaphore, #tpu.memory_space<semaphore_mem>>
      %dma_start3A_373 = tpu.memref_slice %arg17[%add3A_222] : memref<1200000xf32, #tpu.memory_space<vmem_shared>> -> memref<4000xf32, #tpu.memory_space<vmem_shared>>
      %dma_start3A_374 = tpu.memref_slice %arg17[%add3A_222] : memref<1200000xf32, #tpu.memory_space<vmem_shared>> -> memref<4000xf32, #tpu.memory_space<vmem_shared>>
      tpu.enqueue_dma source(%dma_start3A_374 : memref<4000xf32, #tpu.memory_space<vmem_shared>>) target(%arg16 : memref<4000xf32, #tpu.memory_space<vmem>>) target_semaphore(%run_scoped3A : memref<!tpu.dma_semaphore, #tpu.memory_space<semaphore_mem>>)
      %dma_wait3A_375 = tpu.memref_slice %arg17[%add3A_222] : memref<1200000xf32, #tpu.memory_space<vmem_shared>> -> memref<4000xf32, #tpu.memory_space<vmem_shared>>
      %dma_wait3A_376 = tpu.memref_slice %arg17[%add3A_222] : memref<1200000xf32, #tpu.memory_space<vmem_shared>> -> memref<4000xf32, #tpu.memory_space<vmem_shared>>
      tpu.wait_dma2 semaphore(%run_scoped3A : memref<!tpu.dma_semaphore, #tpu.memory_space<semaphore_mem>>) src(%dma_wait3A_376 : memref<4000xf32, #tpu.memory_space<vmem_shared>>) dst(%arg16 : memref<4000xf32, #tpu.memory_space<vmem>>)
      tpu.yield
    }) : () -> ()
    %add3A_223 = arith.constant 20000 : i32
    %add3A_224 = arith.addi %add3A_174, %add3A_223 : i32
    %dma_start3A_225 = tpu.memref_slice %arg6[%add3A_224] : memref<2400000xf32, #tpu.memory_space<hbm>> -> memref<4000xf32, #tpu.memory_space<hbm>>
    %dma_start3A_226 = tpu.memref_slice %arg6[%add3A_224] : memref<2400000xf32, #tpu.memory_space<hbm>> -> memref<4000xf32, #tpu.memory_space<hbm>>
    tpu.enqueue_dma source(%arg16 : memref<4000xf32, #tpu.memory_space<vmem>>) target(%dma_start3A_226 : memref<4000xf32, #tpu.memory_space<hbm>>) target_semaphore(%arg21 : memref<!tpu.dma_semaphore, #tpu.memory_space<semaphore_mem>>)
    %add3A_227 = arith.constant 16000 : i32
    %add3A_228 = arith.addi %add3A_174, %add3A_227 : i32
    %dma_wait3A_229 = tpu.memref_slice %arg6[%add3A_228] : memref<2400000xf32, #tpu.memory_space<hbm>> -> memref<4000xf32, #tpu.memory_space<hbm>>
    %dma_wait3A_230 = tpu.memref_slice %arg6[%add3A_228] : memref<2400000xf32, #tpu.memory_space<hbm>> -> memref<4000xf32, #tpu.memory_space<hbm>>
    tpu.wait_dma2 semaphore(%arg20 : memref<!tpu.dma_semaphore, #tpu.memory_space<semaphore_mem>>) src(%arg15 : memref<4000xf32, #tpu.memory_space<vmem>>) dst(%dma_wait3A_230 : memref<4000xf32, #tpu.memory_space<hbm>>)
    %add3A_231 = arith.constant 24000 : i32
    %add3A_232 = arith.addi %mul3A_7, %add3A_231 : i32
    "tpu.region"() ({
      %run_scoped3A = tpu.sem_alloc : memref<!tpu.dma_semaphore, #tpu.memory_space<semaphore_mem>>
      %dma_start3A_373 = tpu.memref_slice %arg17[%add3A_232] : memref<1200000xf32, #tpu.memory_space<vmem_shared>> -> memref<4000xf32, #tpu.memory_space<vmem_shared>>
      %dma_start3A_374 = tpu.memref_slice %arg17[%add3A_232] : memref<1200000xf32, #tpu.memory_space<vmem_shared>> -> memref<4000xf32, #tpu.memory_space<vmem_shared>>
      tpu.enqueue_dma source(%dma_start3A_374 : memref<4000xf32, #tpu.memory_space<vmem_shared>>) target(%arg15 : memref<4000xf32, #tpu.memory_space<vmem>>) target_semaphore(%run_scoped3A : memref<!tpu.dma_semaphore, #tpu.memory_space<semaphore_mem>>)
      %dma_wait3A_375 = tpu.memref_slice %arg17[%add3A_232] : memref<1200000xf32, #tpu.memory_space<vmem_shared>> -> memref<4000xf32, #tpu.memory_space<vmem_shared>>
      %dma_wait3A_376 = tpu.memref_slice %arg17[%add3A_232] : memref<1200000xf32, #tpu.memory_space<vmem_shared>> -> memref<4000xf32, #tpu.memory_space<vmem_shared>>
      tpu.wait_dma2 semaphore(%run_scoped3A : memref<!tpu.dma_semaphore, #tpu.memory_space<semaphore_mem>>) src(%dma_wait3A_376 : memref<4000xf32, #tpu.memory_space<vmem_shared>>) dst(%arg15 : memref<4000xf32, #tpu.memory_space<vmem>>)
      tpu.yield
    }) : () -> ()
    %add3A_233 = arith.constant 24000 : i32
    %add3A_234 = arith.addi %add3A_174, %add3A_233 : i32
    %dma_start3A_235 = tpu.memref_slice %arg6[%add3A_234] : memref<2400000xf32, #tpu.memory_space<hbm>> -> memref<4000xf32, #tpu.memory_space<hbm>>
    %dma_start3A_236 = tpu.memref_slice %arg6[%add3A_234] : memref<2400000xf32, #tpu.memory_space<hbm>> -> memref<4000xf32, #tpu.memory_space<hbm>>
    tpu.enqueue_dma source(%arg15 : memref<4000xf32, #tpu.memory_space<vmem>>) target(%dma_start3A_236 : memref<4000xf32, #tpu.memory_space<hbm>>) target_semaphore(%arg20 : memref<!tpu.dma_semaphore, #tpu.memory_space<semaphore_mem>>)
    %add3A_237 = arith.constant 20000 : i32
    %add3A_238 = arith.addi %add3A_174, %add3A_237 : i32
    %dma_wait3A_239 = tpu.memref_slice %arg6[%add3A_238] : memref<2400000xf32, #tpu.memory_space<hbm>> -> memref<4000xf32, #tpu.memory_space<hbm>>
    %dma_wait3A_240 = tpu.memref_slice %arg6[%add3A_238] : memref<2400000xf32, #tpu.memory_space<hbm>> -> memref<4000xf32, #tpu.memory_space<hbm>>
    tpu.wait_dma2 semaphore(%arg21 : memref<!tpu.dma_semaphore, #tpu.memory_space<semaphore_mem>>) src(%arg16 : memref<4000xf32, #tpu.memory_space<vmem>>) dst(%dma_wait3A_240 : memref<4000xf32, #tpu.memory_space<hbm>>)
    %add3A_241 = arith.constant 28000 : i32
    %add3A_242 = arith.addi %mul3A_7, %add3A_241 : i32
    "tpu.region"() ({
      %run_scoped3A = tpu.sem_alloc : memref<!tpu.dma_semaphore, #tpu.memory_space<semaphore_mem>>
      %dma_start3A_373 = tpu.memref_slice %arg17[%add3A_242] : memref<1200000xf32, #tpu.memory_space<vmem_shared>> -> memref<4000xf32, #tpu.memory_space<vmem_shared>>
      %dma_start3A_374 = tpu.memref_slice %arg17[%add3A_242] : memref<1200000xf32, #tpu.memory_space<vmem_shared>> -> memref<4000xf32, #tpu.memory_space<vmem_shared>>
      tpu.enqueue_dma source(%dma_start3A_374 : memref<4000xf32, #tpu.memory_space<vmem_shared>>) target(%arg16 : memref<4000xf32, #tpu.memory_space<vmem>>) target_semaphore(%run_scoped3A : memref<!tpu.dma_semaphore, #tpu.memory_space<semaphore_mem>>)
      %dma_wait3A_375 = tpu.memref_slice %arg17[%add3A_242] : memref<1200000xf32, #tpu.memory_space<vmem_shared>> -> memref<4000xf32, #tpu.memory_space<vmem_shared>>
      %dma_wait3A_376 = tpu.memref_slice %arg17[%add3A_242] : memref<1200000xf32, #tpu.memory_space<vmem_shared>> -> memref<4000xf32, #tpu.memory_space<vmem_shared>>
      tpu.wait_dma2 semaphore(%run_scoped3A : memref<!tpu.dma_semaphore, #tpu.memory_space<semaphore_mem>>) src(%dma_wait3A_376 : memref<4000xf32, #tpu.memory_space<vmem_shared>>) dst(%arg16 : memref<4000xf32, #tpu.memory_space<vmem>>)
      tpu.yield
    }) : () -> ()
    %add3A_243 = arith.constant 28000 : i32
    %add3A_244 = arith.addi %add3A_174, %add3A_243 : i32
    %dma_start3A_245 = tpu.memref_slice %arg6[%add3A_244] : memref<2400000xf32, #tpu.memory_space<hbm>> -> memref<4000xf32, #tpu.memory_space<hbm>>
    %dma_start3A_246 = tpu.memref_slice %arg6[%add3A_244] : memref<2400000xf32, #tpu.memory_space<hbm>> -> memref<4000xf32, #tpu.memory_space<hbm>>
    tpu.enqueue_dma source(%arg16 : memref<4000xf32, #tpu.memory_space<vmem>>) target(%dma_start3A_246 : memref<4000xf32, #tpu.memory_space<hbm>>) target_semaphore(%arg21 : memref<!tpu.dma_semaphore, #tpu.memory_space<semaphore_mem>>)
    %add3A_247 = arith.constant 24000 : i32
    %add3A_248 = arith.addi %add3A_174, %add3A_247 : i32
    %dma_wait3A_249 = tpu.memref_slice %arg6[%add3A_248] : memref<2400000xf32, #tpu.memory_space<hbm>> -> memref<4000xf32, #tpu.memory_space<hbm>>
    %dma_wait3A_250 = tpu.memref_slice %arg6[%add3A_248] : memref<2400000xf32, #tpu.memory_space<hbm>> -> memref<4000xf32, #tpu.memory_space<hbm>>
    tpu.wait_dma2 semaphore(%arg20 : memref<!tpu.dma_semaphore, #tpu.memory_space<semaphore_mem>>) src(%arg15 : memref<4000xf32, #tpu.memory_space<vmem>>) dst(%dma_wait3A_250 : memref<4000xf32, #tpu.memory_space<hbm>>)
    %add3A_251 = arith.constant 32000 : i32
    %add3A_252 = arith.addi %mul3A_7, %add3A_251 : i32
    "tpu.region"() ({
      %run_scoped3A = tpu.sem_alloc : memref<!tpu.dma_semaphore, #tpu.memory_space<semaphore_mem>>
      %dma_start3A_373 = tpu.memref_slice %arg17[%add3A_252] : memref<1200000xf32, #tpu.memory_space<vmem_shared>> -> memref<4000xf32, #tpu.memory_space<vmem_shared>>
      %dma_start3A_374 = tpu.memref_slice %arg17[%add3A_252] : memref<1200000xf32, #tpu.memory_space<vmem_shared>> -> memref<4000xf32, #tpu.memory_space<vmem_shared>>
      tpu.enqueue_dma source(%dma_start3A_374 : memref<4000xf32, #tpu.memory_space<vmem_shared>>) target(%arg15 : memref<4000xf32, #tpu.memory_space<vmem>>) target_semaphore(%run_scoped3A : memref<!tpu.dma_semaphore, #tpu.memory_space<semaphore_mem>>)
      %dma_wait3A_375 = tpu.memref_slice %arg17[%add3A_252] : memref<1200000xf32, #tpu.memory_space<vmem_shared>> -> memref<4000xf32, #tpu.memory_space<vmem_shared>>
      %dma_wait3A_376 = tpu.memref_slice %arg17[%add3A_252] : memref<1200000xf32, #tpu.memory_space<vmem_shared>> -> memref<4000xf32, #tpu.memory_space<vmem_shared>>
      tpu.wait_dma2 semaphore(%run_scoped3A : memref<!tpu.dma_semaphore, #tpu.memory_space<semaphore_mem>>) src(%dma_wait3A_376 : memref<4000xf32, #tpu.memory_space<vmem_shared>>) dst(%arg15 : memref<4000xf32, #tpu.memory_space<vmem>>)
      tpu.yield
    }) : () -> ()
    %add3A_253 = arith.constant 32000 : i32
    %add3A_254 = arith.addi %add3A_174, %add3A_253 : i32
    %dma_start3A_255 = tpu.memref_slice %arg6[%add3A_254] : memref<2400000xf32, #tpu.memory_space<hbm>> -> memref<4000xf32, #tpu.memory_space<hbm>>
    %dma_start3A_256 = tpu.memref_slice %arg6[%add3A_254] : memref<2400000xf32, #tpu.memory_space<hbm>> -> memref<4000xf32, #tpu.memory_space<hbm>>
    tpu.enqueue_dma source(%arg15 : memref<4000xf32, #tpu.memory_space<vmem>>) target(%dma_start3A_256 : memref<4000xf32, #tpu.memory_space<hbm>>) target_semaphore(%arg20 : memref<!tpu.dma_semaphore, #tpu.memory_space<semaphore_mem>>)
    %add3A_257 = arith.constant 28000 : i32
    %add3A_258 = arith.addi %add3A_174, %add3A_257 : i32
    %dma_wait3A_259 = tpu.memref_slice %arg6[%add3A_258] : memref<2400000xf32, #tpu.memory_space<hbm>> -> memref<4000xf32, #tpu.memory_space<hbm>>
    %dma_wait3A_260 = tpu.memref_slice %arg6[%add3A_258] : memref<2400000xf32, #tpu.memory_space<hbm>> -> memref<4000xf32, #tpu.memory_space<hbm>>
    tpu.wait_dma2 semaphore(%arg21 : memref<!tpu.dma_semaphore, #tpu.memory_space<semaphore_mem>>) src(%arg16 : memref<4000xf32, #tpu.memory_space<vmem>>) dst(%dma_wait3A_260 : memref<4000xf32, #tpu.memory_space<hbm>>)
    %add3A_261 = arith.constant 36000 : i32
    %add3A_262 = arith.addi %mul3A_7, %add3A_261 : i32
    "tpu.region"() ({
      %run_scoped3A = tpu.sem_alloc : memref<!tpu.dma_semaphore, #tpu.memory_space<semaphore_mem>>
      %dma_start3A_373 = tpu.memref_slice %arg17[%add3A_262] : memref<1200000xf32, #tpu.memory_space<vmem_shared>> -> memref<4000xf32, #tpu.memory_space<vmem_shared>>
      %dma_start3A_374 = tpu.memref_slice %arg17[%add3A_262] : memref<1200000xf32, #tpu.memory_space<vmem_shared>> -> memref<4000xf32, #tpu.memory_space<vmem_shared>>
      tpu.enqueue_dma source(%dma_start3A_374 : memref<4000xf32, #tpu.memory_space<vmem_shared>>) target(%arg16 : memref<4000xf32, #tpu.memory_space<vmem>>) target_semaphore(%run_scoped3A : memref<!tpu.dma_semaphore, #tpu.memory_space<semaphore_mem>>)
      %dma_wait3A_375 = tpu.memref_slice %arg17[%add3A_262] : memref<1200000xf32, #tpu.memory_space<vmem_shared>> -> memref<4000xf32, #tpu.memory_space<vmem_shared>>
      %dma_wait3A_376 = tpu.memref_slice %arg17[%add3A_262] : memref<1200000xf32, #tpu.memory_space<vmem_shared>> -> memref<4000xf32, #tpu.memory_space<vmem_shared>>
      tpu.wait_dma2 semaphore(%run_scoped3A : memref<!tpu.dma_semaphore, #tpu.memory_space<semaphore_mem>>) src(%dma_wait3A_376 : memref<4000xf32, #tpu.memory_space<vmem_shared>>) dst(%arg16 : memref<4000xf32, #tpu.memory_space<vmem>>)
      tpu.yield
    }) : () -> ()
    %add3A_263 = arith.constant 36000 : i32
    %add3A_264 = arith.addi %add3A_174, %add3A_263 : i32
    %dma_start3A_265 = tpu.memref_slice %arg6[%add3A_264] : memref<2400000xf32, #tpu.memory_space<hbm>> -> memref<4000xf32, #tpu.memory_space<hbm>>
    %dma_start3A_266 = tpu.memref_slice %arg6[%add3A_264] : memref<2400000xf32, #tpu.memory_space<hbm>> -> memref<4000xf32, #tpu.memory_space<hbm>>
    tpu.enqueue_dma source(%arg16 : memref<4000xf32, #tpu.memory_space<vmem>>) target(%dma_start3A_266 : memref<4000xf32, #tpu.memory_space<hbm>>) target_semaphore(%arg21 : memref<!tpu.dma_semaphore, #tpu.memory_space<semaphore_mem>>)
    %add3A_267 = arith.constant 32000 : i32
    %add3A_268 = arith.addi %add3A_174, %add3A_267 : i32
    %dma_wait3A_269 = tpu.memref_slice %arg6[%add3A_268] : memref<2400000xf32, #tpu.memory_space<hbm>> -> memref<4000xf32, #tpu.memory_space<hbm>>
    %dma_wait3A_270 = tpu.memref_slice %arg6[%add3A_268] : memref<2400000xf32, #tpu.memory_space<hbm>> -> memref<4000xf32, #tpu.memory_space<hbm>>
    tpu.wait_dma2 semaphore(%arg20 : memref<!tpu.dma_semaphore, #tpu.memory_space<semaphore_mem>>) src(%arg15 : memref<4000xf32, #tpu.memory_space<vmem>>) dst(%dma_wait3A_270 : memref<4000xf32, #tpu.memory_space<hbm>>)
    %add3A_271 = arith.constant 40000 : i32
    %add3A_272 = arith.addi %mul3A_7, %add3A_271 : i32
    "tpu.region"() ({
      %run_scoped3A = tpu.sem_alloc : memref<!tpu.dma_semaphore, #tpu.memory_space<semaphore_mem>>
      %dma_start3A_373 = tpu.memref_slice %arg17[%add3A_272] : memref<1200000xf32, #tpu.memory_space<vmem_shared>> -> memref<4000xf32, #tpu.memory_space<vmem_shared>>
      %dma_start3A_374 = tpu.memref_slice %arg17[%add3A_272] : memref<1200000xf32, #tpu.memory_space<vmem_shared>> -> memref<4000xf32, #tpu.memory_space<vmem_shared>>
      tpu.enqueue_dma source(%dma_start3A_374 : memref<4000xf32, #tpu.memory_space<vmem_shared>>) target(%arg15 : memref<4000xf32, #tpu.memory_space<vmem>>) target_semaphore(%run_scoped3A : memref<!tpu.dma_semaphore, #tpu.memory_space<semaphore_mem>>)
      %dma_wait3A_375 = tpu.memref_slice %arg17[%add3A_272] : memref<1200000xf32, #tpu.memory_space<vmem_shared>> -> memref<4000xf32, #tpu.memory_space<vmem_shared>>
      %dma_wait3A_376 = tpu.memref_slice %arg17[%add3A_272] : memref<1200000xf32, #tpu.memory_space<vmem_shared>> -> memref<4000xf32, #tpu.memory_space<vmem_shared>>
      tpu.wait_dma2 semaphore(%run_scoped3A : memref<!tpu.dma_semaphore, #tpu.memory_space<semaphore_mem>>) src(%dma_wait3A_376 : memref<4000xf32, #tpu.memory_space<vmem_shared>>) dst(%arg15 : memref<4000xf32, #tpu.memory_space<vmem>>)
      tpu.yield
    }) : () -> ()
    %add3A_273 = arith.constant 40000 : i32
    %add3A_274 = arith.addi %add3A_174, %add3A_273 : i32
    %dma_start3A_275 = tpu.memref_slice %arg6[%add3A_274] : memref<2400000xf32, #tpu.memory_space<hbm>> -> memref<4000xf32, #tpu.memory_space<hbm>>
    %dma_start3A_276 = tpu.memref_slice %arg6[%add3A_274] : memref<2400000xf32, #tpu.memory_space<hbm>> -> memref<4000xf32, #tpu.memory_space<hbm>>
    tpu.enqueue_dma source(%arg15 : memref<4000xf32, #tpu.memory_space<vmem>>) target(%dma_start3A_276 : memref<4000xf32, #tpu.memory_space<hbm>>) target_semaphore(%arg20 : memref<!tpu.dma_semaphore, #tpu.memory_space<semaphore_mem>>)
    %add3A_277 = arith.constant 36000 : i32
    %add3A_278 = arith.addi %add3A_174, %add3A_277 : i32
    %dma_wait3A_279 = tpu.memref_slice %arg6[%add3A_278] : memref<2400000xf32, #tpu.memory_space<hbm>> -> memref<4000xf32, #tpu.memory_space<hbm>>
    %dma_wait3A_280 = tpu.memref_slice %arg6[%add3A_278] : memref<2400000xf32, #tpu.memory_space<hbm>> -> memref<4000xf32, #tpu.memory_space<hbm>>
    tpu.wait_dma2 semaphore(%arg21 : memref<!tpu.dma_semaphore, #tpu.memory_space<semaphore_mem>>) src(%arg16 : memref<4000xf32, #tpu.memory_space<vmem>>) dst(%dma_wait3A_280 : memref<4000xf32, #tpu.memory_space<hbm>>)
    %add3A_281 = arith.constant 44000 : i32
    %add3A_282 = arith.addi %mul3A_7, %add3A_281 : i32
    "tpu.region"() ({
      %run_scoped3A = tpu.sem_alloc : memref<!tpu.dma_semaphore, #tpu.memory_space<semaphore_mem>>
      %dma_start3A_373 = tpu.memref_slice %arg17[%add3A_282] : memref<1200000xf32, #tpu.memory_space<vmem_shared>> -> memref<4000xf32, #tpu.memory_space<vmem_shared>>
      %dma_start3A_374 = tpu.memref_slice %arg17[%add3A_282] : memref<1200000xf32, #tpu.memory_space<vmem_shared>> -> memref<4000xf32, #tpu.memory_space<vmem_shared>>
      tpu.enqueue_dma source(%dma_start3A_374 : memref<4000xf32, #tpu.memory_space<vmem_shared>>) target(%arg16 : memref<4000xf32, #tpu.memory_space<vmem>>) target_semaphore(%run_scoped3A : memref<!tpu.dma_semaphore, #tpu.memory_space<semaphore_mem>>)
      %dma_wait3A_375 = tpu.memref_slice %arg17[%add3A_282] : memref<1200000xf32, #tpu.memory_space<vmem_shared>> -> memref<4000xf32, #tpu.memory_space<vmem_shared>>
      %dma_wait3A_376 = tpu.memref_slice %arg17[%add3A_282] : memref<1200000xf32, #tpu.memory_space<vmem_shared>> -> memref<4000xf32, #tpu.memory_space<vmem_shared>>
      tpu.wait_dma2 semaphore(%run_scoped3A : memref<!tpu.dma_semaphore, #tpu.memory_space<semaphore_mem>>) src(%dma_wait3A_376 : memref<4000xf32, #tpu.memory_space<vmem_shared>>) dst(%arg16 : memref<4000xf32, #tpu.memory_space<vmem>>)
      tpu.yield
    }) : () -> ()
    %add3A_283 = arith.constant 44000 : i32
    %add3A_284 = arith.addi %add3A_174, %add3A_283 : i32
    %dma_start3A_285 = tpu.memref_slice %arg6[%add3A_284] : memref<2400000xf32, #tpu.memory_space<hbm>> -> memref<4000xf32, #tpu.memory_space<hbm>>
    %dma_start3A_286 = tpu.memref_slice %arg6[%add3A_284] : memref<2400000xf32, #tpu.memory_space<hbm>> -> memref<4000xf32, #tpu.memory_space<hbm>>
    tpu.enqueue_dma source(%arg16 : memref<4000xf32, #tpu.memory_space<vmem>>) target(%dma_start3A_286 : memref<4000xf32, #tpu.memory_space<hbm>>) target_semaphore(%arg21 : memref<!tpu.dma_semaphore, #tpu.memory_space<semaphore_mem>>)
    %add3A_287 = arith.constant 40000 : i32
    %add3A_288 = arith.addi %add3A_174, %add3A_287 : i32
    %dma_wait3A_289 = tpu.memref_slice %arg6[%add3A_288] : memref<2400000xf32, #tpu.memory_space<hbm>> -> memref<4000xf32, #tpu.memory_space<hbm>>
    %dma_wait3A_290 = tpu.memref_slice %arg6[%add3A_288] : memref<2400000xf32, #tpu.memory_space<hbm>> -> memref<4000xf32, #tpu.memory_space<hbm>>
    tpu.wait_dma2 semaphore(%arg20 : memref<!tpu.dma_semaphore, #tpu.memory_space<semaphore_mem>>) src(%arg15 : memref<4000xf32, #tpu.memory_space<vmem>>) dst(%dma_wait3A_290 : memref<4000xf32, #tpu.memory_space<hbm>>)
    %add3A_291 = arith.constant 48000 : i32
    %add3A_292 = arith.addi %mul3A_7, %add3A_291 : i32
    "tpu.region"() ({
      %run_scoped3A = tpu.sem_alloc : memref<!tpu.dma_semaphore, #tpu.memory_space<semaphore_mem>>
      %dma_start3A_373 = tpu.memref_slice %arg17[%add3A_292] : memref<1200000xf32, #tpu.memory_space<vmem_shared>> -> memref<4000xf32, #tpu.memory_space<vmem_shared>>
      %dma_start3A_374 = tpu.memref_slice %arg17[%add3A_292] : memref<1200000xf32, #tpu.memory_space<vmem_shared>> -> memref<4000xf32, #tpu.memory_space<vmem_shared>>
      tpu.enqueue_dma source(%dma_start3A_374 : memref<4000xf32, #tpu.memory_space<vmem_shared>>) target(%arg15 : memref<4000xf32, #tpu.memory_space<vmem>>) target_semaphore(%run_scoped3A : memref<!tpu.dma_semaphore, #tpu.memory_space<semaphore_mem>>)
      %dma_wait3A_375 = tpu.memref_slice %arg17[%add3A_292] : memref<1200000xf32, #tpu.memory_space<vmem_shared>> -> memref<4000xf32, #tpu.memory_space<vmem_shared>>
      %dma_wait3A_376 = tpu.memref_slice %arg17[%add3A_292] : memref<1200000xf32, #tpu.memory_space<vmem_shared>> -> memref<4000xf32, #tpu.memory_space<vmem_shared>>
      tpu.wait_dma2 semaphore(%run_scoped3A : memref<!tpu.dma_semaphore, #tpu.memory_space<semaphore_mem>>) src(%dma_wait3A_376 : memref<4000xf32, #tpu.memory_space<vmem_shared>>) dst(%arg15 : memref<4000xf32, #tpu.memory_space<vmem>>)
      tpu.yield
    }) : () -> ()
    %add3A_293 = arith.constant 48000 : i32
    %add3A_294 = arith.addi %add3A_174, %add3A_293 : i32
    %dma_start3A_295 = tpu.memref_slice %arg6[%add3A_294] : memref<2400000xf32, #tpu.memory_space<hbm>> -> memref<4000xf32, #tpu.memory_space<hbm>>
    %dma_start3A_296 = tpu.memref_slice %arg6[%add3A_294] : memref<2400000xf32, #tpu.memory_space<hbm>> -> memref<4000xf32, #tpu.memory_space<hbm>>
    tpu.enqueue_dma source(%arg15 : memref<4000xf32, #tpu.memory_space<vmem>>) target(%dma_start3A_296 : memref<4000xf32, #tpu.memory_space<hbm>>) target_semaphore(%arg20 : memref<!tpu.dma_semaphore, #tpu.memory_space<semaphore_mem>>)
    %add3A_297 = arith.constant 44000 : i32
    %add3A_298 = arith.addi %add3A_174, %add3A_297 : i32
    %dma_wait3A_299 = tpu.memref_slice %arg6[%add3A_298] : memref<2400000xf32, #tpu.memory_space<hbm>> -> memref<4000xf32, #tpu.memory_space<hbm>>
    %dma_wait3A_300 = tpu.memref_slice %arg6[%add3A_298] : memref<2400000xf32, #tpu.memory_space<hbm>> -> memref<4000xf32, #tpu.memory_space<hbm>>
    tpu.wait_dma2 semaphore(%arg21 : memref<!tpu.dma_semaphore, #tpu.memory_space<semaphore_mem>>) src(%arg16 : memref<4000xf32, #tpu.memory_space<vmem>>) dst(%dma_wait3A_300 : memref<4000xf32, #tpu.memory_space<hbm>>)
    %add3A_301 = arith.constant 52000 : i32
    %add3A_302 = arith.addi %mul3A_7, %add3A_301 : i32
    "tpu.region"() ({
      %run_scoped3A = tpu.sem_alloc : memref<!tpu.dma_semaphore, #tpu.memory_space<semaphore_mem>>
      %dma_start3A_373 = tpu.memref_slice %arg17[%add3A_302] : memref<1200000xf32, #tpu.memory_space<vmem_shared>> -> memref<4000xf32, #tpu.memory_space<vmem_shared>>
      %dma_start3A_374 = tpu.memref_slice %arg17[%add3A_302] : memref<1200000xf32, #tpu.memory_space<vmem_shared>> -> memref<4000xf32, #tpu.memory_space<vmem_shared>>
      tpu.enqueue_dma source(%dma_start3A_374 : memref<4000xf32, #tpu.memory_space<vmem_shared>>) target(%arg16 : memref<4000xf32, #tpu.memory_space<vmem>>) target_semaphore(%run_scoped3A : memref<!tpu.dma_semaphore, #tpu.memory_space<semaphore_mem>>)
      %dma_wait3A_375 = tpu.memref_slice %arg17[%add3A_302] : memref<1200000xf32, #tpu.memory_space<vmem_shared>> -> memref<4000xf32, #tpu.memory_space<vmem_shared>>
      %dma_wait3A_376 = tpu.memref_slice %arg17[%add3A_302] : memref<1200000xf32, #tpu.memory_space<vmem_shared>> -> memref<4000xf32, #tpu.memory_space<vmem_shared>>
      tpu.wait_dma2 semaphore(%run_scoped3A : memref<!tpu.dma_semaphore, #tpu.memory_space<semaphore_mem>>) src(%dma_wait3A_376 : memref<4000xf32, #tpu.memory_space<vmem_shared>>) dst(%arg16 : memref<4000xf32, #tpu.memory_space<vmem>>)
      tpu.yield
    }) : () -> ()
    %add3A_303 = arith.constant 52000 : i32
    %add3A_304 = arith.addi %add3A_174, %add3A_303 : i32
    %dma_start3A_305 = tpu.memref_slice %arg6[%add3A_304] : memref<2400000xf32, #tpu.memory_space<hbm>> -> memref<4000xf32, #tpu.memory_space<hbm>>
    %dma_start3A_306 = tpu.memref_slice %arg6[%add3A_304] : memref<2400000xf32, #tpu.memory_space<hbm>> -> memref<4000xf32, #tpu.memory_space<hbm>>
    tpu.enqueue_dma source(%arg16 : memref<4000xf32, #tpu.memory_space<vmem>>) target(%dma_start3A_306 : memref<4000xf32, #tpu.memory_space<hbm>>) target_semaphore(%arg21 : memref<!tpu.dma_semaphore, #tpu.memory_space<semaphore_mem>>)
    %add3A_307 = arith.constant 48000 : i32
    %add3A_308 = arith.addi %add3A_174, %add3A_307 : i32
    %dma_wait3A_309 = tpu.memref_slice %arg6[%add3A_308] : memref<2400000xf32, #tpu.memory_space<hbm>> -> memref<4000xf32, #tpu.memory_space<hbm>>
    %dma_wait3A_310 = tpu.memref_slice %arg6[%add3A_308] : memref<2400000xf32, #tpu.memory_space<hbm>> -> memref<4000xf32, #tpu.memory_space<hbm>>
    tpu.wait_dma2 semaphore(%arg20 : memref<!tpu.dma_semaphore, #tpu.memory_space<semaphore_mem>>) src(%arg15 : memref<4000xf32, #tpu.memory_space<vmem>>) dst(%dma_wait3A_310 : memref<4000xf32, #tpu.memory_space<hbm>>)
    %add3A_311 = arith.constant 56000 : i32
    %add3A_312 = arith.addi %mul3A_7, %add3A_311 : i32
    "tpu.region"() ({
      %run_scoped3A = tpu.sem_alloc : memref<!tpu.dma_semaphore, #tpu.memory_space<semaphore_mem>>
      %dma_start3A_373 = tpu.memref_slice %arg17[%add3A_312] : memref<1200000xf32, #tpu.memory_space<vmem_shared>> -> memref<4000xf32, #tpu.memory_space<vmem_shared>>
      %dma_start3A_374 = tpu.memref_slice %arg17[%add3A_312] : memref<1200000xf32, #tpu.memory_space<vmem_shared>> -> memref<4000xf32, #tpu.memory_space<vmem_shared>>
      tpu.enqueue_dma source(%dma_start3A_374 : memref<4000xf32, #tpu.memory_space<vmem_shared>>) target(%arg15 : memref<4000xf32, #tpu.memory_space<vmem>>) target_semaphore(%run_scoped3A : memref<!tpu.dma_semaphore, #tpu.memory_space<semaphore_mem>>)
      %dma_wait3A_375 = tpu.memref_slice %arg17[%add3A_312] : memref<1200000xf32, #tpu.memory_space<vmem_shared>> -> memref<4000xf32, #tpu.memory_space<vmem_shared>>
      %dma_wait3A_376 = tpu.memref_slice %arg17[%add3A_312] : memref<1200000xf32, #tpu.memory_space<vmem_shared>> -> memref<4000xf32, #tpu.memory_space<vmem_shared>>
      tpu.wait_dma2 semaphore(%run_scoped3A : memref<!tpu.dma_semaphore, #tpu.memory_space<semaphore_mem>>) src(%dma_wait3A_376 : memref<4000xf32, #tpu.memory_space<vmem_shared>>) dst(%arg15 : memref<4000xf32, #tpu.memory_space<vmem>>)
      tpu.yield
    }) : () -> ()
    %add3A_313 = arith.constant 56000 : i32
    %add3A_314 = arith.addi %add3A_174, %add3A_313 : i32
    %dma_start3A_315 = tpu.memref_slice %arg6[%add3A_314] : memref<2400000xf32, #tpu.memory_space<hbm>> -> memref<4000xf32, #tpu.memory_space<hbm>>
    %dma_start3A_316 = tpu.memref_slice %arg6[%add3A_314] : memref<2400000xf32, #tpu.memory_space<hbm>> -> memref<4000xf32, #tpu.memory_space<hbm>>
    tpu.enqueue_dma source(%arg15 : memref<4000xf32, #tpu.memory_space<vmem>>) target(%dma_start3A_316 : memref<4000xf32, #tpu.memory_space<hbm>>) target_semaphore(%arg20 : memref<!tpu.dma_semaphore, #tpu.memory_space<semaphore_mem>>)
    %add3A_317 = arith.constant 52000 : i32
    %add3A_318 = arith.addi %add3A_174, %add3A_317 : i32
    %dma_wait3A_319 = tpu.memref_slice %arg6[%add3A_318] : memref<2400000xf32, #tpu.memory_space<hbm>> -> memref<4000xf32, #tpu.memory_space<hbm>>
    %dma_wait3A_320 = tpu.memref_slice %arg6[%add3A_318] : memref<2400000xf32, #tpu.memory_space<hbm>> -> memref<4000xf32, #tpu.memory_space<hbm>>
    tpu.wait_dma2 semaphore(%arg21 : memref<!tpu.dma_semaphore, #tpu.memory_space<semaphore_mem>>) src(%arg16 : memref<4000xf32, #tpu.memory_space<vmem>>) dst(%dma_wait3A_320 : memref<4000xf32, #tpu.memory_space<hbm>>)
    %add3A_321 = arith.constant 60000 : i32
    %add3A_322 = arith.addi %mul3A_7, %add3A_321 : i32
    "tpu.region"() ({
      %run_scoped3A = tpu.sem_alloc : memref<!tpu.dma_semaphore, #tpu.memory_space<semaphore_mem>>
      %dma_start3A_373 = tpu.memref_slice %arg17[%add3A_322] : memref<1200000xf32, #tpu.memory_space<vmem_shared>> -> memref<4000xf32, #tpu.memory_space<vmem_shared>>
      %dma_start3A_374 = tpu.memref_slice %arg17[%add3A_322] : memref<1200000xf32, #tpu.memory_space<vmem_shared>> -> memref<4000xf32, #tpu.memory_space<vmem_shared>>
      tpu.enqueue_dma source(%dma_start3A_374 : memref<4000xf32, #tpu.memory_space<vmem_shared>>) target(%arg16 : memref<4000xf32, #tpu.memory_space<vmem>>) target_semaphore(%run_scoped3A : memref<!tpu.dma_semaphore, #tpu.memory_space<semaphore_mem>>)
      %dma_wait3A_375 = tpu.memref_slice %arg17[%add3A_322] : memref<1200000xf32, #tpu.memory_space<vmem_shared>> -> memref<4000xf32, #tpu.memory_space<vmem_shared>>
      %dma_wait3A_376 = tpu.memref_slice %arg17[%add3A_322] : memref<1200000xf32, #tpu.memory_space<vmem_shared>> -> memref<4000xf32, #tpu.memory_space<vmem_shared>>
      tpu.wait_dma2 semaphore(%run_scoped3A : memref<!tpu.dma_semaphore, #tpu.memory_space<semaphore_mem>>) src(%dma_wait3A_376 : memref<4000xf32, #tpu.memory_space<vmem_shared>>) dst(%arg16 : memref<4000xf32, #tpu.memory_space<vmem>>)
      tpu.yield
    }) : () -> ()
    %add3A_323 = arith.constant 60000 : i32
    %add3A_324 = arith.addi %add3A_174, %add3A_323 : i32
    %dma_start3A_325 = tpu.memref_slice %arg6[%add3A_324] : memref<2400000xf32, #tpu.memory_space<hbm>> -> memref<4000xf32, #tpu.memory_space<hbm>>
    %dma_start3A_326 = tpu.memref_slice %arg6[%add3A_324] : memref<2400000xf32, #tpu.memory_space<hbm>> -> memref<4000xf32, #tpu.memory_space<hbm>>
    tpu.enqueue_dma source(%arg16 : memref<4000xf32, #tpu.memory_space<vmem>>) target(%dma_start3A_326 : memref<4000xf32, #tpu.memory_space<hbm>>) target_semaphore(%arg21 : memref<!tpu.dma_semaphore, #tpu.memory_space<semaphore_mem>>)
    %add3A_327 = arith.constant 56000 : i32
    %add3A_328 = arith.addi %add3A_174, %add3A_327 : i32
    %dma_wait3A_329 = tpu.memref_slice %arg6[%add3A_328] : memref<2400000xf32, #tpu.memory_space<hbm>> -> memref<4000xf32, #tpu.memory_space<hbm>>
    %dma_wait3A_330 = tpu.memref_slice %arg6[%add3A_328] : memref<2400000xf32, #tpu.memory_space<hbm>> -> memref<4000xf32, #tpu.memory_space<hbm>>
    tpu.wait_dma2 semaphore(%arg20 : memref<!tpu.dma_semaphore, #tpu.memory_space<semaphore_mem>>) src(%arg15 : memref<4000xf32, #tpu.memory_space<vmem>>) dst(%dma_wait3A_330 : memref<4000xf32, #tpu.memory_space<hbm>>)
    %add3A_331 = arith.constant 64000 : i32
    %add3A_332 = arith.addi %mul3A_7, %add3A_331 : i32
    "tpu.region"() ({
      %run_scoped3A = tpu.sem_alloc : memref<!tpu.dma_semaphore, #tpu.memory_space<semaphore_mem>>
      %dma_start3A_373 = tpu.memref_slice %arg17[%add3A_332] : memref<1200000xf32, #tpu.memory_space<vmem_shared>> -> memref<4000xf32, #tpu.memory_space<vmem_shared>>
      %dma_start3A_374 = tpu.memref_slice %arg17[%add3A_332] : memref<1200000xf32, #tpu.memory_space<vmem_shared>> -> memref<4000xf32, #tpu.memory_space<vmem_shared>>
      tpu.enqueue_dma source(%dma_start3A_374 : memref<4000xf32, #tpu.memory_space<vmem_shared>>) target(%arg15 : memref<4000xf32, #tpu.memory_space<vmem>>) target_semaphore(%run_scoped3A : memref<!tpu.dma_semaphore, #tpu.memory_space<semaphore_mem>>)
      %dma_wait3A_375 = tpu.memref_slice %arg17[%add3A_332] : memref<1200000xf32, #tpu.memory_space<vmem_shared>> -> memref<4000xf32, #tpu.memory_space<vmem_shared>>
      %dma_wait3A_376 = tpu.memref_slice %arg17[%add3A_332] : memref<1200000xf32, #tpu.memory_space<vmem_shared>> -> memref<4000xf32, #tpu.memory_space<vmem_shared>>
      tpu.wait_dma2 semaphore(%run_scoped3A : memref<!tpu.dma_semaphore, #tpu.memory_space<semaphore_mem>>) src(%dma_wait3A_376 : memref<4000xf32, #tpu.memory_space<vmem_shared>>) dst(%arg15 : memref<4000xf32, #tpu.memory_space<vmem>>)
      tpu.yield
    }) : () -> ()
    %add3A_333 = arith.constant 64000 : i32
    %add3A_334 = arith.addi %add3A_174, %add3A_333 : i32
    %dma_start3A_335 = tpu.memref_slice %arg6[%add3A_334] : memref<2400000xf32, #tpu.memory_space<hbm>> -> memref<4000xf32, #tpu.memory_space<hbm>>
    %dma_start3A_336 = tpu.memref_slice %arg6[%add3A_334] : memref<2400000xf32, #tpu.memory_space<hbm>> -> memref<4000xf32, #tpu.memory_space<hbm>>
    tpu.enqueue_dma source(%arg15 : memref<4000xf32, #tpu.memory_space<vmem>>) target(%dma_start3A_336 : memref<4000xf32, #tpu.memory_space<hbm>>) target_semaphore(%arg20 : memref<!tpu.dma_semaphore, #tpu.memory_space<semaphore_mem>>)
    %add3A_337 = arith.constant 60000 : i32
    %add3A_338 = arith.addi %add3A_174, %add3A_337 : i32
    %dma_wait3A_339 = tpu.memref_slice %arg6[%add3A_338] : memref<2400000xf32, #tpu.memory_space<hbm>> -> memref<4000xf32, #tpu.memory_space<hbm>>
    %dma_wait3A_340 = tpu.memref_slice %arg6[%add3A_338] : memref<2400000xf32, #tpu.memory_space<hbm>> -> memref<4000xf32, #tpu.memory_space<hbm>>
    tpu.wait_dma2 semaphore(%arg21 : memref<!tpu.dma_semaphore, #tpu.memory_space<semaphore_mem>>) src(%arg16 : memref<4000xf32, #tpu.memory_space<vmem>>) dst(%dma_wait3A_340 : memref<4000xf32, #tpu.memory_space<hbm>>)
    %add3A_341 = arith.constant 68000 : i32
    %add3A_342 = arith.addi %mul3A_7, %add3A_341 : i32
    "tpu.region"() ({
      %run_scoped3A = tpu.sem_alloc : memref<!tpu.dma_semaphore, #tpu.memory_space<semaphore_mem>>
      %dma_start3A_373 = tpu.memref_slice %arg17[%add3A_342] : memref<1200000xf32, #tpu.memory_space<vmem_shared>> -> memref<4000xf32, #tpu.memory_space<vmem_shared>>
      %dma_start3A_374 = tpu.memref_slice %arg17[%add3A_342] : memref<1200000xf32, #tpu.memory_space<vmem_shared>> -> memref<4000xf32, #tpu.memory_space<vmem_shared>>
      tpu.enqueue_dma source(%dma_start3A_374 : memref<4000xf32, #tpu.memory_space<vmem_shared>>) target(%arg16 : memref<4000xf32, #tpu.memory_space<vmem>>) target_semaphore(%run_scoped3A : memref<!tpu.dma_semaphore, #tpu.memory_space<semaphore_mem>>)
      %dma_wait3A_375 = tpu.memref_slice %arg17[%add3A_342] : memref<1200000xf32, #tpu.memory_space<vmem_shared>> -> memref<4000xf32, #tpu.memory_space<vmem_shared>>
      %dma_wait3A_376 = tpu.memref_slice %arg17[%add3A_342] : memref<1200000xf32, #tpu.memory_space<vmem_shared>> -> memref<4000xf32, #tpu.memory_space<vmem_shared>>
      tpu.wait_dma2 semaphore(%run_scoped3A : memref<!tpu.dma_semaphore, #tpu.memory_space<semaphore_mem>>) src(%dma_wait3A_376 : memref<4000xf32, #tpu.memory_space<vmem_shared>>) dst(%arg16 : memref<4000xf32, #tpu.memory_space<vmem>>)
      tpu.yield
    }) : () -> ()
    %add3A_343 = arith.constant 68000 : i32
    %add3A_344 = arith.addi %add3A_174, %add3A_343 : i32
    %dma_start3A_345 = tpu.memref_slice %arg6[%add3A_344] : memref<2400000xf32, #tpu.memory_space<hbm>> -> memref<4000xf32, #tpu.memory_space<hbm>>
    %dma_start3A_346 = tpu.memref_slice %arg6[%add3A_344] : memref<2400000xf32, #tpu.memory_space<hbm>> -> memref<4000xf32, #tpu.memory_space<hbm>>
    tpu.enqueue_dma source(%arg16 : memref<4000xf32, #tpu.memory_space<vmem>>) target(%dma_start3A_346 : memref<4000xf32, #tpu.memory_space<hbm>>) target_semaphore(%arg21 : memref<!tpu.dma_semaphore, #tpu.memory_space<semaphore_mem>>)
    %add3A_347 = arith.constant 64000 : i32
    %add3A_348 = arith.addi %add3A_174, %add3A_347 : i32
    %dma_wait3A_349 = tpu.memref_slice %arg6[%add3A_348] : memref<2400000xf32, #tpu.memory_space<hbm>> -> memref<4000xf32, #tpu.memory_space<hbm>>
    %dma_wait3A_350 = tpu.memref_slice %arg6[%add3A_348] : memref<2400000xf32, #tpu.memory_space<hbm>> -> memref<4000xf32, #tpu.memory_space<hbm>>
    tpu.wait_dma2 semaphore(%arg20 : memref<!tpu.dma_semaphore, #tpu.memory_space<semaphore_mem>>) src(%arg15 : memref<4000xf32, #tpu.memory_space<vmem>>) dst(%dma_wait3A_350 : memref<4000xf32, #tpu.memory_space<hbm>>)
    %add3A_351 = arith.constant 72000 : i32
    %add3A_352 = arith.addi %mul3A_7, %add3A_351 : i32
    "tpu.region"() ({
      %run_scoped3A = tpu.sem_alloc : memref<!tpu.dma_semaphore, #tpu.memory_space<semaphore_mem>>
      %dma_start3A_373 = arith.constant 0 : i32
      %dma_start3A_374 = tpu.memref_slice %arg15[%dma_start3A_373] : memref<4000xf32, #tpu.memory_space<vmem>> -> memref<3000xf32, #tpu.memory_space<vmem>>
      %dma_start3A_375 = tpu.memref_slice %arg17[%add3A_352] : memref<1200000xf32, #tpu.memory_space<vmem_shared>> -> memref<3000xf32, #tpu.memory_space<vmem_shared>>
      %dma_start3A_376 = arith.constant 0 : i32
      %dma_start3A_377 = tpu.memref_slice %arg15[%dma_start3A_376] : memref<4000xf32, #tpu.memory_space<vmem>> -> memref<3000xf32, #tpu.memory_space<vmem>>
      %dma_start3A_378 = tpu.memref_slice %arg17[%add3A_352] : memref<1200000xf32, #tpu.memory_space<vmem_shared>> -> memref<3000xf32, #tpu.memory_space<vmem_shared>>
      tpu.enqueue_dma source(%dma_start3A_378 : memref<3000xf32, #tpu.memory_space<vmem_shared>>) target(%dma_start3A_377 : memref<3000xf32, #tpu.memory_space<vmem>>) target_semaphore(%run_scoped3A : memref<!tpu.dma_semaphore, #tpu.memory_space<semaphore_mem>>)
      %dma_wait3A_379 = arith.constant 0 : i32
      %dma_wait3A_380 = tpu.memref_slice %arg15[%dma_wait3A_379] : memref<4000xf32, #tpu.memory_space<vmem>> -> memref<3000xf32, #tpu.memory_space<vmem>>
      %dma_wait3A_381 = tpu.memref_slice %arg17[%add3A_352] : memref<1200000xf32, #tpu.memory_space<vmem_shared>> -> memref<3000xf32, #tpu.memory_space<vmem_shared>>
      %dma_wait3A_382 = arith.constant 0 : i32
      %dma_wait3A_383 = tpu.memref_slice %arg15[%dma_wait3A_382] : memref<4000xf32, #tpu.memory_space<vmem>> -> memref<3000xf32, #tpu.memory_space<vmem>>
      %dma_wait3A_384 = tpu.memref_slice %arg17[%add3A_352] : memref<1200000xf32, #tpu.memory_space<vmem_shared>> -> memref<3000xf32, #tpu.memory_space<vmem_shared>>
      tpu.wait_dma2 semaphore(%run_scoped3A : memref<!tpu.dma_semaphore, #tpu.memory_space<semaphore_mem>>) src(%dma_wait3A_384 : memref<3000xf32, #tpu.memory_space<vmem_shared>>) dst(%dma_wait3A_383 : memref<3000xf32, #tpu.memory_space<vmem>>)
      tpu.yield
    }) : () -> ()
    %add3A_353 = arith.constant 72000 : i32
    %add3A_354 = arith.addi %add3A_174, %add3A_353 : i32
    %dma_start3A_355 = arith.constant 0 : i32
    %dma_start3A_356 = tpu.memref_slice %arg15[%dma_start3A_355] : memref<4000xf32, #tpu.memory_space<vmem>> -> memref<3000xf32, #tpu.memory_space<vmem>>
    %dma_start3A_357 = tpu.memref_slice %arg6[%add3A_354] : memref<2400000xf32, #tpu.memory_space<hbm>> -> memref<3000xf32, #tpu.memory_space<hbm>>
    %dma_start3A_358 = tpu.memref_slice %arg6[%add3A_354] : memref<2400000xf32, #tpu.memory_space<hbm>> -> memref<3000xf32, #tpu.memory_space<hbm>>
    %dma_start3A_359 = arith.constant 0 : i32
    %dma_start3A_360 = tpu.memref_slice %arg15[%dma_start3A_359] : memref<4000xf32, #tpu.memory_space<vmem>> -> memref<3000xf32, #tpu.memory_space<vmem>>
    tpu.enqueue_dma source(%dma_start3A_360 : memref<3000xf32, #tpu.memory_space<vmem>>) target(%dma_start3A_358 : memref<3000xf32, #tpu.memory_space<hbm>>) target_semaphore(%arg20 : memref<!tpu.dma_semaphore, #tpu.memory_space<semaphore_mem>>)
    %add3A_361 = arith.constant 68000 : i32
    %add3A_362 = arith.addi %add3A_174, %add3A_361 : i32
    %dma_wait3A_363 = tpu.memref_slice %arg6[%add3A_362] : memref<2400000xf32, #tpu.memory_space<hbm>> -> memref<4000xf32, #tpu.memory_space<hbm>>
    %dma_wait3A_364 = tpu.memref_slice %arg6[%add3A_362] : memref<2400000xf32, #tpu.memory_space<hbm>> -> memref<4000xf32, #tpu.memory_space<hbm>>
    tpu.wait_dma2 semaphore(%arg21 : memref<!tpu.dma_semaphore, #tpu.memory_space<semaphore_mem>>) src(%arg16 : memref<4000xf32, #tpu.memory_space<vmem>>) dst(%dma_wait3A_364 : memref<4000xf32, #tpu.memory_space<hbm>>)
    %add3A_365 = arith.constant 72000 : i32
    %add3A_366 = arith.addi %add3A_174, %add3A_365 : i32
    %dma_wait3A_367 = arith.constant 0 : i32
    %dma_wait3A_368 = tpu.memref_slice %arg15[%dma_wait3A_367] : memref<4000xf32, #tpu.memory_space<vmem>> -> memref<3000xf32, #tpu.memory_space<vmem>>
    %dma_wait3A_369 = tpu.memref_slice %arg6[%add3A_366] : memref<2400000xf32, #tpu.memory_space<hbm>> -> memref<3000xf32, #tpu.memory_space<hbm>>
    %dma_wait3A_370 = tpu.memref_slice %arg6[%add3A_366] : memref<2400000xf32, #tpu.memory_space<hbm>> -> memref<3000xf32, #tpu.memory_space<hbm>>
    %dma_wait3A_371 = arith.constant 0 : i32
    %dma_wait3A_372 = tpu.memref_slice %arg15[%dma_wait3A_371] : memref<4000xf32, #tpu.memory_space<vmem>> -> memref<3000xf32, #tpu.memory_space<vmem>>
    tpu.wait_dma2 semaphore(%arg20 : memref<!tpu.dma_semaphore, #tpu.memory_space<semaphore_mem>>) src(%dma_wait3A_372 : memref<3000xf32, #tpu.memory_space<vmem>>) dst(%dma_wait3A_370 : memref<3000xf32, #tpu.memory_space<hbm>>)
    return
  }
}

#map = affine_map<(d0, d1) -> (0, 0)>
#map1 = affine_map<(d0, d1) -> (0)>
#map2 = affine_map<(d0, d1) -> (0, 0, 0)>
module attributes {stable_mosaic.version = 14 : i64} {
  func.func @_sc_pass2(%arg0: i32, %arg1: i32, %arg2: memref<10000x128xf32, #tpu.memory_space<hbm>>, %arg3: memref<320000xi32, #tpu.memory_space<hbm>>, %arg4: memref<320000xi32, #tpu.memory_space<hbm>>, %arg5: memref<2x10240x128xf32, #tpu.memory_space<hbm>>, %arg6: memref<10000xi32, #tpu.memory_space<vmem>>, %arg7: memref<10000xi32, #tpu.memory_space<vmem>>, %arg8: memref<80xi32, #tpu.memory_space<vmem>>, %arg9: memref<80x128xf32, #tpu.memory_space<vmem>>, %arg10: memref<80x128xf32, #tpu.memory_space<vmem>>, %arg11: memref<10240x128xf32, #tpu.memory_space<vmem_shared>>, %arg12: memref<!tpu.dma_semaphore, #tpu.memory_space<semaphore_mem>>, %arg13: memref<!tpu.dma_semaphore, #tpu.memory_space<semaphore_mem>>, %arg14: memref<!tpu.dma_semaphore, #tpu.memory_space<semaphore_mem>>) attributes {dimension_semantics = [#tpu.dimension_semantics<core_parallel>, #tpu.dimension_semantics<subcore_parallel>], iteration_bounds = array<i64: 2, 16>, scalar_prefetch = 0 : i64, scratch_operands = 9 : i64, tpu.core_type = #tpu.core_type<sc_vector_subcore>, window_params = [{transform_indices = #map}, {transform_indices = #map1}, {transform_indices = #map1}, {transform_indices = #map2}]} {
    %mul3A = arith.constant 2 : i32
    %mul3A_0 = arith.muli %arg1, %mul3A : i32
    %add3A = arith.addi %mul3A_0, %arg0 : i32
    %broadcast_in_dim3A = arith.constant 0.000000e+00 : f32
    %broadcast_in_dim3A_1 = vector.broadcast %broadcast_in_dim3A : f32 to vector<16xf32>
    %scan3A = arith.constant 0 : i32
    %scan3A_2 = arith.constant 640 : i32
    %scan3A_3 = arith.addi %scan3A, %scan3A_2 : i32
    %scan3A_4 = arith.constant 1 : i32
    scf.for %scan3A_330 = %scan3A to %scan3A_3 step %scan3A_4  : i32 {
      %jit3A = arith.constant 8 : i32
      %div3A = arith.divsi %scan3A_330, %jit3A : i32
      %sign3A = arith.constant 0 : i32
      %sign3A_331 = arith.cmpi sgt, %scan3A_330, %sign3A : i32
      %sign3A_332 = arith.extui %sign3A_331 : i1 to i32
      %sign3A_333 = arith.constant 0 : i32
      %sign3A_334 = arith.cmpi slt, %scan3A_330, %sign3A_333 : i32
      %sign3A_335 = arith.extui %sign3A_334 : i1 to i32
      %sign3A_336 = arith.subi %sign3A_332, %sign3A_335 : i32
      %sign3A_337 = arith.constant 0 : i32
      %sign3A_338 = arith.cmpi sgt, %jit3A, %sign3A_337 : i32
      %sign3A_339 = arith.extui %sign3A_338 : i1 to i32
      %sign3A_340 = arith.constant 0 : i32
      %sign3A_341 = arith.cmpi slt, %jit3A, %sign3A_340 : i32
      %sign3A_342 = arith.extui %sign3A_341 : i1 to i32
      %sign3A_343 = arith.subi %sign3A_339, %sign3A_342 : i32
      %ne3A = arith.cmpi ne, %sign3A_336, %sign3A_343 : i32
      %rem3A = arith.remsi %scan3A_330, %jit3A : i32
      %ne3A_344 = arith.constant 0 : i32
      %ne3A_345 = arith.cmpi ne, %rem3A, %ne3A_344 : i32
      %and3A = arith.andi %ne3A, %ne3A_345 : i1
      %sub3A = arith.constant 1 : i32
      %sub3A_346 = arith.subi %div3A, %sub3A : i32
      %select_n3A = arith.select %and3A, %sub3A_346, %div3A : i32
      %jit3A_347 = arith.constant 8 : i32
      %eq3A = arith.constant 0 : i32
      %eq3A_348 = arith.cmpi eq, %jit3A_347, %eq3A : i32
      %jit3A_349 = arith.constant 1 : i32
      %select_n3A_350 = arith.select %eq3A_348, %jit3A_349, %jit3A_347 : i32
      %rem3A_351 = arith.remsi %scan3A_330, %select_n3A_350 : i32
      %ne3A_352 = arith.constant 0 : i32
      %ne3A_353 = arith.cmpi ne, %rem3A_351, %ne3A_352 : i32
      %lt3A = arith.constant 0 : i32
      %lt3A_354 = arith.cmpi slt, %rem3A_351, %lt3A : i32
      %lt3A_355 = arith.constant 0 : i32
      %lt3A_356 = arith.cmpi slt, %select_n3A_350, %lt3A_355 : i32
      %ne3A_357 = arith.xori %lt3A_354, %lt3A_356 : i1
      %and3A_358 = arith.andi %ne3A_357, %ne3A_353 : i1
      %add3A_359 = arith.addi %rem3A_351, %select_n3A_350 : i32
      %select_n3A_360 = arith.select %and3A_358, %add3A_359, %rem3A_351 : i32
      %mul3A_361 = arith.constant 16 : i32
      %mul3A_362 = arith.muli %select_n3A_360, %mul3A_361 : i32
      %swap3A_363 = arith.index_cast %select_n3A : i32 to index
      %swap3A_364 = arith.index_cast %mul3A_362 : i32 to index
      %swap3A_365 = tpu.vector_load %arg9[%swap3A_363, %swap3A_364] {strides = array<i32>} : memref<80x128xf32, #tpu.memory_space<vmem>>, vector<16xf32>,
      tpu.vector_store %arg9[%swap3A_363, %swap3A_364], %broadcast_in_dim3A_1 {strides = array<i32>} : memref<80x128xf32, #tpu.memory_space<vmem>>, vector<16xf32>,
    }
    %scan3A_5 = arith.constant 640 : i32
    %mul3A_6 = arith.constant 640 : i32
    %mul3A_7 = arith.muli %arg1, %mul3A_6 : i32
    %add3A_8 = arith.constant 0 : i32
    %add3A_9 = arith.addi %mul3A_7, %add3A_8 : i32
    %dma_start3A = arith.constant 0 : i32
    %dma_start3A_10 = tpu.memref_slice %arg11[%add3A_9, %dma_start3A] : memref<10240x128xf32, #tpu.memory_space<vmem_shared>> -> memref<80x128xf32, #tpu.memory_space<vmem_shared>>
    %dma_start3A_11 = arith.constant 0 : i32
    %dma_start3A_12 = tpu.memref_slice %arg11[%add3A_9, %dma_start3A_11] : memref<10240x128xf32, #tpu.memory_space<vmem_shared>> -> memref<80x128xf32, #tpu.memory_space<vmem_shared>>
    tpu.enqueue_dma source(%arg9 : memref<80x128xf32, #tpu.memory_space<vmem>>) target(%dma_start3A_12 : memref<80x128xf32, #tpu.memory_space<vmem_shared>>) target_semaphore(%arg14 : memref<!tpu.dma_semaphore, #tpu.memory_space<semaphore_mem>>)
    %mul3A_13 = arith.constant 640 : i32
    %mul3A_14 = arith.muli %arg1, %mul3A_13 : i32
    %add3A_15 = arith.constant 80 : i32
    %add3A_16 = arith.addi %mul3A_14, %add3A_15 : i32
    %dma_start3A_17 = arith.constant 0 : i32
    %dma_start3A_18 = tpu.memref_slice %arg11[%add3A_16, %dma_start3A_17] : memref<10240x128xf32, #tpu.memory_space<vmem_shared>> -> memref<80x128xf32, #tpu.memory_space<vmem_shared>>
    %dma_start3A_19 = arith.constant 0 : i32
    %dma_start3A_20 = tpu.memref_slice %arg11[%add3A_16, %dma_start3A_19] : memref<10240x128xf32, #tpu.memory_space<vmem_shared>> -> memref<80x128xf32, #tpu.memory_space<vmem_shared>>
    tpu.enqueue_dma source(%arg9 : memref<80x128xf32, #tpu.memory_space<vmem>>) target(%dma_start3A_20 : memref<80x128xf32, #tpu.memory_space<vmem_shared>>) target_semaphore(%arg14 : memref<!tpu.dma_semaphore, #tpu.memory_space<semaphore_mem>>)
    %mul3A_21 = arith.constant 640 : i32
    %mul3A_22 = arith.muli %arg1, %mul3A_21 : i32
    %add3A_23 = arith.constant 160 : i32
    %add3A_24 = arith.addi %mul3A_22, %add3A_23 : i32
    %dma_start3A_25 = arith.constant 0 : i32
    %dma_start3A_26 = tpu.memref_slice %arg11[%add3A_24, %dma_start3A_25] : memref<10240x128xf32, #tpu.memory_space<vmem_shared>> -> memref<80x128xf32, #tpu.memory_space<vmem_shared>>
    %dma_start3A_27 = arith.constant 0 : i32
    %dma_start3A_28 = tpu.memref_slice %arg11[%add3A_24, %dma_start3A_27] : memref<10240x128xf32, #tpu.memory_space<vmem_shared>> -> memref<80x128xf32, #tpu.memory_space<vmem_shared>>
    tpu.enqueue_dma source(%arg9 : memref<80x128xf32, #tpu.memory_space<vmem>>) target(%dma_start3A_28 : memref<80x128xf32, #tpu.memory_space<vmem_shared>>) target_semaphore(%arg14 : memref<!tpu.dma_semaphore, #tpu.memory_space<semaphore_mem>>)
    %mul3A_29 = arith.constant 640 : i32
    %mul3A_30 = arith.muli %arg1, %mul3A_29 : i32
    %add3A_31 = arith.constant 240 : i32
    %add3A_32 = arith.addi %mul3A_30, %add3A_31 : i32
    %dma_start3A_33 = arith.constant 0 : i32
    %dma_start3A_34 = tpu.memref_slice %arg11[%add3A_32, %dma_start3A_33] : memref<10240x128xf32, #tpu.memory_space<vmem_shared>> -> memref<80x128xf32, #tpu.memory_space<vmem_shared>>
    %dma_start3A_35 = arith.constant 0 : i32
    %dma_start3A_36 = tpu.memref_slice %arg11[%add3A_32, %dma_start3A_35] : memref<10240x128xf32, #tpu.memory_space<vmem_shared>> -> memref<80x128xf32, #tpu.memory_space<vmem_shared>>
    tpu.enqueue_dma source(%arg9 : memref<80x128xf32, #tpu.memory_space<vmem>>) target(%dma_start3A_36 : memref<80x128xf32, #tpu.memory_space<vmem_shared>>) target_semaphore(%arg14 : memref<!tpu.dma_semaphore, #tpu.memory_space<semaphore_mem>>)
    %mul3A_37 = arith.constant 640 : i32
    %mul3A_38 = arith.muli %arg1, %mul3A_37 : i32
    %add3A_39 = arith.constant 320 : i32
    %add3A_40 = arith.addi %mul3A_38, %add3A_39 : i32
    %dma_start3A_41 = arith.constant 0 : i32
    %dma_start3A_42 = tpu.memref_slice %arg11[%add3A_40, %dma_start3A_41] : memref<10240x128xf32, #tpu.memory_space<vmem_shared>> -> memref<80x128xf32, #tpu.memory_space<vmem_shared>>
    %dma_start3A_43 = arith.constant 0 : i32
    %dma_start3A_44 = tpu.memref_slice %arg11[%add3A_40, %dma_start3A_43] : memref<10240x128xf32, #tpu.memory_space<vmem_shared>> -> memref<80x128xf32, #tpu.memory_space<vmem_shared>>
    tpu.enqueue_dma source(%arg9 : memref<80x128xf32, #tpu.memory_space<vmem>>) target(%dma_start3A_44 : memref<80x128xf32, #tpu.memory_space<vmem_shared>>) target_semaphore(%arg14 : memref<!tpu.dma_semaphore, #tpu.memory_space<semaphore_mem>>)
    %mul3A_45 = arith.constant 640 : i32
    %mul3A_46 = arith.muli %arg1, %mul3A_45 : i32
    %add3A_47 = arith.constant 400 : i32
    %add3A_48 = arith.addi %mul3A_46, %add3A_47 : i32
    %dma_start3A_49 = arith.constant 0 : i32
    %dma_start3A_50 = tpu.memref_slice %arg11[%add3A_48, %dma_start3A_49] : memref<10240x128xf32, #tpu.memory_space<vmem_shared>> -> memref<80x128xf32, #tpu.memory_space<vmem_shared>>
    %dma_start3A_51 = arith.constant 0 : i32
    %dma_start3A_52 = tpu.memref_slice %arg11[%add3A_48, %dma_start3A_51] : memref<10240x128xf32, #tpu.memory_space<vmem_shared>> -> memref<80x128xf32, #tpu.memory_space<vmem_shared>>
    tpu.enqueue_dma source(%arg9 : memref<80x128xf32, #tpu.memory_space<vmem>>) target(%dma_start3A_52 : memref<80x128xf32, #tpu.memory_space<vmem_shared>>) target_semaphore(%arg14 : memref<!tpu.dma_semaphore, #tpu.memory_space<semaphore_mem>>)
    %mul3A_53 = arith.constant 640 : i32
    %mul3A_54 = arith.muli %arg1, %mul3A_53 : i32
    %add3A_55 = arith.constant 480 : i32
    %add3A_56 = arith.addi %mul3A_54, %add3A_55 : i32
    %dma_start3A_57 = arith.constant 0 : i32
    %dma_start3A_58 = tpu.memref_slice %arg11[%add3A_56, %dma_start3A_57] : memref<10240x128xf32, #tpu.memory_space<vmem_shared>> -> memref<80x128xf32, #tpu.memory_space<vmem_shared>>
    %dma_start3A_59 = arith.constant 0 : i32
    %dma_start3A_60 = tpu.memref_slice %arg11[%add3A_56, %dma_start3A_59] : memref<10240x128xf32, #tpu.memory_space<vmem_shared>> -> memref<80x128xf32, #tpu.memory_space<vmem_shared>>
    tpu.enqueue_dma source(%arg9 : memref<80x128xf32, #tpu.memory_space<vmem>>) target(%dma_start3A_60 : memref<80x128xf32, #tpu.memory_space<vmem_shared>>) target_semaphore(%arg14 : memref<!tpu.dma_semaphore, #tpu.memory_space<semaphore_mem>>)
    %mul3A_61 = arith.constant 640 : i32
    %mul3A_62 = arith.muli %arg1, %mul3A_61 : i32
    %add3A_63 = arith.constant 560 : i32
    %add3A_64 = arith.addi %mul3A_62, %add3A_63 : i32
    %dma_start3A_65 = arith.constant 0 : i32
    %dma_start3A_66 = tpu.memref_slice %arg11[%add3A_64, %dma_start3A_65] : memref<10240x128xf32, #tpu.memory_space<vmem_shared>> -> memref<80x128xf32, #tpu.memory_space<vmem_shared>>
    %dma_start3A_67 = arith.constant 0 : i32
    %dma_start3A_68 = tpu.memref_slice %arg11[%add3A_64, %dma_start3A_67] : memref<10240x128xf32, #tpu.memory_space<vmem_shared>> -> memref<80x128xf32, #tpu.memory_space<vmem_shared>>
    tpu.enqueue_dma source(%arg9 : memref<80x128xf32, #tpu.memory_space<vmem>>) target(%dma_start3A_68 : memref<80x128xf32, #tpu.memory_space<vmem_shared>>) target_semaphore(%arg14 : memref<!tpu.dma_semaphore, #tpu.memory_space<semaphore_mem>>)
    %mul3A_69 = arith.constant 10000 : i32
    %mul3A_70 = arith.muli %add3A, %mul3A_69 : i32
    "tpu.region"() ({
      %run_scoped3A = tpu.sem_alloc : memref<!tpu.dma_semaphore, #tpu.memory_space<semaphore_mem>>
      %dma_start3A_330 = tpu.memref_slice %arg3[%mul3A_70] : memref<320000xi32, #tpu.memory_space<hbm>> -> memref<10000xi32, #tpu.memory_space<hbm>>
      %dma_start3A_331 = tpu.memref_slice %arg3[%mul3A_70] : memref<320000xi32, #tpu.memory_space<hbm>> -> memref<10000xi32, #tpu.memory_space<hbm>>
      tpu.enqueue_dma source(%dma_start3A_331 : memref<10000xi32, #tpu.memory_space<hbm>>) target(%arg6 : memref<10000xi32, #tpu.memory_space<vmem>>) target_semaphore(%run_scoped3A : memref<!tpu.dma_semaphore, #tpu.memory_space<semaphore_mem>>)
      %dma_wait3A_332 = tpu.memref_slice %arg3[%mul3A_70] : memref<320000xi32, #tpu.memory_space<hbm>> -> memref<10000xi32, #tpu.memory_space<hbm>>
      %dma_wait3A_333 = tpu.memref_slice %arg3[%mul3A_70] : memref<320000xi32, #tpu.memory_space<hbm>> -> memref<10000xi32, #tpu.memory_space<hbm>>
      tpu.wait_dma2 semaphore(%run_scoped3A : memref<!tpu.dma_semaphore, #tpu.memory_space<semaphore_mem>>) src(%dma_wait3A_333 : memref<10000xi32, #tpu.memory_space<hbm>>) dst(%arg6 : memref<10000xi32, #tpu.memory_space<vmem>>)
      tpu.yield
    }) : () -> ()
    %mul3A_71 = arith.constant 10000 : i32
    %mul3A_72 = arith.muli %add3A, %mul3A_71 : i32
    "tpu.region"() ({
      %run_scoped3A = tpu.sem_alloc : memref<!tpu.dma_semaphore, #tpu.memory_space<semaphore_mem>>
      %dma_start3A_330 = tpu.memref_slice %arg4[%mul3A_72] : memref<320000xi32, #tpu.memory_space<hbm>> -> memref<10000xi32, #tpu.memory_space<hbm>>
      %dma_start3A_331 = tpu.memref_slice %arg4[%mul3A_72] : memref<320000xi32, #tpu.memory_space<hbm>> -> memref<10000xi32, #tpu.memory_space<hbm>>
      tpu.enqueue_dma source(%dma_start3A_331 : memref<10000xi32, #tpu.memory_space<hbm>>) target(%arg7 : memref<10000xi32, #tpu.memory_space<vmem>>) target_semaphore(%run_scoped3A : memref<!tpu.dma_semaphore, #tpu.memory_space<semaphore_mem>>)
      %dma_wait3A_332 = tpu.memref_slice %arg4[%mul3A_72] : memref<320000xi32, #tpu.memory_space<hbm>> -> memref<10000xi32, #tpu.memory_space<hbm>>
      %dma_wait3A_333 = tpu.memref_slice %arg4[%mul3A_72] : memref<320000xi32, #tpu.memory_space<hbm>> -> memref<10000xi32, #tpu.memory_space<hbm>>
      tpu.wait_dma2 semaphore(%run_scoped3A : memref<!tpu.dma_semaphore, #tpu.memory_space<semaphore_mem>>) src(%dma_wait3A_333 : memref<10000xi32, #tpu.memory_space<hbm>>) dst(%arg7 : memref<10000xi32, #tpu.memory_space<vmem>>)
      tpu.yield
    }) : () -> ()
    %mul3A_73 = arith.constant 640 : i32
    %mul3A_74 = arith.muli %arg1, %mul3A_73 : i32
    %add3A_75 = arith.constant 0 : i32
    %add3A_76 = arith.addi %mul3A_74, %add3A_75 : i32
    %dma_wait3A = arith.constant 0 : i32
    %dma_wait3A_77 = tpu.memref_slice %arg11[%add3A_76, %dma_wait3A] : memref<10240x128xf32, #tpu.memory_space<vmem_shared>> -> memref<80x128xf32, #tpu.memory_space<vmem_shared>>
    %dma_wait3A_78 = arith.constant 0 : i32
    %dma_wait3A_79 = tpu.memref_slice %arg11[%add3A_76, %dma_wait3A_78] : memref<10240x128xf32, #tpu.memory_space<vmem_shared>> -> memref<80x128xf32, #tpu.memory_space<vmem_shared>>
    tpu.wait_dma2 semaphore(%arg14 : memref<!tpu.dma_semaphore, #tpu.memory_space<semaphore_mem>>) src(%arg9 : memref<80x128xf32, #tpu.memory_space<vmem>>) dst(%dma_wait3A_79 : memref<80x128xf32, #tpu.memory_space<vmem_shared>>)
    %mul3A_80 = arith.constant 640 : i32
    %mul3A_81 = arith.muli %arg1, %mul3A_80 : i32
    %add3A_82 = arith.constant 80 : i32
    %add3A_83 = arith.addi %mul3A_81, %add3A_82 : i32
    %dma_wait3A_84 = arith.constant 0 : i32
    %dma_wait3A_85 = tpu.memref_slice %arg11[%add3A_83, %dma_wait3A_84] : memref<10240x128xf32, #tpu.memory_space<vmem_shared>> -> memref<80x128xf32, #tpu.memory_space<vmem_shared>>
    %dma_wait3A_86 = arith.constant 0 : i32
    %dma_wait3A_87 = tpu.memref_slice %arg11[%add3A_83, %dma_wait3A_86] : memref<10240x128xf32, #tpu.memory_space<vmem_shared>> -> memref<80x128xf32, #tpu.memory_space<vmem_shared>>
    tpu.wait_dma2 semaphore(%arg14 : memref<!tpu.dma_semaphore, #tpu.memory_space<semaphore_mem>>) src(%arg9 : memref<80x128xf32, #tpu.memory_space<vmem>>) dst(%dma_wait3A_87 : memref<80x128xf32, #tpu.memory_space<vmem_shared>>)
    %mul3A_88 = arith.constant 640 : i32
    %mul3A_89 = arith.muli %arg1, %mul3A_88 : i32
    %add3A_90 = arith.constant 160 : i32
    %add3A_91 = arith.addi %mul3A_89, %add3A_90 : i32
    %dma_wait3A_92 = arith.constant 0 : i32
    %dma_wait3A_93 = tpu.memref_slice %arg11[%add3A_91, %dma_wait3A_92] : memref<10240x128xf32, #tpu.memory_space<vmem_shared>> -> memref<80x128xf32, #tpu.memory_space<vmem_shared>>
    %dma_wait3A_94 = arith.constant 0 : i32
    %dma_wait3A_95 = tpu.memref_slice %arg11[%add3A_91, %dma_wait3A_94] : memref<10240x128xf32, #tpu.memory_space<vmem_shared>> -> memref<80x128xf32, #tpu.memory_space<vmem_shared>>
    tpu.wait_dma2 semaphore(%arg14 : memref<!tpu.dma_semaphore, #tpu.memory_space<semaphore_mem>>) src(%arg9 : memref<80x128xf32, #tpu.memory_space<vmem>>) dst(%dma_wait3A_95 : memref<80x128xf32, #tpu.memory_space<vmem_shared>>)
    %mul3A_96 = arith.constant 640 : i32
    %mul3A_97 = arith.muli %arg1, %mul3A_96 : i32
    %add3A_98 = arith.constant 240 : i32
    %add3A_99 = arith.addi %mul3A_97, %add3A_98 : i32
    %dma_wait3A_100 = arith.constant 0 : i32
    %dma_wait3A_101 = tpu.memref_slice %arg11[%add3A_99, %dma_wait3A_100] : memref<10240x128xf32, #tpu.memory_space<vmem_shared>> -> memref<80x128xf32, #tpu.memory_space<vmem_shared>>
    %dma_wait3A_102 = arith.constant 0 : i32
    %dma_wait3A_103 = tpu.memref_slice %arg11[%add3A_99, %dma_wait3A_102] : memref<10240x128xf32, #tpu.memory_space<vmem_shared>> -> memref<80x128xf32, #tpu.memory_space<vmem_shared>>
    tpu.wait_dma2 semaphore(%arg14 : memref<!tpu.dma_semaphore, #tpu.memory_space<semaphore_mem>>) src(%arg9 : memref<80x128xf32, #tpu.memory_space<vmem>>) dst(%dma_wait3A_103 : memref<80x128xf32, #tpu.memory_space<vmem_shared>>)
    %mul3A_104 = arith.constant 640 : i32
    %mul3A_105 = arith.muli %arg1, %mul3A_104 : i32
    %add3A_106 = arith.constant 320 : i32
    %add3A_107 = arith.addi %mul3A_105, %add3A_106 : i32
    %dma_wait3A_108 = arith.constant 0 : i32
    %dma_wait3A_109 = tpu.memref_slice %arg11[%add3A_107, %dma_wait3A_108] : memref<10240x128xf32, #tpu.memory_space<vmem_shared>> -> memref<80x128xf32, #tpu.memory_space<vmem_shared>>
    %dma_wait3A_110 = arith.constant 0 : i32
    %dma_wait3A_111 = tpu.memref_slice %arg11[%add3A_107, %dma_wait3A_110] : memref<10240x128xf32, #tpu.memory_space<vmem_shared>> -> memref<80x128xf32, #tpu.memory_space<vmem_shared>>
    tpu.wait_dma2 semaphore(%arg14 : memref<!tpu.dma_semaphore, #tpu.memory_space<semaphore_mem>>) src(%arg9 : memref<80x128xf32, #tpu.memory_space<vmem>>) dst(%dma_wait3A_111 : memref<80x128xf32, #tpu.memory_space<vmem_shared>>)
    %mul3A_112 = arith.constant 640 : i32
    %mul3A_113 = arith.muli %arg1, %mul3A_112 : i32
    %add3A_114 = arith.constant 400 : i32
    %add3A_115 = arith.addi %mul3A_113, %add3A_114 : i32
    %dma_wait3A_116 = arith.constant 0 : i32
    %dma_wait3A_117 = tpu.memref_slice %arg11[%add3A_115, %dma_wait3A_116] : memref<10240x128xf32, #tpu.memory_space<vmem_shared>> -> memref<80x128xf32, #tpu.memory_space<vmem_shared>>
    %dma_wait3A_118 = arith.constant 0 : i32
    %dma_wait3A_119 = tpu.memref_slice %arg11[%add3A_115, %dma_wait3A_118] : memref<10240x128xf32, #tpu.memory_space<vmem_shared>> -> memref<80x128xf32, #tpu.memory_space<vmem_shared>>
    tpu.wait_dma2 semaphore(%arg14 : memref<!tpu.dma_semaphore, #tpu.memory_space<semaphore_mem>>) src(%arg9 : memref<80x128xf32, #tpu.memory_space<vmem>>) dst(%dma_wait3A_119 : memref<80x128xf32, #tpu.memory_space<vmem_shared>>)
    %mul3A_120 = arith.constant 640 : i32
    %mul3A_121 = arith.muli %arg1, %mul3A_120 : i32
    %add3A_122 = arith.constant 480 : i32
    %add3A_123 = arith.addi %mul3A_121, %add3A_122 : i32
    %dma_wait3A_124 = arith.constant 0 : i32
    %dma_wait3A_125 = tpu.memref_slice %arg11[%add3A_123, %dma_wait3A_124] : memref<10240x128xf32, #tpu.memory_space<vmem_shared>> -> memref<80x128xf32, #tpu.memory_space<vmem_shared>>
    %dma_wait3A_126 = arith.constant 0 : i32
    %dma_wait3A_127 = tpu.memref_slice %arg11[%add3A_123, %dma_wait3A_126] : memref<10240x128xf32, #tpu.memory_space<vmem_shared>> -> memref<80x128xf32, #tpu.memory_space<vmem_shared>>
    tpu.wait_dma2 semaphore(%arg14 : memref<!tpu.dma_semaphore, #tpu.memory_space<semaphore_mem>>) src(%arg9 : memref<80x128xf32, #tpu.memory_space<vmem>>) dst(%dma_wait3A_127 : memref<80x128xf32, #tpu.memory_space<vmem_shared>>)
    %mul3A_128 = arith.constant 640 : i32
    %mul3A_129 = arith.muli %arg1, %mul3A_128 : i32
    %add3A_130 = arith.constant 560 : i32
    %add3A_131 = arith.addi %mul3A_129, %add3A_130 : i32
    %dma_wait3A_132 = arith.constant 0 : i32
    %dma_wait3A_133 = tpu.memref_slice %arg11[%add3A_131, %dma_wait3A_132] : memref<10240x128xf32, #tpu.memory_space<vmem_shared>> -> memref<80x128xf32, #tpu.memory_space<vmem_shared>>
    %dma_wait3A_134 = arith.constant 0 : i32
    %dma_wait3A_135 = tpu.memref_slice %arg11[%add3A_131, %dma_wait3A_134] : memref<10240x128xf32, #tpu.memory_space<vmem_shared>> -> memref<80x128xf32, #tpu.memory_space<vmem_shared>>
    tpu.wait_dma2 semaphore(%arg14 : memref<!tpu.dma_semaphore, #tpu.memory_space<semaphore_mem>>) src(%arg9 : memref<80x128xf32, #tpu.memory_space<vmem>>) dst(%dma_wait3A_135 : memref<80x128xf32, #tpu.memory_space<vmem_shared>>)
    %barrier3A = arith.constant 0 : index
    tpu.barrier barrier_id(%barrier3A)
    %dma_start3A_136 = arith.constant 0 : i32
    %dma_start3A_137 = tpu.memref_slice %arg6[%dma_start3A_136] : memref<10000xi32, #tpu.memory_space<vmem>> -> memref<80xi32, #tpu.memory_space<vmem>>
    %dma_start3A_138 = arith.constant 0 : i32
    %dma_start3A_139 = arith.constant 0 : i32
    %dma_start3A_140 = tpu.memref_slice %arg2[%dma_start3A_138, %dma_start3A_139] : memref<10000x128xf32, #tpu.memory_space<hbm>> -> memref<10000x128xf32, #tpu.memory_space<hbm>>
    tpu.enqueue_indirect_dma source(%dma_start3A_140 : memref<10000x128xf32, #tpu.memory_space<hbm>>) target(%arg9 : memref<80x128xf32, #tpu.memory_space<vmem>>) offsets(%dma_start3A_137 : memref<80xi32, #tpu.memory_space<vmem>>) semaphore(%arg12 : memref<!tpu.dma_semaphore, #tpu.memory_space<semaphore_mem>>)
    %scan3A_141 = arith.constant 0 : i32
    %scan3A_142 = arith.constant 62 : i32
    %scan3A_143 = arith.addi %scan3A_141, %scan3A_142 : i32
    %scan3A_144 = arith.constant 1 : i32
    scf.for %scan3A_330 = %scan3A_141 to %scan3A_143 step %scan3A_144  : i32 {
      %mul3A_331 = arith.constant 2 : i32
      %mul3A_332 = arith.muli %mul3A_331, %scan3A_330 : i32
      %mul3A_333 = arith.constant 2 : i32
      %mul3A_334 = arith.muli %mul3A_333, %scan3A_330 : i32
      %add3A_335 = arith.constant 1 : i32
      %add3A_336 = arith.addi %mul3A_334, %add3A_335 : i32
      %mul3A_337 = arith.constant 80 : i32
      %mul3A_338 = arith.muli %add3A_336, %mul3A_337 : i32
      %dma_start3A_339 = tpu.memref_slice %arg6[%mul3A_338] : memref<10000xi32, #tpu.memory_space<vmem>> -> memref<80xi32, #tpu.memory_space<vmem>>
      %dma_start3A_340 = arith.constant 0 : i32
      %dma_start3A_341 = arith.constant 0 : i32
      %dma_start3A_342 = tpu.memref_slice %arg2[%dma_start3A_340, %dma_start3A_341] : memref<10000x128xf32, #tpu.memory_space<hbm>> -> memref<10000x128xf32, #tpu.memory_space<hbm>>
      tpu.enqueue_indirect_dma source(%dma_start3A_342 : memref<10000x128xf32, #tpu.memory_space<hbm>>) target(%arg10 : memref<80x128xf32, #tpu.memory_space<vmem>>) offsets(%dma_start3A_339 : memref<80xi32, #tpu.memory_space<vmem>>) semaphore(%arg13 : memref<!tpu.dma_semaphore, #tpu.memory_space<semaphore_mem>>)
      %mul3A_343 = arith.constant 80 : i32
      %mul3A_344 = arith.muli %mul3A_332, %mul3A_343 : i32
      %dma_wait3A_345 = tpu.memref_slice %arg6[%mul3A_344] : memref<10000xi32, #tpu.memory_space<vmem>> -> memref<80xi32, #tpu.memory_space<vmem>>
      %dma_wait3A_346 = arith.constant 0 : i32
      %dma_wait3A_347 = arith.constant 0 : i32
      %dma_wait3A_348 = tpu.memref_slice %arg2[%dma_wait3A_346, %dma_wait3A_347] : memref<10000x128xf32, #tpu.memory_space<hbm>> -> memref<10000x128xf32, #tpu.memory_space<hbm>>
      tpu.wait_indirect_dma semaphore(%arg12 : memref<!tpu.dma_semaphore, #tpu.memory_space<semaphore_mem>>) src(%dma_wait3A_348 : memref<10000x128xf32, #tpu.memory_space<hbm>>) dst(%arg9 : memref<80x128xf32, #tpu.memory_space<vmem>>)
      %mul3A_349 = arith.constant 80 : i32
      %mul3A_350 = arith.muli %mul3A_332, %mul3A_349 : i32
      %add3A_351 = arith.constant 0 : i32
      %add3A_352 = arith.addi %mul3A_350, %add3A_351 : i32
      %get3A_353 = arith.index_cast %add3A_352 : i32 to index
      %get3A_354 = tpu.vector_load %arg7[%get3A_353] {strides = array<i32>} : memref<10000xi32, #tpu.memory_space<vmem>>, vector<16xi32>,
      %swap3A_355 = arith.constant 0 : index
      %swap3A_356 = tpu.vector_load %arg8[%swap3A_355] {strides = array<i32>} : memref<80xi32, #tpu.memory_space<vmem>>, vector<16xi32>,
      tpu.vector_store %arg8[%swap3A_355], %get3A_354 {strides = array<i32>} : memref<80xi32, #tpu.memory_space<vmem>>, vector<16xi32>,
      %mul3A_357 = arith.constant 80 : i32
      %mul3A_358 = arith.muli %mul3A_332, %mul3A_357 : i32
      %add3A_359 = arith.constant 16 : i32
      %add3A_360 = arith.addi %mul3A_358, %add3A_359 : i32
      %get3A_361 = arith.index_cast %add3A_360 : i32 to index
      %get3A_362 = tpu.vector_load %arg7[%get3A_361] {strides = array<i32>} : memref<10000xi32, #tpu.memory_space<vmem>>, vector<16xi32>,
      %swap3A_363 = arith.constant 16 : index
      %swap3A_364 = tpu.vector_load %arg8[%swap3A_363] {strides = array<i32>} : memref<80xi32, #tpu.memory_space<vmem>>, vector<16xi32>,
      tpu.vector_store %arg8[%swap3A_363], %get3A_362 {strides = array<i32>} : memref<80xi32, #tpu.memory_space<vmem>>, vector<16xi32>,
      %mul3A_365 = arith.constant 80 : i32
      %mul3A_366 = arith.muli %mul3A_332, %mul3A_365 : i32
      %add3A_367 = arith.constant 32 : i32
      %add3A_368 = arith.addi %mul3A_366, %add3A_367 : i32
      %get3A_369 = arith.index_cast %add3A_368 : i32 to index
      %get3A_370 = tpu.vector_load %arg7[%get3A_369] {strides = array<i32>} : memref<10000xi32, #tpu.memory_space<vmem>>, vector<16xi32>,
      %swap3A_371 = arith.constant 32 : index
      %swap3A_372 = tpu.vector_load %arg8[%swap3A_371] {strides = array<i32>} : memref<80xi32, #tpu.memory_space<vmem>>, vector<16xi32>,
      tpu.vector_store %arg8[%swap3A_371], %get3A_370 {strides = array<i32>} : memref<80xi32, #tpu.memory_space<vmem>>, vector<16xi32>,
      %mul3A_373 = arith.constant 80 : i32
      %mul3A_374 = arith.muli %mul3A_332, %mul3A_373 : i32
      %add3A_375 = arith.constant 48 : i32
      %add3A_376 = arith.addi %mul3A_374, %add3A_375 : i32
      %get3A_377 = arith.index_cast %add3A_376 : i32 to index
      %get3A_378 = tpu.vector_load %arg7[%get3A_377] {strides = array<i32>} : memref<10000xi32, #tpu.memory_space<vmem>>, vector<16xi32>,
      %swap3A_379 = arith.constant 48 : index
      %swap3A_380 = tpu.vector_load %arg8[%swap3A_379] {strides = array<i32>} : memref<80xi32, #tpu.memory_space<vmem>>, vector<16xi32>,
      tpu.vector_store %arg8[%swap3A_379], %get3A_378 {strides = array<i32>} : memref<80xi32, #tpu.memory_space<vmem>>, vector<16xi32>,
      %mul3A_381 = arith.constant 80 : i32
      %mul3A_382 = arith.muli %mul3A_332, %mul3A_381 : i32
      %add3A_383 = arith.constant 64 : i32
      %add3A_384 = arith.addi %mul3A_382, %add3A_383 : i32
      %get3A_385 = arith.index_cast %add3A_384 : i32 to index
      %get3A_386 = tpu.vector_load %arg7[%get3A_385] {strides = array<i32>} : memref<10000xi32, #tpu.memory_space<vmem>>, vector<16xi32>,
      %swap3A_387 = arith.constant 64 : index
      %swap3A_388 = tpu.vector_load %arg8[%swap3A_387] {strides = array<i32>} : memref<80xi32, #tpu.memory_space<vmem>>, vector<16xi32>,
      tpu.vector_store %arg8[%swap3A_387], %get3A_386 {strides = array<i32>} : memref<80xi32, #tpu.memory_space<vmem>>, vector<16xi32>,
      "tpu.region"() ({
        %run_scoped3A = tpu.sem_alloc : memref<!tpu.dma_semaphore, #tpu.memory_space<semaphore_mem>>
        %dma_start3A_443 = arith.constant 0 : i32
        %dma_start3A_444 = arith.constant 0 : i32
        %dma_start3A_445 = tpu.memref_slice %arg11[%dma_start3A_443, %dma_start3A_444] : memref<10240x128xf32, #tpu.memory_space<vmem_shared>> -> memref<10240x128xf32, #tpu.memory_space<vmem_shared>>
        tpu.enqueue_indirect_dma source(%arg9 : memref<80x128xf32, #tpu.memory_space<vmem>>) target(%dma_start3A_445 : memref<10240x128xf32, #tpu.memory_space<vmem_shared>>) offsets(%arg8 : memref<80xi32, #tpu.memory_space<vmem>>) semaphore(%run_scoped3A : memref<!tpu.dma_semaphore, #tpu.memory_space<semaphore_mem>>) {add = true}
        %dma_wait3A_446 = arith.constant 0 : i32
        %dma_wait3A_447 = arith.constant 0 : i32
        %dma_wait3A_448 = tpu.memref_slice %arg11[%dma_wait3A_446, %dma_wait3A_447] : memref<10240x128xf32, #tpu.memory_space<vmem_shared>> -> memref<10240x128xf32, #tpu.memory_space<vmem_shared>>
        tpu.wait_indirect_dma semaphore(%run_scoped3A : memref<!tpu.dma_semaphore, #tpu.memory_space<semaphore_mem>>) src(%arg9 : memref<80x128xf32, #tpu.memory_space<vmem>>) dst(%dma_wait3A_448 : memref<10240x128xf32, #tpu.memory_space<vmem_shared>>)
        tpu.yield
      }) : () -> ()
      %add3A_389 = arith.constant 2 : i32
      %add3A_390 = arith.addi %mul3A_332, %add3A_389 : i32
      %mul3A_391 = arith.constant 80 : i32
      %mul3A_392 = arith.muli %add3A_390, %mul3A_391 : i32
      %dma_start3A_393 = tpu.memref_slice %arg6[%mul3A_392] : memref<10000xi32, #tpu.memory_space<vmem>> -> memref<80xi32, #tpu.memory_space<vmem>>
      %dma_start3A_394 = arith.constant 0 : i32
      %dma_start3A_395 = arith.constant 0 : i32
      %dma_start3A_396 = tpu.memref_slice %arg2[%dma_start3A_394, %dma_start3A_395] : memref<10000x128xf32, #tpu.memory_space<hbm>> -> memref<10000x128xf32, #tpu.memory_space<hbm>>
      tpu.enqueue_indirect_dma source(%dma_start3A_396 : memref<10000x128xf32, #tpu.memory_space<hbm>>) target(%arg9 : memref<80x128xf32, #tpu.memory_space<vmem>>) offsets(%dma_start3A_393 : memref<80xi32, #tpu.memory_space<vmem>>) semaphore(%arg12 : memref<!tpu.dma_semaphore, #tpu.memory_space<semaphore_mem>>)
      %mul3A_397 = arith.constant 80 : i32
      %mul3A_398 = arith.muli %add3A_336, %mul3A_397 : i32
      %dma_wait3A_399 = tpu.memref_slice %arg6[%mul3A_398] : memref<10000xi32, #tpu.memory_space<vmem>> -> memref<80xi32, #tpu.memory_space<vmem>>
      %dma_wait3A_400 = arith.constant 0 : i32
      %dma_wait3A_401 = arith.constant 0 : i32
      %dma_wait3A_402 = tpu.memref_slice %arg2[%dma_wait3A_400, %dma_wait3A_401] : memref<10000x128xf32, #tpu.memory_space<hbm>> -> memref<10000x128xf32, #tpu.memory_space<hbm>>
      tpu.wait_indirect_dma semaphore(%arg13 : memref<!tpu.dma_semaphore, #tpu.memory_space<semaphore_mem>>) src(%dma_wait3A_402 : memref<10000x128xf32, #tpu.memory_space<hbm>>) dst(%arg10 : memref<80x128xf32, #tpu.memory_space<vmem>>)
      %mul3A_403 = arith.constant 80 : i32
      %mul3A_404 = arith.muli %add3A_336, %mul3A_403 : i32
      %add3A_405 = arith.constant 0 : i32
      %add3A_406 = arith.addi %mul3A_404, %add3A_405 : i32
      %get3A_407 = arith.index_cast %add3A_406 : i32 to index
      %get3A_408 = tpu.vector_load %arg7[%get3A_407] {strides = array<i32>} : memref<10000xi32, #tpu.memory_space<vmem>>, vector<16xi32>,
      %swap3A_409 = arith.constant 0 : index
      %swap3A_410 = tpu.vector_load %arg8[%swap3A_409] {strides = array<i32>} : memref<80xi32, #tpu.memory_space<vmem>>, vector<16xi32>,
      tpu.vector_store %arg8[%swap3A_409], %get3A_408 {strides = array<i32>} : memref<80xi32, #tpu.memory_space<vmem>>, vector<16xi32>,
      %mul3A_411 = arith.constant 80 : i32
      %mul3A_412 = arith.muli %add3A_336, %mul3A_411 : i32
      %add3A_413 = arith.constant 16 : i32
      %add3A_414 = arith.addi %mul3A_412, %add3A_413 : i32
      %get3A_415 = arith.index_cast %add3A_414 : i32 to index
      %get3A_416 = tpu.vector_load %arg7[%get3A_415] {strides = array<i32>} : memref<10000xi32, #tpu.memory_space<vmem>>, vector<16xi32>,
      %swap3A_417 = arith.constant 16 : index
      %swap3A_418 = tpu.vector_load %arg8[%swap3A_417] {strides = array<i32>} : memref<80xi32, #tpu.memory_space<vmem>>, vector<16xi32>,
      tpu.vector_store %arg8[%swap3A_417], %get3A_416 {strides = array<i32>} : memref<80xi32, #tpu.memory_space<vmem>>, vector<16xi32>,
      %mul3A_419 = arith.constant 80 : i32
      %mul3A_420 = arith.muli %add3A_336, %mul3A_419 : i32
      %add3A_421 = arith.constant 32 : i32
      %add3A_422 = arith.addi %mul3A_420, %add3A_421 : i32
      %get3A_423 = arith.index_cast %add3A_422 : i32 to index
      %get3A_424 = tpu.vector_load %arg7[%get3A_423] {strides = array<i32>} : memref<10000xi32, #tpu.memory_space<vmem>>, vector<16xi32>,
      %swap3A_425 = arith.constant 32 : index
      %swap3A_426 = tpu.vector_load %arg8[%swap3A_425] {strides = array<i32>} : memref<80xi32, #tpu.memory_space<vmem>>, vector<16xi32>,
      tpu.vector_store %arg8[%swap3A_425], %get3A_424 {strides = array<i32>} : memref<80xi32, #tpu.memory_space<vmem>>, vector<16xi32>,
      %mul3A_427 = arith.constant 80 : i32
      %mul3A_428 = arith.muli %add3A_336, %mul3A_427 : i32
      %add3A_429 = arith.constant 48 : i32
      %add3A_430 = arith.addi %mul3A_428, %add3A_429 : i32
      %get3A_431 = arith.index_cast %add3A_430 : i32 to index
      %get3A_432 = tpu.vector_load %arg7[%get3A_431] {strides = array<i32>} : memref<10000xi32, #tpu.memory_space<vmem>>, vector<16xi32>,
      %swap3A_433 = arith.constant 48 : index
      %swap3A_434 = tpu.vector_load %arg8[%swap3A_433] {strides = array<i32>} : memref<80xi32, #tpu.memory_space<vmem>>, vector<16xi32>,
      tpu.vector_store %arg8[%swap3A_433], %get3A_432 {strides = array<i32>} : memref<80xi32, #tpu.memory_space<vmem>>, vector<16xi32>,
      %mul3A_435 = arith.constant 80 : i32
      %mul3A_436 = arith.muli %add3A_336, %mul3A_435 : i32
      %add3A_437 = arith.constant 64 : i32
      %add3A_438 = arith.addi %mul3A_436, %add3A_437 : i32
      %get3A_439 = arith.index_cast %add3A_438 : i32 to index
      %get3A_440 = tpu.vector_load %arg7[%get3A_439] {strides = array<i32>} : memref<10000xi32, #tpu.memory_space<vmem>>, vector<16xi32>,
      %swap3A_441 = arith.constant 64 : index
      %swap3A_442 = tpu.vector_load %arg8[%swap3A_441] {strides = array<i32>} : memref<80xi32, #tpu.memory_space<vmem>>, vector<16xi32>,
      tpu.vector_store %arg8[%swap3A_441], %get3A_440 {strides = array<i32>} : memref<80xi32, #tpu.memory_space<vmem>>, vector<16xi32>,
      "tpu.region"() ({
        %run_scoped3A = tpu.sem_alloc : memref<!tpu.dma_semaphore, #tpu.memory_space<semaphore_mem>>
        %dma_start3A_443 = arith.constant 0 : i32
        %dma_start3A_444 = arith.constant 0 : i32
        %dma_start3A_445 = tpu.memref_slice %arg11[%dma_start3A_443, %dma_start3A_444] : memref<10240x128xf32, #tpu.memory_space<vmem_shared>> -> memref<10240x128xf32, #tpu.memory_space<vmem_shared>>
        tpu.enqueue_indirect_dma source(%arg10 : memref<80x128xf32, #tpu.memory_space<vmem>>) target(%dma_start3A_445 : memref<10240x128xf32, #tpu.memory_space<vmem_shared>>) offsets(%arg8 : memref<80xi32, #tpu.memory_space<vmem>>) semaphore(%run_scoped3A : memref<!tpu.dma_semaphore, #tpu.memory_space<semaphore_mem>>) {add = true}
        %dma_wait3A_446 = arith.constant 0 : i32
        %dma_wait3A_447 = arith.constant 0 : i32
        %dma_wait3A_448 = tpu.memref_slice %arg11[%dma_wait3A_446, %dma_wait3A_447] : memref<10240x128xf32, #tpu.memory_space<vmem_shared>> -> memref<10240x128xf32, #tpu.memory_space<vmem_shared>>
        tpu.wait_indirect_dma semaphore(%run_scoped3A : memref<!tpu.dma_semaphore, #tpu.memory_space<semaphore_mem>>) src(%arg10 : memref<80x128xf32, #tpu.memory_space<vmem>>) dst(%dma_wait3A_448 : memref<10240x128xf32, #tpu.memory_space<vmem_shared>>)
        tpu.yield
      }) : () -> ()
    }
    %scan3A_145 = arith.constant 62 : i32
    %dma_wait3A_146 = arith.constant 9920 : i32
    %dma_wait3A_147 = tpu.memref_slice %arg6[%dma_wait3A_146] : memref<10000xi32, #tpu.memory_space<vmem>> -> memref<80xi32, #tpu.memory_space<vmem>>
    %dma_wait3A_148 = arith.constant 0 : i32
    %dma_wait3A_149 = arith.constant 0 : i32
    %dma_wait3A_150 = tpu.memref_slice %arg2[%dma_wait3A_148, %dma_wait3A_149] : memref<10000x128xf32, #tpu.memory_space<hbm>> -> memref<10000x128xf32, #tpu.memory_space<hbm>>
    tpu.wait_indirect_dma semaphore(%arg12 : memref<!tpu.dma_semaphore, #tpu.memory_space<semaphore_mem>>) src(%dma_wait3A_150 : memref<10000x128xf32, #tpu.memory_space<hbm>>) dst(%arg9 : memref<80x128xf32, #tpu.memory_space<vmem>>)
    %get3A = arith.constant 9920 : index
    %get3A_151 = tpu.vector_load %arg7[%get3A] {strides = array<i32>} : memref<10000xi32, #tpu.memory_space<vmem>>, vector<16xi32>,
    %swap3A = arith.constant 0 : index
    %swap3A_152 = tpu.vector_load %arg8[%swap3A] {strides = array<i32>} : memref<80xi32, #tpu.memory_space<vmem>>, vector<16xi32>,
    tpu.vector_store %arg8[%swap3A], %get3A_151 {strides = array<i32>} : memref<80xi32, #tpu.memory_space<vmem>>, vector<16xi32>,
    %get3A_153 = arith.constant 9936 : index
    %get3A_154 = tpu.vector_load %arg7[%get3A_153] {strides = array<i32>} : memref<10000xi32, #tpu.memory_space<vmem>>, vector<16xi32>,
    %swap3A_155 = arith.constant 16 : index
    %swap3A_156 = tpu.vector_load %arg8[%swap3A_155] {strides = array<i32>} : memref<80xi32, #tpu.memory_space<vmem>>, vector<16xi32>,
    tpu.vector_store %arg8[%swap3A_155], %get3A_154 {strides = array<i32>} : memref<80xi32, #tpu.memory_space<vmem>>, vector<16xi32>,
    %get3A_157 = arith.constant 9952 : index
    %get3A_158 = tpu.vector_load %arg7[%get3A_157] {strides = array<i32>} : memref<10000xi32, #tpu.memory_space<vmem>>, vector<16xi32>,
    %swap3A_159 = arith.constant 32 : index
    %swap3A_160 = tpu.vector_load %arg8[%swap3A_159] {strides = array<i32>} : memref<80xi32, #tpu.memory_space<vmem>>, vector<16xi32>,
    tpu.vector_store %arg8[%swap3A_159], %get3A_158 {strides = array<i32>} : memref<80xi32, #tpu.memory_space<vmem>>, vector<16xi32>,
    %get3A_161 = arith.constant 9968 : index
    %get3A_162 = tpu.vector_load %arg7[%get3A_161] {strides = array<i32>} : memref<10000xi32, #tpu.memory_space<vmem>>, vector<16xi32>,
    %swap3A_163 = arith.constant 48 : index
    %swap3A_164 = tpu.vector_load %arg8[%swap3A_163] {strides = array<i32>} : memref<80xi32, #tpu.memory_space<vmem>>, vector<16xi32>,
    tpu.vector_store %arg8[%swap3A_163], %get3A_162 {strides = array<i32>} : memref<80xi32, #tpu.memory_space<vmem>>, vector<16xi32>,
    %get3A_165 = arith.constant 9984 : index
    %get3A_166 = tpu.vector_load %arg7[%get3A_165] {strides = array<i32>} : memref<10000xi32, #tpu.memory_space<vmem>>, vector<16xi32>,
    %swap3A_167 = arith.constant 64 : index
    %swap3A_168 = tpu.vector_load %arg8[%swap3A_167] {strides = array<i32>} : memref<80xi32, #tpu.memory_space<vmem>>, vector<16xi32>,
    tpu.vector_store %arg8[%swap3A_167], %get3A_166 {strides = array<i32>} : memref<80xi32, #tpu.memory_space<vmem>>, vector<16xi32>,
    "tpu.region"() ({
      %run_scoped3A = tpu.sem_alloc : memref<!tpu.dma_semaphore, #tpu.memory_space<semaphore_mem>>
      %dma_start3A_330 = arith.constant 0 : i32
      %dma_start3A_331 = arith.constant 0 : i32
      %dma_start3A_332 = tpu.memref_slice %arg11[%dma_start3A_330, %dma_start3A_331] : memref<10240x128xf32, #tpu.memory_space<vmem_shared>> -> memref<10240x128xf32, #tpu.memory_space<vmem_shared>>
      tpu.enqueue_indirect_dma source(%arg9 : memref<80x128xf32, #tpu.memory_space<vmem>>) target(%dma_start3A_332 : memref<10240x128xf32, #tpu.memory_space<vmem_shared>>) offsets(%arg8 : memref<80xi32, #tpu.memory_space<vmem>>) semaphore(%run_scoped3A : memref<!tpu.dma_semaphore, #tpu.memory_space<semaphore_mem>>) {add = true}
      %dma_wait3A_333 = arith.constant 0 : i32
      %dma_wait3A_334 = arith.constant 0 : i32
      %dma_wait3A_335 = tpu.memref_slice %arg11[%dma_wait3A_333, %dma_wait3A_334] : memref<10240x128xf32, #tpu.memory_space<vmem_shared>> -> memref<10240x128xf32, #tpu.memory_space<vmem_shared>>
      tpu.wait_indirect_dma semaphore(%run_scoped3A : memref<!tpu.dma_semaphore, #tpu.memory_space<semaphore_mem>>) src(%arg9 : memref<80x128xf32, #tpu.memory_space<vmem>>) dst(%dma_wait3A_335 : memref<10240x128xf32, #tpu.memory_space<vmem_shared>>)
      tpu.yield
    }) : () -> ()
    %barrier3A_169 = arith.constant 0 : index
    tpu.barrier barrier_id(%barrier3A_169)
    %mul3A_170 = arith.constant 640 : i32
    %mul3A_171 = arith.muli %arg1, %mul3A_170 : i32
    %add3A_172 = arith.constant 0 : i32
    %add3A_173 = arith.addi %mul3A_171, %add3A_172 : i32
    "tpu.region"() ({
      %run_scoped3A = tpu.sem_alloc : memref<!tpu.dma_semaphore, #tpu.memory_space<semaphore_mem>>
      %dma_start3A_330 = arith.constant 0 : i32
      %dma_start3A_331 = tpu.memref_slice %arg11[%add3A_173, %dma_start3A_330] : memref<10240x128xf32, #tpu.memory_space<vmem_shared>> -> memref<80x128xf32, #tpu.memory_space<vmem_shared>>
      %dma_start3A_332 = arith.constant 0 : i32
      %dma_start3A_333 = tpu.memref_slice %arg11[%add3A_173, %dma_start3A_332] : memref<10240x128xf32, #tpu.memory_space<vmem_shared>> -> memref<80x128xf32, #tpu.memory_space<vmem_shared>>
      tpu.enqueue_dma source(%dma_start3A_333 : memref<80x128xf32, #tpu.memory_space<vmem_shared>>) target(%arg9 : memref<80x128xf32, #tpu.memory_space<vmem>>) target_semaphore(%run_scoped3A : memref<!tpu.dma_semaphore, #tpu.memory_space<semaphore_mem>>)
      %dma_wait3A_334 = arith.constant 0 : i32
      %dma_wait3A_335 = tpu.memref_slice %arg11[%add3A_173, %dma_wait3A_334] : memref<10240x128xf32, #tpu.memory_space<vmem_shared>> -> memref<80x128xf32, #tpu.memory_space<vmem_shared>>
      %dma_wait3A_336 = arith.constant 0 : i32
      %dma_wait3A_337 = tpu.memref_slice %arg11[%add3A_173, %dma_wait3A_336] : memref<10240x128xf32, #tpu.memory_space<vmem_shared>> -> memref<80x128xf32, #tpu.memory_space<vmem_shared>>
      tpu.wait_dma2 semaphore(%run_scoped3A : memref<!tpu.dma_semaphore, #tpu.memory_space<semaphore_mem>>) src(%dma_wait3A_337 : memref<80x128xf32, #tpu.memory_space<vmem_shared>>) dst(%arg9 : memref<80x128xf32, #tpu.memory_space<vmem>>)
      tpu.yield
    }) : () -> ()
    %dma_start3A_174 = arith.constant 0 : i32
    %dma_start3A_175 = tpu.memref_slice %arg5[%arg0, %add3A_173, %dma_start3A_174] : memref<2x10240x128xf32, #tpu.memory_space<hbm>> -> memref<1x80x128xf32, #tpu.memory_space<hbm>>
    %dma_start3A_176 = tpu.memref_squeeze %dma_start3A_175 : memref<1x80x128xf32, #tpu.memory_space<hbm>> -> memref<80x128xf32, #tpu.memory_space<hbm>>
    %dma_start3A_177 = arith.constant 0 : i32
    %dma_start3A_178 = tpu.memref_slice %arg5[%arg0, %add3A_173, %dma_start3A_177] : memref<2x10240x128xf32, #tpu.memory_space<hbm>> -> memref<1x80x128xf32, #tpu.memory_space<hbm>>
    %dma_start3A_179 = tpu.memref_squeeze %dma_start3A_178 : memref<1x80x128xf32, #tpu.memory_space<hbm>> -> memref<80x128xf32, #tpu.memory_space<hbm>>
    tpu.enqueue_dma source(%arg9 : memref<80x128xf32, #tpu.memory_space<vmem>>) target(%dma_start3A_179 : memref<80x128xf32, #tpu.memory_space<hbm>>) target_semaphore(%arg12 : memref<!tpu.dma_semaphore, #tpu.memory_space<semaphore_mem>>)
    %mul3A_180 = arith.constant 640 : i32
    %mul3A_181 = arith.muli %arg1, %mul3A_180 : i32
    %add3A_182 = arith.constant 80 : i32
    %add3A_183 = arith.addi %mul3A_181, %add3A_182 : i32
    "tpu.region"() ({
      %run_scoped3A = tpu.sem_alloc : memref<!tpu.dma_semaphore, #tpu.memory_space<semaphore_mem>>
      %dma_start3A_330 = arith.constant 0 : i32
      %dma_start3A_331 = tpu.memref_slice %arg11[%add3A_183, %dma_start3A_330] : memref<10240x128xf32, #tpu.memory_space<vmem_shared>> -> memref<80x128xf32, #tpu.memory_space<vmem_shared>>
      %dma_start3A_332 = arith.constant 0 : i32
      %dma_start3A_333 = tpu.memref_slice %arg11[%add3A_183, %dma_start3A_332] : memref<10240x128xf32, #tpu.memory_space<vmem_shared>> -> memref<80x128xf32, #tpu.memory_space<vmem_shared>>
      tpu.enqueue_dma source(%dma_start3A_333 : memref<80x128xf32, #tpu.memory_space<vmem_shared>>) target(%arg10 : memref<80x128xf32, #tpu.memory_space<vmem>>) target_semaphore(%run_scoped3A : memref<!tpu.dma_semaphore, #tpu.memory_space<semaphore_mem>>)
      %dma_wait3A_334 = arith.constant 0 : i32
      %dma_wait3A_335 = tpu.memref_slice %arg11[%add3A_183, %dma_wait3A_334] : memref<10240x128xf32, #tpu.memory_space<vmem_shared>> -> memref<80x128xf32, #tpu.memory_space<vmem_shared>>
      %dma_wait3A_336 = arith.constant 0 : i32
      %dma_wait3A_337 = tpu.memref_slice %arg11[%add3A_183, %dma_wait3A_336] : memref<10240x128xf32, #tpu.memory_space<vmem_shared>> -> memref<80x128xf32, #tpu.memory_space<vmem_shared>>
      tpu.wait_dma2 semaphore(%run_scoped3A : memref<!tpu.dma_semaphore, #tpu.memory_space<semaphore_mem>>) src(%dma_wait3A_337 : memref<80x128xf32, #tpu.memory_space<vmem_shared>>) dst(%arg10 : memref<80x128xf32, #tpu.memory_space<vmem>>)
      tpu.yield
    }) : () -> ()
    %dma_start3A_184 = arith.constant 0 : i32
    %dma_start3A_185 = tpu.memref_slice %arg5[%arg0, %add3A_183, %dma_start3A_184] : memref<2x10240x128xf32, #tpu.memory_space<hbm>> -> memref<1x80x128xf32, #tpu.memory_space<hbm>>
    %dma_start3A_186 = tpu.memref_squeeze %dma_start3A_185 : memref<1x80x128xf32, #tpu.memory_space<hbm>> -> memref<80x128xf32, #tpu.memory_space<hbm>>
    %dma_start3A_187 = arith.constant 0 : i32
    %dma_start3A_188 = tpu.memref_slice %arg5[%arg0, %add3A_183, %dma_start3A_187] : memref<2x10240x128xf32, #tpu.memory_space<hbm>> -> memref<1x80x128xf32, #tpu.memory_space<hbm>>
    %dma_start3A_189 = tpu.memref_squeeze %dma_start3A_188 : memref<1x80x128xf32, #tpu.memory_space<hbm>> -> memref<80x128xf32, #tpu.memory_space<hbm>>
    tpu.enqueue_dma source(%arg10 : memref<80x128xf32, #tpu.memory_space<vmem>>) target(%dma_start3A_189 : memref<80x128xf32, #tpu.memory_space<hbm>>) target_semaphore(%arg13 : memref<!tpu.dma_semaphore, #tpu.memory_space<semaphore_mem>>)
    %mul3A_190 = arith.constant 640 : i32
    %mul3A_191 = arith.muli %arg1, %mul3A_190 : i32
    %add3A_192 = arith.constant 0 : i32
    %add3A_193 = arith.addi %mul3A_191, %add3A_192 : i32
    %dma_wait3A_194 = arith.constant 0 : i32
    %dma_wait3A_195 = tpu.memref_slice %arg5[%arg0, %add3A_193, %dma_wait3A_194] : memref<2x10240x128xf32, #tpu.memory_space<hbm>> -> memref<1x80x128xf32, #tpu.memory_space<hbm>>
    %dma_wait3A_196 = tpu.memref_squeeze %dma_wait3A_195 : memref<1x80x128xf32, #tpu.memory_space<hbm>> -> memref<80x128xf32, #tpu.memory_space<hbm>>
    %dma_wait3A_197 = arith.constant 0 : i32
    %dma_wait3A_198 = tpu.memref_slice %arg5[%arg0, %add3A_193, %dma_wait3A_197] : memref<2x10240x128xf32, #tpu.memory_space<hbm>> -> memref<1x80x128xf32, #tpu.memory_space<hbm>>
    %dma_wait3A_199 = tpu.memref_squeeze %dma_wait3A_198 : memref<1x80x128xf32, #tpu.memory_space<hbm>> -> memref<80x128xf32, #tpu.memory_space<hbm>>
    tpu.wait_dma2 semaphore(%arg12 : memref<!tpu.dma_semaphore, #tpu.memory_space<semaphore_mem>>) src(%arg9 : memref<80x128xf32, #tpu.memory_space<vmem>>) dst(%dma_wait3A_199 : memref<80x128xf32, #tpu.memory_space<hbm>>)
    %mul3A_200 = arith.constant 640 : i32
    %mul3A_201 = arith.muli %arg1, %mul3A_200 : i32
    %add3A_202 = arith.constant 160 : i32
    %add3A_203 = arith.addi %mul3A_201, %add3A_202 : i32
    "tpu.region"() ({
      %run_scoped3A = tpu.sem_alloc : memref<!tpu.dma_semaphore, #tpu.memory_space<semaphore_mem>>
      %dma_start3A_330 = arith.constant 0 : i32
      %dma_start3A_331 = tpu.memref_slice %arg11[%add3A_203, %dma_start3A_330] : memref<10240x128xf32, #tpu.memory_space<vmem_shared>> -> memref<80x128xf32, #tpu.memory_space<vmem_shared>>
      %dma_start3A_332 = arith.constant 0 : i32
      %dma_start3A_333 = tpu.memref_slice %arg11[%add3A_203, %dma_start3A_332] : memref<10240x128xf32, #tpu.memory_space<vmem_shared>> -> memref<80x128xf32, #tpu.memory_space<vmem_shared>>
      tpu.enqueue_dma source(%dma_start3A_333 : memref<80x128xf32, #tpu.memory_space<vmem_shared>>) target(%arg9 : memref<80x128xf32, #tpu.memory_space<vmem>>) target_semaphore(%run_scoped3A : memref<!tpu.dma_semaphore, #tpu.memory_space<semaphore_mem>>)
      %dma_wait3A_334 = arith.constant 0 : i32
      %dma_wait3A_335 = tpu.memref_slice %arg11[%add3A_203, %dma_wait3A_334] : memref<10240x128xf32, #tpu.memory_space<vmem_shared>> -> memref<80x128xf32, #tpu.memory_space<vmem_shared>>
      %dma_wait3A_336 = arith.constant 0 : i32
      %dma_wait3A_337 = tpu.memref_slice %arg11[%add3A_203, %dma_wait3A_336] : memref<10240x128xf32, #tpu.memory_space<vmem_shared>> -> memref<80x128xf32, #tpu.memory_space<vmem_shared>>
      tpu.wait_dma2 semaphore(%run_scoped3A : memref<!tpu.dma_semaphore, #tpu.memory_space<semaphore_mem>>) src(%dma_wait3A_337 : memref<80x128xf32, #tpu.memory_space<vmem_shared>>) dst(%arg9 : memref<80x128xf32, #tpu.memory_space<vmem>>)
      tpu.yield
    }) : () -> ()
    %dma_start3A_204 = arith.constant 0 : i32
    %dma_start3A_205 = tpu.memref_slice %arg5[%arg0, %add3A_203, %dma_start3A_204] : memref<2x10240x128xf32, #tpu.memory_space<hbm>> -> memref<1x80x128xf32, #tpu.memory_space<hbm>>
    %dma_start3A_206 = tpu.memref_squeeze %dma_start3A_205 : memref<1x80x128xf32, #tpu.memory_space<hbm>> -> memref<80x128xf32, #tpu.memory_space<hbm>>
    %dma_start3A_207 = arith.constant 0 : i32
    %dma_start3A_208 = tpu.memref_slice %arg5[%arg0, %add3A_203, %dma_start3A_207] : memref<2x10240x128xf32, #tpu.memory_space<hbm>> -> memref<1x80x128xf32, #tpu.memory_space<hbm>>
    %dma_start3A_209 = tpu.memref_squeeze %dma_start3A_208 : memref<1x80x128xf32, #tpu.memory_space<hbm>> -> memref<80x128xf32, #tpu.memory_space<hbm>>
    tpu.enqueue_dma source(%arg9 : memref<80x128xf32, #tpu.memory_space<vmem>>) target(%dma_start3A_209 : memref<80x128xf32, #tpu.memory_space<hbm>>) target_semaphore(%arg12 : memref<!tpu.dma_semaphore, #tpu.memory_space<semaphore_mem>>)
    %mul3A_210 = arith.constant 640 : i32
    %mul3A_211 = arith.muli %arg1, %mul3A_210 : i32
    %add3A_212 = arith.constant 80 : i32
    %add3A_213 = arith.addi %mul3A_211, %add3A_212 : i32
    %dma_wait3A_214 = arith.constant 0 : i32
    %dma_wait3A_215 = tpu.memref_slice %arg5[%arg0, %add3A_213, %dma_wait3A_214] : memref<2x10240x128xf32, #tpu.memory_space<hbm>> -> memref<1x80x128xf32, #tpu.memory_space<hbm>>
    %dma_wait3A_216 = tpu.memref_squeeze %dma_wait3A_215 : memref<1x80x128xf32, #tpu.memory_space<hbm>> -> memref<80x128xf32, #tpu.memory_space<hbm>>
    %dma_wait3A_217 = arith.constant 0 : i32
    %dma_wait3A_218 = tpu.memref_slice %arg5[%arg0, %add3A_213, %dma_wait3A_217] : memref<2x10240x128xf32, #tpu.memory_space<hbm>> -> memref<1x80x128xf32, #tpu.memory_space<hbm>>
    %dma_wait3A_219 = tpu.memref_squeeze %dma_wait3A_218 : memref<1x80x128xf32, #tpu.memory_space<hbm>> -> memref<80x128xf32, #tpu.memory_space<hbm>>
    tpu.wait_dma2 semaphore(%arg13 : memref<!tpu.dma_semaphore, #tpu.memory_space<semaphore_mem>>) src(%arg10 : memref<80x128xf32, #tpu.memory_space<vmem>>) dst(%dma_wait3A_219 : memref<80x128xf32, #tpu.memory_space<hbm>>)
    %mul3A_220 = arith.constant 640 : i32
    %mul3A_221 = arith.muli %arg1, %mul3A_220 : i32
    %add3A_222 = arith.constant 240 : i32
    %add3A_223 = arith.addi %mul3A_221, %add3A_222 : i32
    "tpu.region"() ({
      %run_scoped3A = tpu.sem_alloc : memref<!tpu.dma_semaphore, #tpu.memory_space<semaphore_mem>>
      %dma_start3A_330 = arith.constant 0 : i32
      %dma_start3A_331 = tpu.memref_slice %arg11[%add3A_223, %dma_start3A_330] : memref<10240x128xf32, #tpu.memory_space<vmem_shared>> -> memref<80x128xf32, #tpu.memory_space<vmem_shared>>
      %dma_start3A_332 = arith.constant 0 : i32
      %dma_start3A_333 = tpu.memref_slice %arg11[%add3A_223, %dma_start3A_332] : memref<10240x128xf32, #tpu.memory_space<vmem_shared>> -> memref<80x128xf32, #tpu.memory_space<vmem_shared>>
      tpu.enqueue_dma source(%dma_start3A_333 : memref<80x128xf32, #tpu.memory_space<vmem_shared>>) target(%arg10 : memref<80x128xf32, #tpu.memory_space<vmem>>) target_semaphore(%run_scoped3A : memref<!tpu.dma_semaphore, #tpu.memory_space<semaphore_mem>>)
      %dma_wait3A_334 = arith.constant 0 : i32
      %dma_wait3A_335 = tpu.memref_slice %arg11[%add3A_223, %dma_wait3A_334] : memref<10240x128xf32, #tpu.memory_space<vmem_shared>> -> memref<80x128xf32, #tpu.memory_space<vmem_shared>>
      %dma_wait3A_336 = arith.constant 0 : i32
      %dma_wait3A_337 = tpu.memref_slice %arg11[%add3A_223, %dma_wait3A_336] : memref<10240x128xf32, #tpu.memory_space<vmem_shared>> -> memref<80x128xf32, #tpu.memory_space<vmem_shared>>
      tpu.wait_dma2 semaphore(%run_scoped3A : memref<!tpu.dma_semaphore, #tpu.memory_space<semaphore_mem>>) src(%dma_wait3A_337 : memref<80x128xf32, #tpu.memory_space<vmem_shared>>) dst(%arg10 : memref<80x128xf32, #tpu.memory_space<vmem>>)
      tpu.yield
    }) : () -> ()
    %dma_start3A_224 = arith.constant 0 : i32
    %dma_start3A_225 = tpu.memref_slice %arg5[%arg0, %add3A_223, %dma_start3A_224] : memref<2x10240x128xf32, #tpu.memory_space<hbm>> -> memref<1x80x128xf32, #tpu.memory_space<hbm>>
    %dma_start3A_226 = tpu.memref_squeeze %dma_start3A_225 : memref<1x80x128xf32, #tpu.memory_space<hbm>> -> memref<80x128xf32, #tpu.memory_space<hbm>>
    %dma_start3A_227 = arith.constant 0 : i32
    %dma_start3A_228 = tpu.memref_slice %arg5[%arg0, %add3A_223, %dma_start3A_227] : memref<2x10240x128xf32, #tpu.memory_space<hbm>> -> memref<1x80x128xf32, #tpu.memory_space<hbm>>
    %dma_start3A_229 = tpu.memref_squeeze %dma_start3A_228 : memref<1x80x128xf32, #tpu.memory_space<hbm>> -> memref<80x128xf32, #tpu.memory_space<hbm>>
    tpu.enqueue_dma source(%arg10 : memref<80x128xf32, #tpu.memory_space<vmem>>) target(%dma_start3A_229 : memref<80x128xf32, #tpu.memory_space<hbm>>) target_semaphore(%arg13 : memref<!tpu.dma_semaphore, #tpu.memory_space<semaphore_mem>>)
    %mul3A_230 = arith.constant 640 : i32
    %mul3A_231 = arith.muli %arg1, %mul3A_230 : i32
    %add3A_232 = arith.constant 160 : i32
    %add3A_233 = arith.addi %mul3A_231, %add3A_232 : i32
    %dma_wait3A_234 = arith.constant 0 : i32
    %dma_wait3A_235 = tpu.memref_slice %arg5[%arg0, %add3A_233, %dma_wait3A_234] : memref<2x10240x128xf32, #tpu.memory_space<hbm>> -> memref<1x80x128xf32, #tpu.memory_space<hbm>>
    %dma_wait3A_236 = tpu.memref_squeeze %dma_wait3A_235 : memref<1x80x128xf32, #tpu.memory_space<hbm>> -> memref<80x128xf32, #tpu.memory_space<hbm>>
    %dma_wait3A_237 = arith.constant 0 : i32
    %dma_wait3A_238 = tpu.memref_slice %arg5[%arg0, %add3A_233, %dma_wait3A_237] : memref<2x10240x128xf32, #tpu.memory_space<hbm>> -> memref<1x80x128xf32, #tpu.memory_space<hbm>>
    %dma_wait3A_239 = tpu.memref_squeeze %dma_wait3A_238 : memref<1x80x128xf32, #tpu.memory_space<hbm>> -> memref<80x128xf32, #tpu.memory_space<hbm>>
    tpu.wait_dma2 semaphore(%arg12 : memref<!tpu.dma_semaphore, #tpu.memory_space<semaphore_mem>>) src(%arg9 : memref<80x128xf32, #tpu.memory_space<vmem>>) dst(%dma_wait3A_239 : memref<80x128xf32, #tpu.memory_space<hbm>>)
    %mul3A_240 = arith.constant 640 : i32
    %mul3A_241 = arith.muli %arg1, %mul3A_240 : i32
    %add3A_242 = arith.constant 320 : i32
    %add3A_243 = arith.addi %mul3A_241, %add3A_242 : i32
    "tpu.region"() ({
      %run_scoped3A = tpu.sem_alloc : memref<!tpu.dma_semaphore, #tpu.memory_space<semaphore_mem>>
      %dma_start3A_330 = arith.constant 0 : i32
      %dma_start3A_331 = tpu.memref_slice %arg11[%add3A_243, %dma_start3A_330] : memref<10240x128xf32, #tpu.memory_space<vmem_shared>> -> memref<80x128xf32, #tpu.memory_space<vmem_shared>>
      %dma_start3A_332 = arith.constant 0 : i32
      %dma_start3A_333 = tpu.memref_slice %arg11[%add3A_243, %dma_start3A_332] : memref<10240x128xf32, #tpu.memory_space<vmem_shared>> -> memref<80x128xf32, #tpu.memory_space<vmem_shared>>
      tpu.enqueue_dma source(%dma_start3A_333 : memref<80x128xf32, #tpu.memory_space<vmem_shared>>) target(%arg9 : memref<80x128xf32, #tpu.memory_space<vmem>>) target_semaphore(%run_scoped3A : memref<!tpu.dma_semaphore, #tpu.memory_space<semaphore_mem>>)
      %dma_wait3A_334 = arith.constant 0 : i32
      %dma_wait3A_335 = tpu.memref_slice %arg11[%add3A_243, %dma_wait3A_334] : memref<10240x128xf32, #tpu.memory_space<vmem_shared>> -> memref<80x128xf32, #tpu.memory_space<vmem_shared>>
      %dma_wait3A_336 = arith.constant 0 : i32
      %dma_wait3A_337 = tpu.memref_slice %arg11[%add3A_243, %dma_wait3A_336] : memref<10240x128xf32, #tpu.memory_space<vmem_shared>> -> memref<80x128xf32, #tpu.memory_space<vmem_shared>>
      tpu.wait_dma2 semaphore(%run_scoped3A : memref<!tpu.dma_semaphore, #tpu.memory_space<semaphore_mem>>) src(%dma_wait3A_337 : memref<80x128xf32, #tpu.memory_space<vmem_shared>>) dst(%arg9 : memref<80x128xf32, #tpu.memory_space<vmem>>)
      tpu.yield
    }) : () -> ()
    %dma_start3A_244 = arith.constant 0 : i32
    %dma_start3A_245 = tpu.memref_slice %arg5[%arg0, %add3A_243, %dma_start3A_244] : memref<2x10240x128xf32, #tpu.memory_space<hbm>> -> memref<1x80x128xf32, #tpu.memory_space<hbm>>
    %dma_start3A_246 = tpu.memref_squeeze %dma_start3A_245 : memref<1x80x128xf32, #tpu.memory_space<hbm>> -> memref<80x128xf32, #tpu.memory_space<hbm>>
    %dma_start3A_247 = arith.constant 0 : i32
    %dma_start3A_248 = tpu.memref_slice %arg5[%arg0, %add3A_243, %dma_start3A_247] : memref<2x10240x128xf32, #tpu.memory_space<hbm>> -> memref<1x80x128xf32, #tpu.memory_space<hbm>>
    %dma_start3A_249 = tpu.memref_squeeze %dma_start3A_248 : memref<1x80x128xf32, #tpu.memory_space<hbm>> -> memref<80x128xf32, #tpu.memory_space<hbm>>
    tpu.enqueue_dma source(%arg9 : memref<80x128xf32, #tpu.memory_space<vmem>>) target(%dma_start3A_249 : memref<80x128xf32, #tpu.memory_space<hbm>>) target_semaphore(%arg12 : memref<!tpu.dma_semaphore, #tpu.memory_space<semaphore_mem>>)
    %mul3A_250 = arith.constant 640 : i32
    %mul3A_251 = arith.muli %arg1, %mul3A_250 : i32
    %add3A_252 = arith.constant 240 : i32
    %add3A_253 = arith.addi %mul3A_251, %add3A_252 : i32
    %dma_wait3A_254 = arith.constant 0 : i32
    %dma_wait3A_255 = tpu.memref_slice %arg5[%arg0, %add3A_253, %dma_wait3A_254] : memref<2x10240x128xf32, #tpu.memory_space<hbm>> -> memref<1x80x128xf32, #tpu.memory_space<hbm>>
    %dma_wait3A_256 = tpu.memref_squeeze %dma_wait3A_255 : memref<1x80x128xf32, #tpu.memory_space<hbm>> -> memref<80x128xf32, #tpu.memory_space<hbm>>
    %dma_wait3A_257 = arith.constant 0 : i32
    %dma_wait3A_258 = tpu.memref_slice %arg5[%arg0, %add3A_253, %dma_wait3A_257] : memref<2x10240x128xf32, #tpu.memory_space<hbm>> -> memref<1x80x128xf32, #tpu.memory_space<hbm>>
    %dma_wait3A_259 = tpu.memref_squeeze %dma_wait3A_258 : memref<1x80x128xf32, #tpu.memory_space<hbm>> -> memref<80x128xf32, #tpu.memory_space<hbm>>
    tpu.wait_dma2 semaphore(%arg13 : memref<!tpu.dma_semaphore, #tpu.memory_space<semaphore_mem>>) src(%arg10 : memref<80x128xf32, #tpu.memory_space<vmem>>) dst(%dma_wait3A_259 : memref<80x128xf32, #tpu.memory_space<hbm>>)
    %mul3A_260 = arith.constant 640 : i32
    %mul3A_261 = arith.muli %arg1, %mul3A_260 : i32
    %add3A_262 = arith.constant 400 : i32
    %add3A_263 = arith.addi %mul3A_261, %add3A_262 : i32
    "tpu.region"() ({
      %run_scoped3A = tpu.sem_alloc : memref<!tpu.dma_semaphore, #tpu.memory_space<semaphore_mem>>
      %dma_start3A_330 = arith.constant 0 : i32
      %dma_start3A_331 = tpu.memref_slice %arg11[%add3A_263, %dma_start3A_330] : memref<10240x128xf32, #tpu.memory_space<vmem_shared>> -> memref<80x128xf32, #tpu.memory_space<vmem_shared>>
      %dma_start3A_332 = arith.constant 0 : i32
      %dma_start3A_333 = tpu.memref_slice %arg11[%add3A_263, %dma_start3A_332] : memref<10240x128xf32, #tpu.memory_space<vmem_shared>> -> memref<80x128xf32, #tpu.memory_space<vmem_shared>>
      tpu.enqueue_dma source(%dma_start3A_333 : memref<80x128xf32, #tpu.memory_space<vmem_shared>>) target(%arg10 : memref<80x128xf32, #tpu.memory_space<vmem>>) target_semaphore(%run_scoped3A : memref<!tpu.dma_semaphore, #tpu.memory_space<semaphore_mem>>)
      %dma_wait3A_334 = arith.constant 0 : i32
      %dma_wait3A_335 = tpu.memref_slice %arg11[%add3A_263, %dma_wait3A_334] : memref<10240x128xf32, #tpu.memory_space<vmem_shared>> -> memref<80x128xf32, #tpu.memory_space<vmem_shared>>
      %dma_wait3A_336 = arith.constant 0 : i32
      %dma_wait3A_337 = tpu.memref_slice %arg11[%add3A_263, %dma_wait3A_336] : memref<10240x128xf32, #tpu.memory_space<vmem_shared>> -> memref<80x128xf32, #tpu.memory_space<vmem_shared>>
      tpu.wait_dma2 semaphore(%run_scoped3A : memref<!tpu.dma_semaphore, #tpu.memory_space<semaphore_mem>>) src(%dma_wait3A_337 : memref<80x128xf32, #tpu.memory_space<vmem_shared>>) dst(%arg10 : memref<80x128xf32, #tpu.memory_space<vmem>>)
      tpu.yield
    }) : () -> ()
    %dma_start3A_264 = arith.constant 0 : i32
    %dma_start3A_265 = tpu.memref_slice %arg5[%arg0, %add3A_263, %dma_start3A_264] : memref<2x10240x128xf32, #tpu.memory_space<hbm>> -> memref<1x80x128xf32, #tpu.memory_space<hbm>>
    %dma_start3A_266 = tpu.memref_squeeze %dma_start3A_265 : memref<1x80x128xf32, #tpu.memory_space<hbm>> -> memref<80x128xf32, #tpu.memory_space<hbm>>
    %dma_start3A_267 = arith.constant 0 : i32
    %dma_start3A_268 = tpu.memref_slice %arg5[%arg0, %add3A_263, %dma_start3A_267] : memref<2x10240x128xf32, #tpu.memory_space<hbm>> -> memref<1x80x128xf32, #tpu.memory_space<hbm>>
    %dma_start3A_269 = tpu.memref_squeeze %dma_start3A_268 : memref<1x80x128xf32, #tpu.memory_space<hbm>> -> memref<80x128xf32, #tpu.memory_space<hbm>>
    tpu.enqueue_dma source(%arg10 : memref<80x128xf32, #tpu.memory_space<vmem>>) target(%dma_start3A_269 : memref<80x128xf32, #tpu.memory_space<hbm>>) target_semaphore(%arg13 : memref<!tpu.dma_semaphore, #tpu.memory_space<semaphore_mem>>)
    %mul3A_270 = arith.constant 640 : i32
    %mul3A_271 = arith.muli %arg1, %mul3A_270 : i32
    %add3A_272 = arith.constant 320 : i32
    %add3A_273 = arith.addi %mul3A_271, %add3A_272 : i32
    %dma_wait3A_274 = arith.constant 0 : i32
    %dma_wait3A_275 = tpu.memref_slice %arg5[%arg0, %add3A_273, %dma_wait3A_274] : memref<2x10240x128xf32, #tpu.memory_space<hbm>> -> memref<1x80x128xf32, #tpu.memory_space<hbm>>
    %dma_wait3A_276 = tpu.memref_squeeze %dma_wait3A_275 : memref<1x80x128xf32, #tpu.memory_space<hbm>> -> memref<80x128xf32, #tpu.memory_space<hbm>>
    %dma_wait3A_277 = arith.constant 0 : i32
    %dma_wait3A_278 = tpu.memref_slice %arg5[%arg0, %add3A_273, %dma_wait3A_277] : memref<2x10240x128xf32, #tpu.memory_space<hbm>> -> memref<1x80x128xf32, #tpu.memory_space<hbm>>
    %dma_wait3A_279 = tpu.memref_squeeze %dma_wait3A_278 : memref<1x80x128xf32, #tpu.memory_space<hbm>> -> memref<80x128xf32, #tpu.memory_space<hbm>>
    tpu.wait_dma2 semaphore(%arg12 : memref<!tpu.dma_semaphore, #tpu.memory_space<semaphore_mem>>) src(%arg9 : memref<80x128xf32, #tpu.memory_space<vmem>>) dst(%dma_wait3A_279 : memref<80x128xf32, #tpu.memory_space<hbm>>)
    %mul3A_280 = arith.constant 640 : i32
    %mul3A_281 = arith.muli %arg1, %mul3A_280 : i32
    %add3A_282 = arith.constant 480 : i32
    %add3A_283 = arith.addi %mul3A_281, %add3A_282 : i32
    "tpu.region"() ({
      %run_scoped3A = tpu.sem_alloc : memref<!tpu.dma_semaphore, #tpu.memory_space<semaphore_mem>>
      %dma_start3A_330 = arith.constant 0 : i32
      %dma_start3A_331 = tpu.memref_slice %arg11[%add3A_283, %dma_start3A_330] : memref<10240x128xf32, #tpu.memory_space<vmem_shared>> -> memref<80x128xf32, #tpu.memory_space<vmem_shared>>
      %dma_start3A_332 = arith.constant 0 : i32
      %dma_start3A_333 = tpu.memref_slice %arg11[%add3A_283, %dma_start3A_332] : memref<10240x128xf32, #tpu.memory_space<vmem_shared>> -> memref<80x128xf32, #tpu.memory_space<vmem_shared>>
      tpu.enqueue_dma source(%dma_start3A_333 : memref<80x128xf32, #tpu.memory_space<vmem_shared>>) target(%arg9 : memref<80x128xf32, #tpu.memory_space<vmem>>) target_semaphore(%run_scoped3A : memref<!tpu.dma_semaphore, #tpu.memory_space<semaphore_mem>>)
      %dma_wait3A_334 = arith.constant 0 : i32
      %dma_wait3A_335 = tpu.memref_slice %arg11[%add3A_283, %dma_wait3A_334] : memref<10240x128xf32, #tpu.memory_space<vmem_shared>> -> memref<80x128xf32, #tpu.memory_space<vmem_shared>>
      %dma_wait3A_336 = arith.constant 0 : i32
      %dma_wait3A_337 = tpu.memref_slice %arg11[%add3A_283, %dma_wait3A_336] : memref<10240x128xf32, #tpu.memory_space<vmem_shared>> -> memref<80x128xf32, #tpu.memory_space<vmem_shared>>
      tpu.wait_dma2 semaphore(%run_scoped3A : memref<!tpu.dma_semaphore, #tpu.memory_space<semaphore_mem>>) src(%dma_wait3A_337 : memref<80x128xf32, #tpu.memory_space<vmem_shared>>) dst(%arg9 : memref<80x128xf32, #tpu.memory_space<vmem>>)
      tpu.yield
    }) : () -> ()
    %dma_start3A_284 = arith.constant 0 : i32
    %dma_start3A_285 = tpu.memref_slice %arg5[%arg0, %add3A_283, %dma_start3A_284] : memref<2x10240x128xf32, #tpu.memory_space<hbm>> -> memref<1x80x128xf32, #tpu.memory_space<hbm>>
    %dma_start3A_286 = tpu.memref_squeeze %dma_start3A_285 : memref<1x80x128xf32, #tpu.memory_space<hbm>> -> memref<80x128xf32, #tpu.memory_space<hbm>>
    %dma_start3A_287 = arith.constant 0 : i32
    %dma_start3A_288 = tpu.memref_slice %arg5[%arg0, %add3A_283, %dma_start3A_287] : memref<2x10240x128xf32, #tpu.memory_space<hbm>> -> memref<1x80x128xf32, #tpu.memory_space<hbm>>
    %dma_start3A_289 = tpu.memref_squeeze %dma_start3A_288 : memref<1x80x128xf32, #tpu.memory_space<hbm>> -> memref<80x128xf32, #tpu.memory_space<hbm>>
    tpu.enqueue_dma source(%arg9 : memref<80x128xf32, #tpu.memory_space<vmem>>) target(%dma_start3A_289 : memref<80x128xf32, #tpu.memory_space<hbm>>) target_semaphore(%arg12 : memref<!tpu.dma_semaphore, #tpu.memory_space<semaphore_mem>>)
    %mul3A_290 = arith.constant 640 : i32
    %mul3A_291 = arith.muli %arg1, %mul3A_290 : i32
    %add3A_292 = arith.constant 400 : i32
    %add3A_293 = arith.addi %mul3A_291, %add3A_292 : i32
    %dma_wait3A_294 = arith.constant 0 : i32
    %dma_wait3A_295 = tpu.memref_slice %arg5[%arg0, %add3A_293, %dma_wait3A_294] : memref<2x10240x128xf32, #tpu.memory_space<hbm>> -> memref<1x80x128xf32, #tpu.memory_space<hbm>>
    %dma_wait3A_296 = tpu.memref_squeeze %dma_wait3A_295 : memref<1x80x128xf32, #tpu.memory_space<hbm>> -> memref<80x128xf32, #tpu.memory_space<hbm>>
    %dma_wait3A_297 = arith.constant 0 : i32
    %dma_wait3A_298 = tpu.memref_slice %arg5[%arg0, %add3A_293, %dma_wait3A_297] : memref<2x10240x128xf32, #tpu.memory_space<hbm>> -> memref<1x80x128xf32, #tpu.memory_space<hbm>>
    %dma_wait3A_299 = tpu.memref_squeeze %dma_wait3A_298 : memref<1x80x128xf32, #tpu.memory_space<hbm>> -> memref<80x128xf32, #tpu.memory_space<hbm>>
    tpu.wait_dma2 semaphore(%arg13 : memref<!tpu.dma_semaphore, #tpu.memory_space<semaphore_mem>>) src(%arg10 : memref<80x128xf32, #tpu.memory_space<vmem>>) dst(%dma_wait3A_299 : memref<80x128xf32, #tpu.memory_space<hbm>>)
    %mul3A_300 = arith.constant 640 : i32
    %mul3A_301 = arith.muli %arg1, %mul3A_300 : i32
    %add3A_302 = arith.constant 560 : i32
    %add3A_303 = arith.addi %mul3A_301, %add3A_302 : i32
    "tpu.region"() ({
      %run_scoped3A = tpu.sem_alloc : memref<!tpu.dma_semaphore, #tpu.memory_space<semaphore_mem>>
      %dma_start3A_330 = arith.constant 0 : i32
      %dma_start3A_331 = tpu.memref_slice %arg11[%add3A_303, %dma_start3A_330] : memref<10240x128xf32, #tpu.memory_space<vmem_shared>> -> memref<80x128xf32, #tpu.memory_space<vmem_shared>>
      %dma_start3A_332 = arith.constant 0 : i32
      %dma_start3A_333 = tpu.memref_slice %arg11[%add3A_303, %dma_start3A_332] : memref<10240x128xf32, #tpu.memory_space<vmem_shared>> -> memref<80x128xf32, #tpu.memory_space<vmem_shared>>
      tpu.enqueue_dma source(%dma_start3A_333 : memref<80x128xf32, #tpu.memory_space<vmem_shared>>) target(%arg10 : memref<80x128xf32, #tpu.memory_space<vmem>>) target_semaphore(%run_scoped3A : memref<!tpu.dma_semaphore, #tpu.memory_space<semaphore_mem>>)
      %dma_wait3A_334 = arith.constant 0 : i32
      %dma_wait3A_335 = tpu.memref_slice %arg11[%add3A_303, %dma_wait3A_334] : memref<10240x128xf32, #tpu.memory_space<vmem_shared>> -> memref<80x128xf32, #tpu.memory_space<vmem_shared>>
      %dma_wait3A_336 = arith.constant 0 : i32
      %dma_wait3A_337 = tpu.memref_slice %arg11[%add3A_303, %dma_wait3A_336] : memref<10240x128xf32, #tpu.memory_space<vmem_shared>> -> memref<80x128xf32, #tpu.memory_space<vmem_shared>>
      tpu.wait_dma2 semaphore(%run_scoped3A : memref<!tpu.dma_semaphore, #tpu.memory_space<semaphore_mem>>) src(%dma_wait3A_337 : memref<80x128xf32, #tpu.memory_space<vmem_shared>>) dst(%arg10 : memref<80x128xf32, #tpu.memory_space<vmem>>)
      tpu.yield
    }) : () -> ()
    %dma_start3A_304 = arith.constant 0 : i32
    %dma_start3A_305 = tpu.memref_slice %arg5[%arg0, %add3A_303, %dma_start3A_304] : memref<2x10240x128xf32, #tpu.memory_space<hbm>> -> memref<1x80x128xf32, #tpu.memory_space<hbm>>
    %dma_start3A_306 = tpu.memref_squeeze %dma_start3A_305 : memref<1x80x128xf32, #tpu.memory_space<hbm>> -> memref<80x128xf32, #tpu.memory_space<hbm>>
    %dma_start3A_307 = arith.constant 0 : i32
    %dma_start3A_308 = tpu.memref_slice %arg5[%arg0, %add3A_303, %dma_start3A_307] : memref<2x10240x128xf32, #tpu.memory_space<hbm>> -> memref<1x80x128xf32, #tpu.memory_space<hbm>>
    %dma_start3A_309 = tpu.memref_squeeze %dma_start3A_308 : memref<1x80x128xf32, #tpu.memory_space<hbm>> -> memref<80x128xf32, #tpu.memory_space<hbm>>
    tpu.enqueue_dma source(%arg10 : memref<80x128xf32, #tpu.memory_space<vmem>>) target(%dma_start3A_309 : memref<80x128xf32, #tpu.memory_space<hbm>>) target_semaphore(%arg13 : memref<!tpu.dma_semaphore, #tpu.memory_space<semaphore_mem>>)
    %mul3A_310 = arith.constant 640 : i32
    %mul3A_311 = arith.muli %arg1, %mul3A_310 : i32
    %add3A_312 = arith.constant 480 : i32
    %add3A_313 = arith.addi %mul3A_311, %add3A_312 : i32
    %dma_wait3A_314 = arith.constant 0 : i32
    %dma_wait3A_315 = tpu.memref_slice %arg5[%arg0, %add3A_313, %dma_wait3A_314] : memref<2x10240x128xf32, #tpu.memory_space<hbm>> -> memref<1x80x128xf32, #tpu.memory_space<hbm>>
    %dma_wait3A_316 = tpu.memref_squeeze %dma_wait3A_315 : memref<1x80x128xf32, #tpu.memory_space<hbm>> -> memref<80x128xf32, #tpu.memory_space<hbm>>
    %dma_wait3A_317 = arith.constant 0 : i32
    %dma_wait3A_318 = tpu.memref_slice %arg5[%arg0, %add3A_313, %dma_wait3A_317] : memref<2x10240x128xf32, #tpu.memory_space<hbm>> -> memref<1x80x128xf32, #tpu.memory_space<hbm>>
    %dma_wait3A_319 = tpu.memref_squeeze %dma_wait3A_318 : memref<1x80x128xf32, #tpu.memory_space<hbm>> -> memref<80x128xf32, #tpu.memory_space<hbm>>
    tpu.wait_dma2 semaphore(%arg12 : memref<!tpu.dma_semaphore, #tpu.memory_space<semaphore_mem>>) src(%arg9 : memref<80x128xf32, #tpu.memory_space<vmem>>) dst(%dma_wait3A_319 : memref<80x128xf32, #tpu.memory_space<hbm>>)
    %mul3A_320 = arith.constant 640 : i32
    %mul3A_321 = arith.muli %arg1, %mul3A_320 : i32
    %add3A_322 = arith.constant 560 : i32
    %add3A_323 = arith.addi %mul3A_321, %add3A_322 : i32
    %dma_wait3A_324 = arith.constant 0 : i32
    %dma_wait3A_325 = tpu.memref_slice %arg5[%arg0, %add3A_323, %dma_wait3A_324] : memref<2x10240x128xf32, #tpu.memory_space<hbm>> -> memref<1x80x128xf32, #tpu.memory_space<hbm>>
    %dma_wait3A_326 = tpu.memref_squeeze %dma_wait3A_325 : memref<1x80x128xf32, #tpu.memory_space<hbm>> -> memref<80x128xf32, #tpu.memory_space<hbm>>
    %dma_wait3A_327 = arith.constant 0 : i32
    %dma_wait3A_328 = tpu.memref_slice %arg5[%arg0, %add3A_323, %dma_wait3A_327] : memref<2x10240x128xf32, #tpu.memory_space<hbm>> -> memref<1x80x128xf32, #tpu.memory_space<hbm>>
    %dma_wait3A_329 = tpu.memref_squeeze %dma_wait3A_328 : memref<1x80x128xf32, #tpu.memory_space<hbm>> -> memref<80x128xf32, #tpu.memory_space<hbm>>
    tpu.wait_dma2 semaphore(%arg13 : memref<!tpu.dma_semaphore, #tpu.memory_space<semaphore_mem>>) src(%arg10 : memref<80x128xf32, #tpu.memory_space<vmem>>) dst(%dma_wait3A_329 : memref<80x128xf32, #tpu.memory_space<hbm>>)
    return
  }
}

module attributes {stable_mosaic.version = 14 : i64} {
  func.func @_tc_mid_body(%arg0: memref<2x10000x120xf32, #tpu.memory_space<vmem>>, %arg1: memref<120x128xf32, #tpu.memory_space<vmem>>, %arg2: memref<128x64xf32, #tpu.memory_space<vmem>>, %arg3: memref<10000x8xf32, #tpu.memory_space<vmem>>, %arg4: memref<8x64xf32, #tpu.memory_space<vmem>>, %arg5: memref<1x64xf32, #tpu.memory_space<vmem>>, %arg6: memref<64x64xf32, #tpu.memory_space<vmem>>, %arg7: memref<1x64xf32, #tpu.memory_space<vmem>>, %arg8: memref<10000x1xi32, #tpu.memory_space<vmem>>, %arg9: memref<64x8xf32, #tpu.memory_space<vmem>>, %arg10: memref<8x32xf32, #tpu.memory_space<vmem>>, %arg11: memref<1x32xf32, #tpu.memory_space<vmem>>, %arg12: memref<32x64xf32, #tpu.memory_space<vmem>>, %arg13: memref<1x64xf32, #tpu.memory_space<vmem>>, %arg14: memref<128x128xf32, #tpu.memory_space<vmem>>, %arg15: memref<1x128xf32, #tpu.memory_space<vmem>>, %arg16: memref<1x128xf32, #tpu.memory_space<vmem>>, %arg17: memref<1x128xf32, #tpu.memory_space<vmem>>, %arg18: memref<64x128xf32, #tpu.memory_space<vmem>>, %arg19: memref<10000x128xf32, #tpu.memory_space<vmem>>) attributes {dimension_semantics = [], scalar_prefetch = 0 : i64, scratch_operands = 0 : i64, tpu.core_type = #tpu.core_type<tc>} {
    %get3A = arith.constant 0 : index
    %get3A_0 = arith.constant 0 : index
    %get3A_1 = vector.load %arg1[%get3A, %get3A_0] : memref<120x128xf32, #tpu.memory_space<vmem>>, vector<120x128xf32>
    %get3A_2 = arith.constant 0 : index
    %get3A_3 = arith.constant 0 : index
    %get3A_4 = vector.load %arg2[%get3A_2, %get3A_3] : memref<128x64xf32, #tpu.memory_space<vmem>>, vector<128x64xf32>
    %dot_general3A = arith.constant dense<0.000000e+00> : vector<120x64xf32>
    %dot_general3A_5 = tpu.matmul %get3A_1, %get3A_4, %dot_general3A {dimension_numbers = #tpu.dot_dimension_numbers<[1], [0], [0], [1], [0, 0, 1, 1], [], []>, transpose_lhs_hint = false} : vector<120x128xf32>, vector<128x64xf32>, vector<120x64xf32> -> vector<120x64xf32>
    %get3A_6 = arith.constant 0 : index
    %get3A_7 = arith.constant 0 : index
    %get3A_8 = arith.constant 0 : index
    %get3A_9 = vector.load %arg0[%get3A_6, %get3A_7, %get3A_8] : memref<2x10000x120xf32, #tpu.memory_space<vmem>>, vector<1x10000x120xf32>
    %get3A_10 = vector.shape_cast %get3A_9 : vector<1x10000x120xf32> to vector<10000x120xf32>
    %get3A_11 = arith.constant 1 : index
    %get3A_12 = arith.constant 0 : index
    %get3A_13 = arith.constant 0 : index
    %get3A_14 = vector.load %arg0[%get3A_11, %get3A_12, %get3A_13] : memref<2x10000x120xf32, #tpu.memory_space<vmem>>, vector<1x10000x120xf32>
    %get3A_15 = vector.shape_cast %get3A_14 : vector<1x10000x120xf32> to vector<10000x120xf32>
    %add3A = arith.addf %get3A_10, %get3A_15 : vector<10000x120xf32>
    %dot_general3A_16 = arith.constant dense<0.000000e+00> : vector<10000x64xf32>
    %dot_general3A_17 = tpu.matmul %add3A, %dot_general3A_5, %dot_general3A_16 {dimension_numbers = #tpu.dot_dimension_numbers<[1], [0], [0], [1], [0, 0, 1, 1], [], []>, transpose_lhs_hint = false} : vector<10000x120xf32>, vector<120x64xf32>, vector<10000x64xf32> -> vector<10000x64xf32>
    %max3A = arith.constant 0.000000e+00 : f32
    %max3A_18 = vector.broadcast %max3A : f32 to vector<10000x64xf32>
    %max3A_19 = arith.maximumf %dot_general3A_17, %max3A_18 : vector<10000x64xf32>
    %get3A_20 = arith.constant 0 : index
    %get3A_21 = arith.constant 0 : index
    %get3A_22 = vector.load %arg3[%get3A_20, %get3A_21] : memref<10000x8xf32, #tpu.memory_space<vmem>>, vector<10000x8xf32>
    %get3A_23 = arith.constant 0 : index
    %get3A_24 = arith.constant 0 : index
    %get3A_25 = vector.load %arg4[%get3A_23, %get3A_24] : memref<8x64xf32, #tpu.memory_space<vmem>>, vector<8x64xf32>
    %dot_general3A_26 = arith.constant dense<0.000000e+00> : vector<10000x64xf32>
    %dot_general3A_27 = tpu.matmul %get3A_22, %get3A_25, %dot_general3A_26 {dimension_numbers = #tpu.dot_dimension_numbers<[1], [0], [0], [1], [0, 0, 1, 1], [], []>, transpose_lhs_hint = false} : vector<10000x8xf32>, vector<8x64xf32>, vector<10000x64xf32> -> vector<10000x64xf32>
    %get3A_28 = arith.constant 0 : index
    %get3A_29 = arith.constant 0 : index
    %get3A_30 = vector.load %arg5[%get3A_28, %get3A_29] : memref<1x64xf32, #tpu.memory_space<vmem>>, vector<1x64xf32>
    %add3A_31 = vector.broadcast %get3A_30 : vector<1x64xf32> to vector<10000x64xf32>
    %add3A_32 = arith.addf %dot_general3A_27, %add3A_31 : vector<10000x64xf32>
    %max3A_33 = arith.constant 0.000000e+00 : f32
    %max3A_34 = vector.broadcast %max3A_33 : f32 to vector<10000x64xf32>
    %max3A_35 = arith.maximumf %add3A_32, %max3A_34 : vector<10000x64xf32>
    %get3A_36 = arith.constant 0 : index
    %get3A_37 = arith.constant 0 : index
    %get3A_38 = vector.load %arg6[%get3A_36, %get3A_37] : memref<64x64xf32, #tpu.memory_space<vmem>>, vector<64x64xf32>
    %dot_general3A_39 = arith.constant dense<0.000000e+00> : vector<10000x64xf32>
    %dot_general3A_40 = tpu.matmul %max3A_35, %get3A_38, %dot_general3A_39 {dimension_numbers = #tpu.dot_dimension_numbers<[1], [0], [0], [1], [0, 0, 1, 1], [], []>, transpose_lhs_hint = false} : vector<10000x64xf32>, vector<64x64xf32>, vector<10000x64xf32> -> vector<10000x64xf32>
    %get3A_41 = arith.constant 0 : index
    %get3A_42 = arith.constant 0 : index
    %get3A_43 = vector.load %arg7[%get3A_41, %get3A_42] : memref<1x64xf32, #tpu.memory_space<vmem>>, vector<1x64xf32>
    %add3A_44 = vector.broadcast %get3A_43 : vector<1x64xf32> to vector<10000x64xf32>
    %add3A_45 = arith.addf %dot_general3A_40, %add3A_44 : vector<10000x64xf32>
    %concatenate3A = tpu.concatenate %add3A_45, %max3A_19 in 1 : vector<10000x64xf32>, vector<10000x64xf32> -> vector<10000x128xf32>
    %get3A_46 = arith.constant 0 : index
    %get3A_47 = arith.constant 0 : index
    %get3A_48 = vector.load %arg8[%get3A_46, %get3A_47] : memref<10000x1xi32, #tpu.memory_space<vmem>>, vector<10000x1xi32>
    %iota3A = tpu.iota {dimensions = array<i32: 1>} : vector<10000x64xi32>
    %eq3A = vector.broadcast %get3A_48 : vector<10000x1xi32> to vector<10000x64xi32>
    %eq3A_49 = arith.cmpi eq, %eq3A, %iota3A : vector<10000x64xi32>
    %convert_element_type3A = arith.extui %eq3A_49 : vector<10000x64xi1> to vector<10000x64xi32>
    %convert_element_type3A_50 = arith.sitofp %convert_element_type3A : vector<10000x64xi32> to vector<10000x64xf32>
    %reduce_sum3A = arith.constant dense<0.000000e+00> : vector<64xf32>
    %reduce_sum3A_51 = vector.multi_reduction <add>, %convert_element_type3A_50, %reduce_sum3A [0] : vector<10000x64xf32> to vector<64xf32>
    %broadcast_in_dim3A = vector.shape_cast %reduce_sum3A_51 : vector<64xf32> to vector<1x64xf32>
    %max3A_52 = arith.constant 1.000000e+00 : f32
    %max3A_53 = vector.broadcast %max3A_52 : f32 to vector<1x64xf32>
    %max3A_54 = arith.maximumf %broadcast_in_dim3A, %max3A_53 : vector<1x64xf32>
    %dot_general3A_55 = arith.constant dense<0.000000e+00> : vector<64x128xf32>
    %dot_general3A_56 = tpu.matmul %convert_element_type3A_50, %concatenate3A, %dot_general3A_55 {dimension_numbers = #tpu.dot_dimension_numbers<[0], [0], [1], [1], [0, 1, 1, 1], [], []>, transpose_lhs_hint = false} : vector<10000x64xf32>, vector<10000x128xf32>, vector<64x128xf32> -> vector<64x128xf32>
    %transpose3A = tpu.transpose %max3A_54, [1, 0] : vector<1x64xf32> -> vector<64x1xf32>
    %div3A = vector.broadcast %transpose3A : vector<64x1xf32> to vector<64x128xf32>
    %div3A_57 = arith.divf %dot_general3A_56, %div3A : vector<64x128xf32>
    %dot_general3A_58 = arith.constant dense<0.000000e+00> : vector<10000x128xf32>
    %dot_general3A_59 = tpu.matmul %convert_element_type3A_50, %div3A_57, %dot_general3A_58 {dimension_numbers = #tpu.dot_dimension_numbers<[1], [0], [0], [1], [0, 0, 1, 1], [], []>, transpose_lhs_hint = false} : vector<10000x64xf32>, vector<64x128xf32>, vector<10000x128xf32> -> vector<10000x128xf32>
    %sub3A = arith.subf %concatenate3A, %dot_general3A_59 : vector<10000x128xf32>
    %mul3A = arith.mulf %sub3A, %sub3A : vector<10000x128xf32>
    %dot_general3A_60 = arith.constant dense<0.000000e+00> : vector<64x128xf32>
    %dot_general3A_61 = tpu.matmul %convert_element_type3A_50, %mul3A, %dot_general3A_60 {dimension_numbers = #tpu.dot_dimension_numbers<[0], [0], [1], [1], [0, 1, 1, 1], [], []>, transpose_lhs_hint = false} : vector<10000x64xf32>, vector<10000x128xf32>, vector<64x128xf32> -> vector<64x128xf32>
    %transpose3A_62 = tpu.transpose %max3A_54, [1, 0] : vector<1x64xf32> -> vector<64x1xf32>
    %div3A_63 = vector.broadcast %transpose3A_62 : vector<64x1xf32> to vector<64x128xf32>
    %div3A_64 = arith.divf %dot_general3A_61, %div3A_63 : vector<64x128xf32>
    %add3A_65 = arith.constant 9.99999974E-6 : f32
    %add3A_66 = vector.broadcast %add3A_65 : f32 to vector<64x128xf32>
    %add3A_67 = arith.addf %div3A_64, %add3A_66 : vector<64x128xf32>
    %rsqrt3A = math.rsqrt %add3A_67 : vector<64x128xf32>
    %dot_general3A_68 = arith.constant dense<0.000000e+00> : vector<10000x128xf32>
    %dot_general3A_69 = tpu.matmul %convert_element_type3A_50, %rsqrt3A, %dot_general3A_68 {dimension_numbers = #tpu.dot_dimension_numbers<[1], [0], [0], [1], [0, 0, 1, 1], [], []>, transpose_lhs_hint = false} : vector<10000x64xf32>, vector<64x128xf32>, vector<10000x128xf32> -> vector<10000x128xf32>
    %mul3A_70 = arith.mulf %sub3A, %dot_general3A_69 : vector<10000x128xf32>
    %get3A_71 = arith.constant 0 : index
    %get3A_72 = arith.constant 0 : index
    %get3A_73 = vector.load %arg16[%get3A_71, %get3A_72] : memref<1x128xf32, #tpu.memory_space<vmem>>, vector<1x128xf32>
    %mul3A_74 = vector.broadcast %get3A_73 : vector<1x128xf32> to vector<10000x128xf32>
    %mul3A_75 = arith.mulf %mul3A_70, %mul3A_74 : vector<10000x128xf32>
    %get3A_76 = arith.constant 0 : index
    %get3A_77 = arith.constant 0 : index
    %get3A_78 = vector.load %arg17[%get3A_76, %get3A_77] : memref<1x128xf32, #tpu.memory_space<vmem>>, vector<1x128xf32>
    %add3A_79 = vector.broadcast %get3A_78 : vector<1x128xf32> to vector<10000x128xf32>
    %add3A_80 = arith.addf %mul3A_75, %add3A_79 : vector<10000x128xf32>
    %swap3A = arith.constant 0 : index
    %swap3A_81 = arith.constant 0 : index
    %swap3A_82 = vector.load %arg19[%swap3A, %swap3A_81] : memref<10000x128xf32, #tpu.memory_space<vmem>>, vector<10000x128xf32>
    tpu.vector_store %arg19[%swap3A, %swap3A_81], %add3A_80 {strides = array<i32>} : memref<10000x128xf32, #tpu.memory_space<vmem>>, vector<10000x128xf32>,
    %get3A_83 = arith.constant 0 : index
    %get3A_84 = arith.constant 0 : index
    %get3A_85 = vector.load %arg9[%get3A_83, %get3A_84] : memref<64x8xf32, #tpu.memory_space<vmem>>, vector<64x8xf32>
    %get3A_86 = arith.constant 0 : index
    %get3A_87 = arith.constant 0 : index
    %get3A_88 = vector.load %arg10[%get3A_86, %get3A_87] : memref<8x32xf32, #tpu.memory_space<vmem>>, vector<8x32xf32>
    %dot_general3A_89 = arith.constant dense<0.000000e+00> : vector<64x32xf32>
    %dot_general3A_90 = tpu.matmul %get3A_85, %get3A_88, %dot_general3A_89 {dimension_numbers = #tpu.dot_dimension_numbers<[1], [0], [0], [1], [0, 0, 1, 1], [], []>, transpose_lhs_hint = false} : vector<64x8xf32>, vector<8x32xf32>, vector<64x32xf32> -> vector<64x32xf32>
    %get3A_91 = arith.constant 0 : index
    %get3A_92 = arith.constant 0 : index
    %get3A_93 = vector.load %arg11[%get3A_91, %get3A_92] : memref<1x32xf32, #tpu.memory_space<vmem>>, vector<1x32xf32>
    %add3A_94 = vector.broadcast %get3A_93 : vector<1x32xf32> to vector<64x32xf32>
    %add3A_95 = arith.addf %dot_general3A_90, %add3A_94 : vector<64x32xf32>
    %max3A_96 = arith.constant 0.000000e+00 : f32
    %max3A_97 = vector.broadcast %max3A_96 : f32 to vector<64x32xf32>
    %max3A_98 = arith.maximumf %add3A_95, %max3A_97 : vector<64x32xf32>
    %get3A_99 = arith.constant 0 : index
    %get3A_100 = arith.constant 0 : index
    %get3A_101 = vector.load %arg12[%get3A_99, %get3A_100] : memref<32x64xf32, #tpu.memory_space<vmem>>, vector<32x64xf32>
    %dot_general3A_102 = arith.constant dense<0.000000e+00> : vector<64x64xf32>
    %dot_general3A_103 = tpu.matmul %max3A_98, %get3A_101, %dot_general3A_102 {dimension_numbers = #tpu.dot_dimension_numbers<[1], [0], [0], [1], [0, 0, 1, 1], [], []>, transpose_lhs_hint = false} : vector<64x32xf32>, vector<32x64xf32>, vector<64x64xf32> -> vector<64x64xf32>
    %get3A_104 = arith.constant 0 : index
    %get3A_105 = arith.constant 0 : index
    %get3A_106 = vector.load %arg13[%get3A_104, %get3A_105] : memref<1x64xf32, #tpu.memory_space<vmem>>, vector<1x64xf32>
    %add3A_107 = vector.broadcast %get3A_106 : vector<1x64xf32> to vector<64x64xf32>
    %add3A_108 = arith.addf %dot_general3A_103, %add3A_107 : vector<64x64xf32>
    %slice3A = vector.extract_strided_slice %div3A_57 {offsets = [0, 64], sizes = [64, 64], strides = [1, 1]} : vector<64x128xf32> to vector<64x64xf32>
    %concatenate3A_109 = tpu.concatenate %slice3A, %add3A_108 in 1 : vector<64x64xf32>, vector<64x64xf32> -> vector<64x128xf32>
    %get3A_110 = arith.constant 0 : index
    %get3A_111 = arith.constant 0 : index
    %get3A_112 = vector.load %arg14[%get3A_110, %get3A_111] : memref<128x128xf32, #tpu.memory_space<vmem>>, vector<128x128xf32>
    %dot_general3A_113 = arith.constant dense<0.000000e+00> : vector<64x128xf32>
    %dot_general3A_114 = tpu.matmul %concatenate3A_109, %get3A_112, %dot_general3A_113 {dimension_numbers = #tpu.dot_dimension_numbers<[1], [0], [0], [1], [0, 0, 1, 1], [], []>, transpose_lhs_hint = false} : vector<64x128xf32>, vector<128x128xf32>, vector<64x128xf32> -> vector<64x128xf32>
    %get3A_115 = arith.constant 0 : index
    %get3A_116 = arith.constant 0 : index
    %get3A_117 = vector.load %arg15[%get3A_115, %get3A_116] : memref<1x128xf32, #tpu.memory_space<vmem>>, vector<1x128xf32>
    %add3A_118 = vector.broadcast %get3A_117 : vector<1x128xf32> to vector<64x128xf32>
    %add3A_119 = arith.addf %dot_general3A_114, %add3A_118 : vector<64x128xf32>
    %swap3A_120 = arith.constant 0 : index
    %swap3A_121 = arith.constant 0 : index
    %swap3A_122 = vector.load %arg18[%swap3A_120, %swap3A_121] : memref<64x128xf32, #tpu.memory_space<vmem>>, vector<64x128xf32>
    tpu.vector_store %arg18[%swap3A_120, %swap3A_121], %add3A_119 {strides = array<i32>} : memref<64x128xf32, #tpu.memory_space<vmem>>, vector<64x128xf32>,
    return
  }
}

module attributes {stable_mosaic.version = 14 : i64} {
  func.func @_tc_tail_body(%arg0: i32, %arg1: memref<1000x128xf32, #tpu.memory_space<vmem>>, %arg2: memref<1000x128xf32, #tpu.memory_space<vmem>>, %arg3: memref<1000x128xf32, #tpu.memory_space<vmem>>, %arg4: memref<128x128xf32, #tpu.memory_space<vmem>>, %arg5: memref<1x128xf32, #tpu.memory_space<vmem>>, %arg6: memref<128x128xf32, #tpu.memory_space<vmem>>, %arg7: memref<1x128xf32, #tpu.memory_space<vmem>>, %arg8: memref<1000x128xf32, #tpu.memory_space<vmem>>) attributes {dimension_semantics = [#tpu.dimension_semantics<arbitrary>], iteration_bounds = array<i64: 10>, scalar_prefetch = 0 : i64, scratch_operands = 0 : i64, tpu.core_type = #tpu.core_type<tc>, window_params = [{transform_indices = @transform_0, window_bounds = array<i64: 1000, 128>}, {transform_indices = @transform_1, window_bounds = array<i64: 1000, 128>}, {transform_indices = @transform_2, window_bounds = array<i64: 1000, 128>}, {pipeline_mode = #tpu.pipeline_mode<synchronous>, transform_indices = @transform_3, window_bounds = array<i64: 128, 128>}, {pipeline_mode = #tpu.pipeline_mode<synchronous>, transform_indices = @transform_4, window_bounds = array<i64: 1, 128>}, {pipeline_mode = #tpu.pipeline_mode<synchronous>, transform_indices = @transform_5, window_bounds = array<i64: 128, 128>}, {pipeline_mode = #tpu.pipeline_mode<synchronous>, transform_indices = @transform_6, window_bounds = array<i64: 1, 128>}, {transform_indices = @transform_7, window_bounds = array<i64: 1000, 128>}]} {
    %get3A = arith.constant 0 : index
    %get3A_0 = arith.constant 0 : index
    %get3A_1 = vector.load %arg1[%get3A, %get3A_0] : memref<1000x128xf32, #tpu.memory_space<vmem>>, vector<1000x128xf32>
    %get3A_2 = arith.constant 0 : index
    %get3A_3 = arith.constant 0 : index
    %get3A_4 = vector.load %arg2[%get3A_2, %get3A_3] : memref<1000x128xf32, #tpu.memory_space<vmem>>, vector<1000x128xf32>
    %add3A = arith.addf %get3A_1, %get3A_4 : vector<1000x128xf32>
    %get3A_5 = arith.constant 0 : index
    %get3A_6 = arith.constant 0 : index
    %get3A_7 = vector.load %arg3[%get3A_5, %get3A_6] : memref<1000x128xf32, #tpu.memory_space<vmem>>, vector<1000x128xf32>
    %add3A_8 = arith.addf %add3A, %get3A_7 : vector<1000x128xf32>
    %get3A_9 = arith.constant 0 : index
    %get3A_10 = arith.constant 0 : index
    %get3A_11 = vector.load %arg4[%get3A_9, %get3A_10] : memref<128x128xf32, #tpu.memory_space<vmem>>, vector<128x128xf32>
    %dot_general3A = arith.constant dense<0.000000e+00> : vector<1000x128xf32>
    %dot_general3A_12 = tpu.matmul %add3A_8, %get3A_11, %dot_general3A {dimension_numbers = #tpu.dot_dimension_numbers<[1], [0], [0], [1], [0, 0, 1, 1], [], []>, transpose_lhs_hint = false} : vector<1000x128xf32>, vector<128x128xf32>, vector<1000x128xf32> -> vector<1000x128xf32>
    %get3A_13 = arith.constant 0 : index
    %get3A_14 = arith.constant 0 : index
    %get3A_15 = vector.load %arg5[%get3A_13, %get3A_14] : memref<1x128xf32, #tpu.memory_space<vmem>>, vector<1x128xf32>
    %add3A_16 = vector.broadcast %get3A_15 : vector<1x128xf32> to vector<1000x128xf32>
    %add3A_17 = arith.addf %dot_general3A_12, %add3A_16 : vector<1000x128xf32>
    %max3A = arith.constant 0.000000e+00 : f32
    %max3A_18 = vector.broadcast %max3A : f32 to vector<1000x128xf32>
    %max3A_19 = arith.maximumf %add3A_17, %max3A_18 : vector<1000x128xf32>
    %get3A_20 = arith.constant 0 : index
    %get3A_21 = arith.constant 0 : index
    %get3A_22 = vector.load %arg6[%get3A_20, %get3A_21] : memref<128x128xf32, #tpu.memory_space<vmem>>, vector<128x128xf32>
    %dot_general3A_23 = arith.constant dense<0.000000e+00> : vector<1000x128xf32>
    %dot_general3A_24 = tpu.matmul %max3A_19, %get3A_22, %dot_general3A_23 {dimension_numbers = #tpu.dot_dimension_numbers<[1], [0], [0], [1], [0, 0, 1, 1], [], []>, transpose_lhs_hint = false} : vector<1000x128xf32>, vector<128x128xf32>, vector<1000x128xf32> -> vector<1000x128xf32>
    %get3A_25 = arith.constant 0 : index
    %get3A_26 = arith.constant 0 : index
    %get3A_27 = vector.load %arg7[%get3A_25, %get3A_26] : memref<1x128xf32, #tpu.memory_space<vmem>>, vector<1x128xf32>
    %add3A_28 = vector.broadcast %get3A_27 : vector<1x128xf32> to vector<1000x128xf32>
    %add3A_29 = arith.addf %dot_general3A_24, %add3A_28 : vector<1000x128xf32>
    %swap3A = arith.constant 0 : index
    %swap3A_30 = arith.constant 0 : index
    %swap3A_31 = vector.load %arg8[%swap3A, %swap3A_30] : memref<1000x128xf32, #tpu.memory_space<vmem>>, vector<1000x128xf32>
    tpu.vector_store %arg8[%swap3A, %swap3A_30], %add3A_29 {strides = array<i32>} : memref<1000x128xf32, #tpu.memory_space<vmem>>, vector<1000x128xf32>,
    return
  }
  func.func @transform_0(%arg0: i32) -> (i32, i32) {
    %c0_i32 = arith.constant 0 : i32
    %c0_i32_0 = arith.constant 0 : i32
    return %arg0, %c0_i32 : i32, i32
  }
  func.func @transform_1(%arg0: i32) -> (i32, i32) {
    %c0_i32 = arith.constant 0 : i32
    %c0_i32_0 = arith.constant 0 : i32
    return %arg0, %c0_i32 : i32, i32
  }
  func.func @transform_2(%arg0: i32) -> (i32, i32) {
    %c0_i32 = arith.constant 0 : i32
    %c0_i32_0 = arith.constant 0 : i32
    return %arg0, %c0_i32 : i32, i32
  }
  func.func @transform_3(%arg0: i32) -> (i32, i32) {
    %c0_i32 = arith.constant 0 : i32
    %c0_i32_0 = arith.constant 0 : i32
    %c0_i32_1 = arith.constant 0 : i32
    return %c0_i32, %c0_i32_0 : i32, i32
  }
  func.func @transform_4(%arg0: i32) -> (i32, i32) {
    %c0_i32 = arith.constant 0 : i32
    %c0_i32_0 = arith.constant 0 : i32
    %c0_i32_1 = arith.constant 0 : i32
    return %c0_i32, %c0_i32_0 : i32, i32
  }
  func.func @transform_5(%arg0: i32) -> (i32, i32) {
    %c0_i32 = arith.constant 0 : i32
    %c0_i32_0 = arith.constant 0 : i32
    %c0_i32_1 = arith.constant 0 : i32
    return %c0_i32, %c0_i32_0 : i32, i32
  }
  func.func @transform_6(%arg0: i32) -> (i32, i32) {
    %c0_i32 = arith.constant 0 : i32
    %c0_i32_0 = arith.constant 0 : i32
    %c0_i32_1 = arith.constant 0 : i32
    return %c0_i32, %c0_i32_0 : i32, i32
  }
  func.func @transform_7(%arg0: i32) -> (i32, i32) {
    %c0_i32 = arith.constant 0 : i32
    %c0_i32_0 = arith.constant 0 : i32
    return %arg0, %c0_i32 : i32, i32
  }
}

</mosaic_0001>

<sc_bundles>
// kernel: kernel.6.cloned.1.call-start
scs
__scs_entry_jumppad:
0x0: {  	(pc) =	sbr.rel $0x88, $3  }
0x1: {  	(tag) =	ssettag $0x0;
	lr =	simm.s32 $0x1  }
0x2: {  	[smem:$0x3F89] =	sst lr;
	_ =	strace $0xD0000000  }
0x3: {  	_ = 	snop  }
0x4: {  	_ = 	snop  }
0x5: {  	_ = 	snop  }
0x6: {  	_ = 	snop  }
0x7: {  	_ = 	snop  }
__scs_overlays_trampoline_lowered:
0x8: {  	[smem:$0x3F98] =	sst s0  }
0x9: {  	[smem:$0x3F99] =	sst s1  }
0xa: {  	[smem:$0x3F9A] =	sst s2  }
0xb: {  	[smem:$0x3F9B] =	sst s3  }
0xc: {  	[smem:$0x3F9C] =	sst s4  }
0xd: {  	[smem:$0x3F9D] =	sst s5  }
0xe: {  	[smem:$0x3F9E] =	sst s6  }
0xf: {  	[smem:$0x3F9F] =	sst s7  }
0x10: {  	[smem:$0x3FA0] =	sst s8  }
0x11: {  	[smem:$0x3FA1] =	sst s9;
	s0 =	simm.s32 @!p0 $0x0  }
0x12: {  	s1 =	sld [smem:$0x3F87];
	s0 =	simm.s32 @p0 $0x1  }
0x13: {  	[smem:$0x3FA2] =	sst s0;
	s0 =	simm.s32 @!p1 $0x0  }
0x14: {  	s2 =	sld [smem:$0x3F86];
	s0 =	simm.s32 @p1 $0x1  }
0x15: {  	[smem:$0x3FA3] =	sst s0;
	s0 =	simm.s32 @!p2 $0x0  }
0x16: {  	s3 =	sld [smem:$0x3FDB];
	s0 =	simm.s32 @p2 $0x1  }
0x17: {  	s4 =	simm.s32 $0x1BF5;
	[smem:$0x3FA5] =	sst s0  }
0x18: {  	s0 =	sld [smem:$0x3F88];
	_ =	swait.ge [sflag:s4], $0x0  }
0x19: {  	s7 =	sld [smem:$0x3F89]  }
0x1a: {  	s8 =	sadd.s32 $0xFFFFE003, lr  }
0x1b: {  	s9 =	sadd.s32 $0xFFFFFEF7, lr;
	s5 =	simm.s32 $0xFFFFFFFF;
	p2 =	slt.u32 s8, $0xFFFFF086  }
0x1c: {  	p1 =	slt.u32 s9, $0xF7A;
	s5 =	simm.s32 @!p2 $0x0  }
0x1d: {  	s5 =	simm.s32 @p1 $0x1;
	p0 =	seq.s32 s7, s2  }
0x1e: {  	s7 =	smul.u32 @!p0 $0xF7A, s2;
	p2 =	seq.s32 @!p0 s5, $0x0  }
0x1f: {  	s9 =	smul.u32 $0xF7A, s1;
	s8 =	simm.s32 @!p0 $0x1BF5;
	p2 =	por !p2, p0  }
0x20: {  	[sflag:s8] =	ssyncset.s32 @!p0 $0xFFFFF086;
	s6 =	sadd.s32 @!p0 s3, s7;
	s7 =	simm.s32 @!p0 $0x108  }
0x21: {  	s3 =	sadd.s32 s3, s9;
	s6 =	sadd.s32 @!p0 $0x88, s6;
	s7 =	simm.s32 @p2 $0x1082  }
0x22: {  	[simem:s7], [sflag:s8] =	dma.local @!p0 [hbm:s6], $0xF7A  }
0x23: {  	s9 =	sor.u32 $0xD0000000, s2;
	s6 =	simm.s32 $0x108;
	_ =	swait.ge @!p0 [sflag:s8], $0x0  }
0x24: {  	s3 =	sadd.s32 $0x88, s3;
	s6 =	simm.s32 @!p1 $0x1082;
	[sflag:s4] =	ssyncset.s32 $0xFFFFF086  }
0x25: {  	[simem:s6], [sflag:s4] =	dma.local [hbm:s3], $0xF7A  }
0x26: {  	[smem:$0x3F89] =	sst s1;
	(tag) =	ssettag s2;
	_ =	strace s9  }
0x27: {  	s1 =	sld [smem:$0x3F99]  }
0x28: {  	s2 =	sld [smem:$0x3F9A]  }
0x29: {  	s4 =	sld [smem:$0x3F9C]  }
0x2a: {  	p0 =	seq.s32 s5, $0x0;
	s5 =	sld [smem:$0x3F9D]  }
0x2b: {  	s6 =	sld [smem:$0x3F9E]  }
0x2c: {  	s7 =	sld [smem:$0x3F9F]  }
0x2d: {  	s3 =	simm.s32 $0x108;
	s8 =	sld [smem:$0x3FA0]  }
0x2e: {  	s3 =	simm.s32 @!p0 $0x1082;
	s9 =	sld [smem:$0x3FA1]  }
0x2f: {  	lr =	sadd.s32 s0, s3;
	s0 =	sld [smem:$0x3F98]  }
0x30: {  	s3 =	sld [smem:$0x3F9B]  }
0x31: {  	[smem:$0x3FA4] =	sst s10  }
0x32: {  	s10 =	sld [smem:$0x3FA2];
	_ =	sdelay $0x3  }
0x33: {  	p0 =	seq.s32 s10, $0x1;
	s10 =	sld [smem:$0x3FA4];
	_ =	sdelay $0x3  }
0x34: {  	[smem:$0x3FA4] =	sst s10  }
0x35: {  	s10 =	sld [smem:$0x3FA3];
	_ =	sdelay $0x3  }
0x36: {  	p1 =	seq.s32 s10, $0x1;
	s10 =	sld [smem:$0x3FA4];
	_ =	sdelay $0x3  }
0x37: {  	[smem:$0x3FA4] =	sst s10  }
0x38: {  	s10 =	sld [smem:$0x3FA5]  }
0x39: {  	_ = 	snop;
	(pc) =	sbr.ind lr, $3  }
0x3a: {  	_ = 	snop  }
0x3b: {  	_ = 	snop  }
0x3c: {  	p2 =	seq.s32 s10, $0x1;
	s10 =	sld [smem:$0x3FA4]  }
0x3d: {  	_ =	shalt  }
0x3e: {  	_ =	shalt  }
0x3f: {  	_ =	shalt  }
0x40: {  	_ =	shalt  }
0x41: {  	_ =	shalt  }
0x42: {  	_ =	shalt  }
0x43: {  	_ =	shalt  }
0x44: {  	_ =	shalt  }
0x45: {  	_ =	shalt  }
0x46: {  	_ =	shalt  }
0x47: {  	_ =	shalt  }
0x48: {  	_ =	shalt  }
0x49: {  	_ =	shalt  }
0x4a: {  	_ =	shalt  }
0x4b: {  	_ =	shalt  }
0x4c: {  	_ =	shalt  }
0x4d: {  	_ =	shalt  }
0x4e: {  	_ =	shalt  }
0x4f: {  	_ =	shalt  }
0x50: {  	_ =	shalt  }
0x51: {  	_ =	shalt  }
0x52: {  	_ =	shalt  }
0x53: {  	_ =	shalt  }
0x54: {  	_ =	shalt  }
0x55: {  	_ =	shalt  }
0x56: {  	_ =	shalt  }
0x57: {  	_ =	shalt  }
0x58: {  	_ =	shalt  }
0x59: {  	_ =	shalt  }
0x5a: {  	_ =	shalt  }
0x5b: {  	_ =	shalt  }
0x5c: {  	_ =	shalt  }
0x5d: {  	_ =	shalt  }
0x5e: {  	_ =	shalt  }
0x5f: {  	_ =	shalt  }
0x60: {  	_ =	shalt  }
0x61: {  	_ =	shalt  }
0x62: {  	_ =	shalt  }
0x63: {  	_ =	shalt  }
0x64: {  	_ =	shalt  }
0x65: {  	_ =	shalt  }
0x66: {  	_ =	shalt  }
0x67: {  	_ =	shalt  }
0x68: {  	_ =	shalt  }
0x69: {  	_ =	shalt  }
0x6a: {  	_ =	shalt  }
0x6b: {  	_ =	shalt  }
0x6c: {  	_ =	shalt  }
0x6d: {  	_ =	shalt  }
0x6e: {  	_ =	shalt  }
0x6f: {  	_ =	shalt  }
0x70: {  	_ =	shalt  }
0x71: {  	_ =	shalt  }
0x72: {  	_ =	shalt  }
0x73: {  	_ =	shalt  }
0x74: {  	_ =	shalt  }
0x75: {  	_ =	shalt  }
0x76: {  	_ =	shalt  }
0x77: {  	_ =	shalt  }
0x78: {  	_ =	shalt  }
0x79: {  	_ =	shalt  }
0x7a: {  	_ =	shalt  }
0x7b: {  	_ =	shalt  }
0x7c: {  	_ =	shalt  }
0x7d: {  	_ =	shalt  }
0x7e: {  	_ =	shalt  }
0x7f: {  	_ =	shalt  }
0x80: {  	_ =	shalt  }
0x81: {  	_ =	shalt  }
0x82: {  	_ =	shalt  }
0x83: {  	_ =	shalt  }
0x84: {  	_ =	shalt  }
0x85: {  	_ =	shalt  }
0x86: {  	_ =	shalt  }
0x87: {  	_ =	shalt  }
.Lfunc_end0:
.L_simem_size_0:
called_computation_lowered:
.L_overlay_start_0:
0x88: {  	s2 =	sld [smem:$0x3FD9]  }
0x89: {  	s3 =	sld [smem:$0x3FFE];
	_ =	sdelay $0x1  }
0x8a: {  	s1 =	srdreg.scid  }
0x8b: {  	s0 =	sand.u32 $0x1, s1  }
0x8c: {  	s14 =	sshll.u32 s0, $0xA;
	s2 =	sadd.s32 s3, s2  }
0x8d: {  	s2 =	sadd.s32 s2, s14  }
0x8e: {  	[smem:$0x3FB0] =	sst s2  }
0x8f: {  	_ = 	snop  }
0x90: {  	s2 =	sld [smem:$0x3FD0];
	_ =	sdelay $0x2  }
0x91: {  	s4 =	simm.s32 $0xA;
	s5 =	simm.s32 $0x10;
	s15 =	sld [smem:$0x3FC9]  }
0x92: {  	[smem:s5], [sflag:s4] =	dma.local [hbm:s2], $0x1  }
0x93: {  	_ =	swait.eq [sflag:s4], $0x1  }
0x94: {  	[sflag:s4] =	ssyncset.done $0x0  }
0x95: {  	[sflag:s4] =	ssyncadd.s32 $0xFFFFFFFF  }
0x96: {  	s16 =	sld [smem:$0x11];
	(tm) =	ssettm $0x1  }
0x97: {  	s17 =	sld [smem:$0x3FFB];
	_ =	sdelay $0x3  }
0x98: {  	_ =	strace s17  }
0x99: {  	s4 =	sld [smem:$0x3FFC];
	_ =	sdelay $0x3  }
0x9a: {  	_ =	strace s4  }
0x9b: {  	s4 =	sld [smem:$0x3FFD];
	_ =	sdelay $0x3  }
0x9c: {  	_ =	strace s4  }
0x9d: {  	_ =	strace $0x8FFFFFFF  }
0x9e: {  	s18 =	sld [smem:$0x3FDB];
	_ =	sdelay $0x1  }
0x9f: {  	s19 =	simm.s32 $_scs_section_size  }
0xa0: {  	s6 =	simm.s32 $_size__tile_overlayer_lowered;
	s7 =	simm.s32 $_tile_overlayer_lowered  }
0xa1: {  	s22 =	simm.s32 $0x1BFF;
	s21 =	sshll.u32 s7, $0x1;
	s4 =	sadd.s32 s19, s18  }
0xa2: {  	s8 =	simm.s32 $0x0;
	s20 =	sshll.u32 s6, $0x1;
	s6 =	sadd.s32 s21, s4  }
0xa3: {  	[timem:s8], [sflag:s22] =	dma.local [hbm:s6], s20  }
0xa4: {  	_ =	swait.ge [sflag:s22], s20  }
0xa5: {  	s5 =	ssub.s32 $0x0, s20;
	[sflag:s22] =	ssyncset.done $0x0  }
0xa6: {  	[sflag:s22] =	ssyncadd.s32 s5;
	_ =	sdelay $0x1  }
0xa7: {  	s23 =	simm.s32 $0x1B8B  }
0xa8: {  	_ =	swait.ge [sflag:s23], $0x1  }
0xa9: {  	[sflag:s23] =	ssyncset.done $0x0  }
0xaa: {  	s25 =	simm.s32 $0x1B8E;
	s24 =	sld [smem:$0x3FFE];
	[sflag:s23] =	ssyncadd.s32 $0xFFFFFFFF  }
0xab: {  	s26 =	simm.s32 $execute0_lowered;
	[smem:$0x3FD2] =	sst s25  }
0xac: {  	s6 =	sshll.u32 s26, $0x1;
	_ =	strace $0x80000046;
	[dreg:$0x1] =	wrdreg $0xFFFFFFFF  }
0xad: {  	s28 =	simm.s32 $_size_execute0_lowered;
	s4 =	sadd.s32 s4, s6;
	[dreg:$0x0] =	wrdreg $0x0  }
0xae: {  	s6 =	sshll.u32 s28, $0x1;
	[dreg:$0x2] =	wrdreg s4  }
0xaf: {  	[dreg:$0x3] =	wrdreg s6  }
0xb0: {  	[dreg:$0x4] =	wrdreg $0xC0  }
0xb1: {  	_ =	task [dreg:s8], $0x5FFFF  }
0xb2: {  	[dreg:$0x1] =	wrdreg $0xFFFFFFFF  }
0xb3: {  	[dreg:$0x0] =	wrdreg $0x60  }
0xb4: {  	[dreg:$0x2] =	wrdreg s16  }
0xb5: {  	[dreg:$0x3] =	wrdreg s24  }
0xb6: {  	[dreg:$0x4] =	wrdreg s15  }
0xb7: {  	[dreg:$0x5] =	wrdreg $0xCF000  }
0xb8: {  	[dreg:$0x6] =	wrdreg $0x9  }
0xb9: {  	_ =	task.clear_ibuf [dreg:s8], $0x7FFFF;
	_ =	strace $0x90000046  }
0xba: {  	s29 =	simm.s32 $0x9;
	_ =	strace $0x80000048  }
0xbb: {  	_ =	swait.ge [sflag:s29], $0x1  }
0xbc: {  	[sflag:s29] =	ssyncadd.s32 $0xFFFFFFFF  }
0xbd: {  	_ =	strace $0x90000048  }
0xbe: {  	_ =	sfence  }
0xbf: {  	s30 =	sld [smem:$0x0];
	_ =	sdelay $0x2  }
0xc0: {  	s31 =	sshll.u32 s1, $0xD;
	s1 =	sshrl.u32 s1, $0x2  }
0xc1: {  	s3 =	sand.u32 $0x4000, s31;
	s1 =	sadd.s32 s1, s30  }
0xc2: {  	s0 =	sor.u32 s3, s0;
	s1 =	sshll.u32 s1, $0x11  }
0xc3: {  	s0 =	sor.u32 s1, s0  }
0xc4: {  	s0 =	sadd.s32 $0x8F2B, s0  }
0xc5: {  	[sflag:s0] =	ssyncadd.remote.s32 $0x1  }
0xc6: {  	_ =	sfence.sel $0xFFFF  }
0xc7: {  	[dreg:$0x0] =	wrdreg $0xFFFFFFFF;
	(pc) =	sbr.abs _section_cstart, $3  }
0xc8: {  	[dreg:$0x1] =	wrdreg $0xFFFFFFFF  }
0xc9: {  	_ =	task.clear_ibuf [dreg:s8], $0x2FFFF;
	_ =	strace $0x9FFFFFFF  }
0xca: {  	(tm) =	ssettm $0x7FFFFFFF  }
0xcb: {  	_ =	shalt  }
tec
execute0_lowered:
.L_overlay_start_1:
0x0: {  	(tag) =	ssettag $0x1  }
0x1: {  	s1 =	srdreg.scid;
	s9 =	stileid.u32  }
0x2: {  	s1 =	sand.u32 $0x1, s1;
	s2 =	smul.u32 $0x124F8, s9  }
0x3: {  	s0 =	rddreg [dreg:$0x1];
	s3 =	smul.u32 $0x124F80, s1  }
0x4: {  	s4 =	rddreg [dreg:$0x3];
	s5 =	simm.s32 $0x0  }
0x5: {  	[smem:$0x7FF] =	sst s5;
	s3 =	sadd.s32 s2, s3  }
0x6: {  	s6 =	sadd.s32 $0xD200, s0;
	s8 =	ssub.s32 $0x2, s1;
	s3 =	sshrl.u32 s3, $0x3  }
0x7: {  	s7 =	sadd.s32 $0x3400, s0;
	s26 =	sshrl.u32 s8, $0x1;
	s0 =	sadd.s32 s3, s0  }
0x8: {  	s3 =	ssub.s32 s8, s26;
	s8 =	sadd.s32 s2, s4;
	s2 =	sadd.s32 $0x17000, s0  }
0x9: {  	_ =	strace $0x80000047;
	s10 =	sadd.s32 $0x171F4, s0;
	[dreg:$0x5] =	wrdreg s2  }
0xa: {  	s11 =	sadd.s32 $0x173E8, s0;
	[dreg:$0x6] =	wrdreg s10  }
0xb: {  	s12 =	sadd.s32 $0x175DC, s0;
	[dreg:$0x7] =	wrdreg s11  }
0xc: {  	s13 =	sadd.s32 $0x177D0, s0;
	[dreg:$0x8] =	wrdreg s12  }
0xd: {  	s14 =	sadd.s32 $0x179C4, s0;
	[dreg:$0x9] =	wrdreg s13  }
0xe: {  	s15 =	sadd.s32 $0x17BB8, s0;
	[dreg:$0xa] =	wrdreg s14  }
0xf: {  	s16 =	sadd.s32 $0x17DAC, s0;
	[dreg:$0xb] =	wrdreg s15  }
0x10: {  	s17 =	sadd.s32 $0x17FA0, s0;
	[dreg:$0xc] =	wrdreg s16  }
0x11: {  	s18 =	sadd.s32 $0x18194, s0;
	[dreg:$0xd] =	wrdreg s17  }
0x12: {  	s19 =	sadd.s32 $0x18388, s0;
	[dreg:$0xe] =	wrdreg s18  }
0x13: {  	s20 =	sadd.s32 $0x1857C, s0;
	[dreg:$0xf] =	wrdreg s19  }
0x14: {  	s21 =	sadd.s32 $0x18770, s0;
	[dreg:$0x10] =	wrdreg s20  }
0x15: {  	s22 =	sadd.s32 $0x18964, s0;
	[dreg:$0x11] =	wrdreg s21  }
0x16: {  	s23 =	sadd.s32 $0x18B58, s0;
	[dreg:$0x12] =	wrdreg s22  }
0x17: {  	s24 =	sadd.s32 $0x18D4C, s0;
	[dreg:$0x13] =	wrdreg s23  }
0x18: {  	s25 =	sadd.s32 $0x18F40, s0;
	[dreg:$0x14] =	wrdreg s24  }
0x19: {  	s26 =	sadd.s32 $0x19134, s0;
	[dreg:$0x15] =	wrdreg s25  }
0x1a: {  	s0 =	sadd.s32 $0x19328, s0;
	[dreg:$0x16] =	wrdreg s26  }
0x1b: {  	[dreg:$0x17] =	wrdreg s0;
	s2 =	smax.u32 s3, $0x1  }
0x1c: {  	s3 =	sadd.s32 $0x4E20, s8;
	[dreg:$0x18] =	wrdreg s2  }
0x1d: {  	s28 =	simm.s32 $0x3;
	s10 =	sadd.s32 $0x5DC0, s8;
	[dreg:$0x1a] =	wrdreg s3  }
0x1e: {  	s29 =	simm.s32 $0x800;
	s11 =	sadd.s32 $0x6D60, s8;
	[dreg:$0x1b] =	wrdreg s10  }
0x1f: {  	s30 =	simm.s32 $0x50;
	s12 =	sadd.s32 $0x7D00, s8;
	[dreg:$0x1c] =	wrdreg s11  }
0x20: {  	s31 =	simm.s32 $0xAD80;
	s13 =	sadd.s32 $0x8CA0, s8;
	[dreg:$0x1d] =	wrdreg s12  }
0x21: {  	s9 =	sshll.u32 s9, $0x1;
	s14 =	sadd.s32 $0x9C40, s8;
	[dreg:$0x1e] =	wrdreg s13  }
0x22: {  	s1 =	sor.u32 s1, s9;
	s15 =	sadd.s32 $0xABE0, s8;
	[dreg:$0x1f] =	wrdreg s14  }
0x23: {  	s9 =	smul.u32 $0x2710, s1;
	s20 =	sadd.s32 $0xBB80, s8;
	[smem:$0x7F6] =	sst s15  }
0x24: {  	s1 =	simm.s32 $0xAE00;
	s21 =	sadd.s32 $0xCB20, s8;
	[smem:$0x7F7] =	sst s20  }
0x25: {  	s16 =	sadd.s32 $0xFA0, s8;
	s22 =	sadd.s32 $0xDAC0, s8;
	[smem:$0x7F8] =	sst s21  }
0x26: {  	s17 =	sadd.s32 $0x1F40, s8;
	s23 =	sadd.s32 $0xEA60, s8;
	[smem:$0x7F9] =	sst s22  }
0x27: {  	s18 =	sadd.s32 $0x2EE0, s8;
	s24 =	sadd.s32 $0xFA00, s8;
	[smem:$0x7FA] =	sst s23  }
0x28: {  	s19 =	sadd.s32 $0x3E80, s8;
	s25 =	sadd.s32 $0x109A0, s8;
	[smem:$0x7FB] =	sst s24  }
0x29: {  	s26 =	sadd.s32 $0x11940, s8;
	s0 =	simm.s32 $0xAD00;
	[smem:$0x7FC] =	sst s25  }
0x2a: {  	[smem:$0x7FD] =	sst s26;
	s23 =	simm.s32 $0xAF00;
	s24 =	simm.s32 $0x1000  }
0x2b: {  	s25 =	simm.s32 $0x5;
	s26 =	simm.s32 $0x3780;
	s2 =	simm.s32 $0xAE80  }
0x2c: {  	s3 =	simm.s32 $0x1;
	s10 =	simm.s32 $0x2;
	s11 =	simm.s32 $0xBF00  }
0x2d: {  	v0 =	vimm.f32 $0.0e+00;
	s12 =	simm.s32 $0x4;
	s13 =	simm.s32 $0x0;
	[dreg:$0x19] =	wrdreg s19  }
.LBB2_1:
0x2e: {  	s14 =	simm.s32 $0x40;
	s15 =	simm.s32 $0x0  }
.LBB2_2:
0x2f: {  	p0 =	sne.s32 s14, $0x3E40;
	[tilespmem:s15+$0xAF00] =	vst v0;
	s15 =	smov.u32 s14;
	s14 =	sadd.s32 $0x40, s14  }
.Ltmp0:
0x30: {  	(pc) =	sbr.rel @p0 .LBB2_2-.Ltmp0, $2  }
0x31: {  	_ =	sdelay $0x2  }
0x32: {  	s15 =	sshra.s32 s15, $0x2  }
0x33: {  	[tilespmem:s15+$0xAF00] =	vst v0  }
0x34: {  	[spmem:s8] =	stream.linear.scatter [tilespmem:s23], [sflag:$0x3], $0xFA0, $0x38;
	[tilespmem:$0x1F3F8] =	vst v63  }
0x35: {  	_ = 	snop  }
0x36: {  	[spmem:s16] =	stream.linear.scatter [tilespmem:s23], [sflag:$0x3], $0xFA0, $0x38;
	[tilespmem:$0x1F3F8] =	vst v63  }
0x37: {  	_ = 	snop  }
0x38: {  	[spmem:s17] =	stream.linear.scatter [tilespmem:s23], [sflag:$0x3], $0xFA0, $0x38;
	[tilespmem:$0x1F3F8] =	vst v63  }
0x39: {  	_ = 	snop  }
0x3a: {  	[spmem:s18] =	stream.linear.scatter [tilespmem:s23], [sflag:$0x3], $0xFA0, $0x38;
	[tilespmem:$0x1F3F8] =	vst v63  }
0x3b: {  	s14 =	rddreg [dreg:$0x1a]  }
0x3c: {  	[spmem:s19] =	stream.linear.scatter [tilespmem:s23], [sflag:$0x3], $0xFA0, $0x38;
	[tilespmem:$0x1F3F8] =	vst v63  }
0x3d: {  	s15 =	rddreg [dreg:$0x1b]  }
0x3e: {  	[spmem:s14] =	stream.linear.scatter [tilespmem:s23], [sflag:$0x3], $0xFA0, $0x38;
	[tilespmem:$0x1F3F8] =	vst v63  }
0x3f: {  	s20 =	smov.u32 s16;
	s16 =	rddreg [dreg:$0x1c]  }
0x40: {  	[spmem:s15] =	stream.linear.scatter [tilespmem:s23], [sflag:$0x3], $0xFA0, $0x38;
	[tilespmem:$0x1F3F8] =	vst v63  }
0x41: {  	s21 =	smov.u32 s17;
	s17 =	rddreg [dreg:$0x1d]  }
0x42: {  	[spmem:s16] =	stream.linear.scatter [tilespmem:s23], [sflag:$0x3], $0xFA0, $0x38;
	[tilespmem:$0x1F3F8] =	vst v63  }
0x43: {  	s22 =	smov.u32 s18;
	s18 =	rddreg [dreg:$0x1e]  }
0x44: {  	[spmem:s17] =	stream.linear.scatter [tilespmem:s23], [sflag:$0x3], $0xFA0, $0x38;
	[tilespmem:$0x1F3F8] =	vst v63  }
0x45: {  	s19 =	rddreg [dreg:$0x1f]  }
0x46: {  	[spmem:s18] =	stream.linear.scatter [tilespmem:s23], [sflag:$0x3], $0xFA0, $0x38;
	[tilespmem:$0x1F3F8] =	vst v63  }
0x47: {  	s15 =	sld [smem:$0x7F6]  }
0x48: {  	[spmem:s19] =	stream.linear.scatter [tilespmem:s23], [sflag:$0x3], $0xFA0, $0x38;
	[tilespmem:$0x1F3F8] =	vst v63  }
0x49: {  	s16 =	sld [smem:$0x7F7]  }
0x4a: {  	[spmem:s15] =	stream.linear.scatter [tilespmem:s23], [sflag:$0x3], $0xFA0, $0x38;
	[tilespmem:$0x1F3F8] =	vst v63  }
0x4b: {  	s17 =	sld [smem:$0x7F8]  }
0x4c: {  	[spmem:s16] =	stream.linear.scatter [tilespmem:s23], [sflag:$0x3], $0xFA0, $0x38;
	[tilespmem:$0x1F3F8] =	vst v63  }
0x4d: {  	s18 =	sld [smem:$0x7F9]  }
0x4e: {  	[spmem:s17] =	stream.linear.scatter [tilespmem:s23], [sflag:$0x3], $0xFA0, $0x38;
	[tilespmem:$0x1F3F8] =	vst v63  }
0x4f: {  	s19 =	sld [smem:$0x7FA]  }
0x50: {  	[spmem:s18] =	stream.linear.scatter [tilespmem:s23], [sflag:$0x3], $0xFA0, $0x38;
	[tilespmem:$0x1F3F8] =	vst v63  }
0x51: {  	s15 =	sld [smem:$0x7FB]  }
0x52: {  	[spmem:s19] =	stream.linear.scatter [tilespmem:s23], [sflag:$0x3], $0xFA0, $0x38;
	[tilespmem:$0x1F3F8] =	vst v63  }
0x53: {  	s16 =	sld [smem:$0x7FC]  }
0x54: {  	[spmem:s15] =	stream.linear.scatter [tilespmem:s23], [sflag:$0x3], $0xFA0, $0x38;
	[tilespmem:$0x1F3F8] =	vst v63  }
0x55: {  	s17 =	sld [smem:$0x7FD]  }
0x56: {  	[spmem:s16] =	stream.linear.scatter [tilespmem:s23], [sflag:$0x3], $0xFA0, $0x38;
	[tilespmem:$0x1F3F8] =	vst v63  }
0x57: {  	_ = 	snop  }
0x58: {  	[spmem:s17] =	stream.linear.scatter [tilespmem:s23], [sflag:$0x3], $0xBB8, $0x38;
	[tilespmem:$0x1F3F8] =	vst v63  }
0x59: {  	s14 =	simm.s32 $0x0;
	s18 =	rddreg [dreg:$0x2]  }
0x5a: {  	[tilespmem:s24], [sflag:$0x5] =	stream.linear.gather [hbm4b:s18+s14], $0x2780, $0x38;
	[tilespmem:$0x1F3F8] =	vst v63  }
0x5b: {  	_ =	swait.ge [sflag:s25], $0x2780  }
0x5c: {  	[sflag:s25] =	ssyncset.done $0x0  }
0x5d: {  	[sflag:s25] =	ssyncadd.s32 $0xFFFFD880  }
0x5e: {  	s19 =	rddreg [dreg:$0x0]  }
0x5f: {  	[tilespmem:s26], [sflag:$0x5] =	stream.linear.gather [hbm4b:s19+s14], $0x7580, $0x38;
	[tilespmem:$0x1F3F8] =	vst v63  }
0x60: {  	_ =	swait.ge [sflag:s25], $0x7580  }
0x61: {  	[sflag:s25] =	ssyncset.done $0x0  }
0x62: {  	[sflag:s25] =	ssyncadd.s32 $0xFFFF8A80  }
0x63: {  	_ =	swait.ge [sflag:s28], $0xFA0  }
0x64: {  	[sflag:s28] =	ssyncset.done $0x0  }
0x65: {  	[sflag:s28] =	ssyncadd.s32 $0xFFFFF060  }
0x66: {  	_ =	swait.ge [sflag:s28], $0xFA0  }
0x67: {  	[sflag:s28] =	ssyncset.done $0x0  }
0x68: {  	[sflag:s28] =	ssyncadd.s32 $0xFFFFF060  }
0x69: {  	_ =	swait.ge [sflag:s28], $0xFA0  }
0x6a: {  	[sflag:s28] =	ssyncset.done $0x0  }
0x6b: {  	[sflag:s28] =	ssyncadd.s32 $0xFFFFF060  }
0x6c: {  	_ =	swait.ge [sflag:s28], $0xFA0  }
0x6d: {  	[sflag:s28] =	ssyncset.done $0x0  }
0x6e: {  	[sflag:s28] =	ssyncadd.s32 $0xFFFFF060  }
0x6f: {  	_ =	swait.ge [sflag:s28], $0xFA0  }
0x70: {  	[sflag:s28] =	ssyncset.done $0x0  }
0x71: {  	[sflag:s28] =	ssyncadd.s32 $0xFFFFF060  }
0x72: {  	_ =	swait.ge [sflag:s28], $0xFA0  }
0x73: {  	[sflag:s28] =	ssyncset.done $0x0  }
0x74: {  	[sflag:s28] =	ssyncadd.s32 $0xFFFFF060  }
0x75: {  	_ =	swait.ge [sflag:s28], $0xFA0  }
0x76: {  	[sflag:s28] =	ssyncset.done $0x0  }
0x77: {  	[sflag:s28] =	ssyncadd.s32 $0xFFFFF060  }
0x78: {  	_ =	swait.ge [sflag:s28], $0xFA0  }
0x79: {  	[sflag:s28] =	ssyncset.done $0x0  }
0x7a: {  	[sflag:s28] =	ssyncadd.s32 $0xFFFFF060  }
0x7b: {  	_ =	swait.ge [sflag:s28], $0xFA0  }
0x7c: {  	[sflag:s28] =	ssyncset.done $0x0  }
0x7d: {  	[sflag:s28] =	ssyncadd.s32 $0xFFFFF060  }
0x7e: {  	_ =	swait.ge [sflag:s28], $0xFA0  }
0x7f: {  	[sflag:s28] =	ssyncset.done $0x0  }
0x80: {  	[sflag:s28] =	ssyncadd.s32 $0xFFFFF060  }
0x81: {  	_ =	swait.ge [sflag:s28], $0xFA0  }
0x82: {  	[sflag:s28] =	ssyncset.done $0x0  }
0x83: {  	[sflag:s28] =	ssyncadd.s32 $0xFFFFF060  }
0x84: {  	_ =	swait.ge [sflag:s28], $0xFA0  }
0x85: {  	[sflag:s28] =	ssyncset.done $0x0  }
0x86: {  	[sflag:s28] =	ssyncadd.s32 $0xFFFFF060  }
0x87: {  	_ =	swait.ge [sflag:s28], $0xFA0  }
0x88: {  	[sflag:s28] =	ssyncset.done $0x0  }
0x89: {  	[sflag:s28] =	ssyncadd.s32 $0xFFFFF060  }
0x8a: {  	_ =	swait.ge [sflag:s28], $0xFA0  }
0x8b: {  	[sflag:s28] =	ssyncset.done $0x0  }
0x8c: {  	[sflag:s28] =	ssyncadd.s32 $0xFFFFF060  }
0x8d: {  	_ =	swait.ge [sflag:s28], $0xFA0  }
0x8e: {  	[sflag:s28] =	ssyncset.done $0x0  }
0x8f: {  	[sflag:s28] =	ssyncadd.s32 $0xFFFFF060  }
0x90: {  	_ =	swait.ge [sflag:s28], $0xFA0  }
0x91: {  	[sflag:s28] =	ssyncset.done $0x0  }
0x92: {  	[sflag:s28] =	ssyncadd.s32 $0xFFFFF060  }
0x93: {  	_ =	swait.ge [sflag:s28], $0xFA0  }
0x94: {  	[sflag:s28] =	ssyncset.done $0x0  }
0x95: {  	[sflag:s28] =	ssyncadd.s32 $0xFFFFF060  }
0x96: {  	_ =	swait.ge [sflag:s28], $0xFA0  }
0x97: {  	[sflag:s28] =	ssyncset.done $0x0  }
0x98: {  	[sflag:s28] =	ssyncadd.s32 $0xFFFFF060  }
0x99: {  	_ =	swait.ge [sflag:s28], $0xBB8  }
0x9a: {  	[sflag:s28] =	ssyncset.done $0x0  }
0x9b: {  	[sflag:s28] =	ssyncadd.s32 $0xFFFFF448  }
0x9c: {  	s15 =	simm.s32 $0x0;
	[bflag:$0x0] =	sbarrier.arrive $0xFFFF  }
.LBB2_4:
0x9d: {  	s16 =	smul.u32 $0x7D0, s15;
	_ =	sdelay $0x1  }
0x9e: {  	s16 =	sadd.s32 s9, s16  }
0x9f: {  	s16 =	sshrl.u32 s16, $0x3  }
0xa0: {  	s17 =	sadd.s32 s6, s16  }
0xa1: {  	[tilespmem:s14], [sflag:$0x5] =	stream.linear.gather [hbm4b:s17+s14], $0x7D0, $0x38;
	[tilespmem:$0x1F3F8] =	vst v63  }
0xa2: {  	_ =	swait.ge [sflag:s25], $0x7D0  }
0xa3: {  	[sflag:s25] =	ssyncset.done $0x0  }
0xa4: {  	s16 =	sadd.s32 s7, s16;
	[sflag:s25] =	ssyncadd.s32 $0xFFFFF830  }
0xa5: {  	[tilespmem:s29], [sflag:$0x5] =	stream.linear.gather [hbm4b:s16+s14], $0x7D0, $0x38;
	[tilespmem:$0x1F3F8] =	vst v63  }
0xa6: {  	_ =	swait.ge [sflag:s25], $0x7D0  }
0xa7: {  	[sflag:s25] =	ssyncset.done $0x0  }
0xa8: {  	[sflag:s25] =	ssyncadd.s32 $0xFFFFF830  }
0xa9: {  	v1 =	vld [tilespmem:$0x0]  }
0xaa: {  	v2 =	vld [tilespmem:$0x800];
	_ =	sdelay $0x3  }
0xab: {  	v3 =	vadd.s32 $0x2710, v1  }
0xac: {  	v4 =	vadd.s32 $0x2710, v2  }
0xad: {  	v5 =	vadd.s32 $0x4E20, v1  }
0xae: {  	v7 =	vadd.s32 $0x4E20, v2;
	v6 =	vld.idx.msk [tilespmem:v1+s26+$0x0], $0xffff  }
0xaf: {  	v8 =	vld.idx.msk [tilespmem:v2+s26+$0x0], $0xffff  }
0xb0: {  	v3 =	vld.idx.msk [tilespmem:v3+s26+$0x0], $0xffff  }
0xb1: {  	v4 =	vld.idx.msk [tilespmem:v4+s26+$0x0], $0xffff  }
0xb2: {  	v5 =	vld.idx.msk [tilespmem:v5+s26+$0x0], $0xffff  }
0xb3: {  	v7 =	vld.idx.msk [tilespmem:v7+s26+$0x0], $0xffff;
	_ =	sdelay $0x2  }
0xb4: {  	v6 =	vsub.f32 v6, v8;
	v3 =	vsub.f32 v3, v4;
	_ =	sdelay $0x1  }
0xb5: {  	v41 =	vsub.f32 v5, v7;
	v42 =	vmul.f32 v6, v6;
	v3 =	vmul.f32 v3, v3;
	_ =	sdelay $0x1  }
0xb6: {  	v4 =	vmul.f32 v41, v41;
	v3 =	vadd.f32 v3, v42;
	_ =	sdelay $0x1  }
0xb7: {  	v3 =	vadd.f32 v4, v3;
	_ =	sdelay $0x1  }
0xb8: {  	v3 =	vadd.f32 $9.999999960e-13, v3;
	_ =	sdelay $0x1  }
0xb9: {  	v43 =	vshra.s32 v3, $0x1;
	v44 =	vmul.f32 $5.000000000e-01, v3  }
0xba: {  	v4 =	vsub.s32 $0x5F3759DF, v43  }
0xbb: {  	v45 =	vmul.f32 v4, v44;
	_ =	sdelay $0x1  }
0xbc: {  	v6 =	vmul.f32 v4, v45;
	_ =	sdelay $0x1  }
0xbd: {  	v6 =	vsub.f32 $1.500000000e+00, v6;
	_ =	sdelay $0x1  }
0xbe: {  	v4 =	vmul.f32 v4, v6;
	_ =	sdelay $0x1  }
0xbf: {  	v5 =	vmul.f32 v4, v44;
	_ =	sdelay $0x1  }
0xc0: {  	v5 =	vmul.f32 v5, v4;
	_ =	sdelay $0x1  }
0xc1: {  	v5 =	vsub.f32 $1.500000000e+00, v5;
	_ =	sdelay $0x1  }
0xc2: {  	v4 =	vmul.f32 v5, v4;
	_ =	sdelay $0x1  }
0xc3: {  	v3 =	vmul.f32 v4, v3;
	_ =	sdelay $0x1  }
0xc4: {  	v3 =	vsub.f32 $0.0e+00, v3;
	_ =	sdelay $0x1  }
0xc5: {  	v3 =	vmul.f32 $1.442695020e+00, v3;
	_ =	sdelay $0x1  }
0xc6: {  	(erf) = vpow2.f32 v3;
	_ =	sdelay $0x1  }
0xc7: {  	v1 =	vld.idx.msk [tilespmem:v1+s24+$0x0], $0xffff  }
0xc8: {  	v3 =	vld [tilespmem:$0x10]  }
0xc9: {  	v46 =	vld [tilespmem:$0x810];
	_ =	sdelay $0x1  }
0xca: {  	v2 =	vmul.u32 $0x78, v2;
	_ =	sdelay $0x1  }
0xcb: {  	v1 =	vadd.s32 v1, v2;
	v48 =	vadd.s32 $0x2710, v3  }
0xcc: {  	v2 =	vadd.s32 $0x2710, v46;
	[tilespmem:$0xAD80] =	vst v1;
	v47 =	vpop (erf)  }
0xcd: {  	v1 =	vadd.s32 $0x4E20, v3;
	[tilespmem:$0xAD00] =	vst v47  }
0xce: {  	v49 =	vadd.s32 $0x4E20, v46;
	v5 =	vld.idx.msk [tilespmem:v3+s26+$0x0], $0xffff  }
0xcf: {  	v50 =	vld.idx.msk [tilespmem:v46+s26+$0x0], $0xffff  }
0xd0: {  	v6 =	vld.idx.msk [tilespmem:v48+s26+$0x0], $0xffff  }
0xd1: {  	v2 =	vld.idx.msk [tilespmem:v2+s26+$0x0], $0xffff  }
0xd2: {  	v1 =	vld.idx.msk [tilespmem:v1+s26+$0x0], $0xffff  }
0xd3: {  	v7 =	vld.idx.msk [tilespmem:v49+s26+$0x0], $0xffff;
	_ =	sdelay $0x2  }
0xd4: {  	v5 =	vsub.f32 v5, v50;
	v2 =	vsub.f32 v6, v2;
	_ =	sdelay $0x1  }
0xd5: {  	v1 =	vsub.f32 v1, v7;
	v5 =	vmul.f32 v5, v5;
	v2 =	vmul.f32 v2, v2;
	_ =	sdelay $0x1  }
0xd6: {  	v1 =	vmul.f32 v1, v1;
	v2 =	vadd.f32 v2, v5;
	_ =	sdelay $0x1  }
0xd7: {  	v1 =	vadd.f32 v1, v2;
	_ =	sdelay $0x1  }
0xd8: {  	v1 =	vadd.f32 $9.999999960e-13, v1;
	_ =	sdelay $0x1  }
0xd9: {  	v2 =	vshra.s32 v1, $0x1;
	v51 =	vmul.f32 $5.000000000e-01, v1  }
0xda: {  	v2 =	vsub.s32 $0x5F3759DF, v2  }
0xdb: {  	v52 =	vmul.f32 v2, v51;
	_ =	sdelay $0x1  }
0xdc: {  	v6 =	vmul.f32 v2, v52;
	_ =	sdelay $0x1  }
0xdd: {  	v6 =	vsub.f32 $1.500000000e+00, v6;
	_ =	sdelay $0x1  }
0xde: {  	v2 =	vmul.f32 v2, v6;
	_ =	sdelay $0x1  }
0xdf: {  	v5 =	vmul.f32 v2, v51;
	_ =	sdelay $0x1  }
0xe0: {  	v5 =	vmul.f32 v5, v2;
	_ =	sdelay $0x1  }
0xe1: {  	v5 =	vsub.f32 $1.500000000e+00, v5;
	_ =	sdelay $0x1  }
0xe2: {  	v2 =	vmul.f32 v5, v2;
	_ =	sdelay $0x1  }
0xe3: {  	v1 =	vmul.f32 v2, v1;
	_ =	sdelay $0x1  }
0xe4: {  	v1 =	vsub.f32 $0.0e+00, v1;
	_ =	sdelay $0x1  }
0xe5: {  	v1 =	vmul.f32 $1.442695020e+00, v1;
	_ =	sdelay $0x1  }
0xe6: {  	(erf) = vpow2.f32 v1;
	_ =	sdelay $0x1  }
0xe7: {  	v2 =	vld [tilespmem:$0x20]  }
0xe8: {  	v1 =	vld.idx.msk [tilespmem:v3+s24+$0x0], $0xffff  }
0xe9: {  	v3 =	vld [tilespmem:$0x820];
	_ =	sdelay $0x1  }
0xea: {  	v4 =	vmul.u32 $0x78, v46;
	_ =	sdelay $0x1  }
0xeb: {  	v54 =	vadd.s32 $0x2710, v2;
	v1 =	vadd.s32 v1, v4  }
0xec: {  	v55 =	vadd.s32 $0x2710, v3;
	[tilespmem:$0xAD90] =	vst v1;
	v53 =	vpop (erf)  }
0xed: {  	v1 =	vadd.s32 $0x4E20, v2;
	[tilespmem:$0xAD10] =	vst v53  }
0xee: {  	v56 =	vadd.s32 $0x4E20, v3;
	v5 =	vld.idx.msk [tilespmem:v2+s26+$0x0], $0xffff  }
0xef: {  	v57 =	vld.idx.msk [tilespmem:v3+s26+$0x0], $0xffff  }
0xf0: {  	v6 =	vld.idx.msk [tilespmem:v54+s26+$0x0], $0xffff  }
0xf1: {  	v4 =	vld.idx.msk [tilespmem:v55+s26+$0x0], $0xffff  }
0xf2: {  	v1 =	vld.idx.msk [tilespmem:v1+s26+$0x0], $0xffff  }
0xf3: {  	v7 =	vld.idx.msk [tilespmem:v56+s26+$0x0], $0xffff;
	_ =	sdelay $0x2  }
0xf4: {  	v5 =	vsub.f32 v5, v57;
	v4 =	vsub.f32 v6, v4;
	_ =	sdelay $0x1  }
0xf5: {  	v1 =	vsub.f32 v1, v7;
	v5 =	vmul.f32 v5, v5;
	v4 =	vmul.f32 v4, v4;
	_ =	sdelay $0x1  }
0xf6: {  	v1 =	vmul.f32 v1, v1;
	v4 =	vadd.f32 v4, v5;
	_ =	sdelay $0x1  }
0xf7: {  	v1 =	vadd.f32 v1, v4;
	_ =	sdelay $0x1  }
0xf8: {  	v1 =	vadd.f32 $9.999999960e-13, v1;
	_ =	sdelay $0x1  }
0xf9: {  	v58 =	vshra.s32 v1, $0x1;
	v59 =	vmul.f32 $5.000000000e-01, v1  }
0xfa: {  	v4 =	vsub.s32 $0x5F3759DF, v58  }
0xfb: {  	v60 =	vmul.f32 v4, v59;
	_ =	sdelay $0x1  }
0xfc: {  	v6 =	vmul.f32 v4, v60;
	_ =	sdelay $0x1  }
0xfd: {  	v6 =	vsub.f32 $1.500000000e+00, v6;
	_ =	sdelay $0x1  }
0xfe: {  	v4 =	vmul.f32 v4, v6;
	_ =	sdelay $0x1  }
0xff: {  	v5 =	vmul.f32 v4, v59;
	_ =	sdelay $0x1  }
0x100: {  	v5 =	vmul.f32 v5, v4;
	_ =	sdelay $0x1  }
0x101: {  	v5 =	vsub.f32 $1.500000000e+00, v5;
	_ =	sdelay $0x1  }
0x102: {  	v4 =	vmul.f32 v5, v4;
	_ =	sdelay $0x1  }
0x103: {  	v1 =	vmul.f32 v4, v1;
	_ =	sdelay $0x1  }
0x104: {  	v1 =	vsub.f32 $0.0e+00, v1;
	_ =	sdelay $0x1  }
0x105: {  	v1 =	vmul.f32 $1.442695020e+00, v1;
	_ =	sdelay $0x1  }
0x106: {  	(erf) = vpow2.f32 v1;
	_ =	sdelay $0x1  }
0x107: {  	v1 =	vld.idx.msk [tilespmem:v2+s24+$0x0], $0xffff  }
0x108: {  	v2 =	vld [tilespmem:$0x30]  }
0x109: {  	v61 =	vld [tilespmem:$0x830];
	_ =	sdelay $0x1  }
0x10a: {  	v3 =	vmul.u32 $0x78, v3;
	_ =	sdelay $0x1  }
0x10b: {  	v63 =	vadd.s32 $0x2710, v2;
	v1 =	vadd.s32 v1, v3  }
0x10c: {  	v3 =	vadd.s32 $0x2710, v61;
	[tilespmem:$0xADA0] =	vst v1;
	v62 =	vpop (erf)  }
0x10d: {  	v1 =	vadd.s32 $0x4E20, v2;
	[tilespmem:$0xAD20] =	vst v62  }
0x10e: {  	v12 =	vadd.s32 $0x4E20, v61;
	v5 =	vld.idx.msk [tilespmem:v2+s26+$0x0], $0xffff  }
0x10f: {  	v13 =	vld.idx.msk [tilespmem:v61+s26+$0x0], $0xffff  }
0x110: {  	v6 =	vld.idx.msk [tilespmem:v63+s26+$0x0], $0xffff  }
0x111: {  	v3 =	vld.idx.msk [tilespmem:v3+s26+$0x0], $0xffff  }
0x112: {  	v1 =	vld.idx.msk [tilespmem:v1+s26+$0x0], $0xffff  }
0x113: {  	v7 =	vld.idx.msk [tilespmem:v12+s26+$0x0], $0xffff;
	_ =	sdelay $0x2  }
0x114: {  	v5 =	vsub.f32 v5, v13;
	v3 =	vsub.f32 v6, v3;
	_ =	sdelay $0x1  }
0x115: {  	v1 =	vsub.f32 v1, v7;
	v5 =	vmul.f32 v5, v5;
	v3 =	vmul.f32 v3, v3;
	_ =	sdelay $0x1  }
0x116: {  	v1 =	vmul.f32 v1, v1;
	v3 =	vadd.f32 v3, v5;
	_ =	sdelay $0x1  }
0x117: {  	v1 =	vadd.f32 v1, v3;
	_ =	sdelay $0x1  }
0x118: {  	v1 =	vadd.f32 $9.999999960e-13, v1;
	_ =	sdelay $0x1  }
0x119: {  	v3 =	vshra.s32 v1, $0x1;
	v14 =	vmul.f32 $5.000000000e-01, v1  }
0x11a: {  	v3 =	vsub.s32 $0x5F3759DF, v3  }
0x11b: {  	v15 =	vmul.f32 v3, v14;
	_ =	sdelay $0x1  }
0x11c: {  	v6 =	vmul.f32 v3, v15;
	_ =	sdelay $0x1  }
0x11d: {  	v6 =	vsub.f32 $1.500000000e+00, v6;
	_ =	sdelay $0x1  }
0x11e: {  	v3 =	vmul.f32 v3, v6;
	_ =	sdelay $0x1  }
0x11f: {  	v5 =	vmul.f32 v3, v14;
	_ =	sdelay $0x1  }
0x120: {  	v5 =	vmul.f32 v5, v3;
	_ =	sdelay $0x1  }
0x121: {  	v5 =	vsub.f32 $1.500000000e+00, v5;
	_ =	sdelay $0x1  }
0x122: {  	v3 =	vmul.f32 v5, v3;
	_ =	sdelay $0x1  }
0x123: {  	v1 =	vmul.f32 v3, v1;
	_ =	sdelay $0x1  }
0x124: {  	v1 =	vsub.f32 $0.0e+00, v1;
	_ =	sdelay $0x1  }
0x125: {  	v1 =	vmul.f32 $1.442695020e+00, v1;
	_ =	sdelay $0x1  }
0x126: {  	(erf) = vpow2.f32 v1;
	_ =	sdelay $0x1  }
0x127: {  	v1 =	vld.idx.msk [tilespmem:v2+s24+$0x0], $0xffff  }
0x128: {  	v2 =	vld [tilespmem:$0x40]  }
0x129: {  	v3 =	vld [tilespmem:$0x840];
	_ =	sdelay $0x1  }
0x12a: {  	v4 =	vmul.u32 $0x78, v61;
	_ =	sdelay $0x1  }
0x12b: {  	v17 =	vadd.s32 $0x2710, v2;
	v1 =	vadd.s32 v1, v4  }
0x12c: {  	v18 =	vadd.s32 $0x2710, v3;
	[tilespmem:$0xADB0] =	vst v1;
	v16 =	vpop (erf)  }
0x12d: {  	v1 =	vadd.s32 $0x4E20, v2;
	[tilespmem:$0xAD30] =	vst v16  }
0x12e: {  	v19 =	vadd.s32 $0x4E20, v3;
	v5 =	vld.idx.msk [tilespmem:v2+s26+$0x0], $0xffff  }
0x12f: {  	v20 =	vld.idx.msk [tilespmem:v3+s26+$0x0], $0xffff  }
0x130: {  	v6 =	vld.idx.msk [tilespmem:v17+s26+$0x0], $0xffff  }
0x131: {  	v4 =	vld.idx.msk [tilespmem:v18+s26+$0x0], $0xffff  }
0x132: {  	v1 =	vld.idx.msk [tilespmem:v1+s26+$0x0], $0xffff  }
0x133: {  	v7 =	vld.idx.msk [tilespmem:v19+s26+$0x0], $0xffff;
	_ =	sdelay $0x2  }
0x134: {  	v5 =	vsub.f32 v5, v20;
	v4 =	vsub.f32 v6, v4;
	_ =	sdelay $0x1  }
0x135: {  	v1 =	vsub.f32 v1, v7;
	v5 =	vmul.f32 v5, v5;
	v4 =	vmul.f32 v4, v4;
	_ =	sdelay $0x1  }
0x136: {  	v1 =	vmul.f32 v1, v1;
	v4 =	vadd.f32 v4, v5;
	_ =	sdelay $0x1  }
0x137: {  	v1 =	vadd.f32 v1, v4;
	_ =	sdelay $0x1  }
0x138: {  	v1 =	vadd.f32 $9.999999960e-13, v1;
	_ =	sdelay $0x1  }
0x139: {  	v21 =	vshra.s32 v1, $0x1;
	v22 =	vmul.f32 $5.000000000e-01, v1  }
0x13a: {  	v4 =	vsub.s32 $0x5F3759DF, v21  }
0x13b: {  	v23 =	vmul.f32 v4, v22;
	_ =	sdelay $0x1  }
0x13c: {  	v6 =	vmul.f32 v4, v23;
	_ =	sdelay $0x1  }
0x13d: {  	v6 =	vsub.f32 $1.500000000e+00, v6;
	_ =	sdelay $0x1  }
0x13e: {  	v4 =	vmul.f32 v4, v6;
	_ =	sdelay $0x1  }
0x13f: {  	v5 =	vmul.f32 v4, v22;
	_ =	sdelay $0x1  }
0x140: {  	v5 =	vmul.f32 v5, v4;
	_ =	sdelay $0x1  }
0x141: {  	v5 =	vsub.f32 $1.500000000e+00, v5;
	_ =	sdelay $0x1  }
0x142: {  	v4 =	vmul.f32 v5, v4;
	_ =	sdelay $0x1  }
0x143: {  	v1 =	vmul.f32 v4, v1;
	_ =	sdelay $0x1  }
0x144: {  	v1 =	vsub.f32 $0.0e+00, v1;
	_ =	sdelay $0x1  }
0x145: {  	v1 =	vmul.f32 $1.442695020e+00, v1;
	_ =	sdelay $0x1  }
0x146: {  	(erf) = vpow2.f32 v1;
	_ =	sdelay $0x2  }
0x147: {  	v1 =	vld.idx.msk [tilespmem:v2+s24+$0x0], $0xffff;
	_ =	sdelay $0x2  }
0x148: {  	v2 =	vmul.u32 $0x78, v3;
	_ =	sdelay $0x1  }
0x149: {  	v1 =	vadd.s32 v1, v2  }
0x14a: {  	[tilespmem:$0xADC0] =	vst v1;
	v3 =	vpop (erf)  }
0x14b: {  	[tilespmem:$0xAD40] =	vst v3  }
0x14c: {  	[spmem:s4] =	stream.indirect.scatter.add.f32 [tilespmem:s0], [sflag:$0x1], $0x1, s31, s30, $0xb8;
	[tilespmem:$0x1F3F8] =	vst v63  }
0x14d: {  	v1 =	vld [tilespmem:$0x50]  }
0x14e: {  	v2 =	vld [tilespmem:$0x850];
	_ =	sdelay $0x3  }
0x14f: {  	v3 =	vadd.s32 $0x2710, v1  }
0x150: {  	v24 =	vadd.s32 $0x2710, v2  }
0x151: {  	v25 =	vadd.s32 $0x4E20, v1  }
0x152: {  	v27 =	vadd.s32 $0x4E20, v2;
	v26 =	vld.idx.msk [tilespmem:v1+s26+$0x0], $0xffff  }
0x153: {  	v28 =	vld.idx.msk [tilespmem:v2+s26+$0x0], $0xffff  }
0x154: {  	v3 =	vld.idx.msk [tilespmem:v3+s26+$0x0], $0xffff  }
0x155: {  	v4 =	vld.idx.msk [tilespmem:v24+s26+$0x0], $0xffff  }
0x156: {  	v5 =	vld.idx.msk [tilespmem:v25+s26+$0x0], $0xffff  }
0x157: {  	v7 =	vld.idx.msk [tilespmem:v27+s26+$0x0], $0xffff;
	_ =	sdelay $0x2  }
0x158: {  	v6 =	vsub.f32 v26, v28;
	v3 =	vsub.f32 v3, v4;
	_ =	sdelay $0x1  }
0x159: {  	v29 =	vsub.f32 v5, v7;
	v30 =	vmul.f32 v6, v6;
	v3 =	vmul.f32 v3, v3;
	_ =	sdelay $0x1  }
0x15a: {  	v4 =	vmul.f32 v29, v29;
	v3 =	vadd.f32 v3, v30;
	_ =	sdelay $0x1  }
0x15b: {  	v3 =	vadd.f32 v4, v3;
	_ =	sdelay $0x1  }
0x15c: {  	v3 =	vadd.f32 $9.999999960e-13, v3;
	_ =	sdelay $0x1  }
0x15d: {  	v31 =	vshra.s32 v3, $0x1;
	v32 =	vmul.f32 $5.000000000e-01, v3  }
0x15e: {  	v4 =	vsub.s32 $0x5F3759DF, v31  }
0x15f: {  	v33 =	vmul.f32 v4, v32;
	_ =	sdelay $0x1  }
0x160: {  	v6 =	vmul.f32 v4, v33;
	_ =	sdelay $0x1  }
0x161: {  	v6 =	vsub.f32 $1.500000000e+00, v6;
	_ =	sdelay $0x1  }
0x162: {  	v4 =	vmul.f32 v4, v6;
	_ =	sdelay $0x1  }
0x163: {  	v5 =	vmul.f32 v4, v32;
	_ =	sdelay $0x1  }
0x164: {  	v5 =	vmul.f32 v5, v4;
	_ =	sdelay $0x1  }
0x165: {  	v5 =	vsub.f32 $1.500000000e+00, v5;
	_ =	sdelay $0x1  }
0x166: {  	v4 =	vmul.f32 v5, v4;
	_ =	sdelay $0x1  }
0x167: {  	v3 =	vmul.f32 v4, v3;
	_ =	sdelay $0x1  }
0x168: {  	v3 =	vsub.f32 $0.0e+00, v3;
	_ =	sdelay $0x1  }
0x169: {  	v3 =	vmul.f32 $1.442695020e+00, v3;
	_ =	sdelay $0x1  }
0x16a: {  	(erf) = vpow2.f32 v3;
	_ =	sdelay $0x1  }
0x16b: {  	v1 =	vld.idx.msk [tilespmem:v1+s24+$0x0], $0xffff  }
0x16c: {  	v3 =	vld [tilespmem:$0x60]  }
0x16d: {  	v34 =	vld [tilespmem:$0x860];
	_ =	sdelay $0x1  }
0x16e: {  	v2 =	vmul.u32 $0x78, v2;
	_ =	sdelay $0x1  }
0x16f: {  	v1 =	vadd.s32 v1, v2;
	v36 =	vadd.s32 $0x2710, v3  }
0x170: {  	v2 =	vadd.s32 $0x2710, v34;
	[tilespmem:$0xAE80] =	vst v1;
	v35 =	vpop (erf)  }
0x171: {  	v1 =	vadd.s32 $0x4E20, v3;
	[tilespmem:$0xAE00] =	vst v35  }
0x172: {  	v37 =	vadd.s32 $0x4E20, v34;
	v5 =	vld.idx.msk [tilespmem:v3+s26+$0x0], $0xffff  }
0x173: {  	v38 =	vld.idx.msk [tilespmem:v34+s26+$0x0], $0xffff  }
0x174: {  	v6 =	vld.idx.msk [tilespmem:v36+s26+$0x0], $0xffff  }
0x175: {  	v2 =	vld.idx.msk [tilespmem:v2+s26+$0x0], $0xffff  }
0x176: {  	v1 =	vld.idx.msk [tilespmem:v1+s26+$0x0], $0xffff  }
0x177: {  	v7 =	vld.idx.msk [tilespmem:v37+s26+$0x0], $0xffff;
	_ =	sdelay $0x2  }
0x178: {  	v5 =	vsub.f32 v5, v38;
	v2 =	vsub.f32 v6, v2;
	_ =	sdelay $0x1  }
0x179: {  	v1 =	vsub.f32 v1, v7;
	v5 =	vmul.f32 v5, v5;
	v2 =	vmul.f32 v2, v2;
	_ =	sdelay $0x1  }
0x17a: {  	v1 =	vmul.f32 v1, v1;
	v2 =	vadd.f32 v2, v5;
	_ =	sdelay $0x1  }
0x17b: {  	v1 =	vadd.f32 v1, v2;
	_ =	sdelay $0x1  }
0x17c: {  	v1 =	vadd.f32 $9.999999960e-13, v1;
	_ =	sdelay $0x1  }
0x17d: {  	v2 =	vshra.s32 v1, $0x1;
	v39 =	vmul.f32 $5.000000000e-01, v1  }
0x17e: {  	v2 =	vsub.s32 $0x5F3759DF, v2  }
0x17f: {  	v40 =	vmul.f32 v2, v39;
	_ =	sdelay $0x1  }
0x180: {  	v6 =	vmul.f32 v2, v40;
	_ =	sdelay $0x1  }
0x181: {  	v6 =	vsub.f32 $1.500000000e+00, v6;
	_ =	sdelay $0x1  }
0x182: {  	v2 =	vmul.f32 v2, v6;
	_ =	sdelay $0x1  }
0x183: {  	v5 =	vmul.f32 v2, v39;
	_ =	sdelay $0x1  }
0x184: {  	v5 =	vmul.f32 v5, v2;
	_ =	sdelay $0x1  }
0x185: {  	v5 =	vsub.f32 $1.500000000e+00, v5;
	_ =	sdelay $0x1  }
0x186: {  	v2 =	vmul.f32 v5, v2;
	_ =	sdelay $0x1  }
0x187: {  	v1 =	vmul.f32 v2, v1;
	_ =	sdelay $0x1  }
0x188: {  	v1 =	vsub.f32 $0.0e+00, v1;
	_ =	sdelay $0x1  }
0x189: {  	v1 =	vmul.f32 $1.442695020e+00, v1;
	_ =	sdelay $0x1  }
0x18a: {  	(erf) = vpow2.f32 v1;
	_ =	sdelay $0x1  }
0x18b: {  	v2 =	vld [tilespmem:$0x70]  }
0x18c: {  	v1 =	vld.idx.msk [tilespmem:v3+s24+$0x0], $0xffff  }
0x18d: {  	v3 =	vld [tilespmem:$0x870];
	_ =	sdelay $0x1  }
0x18e: {  	v4 =	vmul.u32 $0x78, v34;
	_ =	sdelay $0x1  }
0x18f: {  	v42 =	vadd.s32 $0x2710, v2;
	v1 =	vadd.s32 v1, v4  }
0x190: {  	v43 =	vadd.s32 $0x2710, v3;
	[tilespmem:$0xAE90] =	vst v1;
	v41 =	vpop (erf)  }
0x191: {  	v1 =	vadd.s32 $0x4E20, v2;
	[tilespmem:$0xAE10] =	vst v41  }
0x192: {  	v44 =	vadd.s32 $0x4E20, v3;
	v5 =	vld.idx.msk [tilespmem:v2+s26+$0x0], $0xffff  }
0x193: {  	v45 =	vld.idx.msk [tilespmem:v3+s26+$0x0], $0xffff  }
0x194: {  	v6 =	vld.idx.msk [tilespmem:v42+s26+$0x0], $0xffff  }
0x195: {  	v4 =	vld.idx.msk [tilespmem:v43+s26+$0x0], $0xffff  }
0x196: {  	v1 =	vld.idx.msk [tilespmem:v1+s26+$0x0], $0xffff  }
0x197: {  	v7 =	vld.idx.msk [tilespmem:v44+s26+$0x0], $0xffff;
	_ =	sdelay $0x2  }
0x198: {  	v5 =	vsub.f32 v5, v45;
	v4 =	vsub.f32 v6, v4;
	_ =	sdelay $0x1  }
0x199: {  	v1 =	vsub.f32 v1, v7;
	v5 =	vmul.f32 v5, v5;
	v4 =	vmul.f32 v4, v4;
	_ =	sdelay $0x1  }
0x19a: {  	v1 =	vmul.f32 v1, v1;
	v4 =	vadd.f32 v4, v5;
	_ =	sdelay $0x1  }
0x19b: {  	v1 =	vadd.f32 v1, v4;
	_ =	sdelay $0x1  }
0x19c: {  	v1 =	vadd.f32 $9.999999960e-13, v1;
	_ =	sdelay $0x1  }
0x19d: {  	v46 =	vshra.s32 v1, $0x1;
	v47 =	vmul.f32 $5.000000000e-01, v1  }
0x19e: {  	v4 =	vsub.s32 $0x5F3759DF, v46  }
0x19f: {  	v48 =	vmul.f32 v4, v47;
	_ =	sdelay $0x1  }
0x1a0: {  	v6 =	vmul.f32 v4, v48;
	_ =	sdelay $0x1  }
0x1a1: {  	v6 =	vsub.f32 $1.500000000e+00, v6;
	_ =	sdelay $0x1  }
0x1a2: {  	v4 =	vmul.f32 v4, v6;
	_ =	sdelay $0x1  }
0x1a3: {  	v5 =	vmul.f32 v4, v47;
	_ =	sdelay $0x1  }
0x1a4: {  	v5 =	vmul.f32 v5, v4;
	_ =	sdelay $0x1  }
0x1a5: {  	v5 =	vsub.f32 $1.500000000e+00, v5;
	_ =	sdelay $0x1  }
0x1a6: {  	v4 =	vmul.f32 v5, v4;
	_ =	sdelay $0x1  }
0x1a7: {  	v1 =	vmul.f32 v4, v1;
	_ =	sdelay $0x1  }
0x1a8: {  	v1 =	vsub.f32 $0.0e+00, v1;
	_ =	sdelay $0x1  }
0x1a9: {  	v1 =	vmul.f32 $1.442695020e+00, v1;
	_ =	sdelay $0x1  }
0x1aa: {  	(erf) = vpow2.f32 v1;
	_ =	sdelay $0x1  }
0x1ab: {  	v1 =	vld.idx.msk [tilespmem:v2+s24+$0x0], $0xffff  }
0x1ac: {  	v2 =	vld [tilespmem:$0x80]  }
0x1ad: {  	v49 =	vld [tilespmem:$0x880];
	_ =	sdelay $0x1  }
0x1ae: {  	v3 =	vmul.u32 $0x78, v3;
	_ =	sdelay $0x1  }
0x1af: {  	v51 =	vadd.s32 $0x2710, v2;
	v1 =	vadd.s32 v1, v3  }
0x1b0: {  	v3 =	vadd.s32 $0x2710, v49;
	[tilespmem:$0xAEA0] =	vst v1;
	v50 =	vpop (erf)  }
0x1b1: {  	v1 =	vadd.s32 $0x4E20, v2;
	[tilespmem:$0xAE20] =	vst v50  }
0x1b2: {  	v52 =	vadd.s32 $0x4E20, v49;
	v5 =	vld.idx.msk [tilespmem:v2+s26+$0x0], $0xffff  }
0x1b3: {  	v53 =	vld.idx.msk [tilespmem:v49+s26+$0x0], $0xffff  }
0x1b4: {  	v6 =	vld.idx.msk [tilespmem:v51+s26+$0x0], $0xffff  }
0x1b5: {  	v3 =	vld.idx.msk [tilespmem:v3+s26+$0x0], $0xffff  }
0x1b6: {  	v1 =	vld.idx.msk [tilespmem:v1+s26+$0x0], $0xffff  }
0x1b7: {  	v7 =	vld.idx.msk [tilespmem:v52+s26+$0x0], $0xffff;
	_ =	sdelay $0x2  }
0x1b8: {  	v5 =	vsub.f32 v5, v53;
	v3 =	vsub.f32 v6, v3;
	_ =	sdelay $0x1  }
0x1b9: {  	v1 =	vsub.f32 v1, v7;
	v5 =	vmul.f32 v5, v5;
	v3 =	vmul.f32 v3, v3;
	_ =	sdelay $0x1  }
0x1ba: {  	v1 =	vmul.f32 v1, v1;
	v3 =	vadd.f32 v3, v5;
	_ =	sdelay $0x1  }
0x1bb: {  	v1 =	vadd.f32 v1, v3;
	_ =	sdelay $0x1  }
0x1bc: {  	v1 =	vadd.f32 $9.999999960e-13, v1;
	_ =	sdelay $0x1  }
0x1bd: {  	v3 =	vshra.s32 v1, $0x1;
	v54 =	vmul.f32 $5.000000000e-01, v1  }
0x1be: {  	v3 =	vsub.s32 $0x5F3759DF, v3  }
0x1bf: {  	v55 =	vmul.f32 v3, v54;
	_ =	sdelay $0x1  }
0x1c0: {  	v6 =	vmul.f32 v3, v55;
	_ =	sdelay $0x1  }
0x1c1: {  	v6 =	vsub.f32 $1.500000000e+00, v6;
	_ =	sdelay $0x1  }
0x1c2: {  	v3 =	vmul.f32 v3, v6;
	_ =	sdelay $0x1  }
0x1c3: {  	v5 =	vmul.f32 v3, v54;
	_ =	sdelay $0x1  }
0x1c4: {  	v5 =	vmul.f32 v5, v3;
	_ =	sdelay $0x1  }
0x1c5: {  	v5 =	vsub.f32 $1.500000000e+00, v5;
	_ =	sdelay $0x1  }
0x1c6: {  	v3 =	vmul.f32 v5, v3;
	_ =	sdelay $0x1  }
0x1c7: {  	v1 =	vmul.f32 v3, v1;
	_ =	sdelay $0x1  }
0x1c8: {  	v1 =	vsub.f32 $0.0e+00, v1;
	_ =	sdelay $0x1  }
0x1c9: {  	v1 =	vmul.f32 $1.442695020e+00, v1;
	_ =	sdelay $0x1  }
0x1ca: {  	(erf) = vpow2.f32 v1;
	_ =	sdelay $0x1  }
0x1cb: {  	v1 =	vld.idx.msk [tilespmem:v2+s24+$0x0], $0xffff  }
0x1cc: {  	v2 =	vld [tilespmem:$0x90]  }
0x1cd: {  	v3 =	vld [tilespmem:$0x890];
	_ =	sdelay $0x1  }
0x1ce: {  	v4 =	vmul.u32 $0x78, v49;
	_ =	sdelay $0x1  }
0x1cf: {  	v57 =	vadd.s32 $0x2710, v2;
	v1 =	vadd.s32 v1, v4  }
0x1d0: {  	v58 =	vadd.s32 $0x2710, v3;
	[tilespmem:$0xAEB0] =	vst v1;
	v56 =	vpop (erf)  }
0x1d1: {  	v1 =	vadd.s32 $0x4E20, v2;
	[tilespmem:$0xAE30] =	vst v56  }
0x1d2: {  	v59 =	vadd.s32 $0x4E20, v3;
	v5 =	vld.idx.msk [tilespmem:v2+s26+$0x0], $0xffff  }
0x1d3: {  	v60 =	vld.idx.msk [tilespmem:v3+s26+$0x0], $0xffff  }
0x1d4: {  	v6 =	vld.idx.msk [tilespmem:v57+s26+$0x0], $0xffff  }
0x1d5: {  	v4 =	vld.idx.msk [tilespmem:v58+s26+$0x0], $0xffff  }
0x1d6: {  	v1 =	vld.idx.msk [tilespmem:v1+s26+$0x0], $0xffff  }
0x1d7: {  	v7 =	vld.idx.msk [tilespmem:v59+s26+$0x0], $0xffff;
	_ =	sdelay $0x2  }
0x1d8: {  	v5 =	vsub.f32 v5, v60;
	v4 =	vsub.f32 v6, v4;
	_ =	sdelay $0x1  }
0x1d9: {  	v1 =	vsub.f32 v1, v7;
	v5 =	vmul.f32 v5, v5;
	v4 =	vmul.f32 v4, v4;
	_ =	sdelay $0x1  }
0x1da: {  	v1 =	vmul.f32 v1, v1;
	v4 =	vadd.f32 v4, v5;
	_ =	sdelay $0x1  }
0x1db: {  	v1 =	vadd.f32 v1, v4;
	_ =	sdelay $0x1  }
0x1dc: {  	v1 =	vadd.f32 $9.999999960e-13, v1;
	_ =	sdelay $0x1  }
0x1dd: {  	v61 =	vshra.s32 v1, $0x1;
	v62 =	vmul.f32 $5.000000000e-01, v1  }
0x1de: {  	v4 =	vsub.s32 $0x5F3759DF, v61  }
0x1df: {  	v63 =	vmul.f32 v4, v62;
	_ =	sdelay $0x1  }
0x1e0: {  	v6 =	vmul.f32 v4, v63;
	_ =	sdelay $0x1  }
0x1e1: {  	v6 =	vsub.f32 $1.500000000e+00, v6;
	_ =	sdelay $0x1  }
0x1e2: {  	v4 =	vmul.f32 v4, v6;
	_ =	sdelay $0x1  }
0x1e3: {  	v5 =	vmul.f32 v4, v62;
	_ =	sdelay $0x1  }
0x1e4: {  	v5 =	vmul.f32 v5, v4;
	_ =	sdelay $0x1  }
0x1e5: {  	v5 =	vsub.f32 $1.500000000e+00, v5;
	_ =	sdelay $0x1  }
0x1e6: {  	v4 =	vmul.f32 v5, v4;
	_ =	sdelay $0x1  }
0x1e7: {  	v1 =	vmul.f32 v4, v1;
	_ =	sdelay $0x1  }
0x1e8: {  	v1 =	vsub.f32 $0.0e+00, v1;
	_ =	sdelay $0x1  }
0x1e9: {  	v1 =	vmul.f32 $1.442695020e+00, v1;
	_ =	sdelay $0x1  }
0x1ea: {  	(erf) = vpow2.f32 v1;
	_ =	sdelay $0x2  }
0x1eb: {  	v1 =	vld.idx.msk [tilespmem:v2+s24+$0x0], $0xffff;
	_ =	sdelay $0x2  }
0x1ec: {  	v2 =	vmul.u32 $0x78, v3;
	_ =	sdelay $0x1  }
0x1ed: {  	v1 =	vadd.s32 v1, v2  }
0x1ee: {  	[tilespmem:$0xAEC0] =	vst v1;
	v3 =	vpop (erf)  }
0x1ef: {  	s18 =	simm.s32 $0x0;
	s17 =	simm.s32 $0x130;
	s16 =	simm.s32 $0x930;
	[tilespmem:$0xAE40] =	vst v3  }
0x1f0: {  	[spmem:s4] =	stream.indirect.scatter.add.f32 [tilespmem:s1], [sflag:$0x2], $0x1, s2, s30, $0xb8;
	[tilespmem:$0x1F3F8] =	vst v63  }
.LBB2_5:
0x1f1: {  	_ =	swait.ge [sflag:s3], $0x50  }
0x1f2: {  	[sflag:s3] =	ssyncset.done $0x0  }
0x1f3: {  	[sflag:s3] =	ssyncadd.s32 $0xFFFFFFB0  }
0x1f4: {  	v1 =	vld [tilespmem:s17+$0xFFFFFF70]  }
0x1f5: {  	v2 =	vld [tilespmem:s16+$0xFFFFFF70];
	_ =	sdelay $0x3  }
0x1f6: {  	v3 =	vadd.s32 $0x2710, v1  }
0x1f7: {  	v4 =	vadd.s32 $0x2710, v2  }
0x1f8: {  	v5 =	vadd.s32 $0x4E20, v1  }
0x1f9: {  	v7 =	vadd.s32 $0x4E20, v2;
	v6 =	vld.idx.msk [tilespmem:v1+s26+$0x0], $0xffff  }
0x1fa: {  	v8 =	vld.idx.msk [tilespmem:v2+s26+$0x0], $0xffff  }
0x1fb: {  	v3 =	vld.idx.msk [tilespmem:v3+s26+$0x0], $0xffff  }
0x1fc: {  	v4 =	vld.idx.msk [tilespmem:v4+s26+$0x0], $0xffff  }
0x1fd: {  	v5 =	vld.idx.msk [tilespmem:v5+s26+$0x0], $0xffff  }
0x1fe: {  	v7 =	vld.idx.msk [tilespmem:v7+s26+$0x0], $0xffff;
	_ =	sdelay $0x2  }
0x1ff: {  	v6 =	vsub.f32 v6, v8;
	v3 =	vsub.f32 v3, v4;
	_ =	sdelay $0x1  }
0x200: {  	v24 =	vsub.f32 v5, v7;
	v25 =	vmul.f32 v6, v6;
	v3 =	vmul.f32 v3, v3;
	_ =	sdelay $0x1  }
0x201: {  	v4 =	vmul.f32 v24, v24;
	v3 =	vadd.f32 v3, v25;
	_ =	sdelay $0x1  }
0x202: {  	v3 =	vadd.f32 v4, v3;
	_ =	sdelay $0x1  }
0x203: {  	v3 =	vadd.f32 $9.999999960e-13, v3;
	_ =	sdelay $0x1  }
0x204: {  	v26 =	vshra.s32 v3, $0x1;
	v27 =	vmul.f32 $5.000000000e-01, v3  }
0x205: {  	v4 =	vsub.s32 $0x5F3759DF, v26  }
0x206: {  	v28 =	vmul.f32 v4, v27;
	_ =	sdelay $0x1  }
0x207: {  	v6 =	vmul.f32 v4, v28;
	_ =	sdelay $0x1  }
0x208: {  	v6 =	vsub.f32 $1.500000000e+00, v6;
	_ =	sdelay $0x1  }
0x209: {  	v4 =	vmul.f32 v4, v6;
	_ =	sdelay $0x1  }
0x20a: {  	v5 =	vmul.f32 v4, v27;
	_ =	sdelay $0x1  }
0x20b: {  	v5 =	vmul.f32 v5, v4;
	_ =	sdelay $0x1  }
0x20c: {  	v5 =	vsub.f32 $1.500000000e+00, v5;
	_ =	sdelay $0x1  }
0x20d: {  	v4 =	vmul.f32 v5, v4;
	_ =	sdelay $0x1  }
0x20e: {  	v3 =	vmul.f32 v4, v3;
	_ =	sdelay $0x1  }
0x20f: {  	v3 =	vsub.f32 $0.0e+00, v3;
	_ =	sdelay $0x1  }
0x210: {  	v3 =	vmul.f32 $1.442695020e+00, v3;
	_ =	sdelay $0x1  }
0x211: {  	(erf) = vpow2.f32 v3;
	_ =	sdelay $0x2  }
0x212: {  	v1 =	vld.idx.msk [tilespmem:v1+s24+$0x0], $0xffff;
	_ =	sdelay $0x2  }
0x213: {  	v2 =	vmul.u32 $0x78, v2;
	_ =	sdelay $0x1  }
0x214: {  	v1 =	vadd.s32 v1, v2  }
0x215: {  	[tilespmem:$0xAD80] =	vst v1;
	v3 =	vpop (erf)  }
0x216: {  	[tilespmem:$0xAD00] =	vst v3  }
0x217: {  	v1 =	vld [tilespmem:s17+$0xFFFFFF80]  }
0x218: {  	v2 =	vld [tilespmem:s16+$0xFFFFFF80];
	_ =	sdelay $0x3  }
0x219: {  	v3 =	vadd.s32 $0x2710, v1  }
0x21a: {  	v29 =	vadd.s32 $0x2710, v2  }
0x21b: {  	v30 =	vadd.s32 $0x4E20, v1  }
0x21c: {  	v32 =	vadd.s32 $0x4E20, v2;
	v31 =	vld.idx.msk [tilespmem:v1+s26+$0x0], $0xffff  }
0x21d: {  	v33 =	vld.idx.msk [tilespmem:v2+s26+$0x0], $0xffff  }
0x21e: {  	v3 =	vld.idx.msk [tilespmem:v3+s26+$0x0], $0xffff  }
0x21f: {  	v4 =	vld.idx.msk [tilespmem:v29+s26+$0x0], $0xffff  }
0x220: {  	v5 =	vld.idx.msk [tilespmem:v30+s26+$0x0], $0xffff  }
0x221: {  	v7 =	vld.idx.msk [tilespmem:v32+s26+$0x0], $0xffff;
	_ =	sdelay $0x2  }
0x222: {  	v6 =	vsub.f32 v31, v33;
	v3 =	vsub.f32 v3, v4;
	_ =	sdelay $0x1  }
0x223: {  	v34 =	vsub.f32 v5, v7;
	v35 =	vmul.f32 v6, v6;
	v3 =	vmul.f32 v3, v3;
	_ =	sdelay $0x1  }
0x224: {  	v4 =	vmul.f32 v34, v34;
	v3 =	vadd.f32 v3, v35;
	_ =	sdelay $0x1  }
0x225: {  	v3 =	vadd.f32 v4, v3;
	_ =	sdelay $0x1  }
0x226: {  	v3 =	vadd.f32 $9.999999960e-13, v3;
	_ =	sdelay $0x1  }
0x227: {  	v36 =	vshra.s32 v3, $0x1;
	v37 =	vmul.f32 $5.000000000e-01, v3  }
0x228: {  	v4 =	vsub.s32 $0x5F3759DF, v36  }
0x229: {  	v38 =	vmul.f32 v4, v37;
	_ =	sdelay $0x1  }
0x22a: {  	v6 =	vmul.f32 v4, v38;
	_ =	sdelay $0x1  }
0x22b: {  	v6 =	vsub.f32 $1.500000000e+00, v6;
	_ =	sdelay $0x1  }
0x22c: {  	v4 =	vmul.f32 v4, v6;
	_ =	sdelay $0x1  }
0x22d: {  	v5 =	vmul.f32 v4, v37;
	_ =	sdelay $0x1  }
0x22e: {  	v5 =	vmul.f32 v5, v4;
	_ =	sdelay $0x1  }
0x22f: {  	v5 =	vsub.f32 $1.500000000e+00, v5;
	_ =	sdelay $0x1  }
0x230: {  	v4 =	vmul.f32 v5, v4;
	_ =	sdelay $0x1  }
0x231: {  	v3 =	vmul.f32 v4, v3;
	_ =	sdelay $0x1  }
0x232: {  	v3 =	vsub.f32 $0.0e+00, v3;
	_ =	sdelay $0x1  }
0x233: {  	v3 =	vmul.f32 $1.442695020e+00, v3;
	_ =	sdelay $0x1  }
0x234: {  	(erf) = vpow2.f32 v3;
	_ =	sdelay $0x2  }
0x235: {  	v1 =	vld.idx.msk [tilespmem:v1+s24+$0x0], $0xffff;
	_ =	sdelay $0x2  }
0x236: {  	v2 =	vmul.u32 $0x78, v2;
	_ =	sdelay $0x1  }
0x237: {  	v1 =	vadd.s32 v1, v2  }
0x238: {  	[tilespmem:$0xAD90] =	vst v1;
	v3 =	vpop (erf)  }
0x239: {  	[tilespmem:$0xAD10] =	vst v3  }
0x23a: {  	v1 =	vld [tilespmem:s17+$0xFFFFFF90]  }
0x23b: {  	v2 =	vld [tilespmem:s16+$0xFFFFFF90];
	_ =	sdelay $0x3  }
0x23c: {  	v3 =	vadd.s32 $0x2710, v1  }
0x23d: {  	v39 =	vadd.s32 $0x2710, v2  }
0x23e: {  	v40 =	vadd.s32 $0x4E20, v1  }
0x23f: {  	v42 =	vadd.s32 $0x4E20, v2;
	v41 =	vld.idx.msk [tilespmem:v1+s26+$0x0], $0xffff  }
0x240: {  	v43 =	vld.idx.msk [tilespmem:v2+s26+$0x0], $0xffff  }
0x241: {  	v3 =	vld.idx.msk [tilespmem:v3+s26+$0x0], $0xffff  }
0x242: {  	v4 =	vld.idx.msk [tilespmem:v39+s26+$0x0], $0xffff  }
0x243: {  	v5 =	vld.idx.msk [tilespmem:v40+s26+$0x0], $0xffff  }
0x244: {  	v7 =	vld.idx.msk [tilespmem:v42+s26+$0x0], $0xffff;
	_ =	sdelay $0x2  }
0x245: {  	v6 =	vsub.f32 v41, v43;
	v3 =	vsub.f32 v3, v4;
	_ =	sdelay $0x1  }
0x246: {  	v44 =	vsub.f32 v5, v7;
	v45 =	vmul.f32 v6, v6;
	v3 =	vmul.f32 v3, v3;
	_ =	sdelay $0x1  }
0x247: {  	v4 =	vmul.f32 v44, v44;
	v3 =	vadd.f32 v3, v45;
	_ =	sdelay $0x1  }
0x248: {  	v3 =	vadd.f32 v4, v3;
	_ =	sdelay $0x1  }
0x249: {  	v3 =	vadd.f32 $9.999999960e-13, v3;
	_ =	sdelay $0x1  }
0x24a: {  	v46 =	vshra.s32 v3, $0x1;
	v47 =	vmul.f32 $5.000000000e-01, v3  }
0x24b: {  	v4 =	vsub.s32 $0x5F3759DF, v46  }
0x24c: {  	v48 =	vmul.f32 v4, v47;
	_ =	sdelay $0x1  }
0x24d: {  	v6 =	vmul.f32 v4, v48;
	_ =	sdelay $0x1  }
0x24e: {  	v6 =	vsub.f32 $1.500000000e+00, v6;
	_ =	sdelay $0x1  }
0x24f: {  	v4 =	vmul.f32 v4, v6;
	_ =	sdelay $0x1  }
0x250: {  	v5 =	vmul.f32 v4, v47;
	_ =	sdelay $0x1  }
0x251: {  	v5 =	vmul.f32 v5, v4;
	_ =	sdelay $0x1  }
0x252: {  	v5 =	vsub.f32 $1.500000000e+00, v5;
	_ =	sdelay $0x1  }
0x253: {  	v4 =	vmul.f32 v5, v4;
	_ =	sdelay $0x1  }
0x254: {  	v3 =	vmul.f32 v4, v3;
	_ =	sdelay $0x1  }
0x255: {  	v3 =	vsub.f32 $0.0e+00, v3;
	_ =	sdelay $0x1  }
0x256: {  	v3 =	vmul.f32 $1.442695020e+00, v3;
	_ =	sdelay $0x1  }
0x257: {  	(erf) = vpow2.f32 v3;
	_ =	sdelay $0x2  }
0x258: {  	v1 =	vld.idx.msk [tilespmem:v1+s24+$0x0], $0xffff;
	_ =	sdelay $0x2  }
0x259: {  	v2 =	vmul.u32 $0x78, v2;
	_ =	sdelay $0x1  }
0x25a: {  	v1 =	vadd.s32 v1, v2  }
0x25b: {  	[tilespmem:$0xADA0] =	vst v1;
	v3 =	vpop (erf)  }
0x25c: {  	[tilespmem:$0xAD20] =	vst v3  }
0x25d: {  	v1 =	vld [tilespmem:s17+$0xFFFFFFA0]  }
0x25e: {  	v2 =	vld [tilespmem:s16+$0xFFFFFFA0];
	_ =	sdelay $0x3  }
0x25f: {  	v3 =	vadd.s32 $0x2710, v1  }
0x260: {  	v49 =	vadd.s32 $0x2710, v2  }
0x261: {  	v50 =	vadd.s32 $0x4E20, v1  }
0x262: {  	v52 =	vadd.s32 $0x4E20, v2;
	v51 =	vld.idx.msk [tilespmem:v1+s26+$0x0], $0xffff  }
0x263: {  	v53 =	vld.idx.msk [tilespmem:v2+s26+$0x0], $0xffff  }
0x264: {  	v3 =	vld.idx.msk [tilespmem:v3+s26+$0x0], $0xffff  }
0x265: {  	v4 =	vld.idx.msk [tilespmem:v49+s26+$0x0], $0xffff  }
0x266: {  	v5 =	vld.idx.msk [tilespmem:v50+s26+$0x0], $0xffff  }
0x267: {  	v7 =	vld.idx.msk [tilespmem:v52+s26+$0x0], $0xffff;
	_ =	sdelay $0x2  }
0x268: {  	v6 =	vsub.f32 v51, v53;
	v3 =	vsub.f32 v3, v4;
	_ =	sdelay $0x1  }
0x269: {  	v54 =	vsub.f32 v5, v7;
	v55 =	vmul.f32 v6, v6;
	v3 =	vmul.f32 v3, v3;
	_ =	sdelay $0x1  }
0x26a: {  	v4 =	vmul.f32 v54, v54;
	v3 =	vadd.f32 v3, v55;
	_ =	sdelay $0x1  }
0x26b: {  	v3 =	vadd.f32 v4, v3;
	_ =	sdelay $0x1  }
0x26c: {  	v3 =	vadd.f32 $9.999999960e-13, v3;
	_ =	sdelay $0x1  }
0x26d: {  	v56 =	vshra.s32 v3, $0x1;
	v57 =	vmul.f32 $5.000000000e-01, v3  }
0x26e: {  	v4 =	vsub.s32 $0x5F3759DF, v56  }
0x26f: {  	v58 =	vmul.f32 v4, v57;
	_ =	sdelay $0x1  }
0x270: {  	v6 =	vmul.f32 v4, v58;
	_ =	sdelay $0x1  }
0x271: {  	v6 =	vsub.f32 $1.500000000e+00, v6;
	_ =	sdelay $0x1  }
0x272: {  	v4 =	vmul.f32 v4, v6;
	_ =	sdelay $0x1  }
0x273: {  	v5 =	vmul.f32 v4, v57;
	_ =	sdelay $0x1  }
0x274: {  	v5 =	vmul.f32 v5, v4;
	_ =	sdelay $0x1  }
0x275: {  	v5 =	vsub.f32 $1.500000000e+00, v5;
	_ =	sdelay $0x1  }
0x276: {  	v4 =	vmul.f32 v5, v4;
	_ =	sdelay $0x1  }
0x277: {  	v3 =	vmul.f32 v4, v3;
	_ =	sdelay $0x1  }
0x278: {  	v3 =	vsub.f32 $0.0e+00, v3;
	_ =	sdelay $0x1  }
0x279: {  	v3 =	vmul.f32 $1.442695020e+00, v3;
	_ =	sdelay $0x1  }
0x27a: {  	(erf) = vpow2.f32 v3;
	_ =	sdelay $0x2  }
0x27b: {  	v1 =	vld.idx.msk [tilespmem:v1+s24+$0x0], $0xffff;
	_ =	sdelay $0x2  }
0x27c: {  	v2 =	vmul.u32 $0x78, v2;
	_ =	sdelay $0x1  }
0x27d: {  	v1 =	vadd.s32 v1, v2  }
0x27e: {  	[tilespmem:$0xADB0] =	vst v1;
	v3 =	vpop (erf)  }
0x27f: {  	[tilespmem:$0xAD30] =	vst v3  }
0x280: {  	v1 =	vld [tilespmem:s17+$0xFFFFFFB0]  }
0x281: {  	v2 =	vld [tilespmem:s16+$0xFFFFFFB0];
	_ =	sdelay $0x3  }
0x282: {  	v3 =	vadd.s32 $0x2710, v1  }
0x283: {  	v59 =	vadd.s32 $0x2710, v2  }
0x284: {  	v60 =	vadd.s32 $0x4E20, v1  }
0x285: {  	v62 =	vadd.s32 $0x4E20, v2;
	v61 =	vld.idx.msk [tilespmem:v1+s26+$0x0], $0xffff  }
0x286: {  	v63 =	vld.idx.msk [tilespmem:v2+s26+$0x0], $0xffff  }
0x287: {  	v3 =	vld.idx.msk [tilespmem:v3+s26+$0x0], $0xffff  }
0x288: {  	v4 =	vld.idx.msk [tilespmem:v59+s26+$0x0], $0xffff  }
0x289: {  	v5 =	vld.idx.msk [tilespmem:v60+s26+$0x0], $0xffff  }
0x28a: {  	v7 =	vld.idx.msk [tilespmem:v62+s26+$0x0], $0xffff;
	_ =	sdelay $0x2  }
0x28b: {  	v6 =	vsub.f32 v61, v63;
	v3 =	vsub.f32 v3, v4;
	_ =	sdelay $0x1  }
0x28c: {  	v9 =	vsub.f32 v5, v7;
	v10 =	vmul.f32 v6, v6;
	v3 =	vmul.f32 v3, v3;
	_ =	sdelay $0x1  }
0x28d: {  	v4 =	vmul.f32 v9, v9;
	v3 =	vadd.f32 v3, v10;
	_ =	sdelay $0x1  }
0x28e: {  	v3 =	vadd.f32 v4, v3;
	_ =	sdelay $0x1  }
0x28f: {  	v3 =	vadd.f32 $9.999999960e-13, v3;
	_ =	sdelay $0x1  }
0x290: {  	v11 =	vshra.s32 v3, $0x1;
	v12 =	vmul.f32 $5.000000000e-01, v3  }
0x291: {  	v4 =	vsub.s32 $0x5F3759DF, v11  }
0x292: {  	v13 =	vmul.f32 v4, v12;
	_ =	sdelay $0x1  }
0x293: {  	v6 =	vmul.f32 v4, v13;
	_ =	sdelay $0x1  }
0x294: {  	v6 =	vsub.f32 $1.500000000e+00, v6;
	_ =	sdelay $0x1  }
0x295: {  	v4 =	vmul.f32 v4, v6;
	_ =	sdelay $0x1  }
0x296: {  	v5 =	vmul.f32 v4, v12;
	_ =	sdelay $0x1  }
0x297: {  	v5 =	vmul.f32 v5, v4;
	_ =	sdelay $0x1  }
0x298: {  	v5 =	vsub.f32 $1.500000000e+00, v5;
	_ =	sdelay $0x1  }
0x299: {  	v4 =	vmul.f32 v5, v4;
	_ =	sdelay $0x1  }
0x29a: {  	v3 =	vmul.f32 v4, v3;
	_ =	sdelay $0x1  }
0x29b: {  	v3 =	vsub.f32 $0.0e+00, v3;
	_ =	sdelay $0x1  }
0x29c: {  	v3 =	vmul.f32 $1.442695020e+00, v3;
	_ =	sdelay $0x1  }
0x29d: {  	(erf) = vpow2.f32 v3;
	_ =	sdelay $0x2  }
0x29e: {  	v1 =	vld.idx.msk [tilespmem:v1+s24+$0x0], $0xffff;
	_ =	sdelay $0x2  }
0x29f: {  	v2 =	vmul.u32 $0x78, v2;
	_ =	sdelay $0x1  }
0x2a0: {  	v1 =	vadd.s32 v1, v2  }
0x2a1: {  	[tilespmem:$0xADC0] =	vst v1;
	v3 =	vpop (erf)  }
0x2a2: {  	[tilespmem:$0xAD40] =	vst v3  }
0x2a3: {  	[spmem:s4] =	stream.indirect.scatter.add.f32 [tilespmem:s0], [sflag:$0x1], $0x1, s31, s30, $0xb8;
	[tilespmem:$0x1F3F8] =	vst v63  }
0x2a4: {  	_ =	swait.ge [sflag:s10], $0x50  }
0x2a5: {  	[sflag:s10] =	ssyncset.done $0x0  }
0x2a6: {  	[sflag:s10] =	ssyncadd.s32 $0xFFFFFFB0  }
0x2a7: {  	v1 =	vld [tilespmem:s17+$0xFFFFFFC0]  }
0x2a8: {  	v2 =	vld [tilespmem:s16+$0xFFFFFFC0];
	_ =	sdelay $0x3  }
0x2a9: {  	v3 =	vadd.s32 $0x2710, v1  }
0x2aa: {  	v14 =	vadd.s32 $0x2710, v2  }
0x2ab: {  	v15 =	vadd.s32 $0x4E20, v1  }
0x2ac: {  	v17 =	vadd.s32 $0x4E20, v2;
	v16 =	vld.idx.msk [tilespmem:v1+s26+$0x0], $0xffff  }
0x2ad: {  	v18 =	vld.idx.msk [tilespmem:v2+s26+$0x0], $0xffff  }
0x2ae: {  	v3 =	vld.idx.msk [tilespmem:v3+s26+$0x0], $0xffff  }
0x2af: {  	v4 =	vld.idx.msk [tilespmem:v14+s26+$0x0], $0xffff  }
0x2b0: {  	v5 =	vld.idx.msk [tilespmem:v15+s26+$0x0], $0xffff  }
0x2b1: {  	v7 =	vld.idx.msk [tilespmem:v17+s26+$0x0], $0xffff;
	_ =	sdelay $0x2  }
0x2b2: {  	v6 =	vsub.f32 v16, v18;
	v3 =	vsub.f32 v3, v4;
	_ =	sdelay $0x1  }
0x2b3: {  	v19 =	vsub.f32 v5, v7;
	v20 =	vmul.f32 v6, v6;
	v3 =	vmul.f32 v3, v3;
	_ =	sdelay $0x1  }
0x2b4: {  	v4 =	vmul.f32 v19, v19;
	v3 =	vadd.f32 v3, v20;
	_ =	sdelay $0x1  }
0x2b5: {  	v3 =	vadd.f32 v4, v3;
	_ =	sdelay $0x1  }
0x2b6: {  	v3 =	vadd.f32 $9.999999960e-13, v3;
	_ =	sdelay $0x1  }
0x2b7: {  	v21 =	vshra.s32 v3, $0x1;
	v22 =	vmul.f32 $5.000000000e-01, v3  }
0x2b8: {  	v4 =	vsub.s32 $0x5F3759DF, v21  }
0x2b9: {  	v23 =	vmul.f32 v4, v22;
	_ =	sdelay $0x1  }
0x2ba: {  	v6 =	vmul.f32 v4, v23;
	_ =	sdelay $0x1  }
0x2bb: {  	v6 =	vsub.f32 $1.500000000e+00, v6;
	_ =	sdelay $0x1  }
0x2bc: {  	v4 =	vmul.f32 v4, v6;
	_ =	sdelay $0x1  }
0x2bd: {  	v5 =	vmul.f32 v4, v22;
	_ =	sdelay $0x1  }
0x2be: {  	v5 =	vmul.f32 v5, v4;
	_ =	sdelay $0x1  }
0x2bf: {  	v5 =	vsub.f32 $1.500000000e+00, v5;
	_ =	sdelay $0x1  }
0x2c0: {  	v4 =	vmul.f32 v5, v4;
	_ =	sdelay $0x1  }
0x2c1: {  	v3 =	vmul.f32 v4, v3;
	_ =	sdelay $0x1  }
0x2c2: {  	v3 =	vsub.f32 $0.0e+00, v3;
	_ =	sdelay $0x1  }
0x2c3: {  	v3 =	vmul.f32 $1.442695020e+00, v3;
	_ =	sdelay $0x1  }
0x2c4: {  	(erf) = vpow2.f32 v3;
	_ =	sdelay $0x2  }
0x2c5: {  	v1 =	vld.idx.msk [tilespmem:v1+s24+$0x0], $0xffff;
	_ =	sdelay $0x2  }
0x2c6: {  	v2 =	vmul.u32 $0x78, v2;
	_ =	sdelay $0x1  }
0x2c7: {  	v1 =	vadd.s32 v1, v2  }
0x2c8: {  	[tilespmem:$0xAE80] =	vst v1;
	v3 =	vpop (erf)  }
0x2c9: {  	s19 =	sand.u32 $0xFE0, s18;
	[tilespmem:$0xAE00] =	vst v3  }
0x2ca: {  	v1 =	vld [tilespmem:s19+$0x100]  }
0x2cb: {  	v2 =	vld [tilespmem:s19+$0x900];
	_ =	sdelay $0x3  }
0x2cc: {  	v3 =	vadd.s32 $0x2710, v1  }
0x2cd: {  	v24 =	vadd.s32 $0x2710, v2  }
0x2ce: {  	v25 =	vadd.s32 $0x4E20, v1  }
0x2cf: {  	v27 =	vadd.s32 $0x4E20, v2;
	v26 =	vld.idx.msk [tilespmem:v1+s26+$0x0], $0xffff  }
0x2d0: {  	v28 =	vld.idx.msk [tilespmem:v2+s26+$0x0], $0xffff  }
0x2d1: {  	v3 =	vld.idx.msk [tilespmem:v3+s26+$0x0], $0xffff  }
0x2d2: {  	v4 =	vld.idx.msk [tilespmem:v24+s26+$0x0], $0xffff  }
0x2d3: {  	v5 =	vld.idx.msk [tilespmem:v25+s26+$0x0], $0xffff  }
0x2d4: {  	v7 =	vld.idx.msk [tilespmem:v27+s26+$0x0], $0xffff;
	_ =	sdelay $0x2  }
0x2d5: {  	v6 =	vsub.f32 v26, v28;
	v3 =	vsub.f32 v3, v4;
	_ =	sdelay $0x1  }
0x2d6: {  	v29 =	vsub.f32 v5, v7;
	v30 =	vmul.f32 v6, v6;
	v3 =	vmul.f32 v3, v3;
	_ =	sdelay $0x1  }
0x2d7: {  	v4 =	vmul.f32 v29, v29;
	v3 =	vadd.f32 v3, v30;
	_ =	sdelay $0x1  }
0x2d8: {  	v3 =	vadd.f32 v4, v3;
	_ =	sdelay $0x1  }
0x2d9: {  	v3 =	vadd.f32 $9.999999960e-13, v3;
	_ =	sdelay $0x1  }
0x2da: {  	v31 =	vshra.s32 v3, $0x1;
	v32 =	vmul.f32 $5.000000000e-01, v3  }
0x2db: {  	v4 =	vsub.s32 $0x5F3759DF, v31  }
0x2dc: {  	v33 =	vmul.f32 v4, v32;
	_ =	sdelay $0x1  }
0x2dd: {  	v6 =	vmul.f32 v4, v33;
	_ =	sdelay $0x1  }
0x2de: {  	v6 =	vsub.f32 $1.500000000e+00, v6;
	_ =	sdelay $0x1  }
0x2df: {  	v4 =	vmul.f32 v4, v6;
	_ =	sdelay $0x1  }
0x2e0: {  	v5 =	vmul.f32 v4, v32;
	_ =	sdelay $0x1  }
0x2e1: {  	v5 =	vmul.f32 v5, v4;
	_ =	sdelay $0x1  }
0x2e2: {  	v5 =	vsub.f32 $1.500000000e+00, v5;
	_ =	sdelay $0x1  }
0x2e3: {  	v4 =	vmul.f32 v5, v4;
	_ =	sdelay $0x1  }
0x2e4: {  	v3 =	vmul.f32 v4, v3;
	_ =	sdelay $0x1  }
0x2e5: {  	v3 =	vsub.f32 $0.0e+00, v3;
	_ =	sdelay $0x1  }
0x2e6: {  	v3 =	vmul.f32 $1.442695020e+00, v3;
	_ =	sdelay $0x1  }
0x2e7: {  	(erf) = vpow2.f32 v3;
	_ =	sdelay $0x2  }
0x2e8: {  	v1 =	vld.idx.msk [tilespmem:v1+s24+$0x0], $0xffff;
	_ =	sdelay $0x2  }
0x2e9: {  	v2 =	vmul.u32 $0x78, v2;
	_ =	sdelay $0x1  }
0x2ea: {  	v1 =	vadd.s32 v1, v2  }
0x2eb: {  	[tilespmem:$0xAE90] =	vst v1;
	v3 =	vpop (erf)  }
0x2ec: {  	[tilespmem:$0xAE10] =	vst v3  }
0x2ed: {  	v1 =	vld [tilespmem:s17+$0xFFFFFFE0]  }
0x2ee: {  	v2 =	vld [tilespmem:s16+$0xFFFFFFE0];
	_ =	sdelay $0x3  }
0x2ef: {  	v3 =	vadd.s32 $0x2710, v1  }
0x2f0: {  	v34 =	vadd.s32 $0x2710, v2  }
0x2f1: {  	v35 =	vadd.s32 $0x4E20, v1  }
0x2f2: {  	v37 =	vadd.s32 $0x4E20, v2;
	v36 =	vld.idx.msk [tilespmem:v1+s26+$0x0], $0xffff  }
0x2f3: {  	v38 =	vld.idx.msk [tilespmem:v2+s26+$0x0], $0xffff  }
0x2f4: {  	v3 =	vld.idx.msk [tilespmem:v3+s26+$0x0], $0xffff  }
0x2f5: {  	v4 =	vld.idx.msk [tilespmem:v34+s26+$0x0], $0xffff  }
0x2f6: {  	v5 =	vld.idx.msk [tilespmem:v35+s26+$0x0], $0xffff  }
0x2f7: {  	v7 =	vld.idx.msk [tilespmem:v37+s26+$0x0], $0xffff;
	_ =	sdelay $0x2  }
0x2f8: {  	v6 =	vsub.f32 v36, v38;
	v3 =	vsub.f32 v3, v4;
	_ =	sdelay $0x1  }
0x2f9: {  	v39 =	vsub.f32 v5, v7;
	v40 =	vmul.f32 v6, v6;
	v3 =	vmul.f32 v3, v3;
	_ =	sdelay $0x1  }
0x2fa: {  	v4 =	vmul.f32 v39, v39;
	v3 =	vadd.f32 v3, v40;
	_ =	sdelay $0x1  }
0x2fb: {  	v3 =	vadd.f32 v4, v3;
	_ =	sdelay $0x1  }
0x2fc: {  	v3 =	vadd.f32 $9.999999960e-13, v3;
	_ =	sdelay $0x1  }
0x2fd: {  	v41 =	vshra.s32 v3, $0x1;
	v42 =	vmul.f32 $5.000000000e-01, v3  }
0x2fe: {  	v4 =	vsub.s32 $0x5F3759DF, v41  }
0x2ff: {  	v43 =	vmul.f32 v4, v42;
	_ =	sdelay $0x1  }
0x300: {  	v6 =	vmul.f32 v4, v43;
	_ =	sdelay $0x1  }
0x301: {  	v6 =	vsub.f32 $1.500000000e+00, v6;
	_ =	sdelay $0x1  }
0x302: {  	v4 =	vmul.f32 v4, v6;
	_ =	sdelay $0x1  }
0x303: {  	v5 =	vmul.f32 v4, v42;
	_ =	sdelay $0x1  }
0x304: {  	v5 =	vmul.f32 v5, v4;
	_ =	sdelay $0x1  }
0x305: {  	v5 =	vsub.f32 $1.500000000e+00, v5;
	_ =	sdelay $0x1  }
0x306: {  	v4 =	vmul.f32 v5, v4;
	_ =	sdelay $0x1  }
0x307: {  	v3 =	vmul.f32 v4, v3;
	_ =	sdelay $0x1  }
0x308: {  	v3 =	vsub.f32 $0.0e+00, v3;
	_ =	sdelay $0x1  }
0x309: {  	v3 =	vmul.f32 $1.442695020e+00, v3;
	_ =	sdelay $0x1  }
0x30a: {  	(erf) = vpow2.f32 v3;
	_ =	sdelay $0x2  }
0x30b: {  	v1 =	vld.idx.msk [tilespmem:v1+s24+$0x0], $0xffff;
	_ =	sdelay $0x2  }
0x30c: {  	v2 =	vmul.u32 $0x78, v2;
	_ =	sdelay $0x1  }
0x30d: {  	v1 =	vadd.s32 v1, v2  }
0x30e: {  	[tilespmem:$0xAEA0] =	vst v1;
	v3 =	vpop (erf)  }
0x30f: {  	[tilespmem:$0xAE20] =	vst v3  }
0x310: {  	v1 =	vld [tilespmem:s17+$0xFFFFFFF0]  }
0x311: {  	v2 =	vld [tilespmem:s16+$0xFFFFFFF0];
	_ =	sdelay $0x3  }
0x312: {  	v3 =	vadd.s32 $0x2710, v1  }
0x313: {  	v44 =	vadd.s32 $0x2710, v2  }
0x314: {  	v45 =	vadd.s32 $0x4E20, v1  }
0x315: {  	v47 =	vadd.s32 $0x4E20, v2;
	v46 =	vld.idx.msk [tilespmem:v1+s26+$0x0], $0xffff  }
0x316: {  	v48 =	vld.idx.msk [tilespmem:v2+s26+$0x0], $0xffff  }
0x317: {  	v3 =	vld.idx.msk [tilespmem:v3+s26+$0x0], $0xffff  }
0x318: {  	v4 =	vld.idx.msk [tilespmem:v44+s26+$0x0], $0xffff  }
0x319: {  	v5 =	vld.idx.msk [tilespmem:v45+s26+$0x0], $0xffff  }
0x31a: {  	v7 =	vld.idx.msk [tilespmem:v47+s26+$0x0], $0xffff;
	_ =	sdelay $0x2  }
0x31b: {  	v6 =	vsub.f32 v46, v48;
	v3 =	vsub.f32 v3, v4;
	_ =	sdelay $0x1  }
0x31c: {  	v49 =	vsub.f32 v5, v7;
	v50 =	vmul.f32 v6, v6;
	v3 =	vmul.f32 v3, v3;
	_ =	sdelay $0x1  }
0x31d: {  	v4 =	vmul.f32 v49, v49;
	v3 =	vadd.f32 v3, v50;
	_ =	sdelay $0x1  }
0x31e: {  	v3 =	vadd.f32 v4, v3;
	_ =	sdelay $0x1  }
0x31f: {  	v3 =	vadd.f32 $9.999999960e-13, v3;
	_ =	sdelay $0x1  }
0x320: {  	v51 =	vshra.s32 v3, $0x1;
	v52 =	vmul.f32 $5.000000000e-01, v3  }
0x321: {  	v4 =	vsub.s32 $0x5F3759DF, v51  }
0x322: {  	v53 =	vmul.f32 v4, v52;
	_ =	sdelay $0x1  }
0x323: {  	v6 =	vmul.f32 v4, v53;
	_ =	sdelay $0x1  }
0x324: {  	v6 =	vsub.f32 $1.500000000e+00, v6;
	_ =	sdelay $0x1  }
0x325: {  	v4 =	vmul.f32 v4, v6;
	_ =	sdelay $0x1  }
0x326: {  	v5 =	vmul.f32 v4, v52;
	_ =	sdelay $0x1  }
0x327: {  	v5 =	vmul.f32 v5, v4;
	_ =	sdelay $0x1  }
0x328: {  	v5 =	vsub.f32 $1.500000000e+00, v5;
	_ =	sdelay $0x1  }
0x329: {  	v4 =	vmul.f32 v5, v4;
	_ =	sdelay $0x1  }
0x32a: {  	v3 =	vmul.f32 v4, v3;
	_ =	sdelay $0x1  }
0x32b: {  	v3 =	vsub.f32 $0.0e+00, v3;
	_ =	sdelay $0x1  }
0x32c: {  	v3 =	vmul.f32 $1.442695020e+00, v3;
	_ =	sdelay $0x1  }
0x32d: {  	(erf) = vpow2.f32 v3;
	_ =	sdelay $0x2  }
0x32e: {  	v1 =	vld.idx.msk [tilespmem:v1+s24+$0x0], $0xffff;
	_ =	sdelay $0x2  }
0x32f: {  	v2 =	vmul.u32 $0x78, v2;
	_ =	sdelay $0x1  }
0x330: {  	v1 =	vadd.s32 v1, v2  }
0x331: {  	[tilespmem:$0xAEB0] =	vst v1;
	v3 =	vpop (erf)  }
0x332: {  	[tilespmem:$0xAE30] =	vst v3  }
0x333: {  	v1 =	vld [tilespmem:s17+$0x0]  }
0x334: {  	v2 =	vld [tilespmem:s16+$0x0];
	_ =	sdelay $0x3  }
0x335: {  	v3 =	vadd.s32 $0x2710, v1  }
0x336: {  	v54 =	vadd.s32 $0x2710, v2  }
0x337: {  	v55 =	vadd.s32 $0x4E20, v1  }
0x338: {  	v57 =	vadd.s32 $0x4E20, v2;
	v56 =	vld.idx.msk [tilespmem:v1+s26+$0x0], $0xffff  }
0x339: {  	v58 =	vld.idx.msk [tilespmem:v2+s26+$0x0], $0xffff  }
0x33a: {  	v3 =	vld.idx.msk [tilespmem:v3+s26+$0x0], $0xffff  }
0x33b: {  	v4 =	vld.idx.msk [tilespmem:v54+s26+$0x0], $0xffff  }
0x33c: {  	v5 =	vld.idx.msk [tilespmem:v55+s26+$0x0], $0xffff  }
0x33d: {  	v7 =	vld.idx.msk [tilespmem:v57+s26+$0x0], $0xffff;
	_ =	sdelay $0x2  }
0x33e: {  	v6 =	vsub.f32 v56, v58;
	v3 =	vsub.f32 v3, v4;
	_ =	sdelay $0x1  }
0x33f: {  	v59 =	vsub.f32 v5, v7;
	v60 =	vmul.f32 v6, v6;
	v3 =	vmul.f32 v3, v3;
	_ =	sdelay $0x1  }
0x340: {  	v4 =	vmul.f32 v59, v59;
	v3 =	vadd.f32 v3, v60;
	_ =	sdelay $0x1  }
0x341: {  	v3 =	vadd.f32 v4, v3;
	_ =	sdelay $0x1  }
0x342: {  	v3 =	vadd.f32 $9.999999960e-13, v3;
	_ =	sdelay $0x1  }
0x343: {  	v61 =	vshra.s32 v3, $0x1;
	v62 =	vmul.f32 $5.000000000e-01, v3  }
0x344: {  	v4 =	vsub.s32 $0x5F3759DF, v61  }
0x345: {  	v63 =	vmul.f32 v4, v62;
	_ =	sdelay $0x1  }
0x346: {  	v6 =	vmul.f32 v4, v63;
	_ =	sdelay $0x1  }
0x347: {  	v6 =	vsub.f32 $1.500000000e+00, v6;
	_ =	sdelay $0x1  }
0x348: {  	v4 =	vmul.f32 v4, v6;
	_ =	sdelay $0x1  }
0x349: {  	v5 =	vmul.f32 v4, v62;
	_ =	sdelay $0x1  }
0x34a: {  	v5 =	vmul.f32 v5, v4;
	_ =	sdelay $0x1  }
0x34b: {  	v5 =	vsub.f32 $1.500000000e+00, v5;
	_ =	sdelay $0x1  }
0x34c: {  	v4 =	vmul.f32 v5, v4;
	_ =	sdelay $0x1  }
0x34d: {  	v3 =	vmul.f32 v4, v3;
	_ =	sdelay $0x1  }
0x34e: {  	v3 =	vsub.f32 $0.0e+00, v3;
	_ =	sdelay $0x1  }
0x34f: {  	v3 =	vmul.f32 $1.442695020e+00, v3;
	_ =	sdelay $0x1  }
0x350: {  	(erf) = vpow2.f32 v3;
	_ =	sdelay $0x2  }
0x351: {  	v1 =	vld.idx.msk [tilespmem:v1+s24+$0x0], $0xffff;
	_ =	sdelay $0x2  }
0x352: {  	p0 =	sne.s32 s18, $0x640;
	v2 =	vmul.u32 $0x78, v2  }
.Ltmp1:
0x353: {  	_ = 	snop;
	(pc) =	sbr.rel @p0 .LBB2_5-.Ltmp1, $4  }
0x354: {  	v1 =	vadd.s32 v1, v2  }
0x355: {  	[tilespmem:$0xAEC0] =	vst v1;
	v3 =	vpop (erf)  }
0x356: {  	s18 =	sadd.s32 $0xA0, s18;
	s16 =	sadd.s32 $0xA0, s16;
	s17 =	sadd.s32 $0xA0, s17;
	[tilespmem:$0xAE40] =	vst v3  }
0x357: {  	[spmem:s4] =	stream.indirect.scatter.add.f32 [tilespmem:s1], [sflag:$0x2], $0x1, s2, s30, $0xb8;
	[tilespmem:$0x1F3F8] =	vst v63  }
0x358: {  	_ =	swait.ge [sflag:s3], $0x50  }
0x359: {  	[sflag:s3] =	ssyncset.done $0x0  }
0x35a: {  	[sflag:s3] =	ssyncadd.s32 $0xFFFFFFB0  }
0x35b: {  	v1 =	vld [tilespmem:$0x780]  }
0x35c: {  	v2 =	vld [tilespmem:$0xF80];
	_ =	sdelay $0x3  }
0x35d: {  	v3 =	vadd.s32 $0x2710, v1  }
0x35e: {  	v4 =	vadd.s32 $0x2710, v2  }
0x35f: {  	v5 =	vadd.s32 $0x4E20, v1  }
0x360: {  	v7 =	vadd.s32 $0x4E20, v2;
	v6 =	vld.idx.msk [tilespmem:v1+s26+$0x0], $0xffff  }
0x361: {  	v8 =	vld.idx.msk [tilespmem:v2+s26+$0x0], $0xffff  }
0x362: {  	v3 =	vld.idx.msk [tilespmem:v3+s26+$0x0], $0xffff  }
0x363: {  	v4 =	vld.idx.msk [tilespmem:v4+s26+$0x0], $0xffff  }
0x364: {  	v5 =	vld.idx.msk [tilespmem:v5+s26+$0x0], $0xffff  }
0x365: {  	v7 =	vld.idx.msk [tilespmem:v7+s26+$0x0], $0xffff;
	_ =	sdelay $0x2  }
0x366: {  	v6 =	vsub.f32 v6, v8;
	v3 =	vsub.f32 v3, v4;
	_ =	sdelay $0x1  }
0x367: {  	v29 =	vsub.f32 v5, v7;
	v30 =	vmul.f32 v6, v6;
	v3 =	vmul.f32 v3, v3;
	_ =	sdelay $0x1  }
0x368: {  	v4 =	vmul.f32 v29, v29;
	v3 =	vadd.f32 v3, v30;
	_ =	sdelay $0x1  }
0x369: {  	v3 =	vadd.f32 v4, v3;
	_ =	sdelay $0x1  }
0x36a: {  	v3 =	vadd.f32 $9.999999960e-13, v3;
	_ =	sdelay $0x1  }
0x36b: {  	v31 =	vshra.s32 v3, $0x1;
	v32 =	vmul.f32 $5.000000000e-01, v3  }
0x36c: {  	v4 =	vsub.s32 $0x5F3759DF, v31  }
0x36d: {  	v33 =	vmul.f32 v4, v32;
	_ =	sdelay $0x1  }
0x36e: {  	v6 =	vmul.f32 v4, v33;
	_ =	sdelay $0x1  }
0x36f: {  	v6 =	vsub.f32 $1.500000000e+00, v6;
	_ =	sdelay $0x1  }
0x370: {  	v4 =	vmul.f32 v4, v6;
	_ =	sdelay $0x1  }
0x371: {  	v5 =	vmul.f32 v4, v32;
	_ =	sdelay $0x1  }
0x372: {  	v5 =	vmul.f32 v5, v4;
	_ =	sdelay $0x1  }
0x373: {  	v5 =	vsub.f32 $1.500000000e+00, v5;
	_ =	sdelay $0x1  }
0x374: {  	v4 =	vmul.f32 v5, v4;
	_ =	sdelay $0x1  }
0x375: {  	v3 =	vmul.f32 v4, v3;
	_ =	sdelay $0x1  }
0x376: {  	v3 =	vsub.f32 $0.0e+00, v3;
	_ =	sdelay $0x1  }
0x377: {  	v3 =	vmul.f32 $1.442695020e+00, v3;
	_ =	sdelay $0x1  }
0x378: {  	(erf) = vpow2.f32 v3;
	_ =	sdelay $0x1  }
0x379: {  	v1 =	vld.idx.msk [tilespmem:v1+s24+$0x0], $0xffff  }
0x37a: {  	v3 =	vld [tilespmem:$0x790]  }
0x37b: {  	v34 =	vld [tilespmem:$0xF90];
	_ =	sdelay $0x1  }
0x37c: {  	v2 =	vmul.u32 $0x78, v2;
	_ =	sdelay $0x1  }
0x37d: {  	v1 =	vadd.s32 v1, v2;
	v36 =	vadd.s32 $0x2710, v3  }
0x37e: {  	v2 =	vadd.s32 $0x2710, v34;
	[tilespmem:$0xAD80] =	vst v1;
	v35 =	vpop (erf)  }
0x37f: {  	v1 =	vadd.s32 $0x4E20, v3;
	[tilespmem:$0xAD00] =	vst v35  }
0x380: {  	v37 =	vadd.s32 $0x4E20, v34;
	v5 =	vld.idx.msk [tilespmem:v3+s26+$0x0], $0xffff  }
0x381: {  	v38 =	vld.idx.msk [tilespmem:v34+s26+$0x0], $0xffff  }
0x382: {  	v6 =	vld.idx.msk [tilespmem:v36+s26+$0x0], $0xffff  }
0x383: {  	v2 =	vld.idx.msk [tilespmem:v2+s26+$0x0], $0xffff  }
0x384: {  	v1 =	vld.idx.msk [tilespmem:v1+s26+$0x0], $0xffff  }
0x385: {  	v7 =	vld.idx.msk [tilespmem:v37+s26+$0x0], $0xffff;
	_ =	sdelay $0x2  }
0x386: {  	v5 =	vsub.f32 v5, v38;
	v2 =	vsub.f32 v6, v2;
	_ =	sdelay $0x1  }
0x387: {  	v1 =	vsub.f32 v1, v7;
	v5 =	vmul.f32 v5, v5;
	v2 =	vmul.f32 v2, v2;
	_ =	sdelay $0x1  }
0x388: {  	v1 =	vmul.f32 v1, v1;
	v2 =	vadd.f32 v2, v5;
	_ =	sdelay $0x1  }
0x389: {  	v1 =	vadd.f32 v1, v2;
	_ =	sdelay $0x1  }
0x38a: {  	v1 =	vadd.f32 $9.999999960e-13, v1;
	_ =	sdelay $0x1  }
0x38b: {  	v2 =	vshra.s32 v1, $0x1;
	v39 =	vmul.f32 $5.000000000e-01, v1  }
0x38c: {  	v2 =	vsub.s32 $0x5F3759DF, v2  }
0x38d: {  	v40 =	vmul.f32 v2, v39;
	_ =	sdelay $0x1  }
0x38e: {  	v6 =	vmul.f32 v2, v40;
	_ =	sdelay $0x1  }
0x38f: {  	v6 =	vsub.f32 $1.500000000e+00, v6;
	_ =	sdelay $0x1  }
0x390: {  	v2 =	vmul.f32 v2, v6;
	_ =	sdelay $0x1  }
0x391: {  	v5 =	vmul.f32 v2, v39;
	_ =	sdelay $0x1  }
0x392: {  	v5 =	vmul.f32 v5, v2;
	_ =	sdelay $0x1  }
0x393: {  	v5 =	vsub.f32 $1.500000000e+00, v5;
	_ =	sdelay $0x1  }
0x394: {  	v2 =	vmul.f32 v5, v2;
	_ =	sdelay $0x1  }
0x395: {  	v1 =	vmul.f32 v2, v1;
	_ =	sdelay $0x1  }
0x396: {  	v1 =	vsub.f32 $0.0e+00, v1;
	_ =	sdelay $0x1  }
0x397: {  	v1 =	vmul.f32 $1.442695020e+00, v1;
	_ =	sdelay $0x1  }
0x398: {  	(erf) = vpow2.f32 v1;
	_ =	sdelay $0x1  }
0x399: {  	v2 =	vld [tilespmem:$0x7A0]  }
0x39a: {  	v1 =	vld.idx.msk [tilespmem:v3+s24+$0x0], $0xffff  }
0x39b: {  	v3 =	vld [tilespmem:$0xFA0];
	_ =	sdelay $0x1  }
0x39c: {  	v4 =	vmul.u32 $0x78, v34;
	_ =	sdelay $0x1  }
0x39d: {  	v42 =	vadd.s32 $0x2710, v2;
	v1 =	vadd.s32 v1, v4  }
0x39e: {  	v43 =	vadd.s32 $0x2710, v3;
	[tilespmem:$0xAD90] =	vst v1;
	v41 =	vpop (erf)  }
0x39f: {  	v1 =	vadd.s32 $0x4E20, v2;
	[tilespmem:$0xAD10] =	vst v41  }
0x3a0: {  	v44 =	vadd.s32 $0x4E20, v3;
	v5 =	vld.idx.msk [tilespmem:v2+s26+$0x0], $0xffff  }
0x3a1: {  	v45 =	vld.idx.msk [tilespmem:v3+s26+$0x0], $0xffff  }
0x3a2: {  	v6 =	vld.idx.msk [tilespmem:v42+s26+$0x0], $0xffff  }
0x3a3: {  	v4 =	vld.idx.msk [tilespmem:v43+s26+$0x0], $0xffff  }
0x3a4: {  	v1 =	vld.idx.msk [tilespmem:v1+s26+$0x0], $0xffff  }
0x3a5: {  	v7 =	vld.idx.msk [tilespmem:v44+s26+$0x0], $0xffff;
	_ =	sdelay $0x2  }
0x3a6: {  	v5 =	vsub.f32 v5, v45;
	v4 =	vsub.f32 v6, v4;
	_ =	sdelay $0x1  }
0x3a7: {  	v1 =	vsub.f32 v1, v7;
	v5 =	vmul.f32 v5, v5;
	v4 =	vmul.f32 v4, v4;
	_ =	sdelay $0x1  }
0x3a8: {  	v1 =	vmul.f32 v1, v1;
	v4 =	vadd.f32 v4, v5;
	_ =	sdelay $0x1  }
0x3a9: {  	v1 =	vadd.f32 v1, v4;
	_ =	sdelay $0x1  }
0x3aa: {  	v1 =	vadd.f32 $9.999999960e-13, v1;
	_ =	sdelay $0x1  }
0x3ab: {  	v46 =	vshra.s32 v1, $0x1;
	v47 =	vmul.f32 $5.000000000e-01, v1  }
0x3ac: {  	v4 =	vsub.s32 $0x5F3759DF, v46  }
0x3ad: {  	v48 =	vmul.f32 v4, v47;
	_ =	sdelay $0x1  }
0x3ae: {  	v6 =	vmul.f32 v4, v48;
	_ =	sdelay $0x1  }
0x3af: {  	v6 =	vsub.f32 $1.500000000e+00, v6;
	_ =	sdelay $0x1  }
0x3b0: {  	v4 =	vmul.f32 v4, v6;
	_ =	sdelay $0x1  }
0x3b1: {  	v5 =	vmul.f32 v4, v47;
	_ =	sdelay $0x1  }
0x3b2: {  	v5 =	vmul.f32 v5, v4;
	_ =	sdelay $0x1  }
0x3b3: {  	v5 =	vsub.f32 $1.500000000e+00, v5;
	_ =	sdelay $0x1  }
0x3b4: {  	v4 =	vmul.f32 v5, v4;
	_ =	sdelay $0x1  }
0x3b5: {  	v1 =	vmul.f32 v4, v1;
	_ =	sdelay $0x1  }
0x3b6: {  	v1 =	vsub.f32 $0.0e+00, v1;
	_ =	sdelay $0x1  }
0x3b7: {  	v1 =	vmul.f32 $1.442695020e+00, v1;
	_ =	sdelay $0x1  }
0x3b8: {  	(erf) = vpow2.f32 v1;
	_ =	sdelay $0x1  }
0x3b9: {  	v1 =	vld.idx.msk [tilespmem:v2+s24+$0x0], $0xffff  }
0x3ba: {  	v2 =	vld [tilespmem:$0x7B0]  }
0x3bb: {  	v49 =	vld [tilespmem:$0xFB0];
	_ =	sdelay $0x1  }
0x3bc: {  	v3 =	vmul.u32 $0x78, v3;
	_ =	sdelay $0x1  }
0x3bd: {  	v51 =	vadd.s32 $0x2710, v2;
	v1 =	vadd.s32 v1, v3  }
0x3be: {  	v3 =	vadd.s32 $0x2710, v49;
	[tilespmem:$0xADA0] =	vst v1;
	v50 =	vpop (erf)  }
0x3bf: {  	v1 =	vadd.s32 $0x4E20, v2;
	[tilespmem:$0xAD20] =	vst v50  }
0x3c0: {  	v52 =	vadd.s32 $0x4E20, v49;
	v5 =	vld.idx.msk [tilespmem:v2+s26+$0x0], $0xffff  }
0x3c1: {  	v53 =	vld.idx.msk [tilespmem:v49+s26+$0x0], $0xffff  }
0x3c2: {  	v6 =	vld.idx.msk [tilespmem:v51+s26+$0x0], $0xffff  }
0x3c3: {  	v3 =	vld.idx.msk [tilespmem:v3+s26+$0x0], $0xffff  }
0x3c4: {  	v1 =	vld.idx.msk [tilespmem:v1+s26+$0x0], $0xffff  }
0x3c5: {  	v7 =	vld.idx.msk [tilespmem:v52+s26+$0x0], $0xffff;
	_ =	sdelay $0x2  }
0x3c6: {  	v5 =	vsub.f32 v5, v53;
	v3 =	vsub.f32 v6, v3;
	_ =	sdelay $0x1  }
0x3c7: {  	v1 =	vsub.f32 v1, v7;
	v5 =	vmul.f32 v5, v5;
	v3 =	vmul.f32 v3, v3;
	_ =	sdelay $0x1  }
0x3c8: {  	v1 =	vmul.f32 v1, v1;
	v3 =	vadd.f32 v3, v5;
	_ =	sdelay $0x1  }
0x3c9: {  	v1 =	vadd.f32 v1, v3;
	_ =	sdelay $0x1  }
0x3ca: {  	v1 =	vadd.f32 $9.999999960e-13, v1;
	_ =	sdelay $0x1  }
0x3cb: {  	v3 =	vshra.s32 v1, $0x1;
	v54 =	vmul.f32 $5.000000000e-01, v1  }
0x3cc: {  	v3 =	vsub.s32 $0x5F3759DF, v3  }
0x3cd: {  	v55 =	vmul.f32 v3, v54;
	_ =	sdelay $0x1  }
0x3ce: {  	v6 =	vmul.f32 v3, v55;
	_ =	sdelay $0x1  }
0x3cf: {  	v6 =	vsub.f32 $1.500000000e+00, v6;
	_ =	sdelay $0x1  }
0x3d0: {  	v3 =	vmul.f32 v3, v6;
	_ =	sdelay $0x1  }
0x3d1: {  	v5 =	vmul.f32 v3, v54;
	_ =	sdelay $0x1  }
0x3d2: {  	v5 =	vmul.f32 v5, v3;
	_ =	sdelay $0x1  }
0x3d3: {  	v5 =	vsub.f32 $1.500000000e+00, v5;
	_ =	sdelay $0x1  }
0x3d4: {  	v3 =	vmul.f32 v5, v3;
	_ =	sdelay $0x1  }
0x3d5: {  	v1 =	vmul.f32 v3, v1;
	_ =	sdelay $0x1  }
0x3d6: {  	v1 =	vsub.f32 $0.0e+00, v1;
	_ =	sdelay $0x1  }
0x3d7: {  	v1 =	vmul.f32 $1.442695020e+00, v1;
	_ =	sdelay $0x1  }
0x3d8: {  	(erf) = vpow2.f32 v1;
	_ =	sdelay $0x1  }
0x3d9: {  	v1 =	vld.idx.msk [tilespmem:v2+s24+$0x0], $0xffff  }
0x3da: {  	v2 =	vld [tilespmem:$0x7C0]  }
0x3db: {  	v3 =	vld [tilespmem:$0xFC0];
	_ =	sdelay $0x1  }
0x3dc: {  	v4 =	vmul.u32 $0x78, v49;
	_ =	sdelay $0x1  }
0x3dd: {  	v57 =	vadd.s32 $0x2710, v2;
	v1 =	vadd.s32 v1, v4  }
0x3de: {  	v58 =	vadd.s32 $0x2710, v3;
	[tilespmem:$0xADB0] =	vst v1;
	v56 =	vpop (erf)  }
0x3df: {  	v1 =	vadd.s32 $0x4E20, v2;
	[tilespmem:$0xAD30] =	vst v56  }
0x3e0: {  	v59 =	vadd.s32 $0x4E20, v3;
	v5 =	vld.idx.msk [tilespmem:v2+s26+$0x0], $0xffff  }
0x3e1: {  	v60 =	vld.idx.msk [tilespmem:v3+s26+$0x0], $0xffff  }
0x3e2: {  	v6 =	vld.idx.msk [tilespmem:v57+s26+$0x0], $0xffff  }
0x3e3: {  	v4 =	vld.idx.msk [tilespmem:v58+s26+$0x0], $0xffff  }
0x3e4: {  	v1 =	vld.idx.msk [tilespmem:v1+s26+$0x0], $0xffff  }
0x3e5: {  	v7 =	vld.idx.msk [tilespmem:v59+s26+$0x0], $0xffff;
	_ =	sdelay $0x2  }
0x3e6: {  	v5 =	vsub.f32 v5, v60;
	v4 =	vsub.f32 v6, v4;
	_ =	sdelay $0x1  }
0x3e7: {  	v1 =	vsub.f32 v1, v7;
	v5 =	vmul.f32 v5, v5;
	v4 =	vmul.f32 v4, v4;
	_ =	sdelay $0x1  }
0x3e8: {  	v1 =	vmul.f32 v1, v1;
	v4 =	vadd.f32 v4, v5;
	_ =	sdelay $0x1  }
0x3e9: {  	v1 =	vadd.f32 v1, v4;
	_ =	sdelay $0x1  }
0x3ea: {  	v1 =	vadd.f32 $9.999999960e-13, v1;
	_ =	sdelay $0x1  }
0x3eb: {  	v61 =	vshra.s32 v1, $0x1;
	v62 =	vmul.f32 $5.000000000e-01, v1  }
0x3ec: {  	v4 =	vsub.s32 $0x5F3759DF, v61  }
0x3ed: {  	v63 =	vmul.f32 v4, v62;
	_ =	sdelay $0x1  }
0x3ee: {  	v6 =	vmul.f32 v4, v63;
	_ =	sdelay $0x1  }
0x3ef: {  	v6 =	vsub.f32 $1.500000000e+00, v6;
	_ =	sdelay $0x1  }
0x3f0: {  	v4 =	vmul.f32 v4, v6;
	_ =	sdelay $0x1  }
0x3f1: {  	v5 =	vmul.f32 v4, v62;
	_ =	sdelay $0x1  }
0x3f2: {  	v5 =	vmul.f32 v5, v4;
	_ =	sdelay $0x1  }
0x3f3: {  	v5 =	vsub.f32 $1.500000000e+00, v5;
	_ =	sdelay $0x1  }
0x3f4: {  	v4 =	vmul.f32 v5, v4;
	_ =	sdelay $0x1  }
0x3f5: {  	v1 =	vmul.f32 v4, v1;
	_ =	sdelay $0x1  }
0x3f6: {  	v1 =	vsub.f32 $0.0e+00, v1;
	_ =	sdelay $0x1  }
0x3f7: {  	v1 =	vmul.f32 $1.442695020e+00, v1;
	_ =	sdelay $0x1  }
0x3f8: {  	(erf) = vpow2.f32 v1;
	_ =	sdelay $0x2  }
0x3f9: {  	v1 =	vld.idx.msk [tilespmem:v2+s24+$0x0], $0xffff;
	_ =	sdelay $0x2  }
0x3fa: {  	v2 =	vmul.u32 $0x78, v3;
	_ =	sdelay $0x1  }
0x3fb: {  	v1 =	vadd.s32 v1, v2  }
0x3fc: {  	[tilespmem:$0xADC0] =	vst v1;
	v3 =	vpop (erf)  }
0x3fd: {  	s15 =	sadd.s32 $0x1, s15;
	[tilespmem:$0xAD40] =	vst v3  }
0x3fe: {  	[spmem:s4] =	stream.indirect.scatter.add.f32 [tilespmem:s0], [sflag:$0x1], $0x1, s31, s30, $0xb8;
	[tilespmem:$0x1F3F8] =	vst v63  }
0x3ff: {  	p0 =	sne.s32 s15, $0x5;
	_ =	swait.ge [sflag:s3], $0x50  }
.Ltmp2:
0x400: {  	[sflag:s3] =	ssyncset.done $0x0;
	(pc) =	sbr.rel @p0 .LBB2_4-.Ltmp2, $4  }
0x401: {  	[sflag:s3] =	ssyncadd.s32 $0xFFFFFFB0  }
0x402: {  	_ =	swait.ge [sflag:s10], $0x50  }
0x403: {  	[sflag:s10] =	ssyncset.done $0x0  }
0x404: {  	[sflag:s10] =	ssyncadd.s32 $0xFFFFFFB0  }
0x405: {  	[bflag:$0x0] =	sbarrier.arrive $0xFFFF  }
0x406: {  	[tilespmem:s23], [sflag:$0x5] =	stream.linear.gather [spmem:s8], $0xFA0, $0x38;
	[tilespmem:$0x1F3F8] =	vst v63  }
0x407: {  	_ =	swait.ge [sflag:s25], $0xFA0  }
0x408: {  	[sflag:s25] =	ssyncset.done $0x0  }
0x409: {  	s14 =	rddreg [dreg:$0x5];
	[sflag:s25] =	ssyncadd.s32 $0xFFFFF060  }
0x40a: {  	[hbm4b:s14+s5] =	stream.linear.scatter [tilespmem:s23], [sflag:$0x3], $0xFA0, $0x38;
	[tilespmem:$0x1F3F8] =	vst v63  }
0x40b: {  	_ = 	snop  }
0x40c: {  	[tilespmem:s11], [sflag:$0x5] =	stream.linear.gather [spmem:s20], $0xFA0, $0x38;
	[tilespmem:$0x1F3F8] =	vst v63  }
0x40d: {  	_ =	swait.ge [sflag:s25], $0xFA0  }
0x40e: {  	[sflag:s25] =	ssyncset.done $0x0  }
0x40f: {  	s18 =	rddreg [dreg:$0x6];
	[sflag:s25] =	ssyncadd.s32 $0xFFFFF060  }
0x410: {  	[hbm4b:s18+s5] =	stream.linear.scatter [tilespmem:s11], [sflag:$0x4], $0xFA0, $0x38;
	[tilespmem:$0x1F3F8] =	vst v63  }
0x411: {  	_ =	swait.ge [sflag:s28], $0xFA0  }
0x412: {  	[sflag:s28] =	ssyncset.done $0x0  }
0x413: {  	[sflag:s28] =	ssyncadd.s32 $0xFFFFF060  }
0x414: {  	[tilespmem:s23], [sflag:$0x5] =	stream.linear.gather [spmem:s21], $0xFA0, $0x38;
	[tilespmem:$0x1F3F8] =	vst v63  }
0x415: {  	_ =	swait.ge [sflag:s25], $0xFA0  }
0x416: {  	[sflag:s25] =	ssyncset.done $0x0  }
0x417: {  	s19 =	rddreg [dreg:$0x7];
	[sflag:s25] =	ssyncadd.s32 $0xFFFFF060  }
0x418: {  	[hbm4b:s19+s5] =	stream.linear.scatter [tilespmem:s23], [sflag:$0x3], $0xFA0, $0x38;
	[tilespmem:$0x1F3F8] =	vst v63  }
0x419: {  	_ =	swait.ge [sflag:s12], $0xFA0  }
0x41a: {  	[sflag:s12] =	ssyncset.done $0x0  }
0x41b: {  	[sflag:s12] =	ssyncadd.s32 $0xFFFFF060  }
0x41c: {  	[tilespmem:s11], [sflag:$0x5] =	stream.linear.gather [spmem:s22], $0xFA0, $0x38;
	[tilespmem:$0x1F3F8] =	vst v63  }
0x41d: {  	_ =	swait.ge [sflag:s25], $0xFA0  }
0x41e: {  	[sflag:s25] =	ssyncset.done $0x0  }
0x41f: {  	s16 =	smov.u32 s20;
	s20 =	rddreg [dreg:$0x8];
	[sflag:s25] =	ssyncadd.s32 $0xFFFFF060  }
0x420: {  	[hbm4b:s20+s5] =	stream.linear.scatter [tilespmem:s11], [sflag:$0x4], $0xFA0, $0x38;
	[tilespmem:$0x1F3F8] =	vst v63  }
0x421: {  	_ =	swait.ge [sflag:s28], $0xFA0  }
0x422: {  	[sflag:s28] =	ssyncset.done $0x0  }
0x423: {  	s19 =	rddreg [dreg:$0x19];
	[sflag:s28] =	ssyncadd.s32 $0xFFFFF060  }
0x424: {  	[tilespmem:s23], [sflag:$0x5] =	stream.linear.gather [spmem:s19], $0xFA0, $0x38;
	[tilespmem:$0x1F3F8] =	vst v63  }
0x425: {  	_ =	swait.ge [sflag:s25], $0xFA0  }
0x426: {  	[sflag:s25] =	ssyncset.done $0x0  }
0x427: {  	s17 =	smov.u32 s21;
	s21 =	rddreg [dreg:$0x9];
	[sflag:s25] =	ssyncadd.s32 $0xFFFFF060  }
0x428: {  	[hbm4b:s21+s5] =	stream.linear.scatter [tilespmem:s23], [sflag:$0x3], $0xFA0, $0x38;
	[tilespmem:$0x1F3F8] =	vst v63  }
0x429: {  	_ =	swait.ge [sflag:s12], $0xFA0  }
0x42a: {  	[sflag:s12] =	ssyncset.done $0x0  }
0x42b: {  	s18 =	smov.u32 s22;
	s22 =	rddreg [dreg:$0x1a];
	[sflag:s12] =	ssyncadd.s32 $0xFFFFF060  }
0x42c: {  	[tilespmem:s11], [sflag:$0x5] =	stream.linear.gather [spmem:s22], $0xFA0, $0x38;
	[tilespmem:$0x1F3F8] =	vst v63  }
0x42d: {  	_ =	swait.ge [sflag:s25], $0xFA0  }
0x42e: {  	[sflag:s25] =	ssyncset.done $0x0  }
0x42f: {  	s15 =	rddreg [dreg:$0xa];
	[sflag:s25] =	ssyncadd.s32 $0xFFFFF060  }
0x430: {  	[hbm4b:s15+s5] =	stream.linear.scatter [tilespmem:s11], [sflag:$0x4], $0xFA0, $0x38;
	[tilespmem:$0x1F3F8] =	vst v63  }
0x431: {  	_ =	swait.ge [sflag:s28], $0xFA0  }
0x432: {  	[sflag:s28] =	ssyncset.done $0x0  }
0x433: {  	s20 =	rddreg [dreg:$0x1b];
	[sflag:s28] =	ssyncadd.s32 $0xFFFFF060  }
0x434: {  	[tilespmem:s23], [sflag:$0x5] =	stream.linear.gather [spmem:s20], $0xFA0, $0x38;
	[tilespmem:$0x1F3F8] =	vst v63  }
0x435: {  	_ =	swait.ge [sflag:s25], $0xFA0  }
0x436: {  	[sflag:s25] =	ssyncset.done $0x0  }
0x437: {  	s21 =	rddreg [dreg:$0xb];
	[sflag:s25] =	ssyncadd.s32 $0xFFFFF060  }
0x438: {  	[hbm4b:s21+s5] =	stream.linear.scatter [tilespmem:s23], [sflag:$0x3], $0xFA0, $0x38;
	[tilespmem:$0x1F3F8] =	vst v63  }
0x439: {  	_ =	swait.ge [sflag:s12], $0xFA0  }
0x43a: {  	[sflag:s12] =	ssyncset.done $0x0  }
0x43b: {  	s22 =	rddreg [dreg:$0x1c];
	[sflag:s12] =	ssyncadd.s32 $0xFFFFF060  }
0x43c: {  	[tilespmem:s11], [sflag:$0x5] =	stream.linear.gather [spmem:s22], $0xFA0, $0x38;
	[tilespmem:$0x1F3F8] =	vst v63  }
0x43d: {  	_ =	swait.ge [sflag:s25], $0xFA0  }
0x43e: {  	[sflag:s25] =	ssyncset.done $0x0  }
0x43f: {  	s15 =	rddreg [dreg:$0xc];
	[sflag:s25] =	ssyncadd.s32 $0xFFFFF060  }
0x440: {  	[hbm4b:s15+s5] =	stream.linear.scatter [tilespmem:s11], [sflag:$0x4], $0xFA0, $0x38;
	[tilespmem:$0x1F3F8] =	vst v63  }
0x441: {  	_ =	swait.ge [sflag:s28], $0xFA0  }
0x442: {  	[sflag:s28] =	ssyncset.done $0x0  }
0x443: {  	s20 =	rddreg [dreg:$0x1d];
	[sflag:s28] =	ssyncadd.s32 $0xFFFFF060  }
0x444: {  	[tilespmem:s23], [sflag:$0x5] =	stream.linear.gather [spmem:s20], $0xFA0, $0x38;
	[tilespmem:$0x1F3F8] =	vst v63  }
0x445: {  	_ =	swait.ge [sflag:s25], $0xFA0  }
0x446: {  	[sflag:s25] =	ssyncset.done $0x0  }
0x447: {  	s21 =	rddreg [dreg:$0xd];
	[sflag:s25] =	ssyncadd.s32 $0xFFFFF060  }
0x448: {  	[hbm4b:s21+s5] =	stream.linear.scatter [tilespmem:s23], [sflag:$0x3], $0xFA0, $0x38;
	[tilespmem:$0x1F3F8] =	vst v63  }
0x449: {  	_ =	swait.ge [sflag:s12], $0xFA0  }
0x44a: {  	[sflag:s12] =	ssyncset.done $0x0  }
0x44b: {  	s22 =	rddreg [dreg:$0x1e];
	[sflag:s12] =	ssyncadd.s32 $0xFFFFF060  }
0x44c: {  	[tilespmem:s11], [sflag:$0x5] =	stream.linear.gather [spmem:s22], $0xFA0, $0x38;
	[tilespmem:$0x1F3F8] =	vst v63  }
0x44d: {  	_ =	swait.ge [sflag:s25], $0xFA0  }
0x44e: {  	[sflag:s25] =	ssyncset.done $0x0  }
0x44f: {  	s15 =	rddreg [dreg:$0xe];
	[sflag:s25] =	ssyncadd.s32 $0xFFFFF060  }
0x450: {  	[hbm4b:s15+s5] =	stream.linear.scatter [tilespmem:s11], [sflag:$0x4], $0xFA0, $0x38;
	[tilespmem:$0x1F3F8] =	vst v63  }
0x451: {  	_ =	swait.ge [sflag:s28], $0xFA0  }
0x452: {  	[sflag:s28] =	ssyncset.done $0x0  }
0x453: {  	s20 =	rddreg [dreg:$0x1f];
	[sflag:s28] =	ssyncadd.s32 $0xFFFFF060  }
0x454: {  	[tilespmem:s23], [sflag:$0x5] =	stream.linear.gather [spmem:s20], $0xFA0, $0x38;
	[tilespmem:$0x1F3F8] =	vst v63  }
0x455: {  	_ =	swait.ge [sflag:s25], $0xFA0  }
0x456: {  	[sflag:s25] =	ssyncset.done $0x0  }
0x457: {  	s21 =	rddreg [dreg:$0xf];
	[sflag:s25] =	ssyncadd.s32 $0xFFFFF060  }
0x458: {  	[hbm4b:s21+s5] =	stream.linear.scatter [tilespmem:s23], [sflag:$0x3], $0xFA0, $0x38;
	[tilespmem:$0x1F3F8] =	vst v63  }
0x459: {  	_ =	swait.ge [sflag:s12], $0xFA0  }
0x45a: {  	s22 =	sld [smem:$0x7F6]  }
0x45b: {  	[sflag:s12] =	ssyncset.done $0x0  }
0x45c: {  	[sflag:s12] =	ssyncadd.s32 $0xFFFFF060  }
0x45d: {  	[tilespmem:s11], [sflag:$0x5] =	stream.linear.gather [spmem:s22], $0xFA0, $0x38;
	[tilespmem:$0x1F3F8] =	vst v63  }
0x45e: {  	_ =	swait.ge [sflag:s25], $0xFA0  }
0x45f: {  	[sflag:s25] =	ssyncset.done $0x0  }
0x460: {  	s15 =	rddreg [dreg:$0x10];
	[sflag:s25] =	ssyncadd.s32 $0xFFFFF060  }
0x461: {  	[hbm4b:s15+s5] =	stream.linear.scatter [tilespmem:s11], [sflag:$0x4], $0xFA0, $0x38;
	[tilespmem:$0x1F3F8] =	vst v63  }
0x462: {  	_ =	swait.ge [sflag:s28], $0xFA0  }
0x463: {  	s20 =	sld [smem:$0x7F7]  }
0x464: {  	[sflag:s28] =	ssyncset.done $0x0  }
0x465: {  	[sflag:s28] =	ssyncadd.s32 $0xFFFFF060  }
0x466: {  	[tilespmem:s23], [sflag:$0x5] =	stream.linear.gather [spmem:s20], $0xFA0, $0x38;
	[tilespmem:$0x1F3F8] =	vst v63  }
0x467: {  	_ =	swait.ge [sflag:s25], $0xFA0  }
0x468: {  	[sflag:s25] =	ssyncset.done $0x0  }
0x469: {  	s21 =	rddreg [dreg:$0x11];
	[sflag:s25] =	ssyncadd.s32 $0xFFFFF060  }
0x46a: {  	[hbm4b:s21+s5] =	stream.linear.scatter [tilespmem:s23], [sflag:$0x3], $0xFA0, $0x38;
	[tilespmem:$0x1F3F8] =	vst v63  }
0x46b: {  	_ =	swait.ge [sflag:s12], $0xFA0  }
0x46c: {  	s22 =	sld [smem:$0x7F8]  }
0x46d: {  	[sflag:s12] =	ssyncset.done $0x0  }
0x46e: {  	[sflag:s12] =	ssyncadd.s32 $0xFFFFF060  }
0x46f: {  	[tilespmem:s11], [sflag:$0x5] =	stream.linear.gather [spmem:s22], $0xFA0, $0x38;
	[tilespmem:$0x1F3F8] =	vst v63  }
0x470: {  	_ =	swait.ge [sflag:s25], $0xFA0  }
0x471: {  	[sflag:s25] =	ssyncset.done $0x0  }
0x472: {  	s15 =	rddreg [dreg:$0x12];
	[sflag:s25] =	ssyncadd.s32 $0xFFFFF060  }
0x473: {  	[hbm4b:s15+s5] =	stream.linear.scatter [tilespmem:s11], [sflag:$0x4], $0xFA0, $0x38;
	[tilespmem:$0x1F3F8] =	vst v63  }
0x474: {  	_ =	swait.ge [sflag:s28], $0xFA0  }
0x475: {  	s20 =	sld [smem:$0x7F9]  }
0x476: {  	[sflag:s28] =	ssyncset.done $0x0  }
0x477: {  	[sflag:s28] =	ssyncadd.s32 $0xFFFFF060  }
0x478: {  	[tilespmem:s23], [sflag:$0x5] =	stream.linear.gather [spmem:s20], $0xFA0, $0x38;
	[tilespmem:$0x1F3F8] =	vst v63  }
0x479: {  	_ =	swait.ge [sflag:s25], $0xFA0  }
0x47a: {  	[sflag:s25] =	ssyncset.done $0x0  }
0x47b: {  	s21 =	rddreg [dreg:$0x13];
	[sflag:s25] =	ssyncadd.s32 $0xFFFFF060  }
0x47c: {  	[hbm4b:s21+s5] =	stream.linear.scatter [tilespmem:s23], [sflag:$0x3], $0xFA0, $0x38;
	[tilespmem:$0x1F3F8] =	vst v63  }
0x47d: {  	_ =	swait.ge [sflag:s12], $0xFA0  }
0x47e: {  	s22 =	sld [smem:$0x7FA]  }
0x47f: {  	[sflag:s12] =	ssyncset.done $0x0  }
0x480: {  	[sflag:s12] =	ssyncadd.s32 $0xFFFFF060  }
0x481: {  	[tilespmem:s11], [sflag:$0x5] =	stream.linear.gather [spmem:s22], $0xFA0, $0x38;
	[tilespmem:$0x1F3F8] =	vst v63  }
0x482: {  	_ =	swait.ge [sflag:s25], $0xFA0  }
0x483: {  	[sflag:s25] =	ssyncset.done $0x0  }
0x484: {  	s15 =	rddreg [dreg:$0x14];
	[sflag:s25] =	ssyncadd.s32 $0xFFFFF060  }
0x485: {  	[hbm4b:s15+s5] =	stream.linear.scatter [tilespmem:s11], [sflag:$0x4], $0xFA0, $0x38;
	[tilespmem:$0x1F3F8] =	vst v63  }
0x486: {  	_ =	swait.ge [sflag:s28], $0xFA0  }
0x487: {  	s20 =	sld [smem:$0x7FB]  }
0x488: {  	[sflag:s28] =	ssyncset.done $0x0  }
0x489: {  	[sflag:s28] =	ssyncadd.s32 $0xFFFFF060  }
0x48a: {  	[tilespmem:s23], [sflag:$0x5] =	stream.linear.gather [spmem:s20], $0xFA0, $0x38;
	[tilespmem:$0x1F3F8] =	vst v63  }
0x48b: {  	_ =	swait.ge [sflag:s25], $0xFA0  }
0x48c: {  	[sflag:s25] =	ssyncset.done $0x0  }
0x48d: {  	s21 =	rddreg [dreg:$0x15];
	[sflag:s25] =	ssyncadd.s32 $0xFFFFF060  }
0x48e: {  	[hbm4b:s21+s5] =	stream.linear.scatter [tilespmem:s23], [sflag:$0x3], $0xFA0, $0x38;
	[tilespmem:$0x1F3F8] =	vst v63  }
0x48f: {  	_ =	swait.ge [sflag:s12], $0xFA0  }
0x490: {  	s22 =	sld [smem:$0x7FC]  }
0x491: {  	[sflag:s12] =	ssyncset.done $0x0  }
0x492: {  	[sflag:s12] =	ssyncadd.s32 $0xFFFFF060  }
0x493: {  	[tilespmem:s11], [sflag:$0x5] =	stream.linear.gather [spmem:s22], $0xFA0, $0x38;
	[tilespmem:$0x1F3F8] =	vst v63  }
0x494: {  	_ =	swait.ge [sflag:s25], $0xFA0  }
0x495: {  	[sflag:s25] =	ssyncset.done $0x0  }
0x496: {  	s15 =	rddreg [dreg:$0x16];
	[sflag:s25] =	ssyncadd.s32 $0xFFFFF060  }
0x497: {  	[hbm4b:s15+s5] =	stream.linear.scatter [tilespmem:s11], [sflag:$0x4], $0xFA0, $0x38;
	[tilespmem:$0x1F3F8] =	vst v63  }
0x498: {  	_ =	swait.ge [sflag:s28], $0xFA0  }
0x499: {  	s20 =	sld [smem:$0x7FD]  }
0x49a: {  	[sflag:s28] =	ssyncset.done $0x0  }
0x49b: {  	[sflag:s28] =	ssyncadd.s32 $0xFFFFF060  }
0x49c: {  	[tilespmem:s23], [sflag:$0x5] =	stream.linear.gather [spmem:s20], $0xBB8, $0x38;
	[tilespmem:$0x1F3F8] =	vst v63  }
0x49d: {  	_ =	swait.ge [sflag:s25], $0xBB8  }
0x49e: {  	[sflag:s25] =	ssyncset.done $0x0  }
0x49f: {  	s21 =	rddreg [dreg:$0x17];
	[sflag:s25] =	ssyncadd.s32 $0xFFFFF448  }
0x4a0: {  	[hbm4b:s21+s5] =	stream.linear.scatter [tilespmem:s23], [sflag:$0x3], $0xBB8, $0x38;
	[tilespmem:$0x1F3F8] =	vst v63  }
0x4a1: {  	_ =	swait.ge [sflag:s12], $0xFA0  }
0x4a2: {  	[sflag:s12] =	ssyncset.done $0x0  }
0x4a3: {  	[sflag:s12] =	ssyncadd.s32 $0xFFFFF060  }
0x4a4: {  	_ =	swait.ge [sflag:s28], $0xBB8  }
0x4a5: {  	s13 =	sadd.s32 $0x1, s13;
	s22 =	rddreg [dreg:$0x18]  }
0x4a6: {  	p0 =	sne.s32 s13, s22  }
.Ltmp3:
0x4a7: {  	_ = 	snop;
	(pc) =	sbr.rel @p0 .LBB2_1-.Ltmp3, $3  }
0x4a8: {  	_ =	sdelay $0x1  }
0x4a9: {  	[sflag:s28] =	ssyncset.done $0x0  }
0x4aa: {  	[sflag:s28] =	ssyncadd.s32 $0xFFFFF448  }
0x4ab: {  	_ =	sfence.sel $0x180000  }
0x4ac: {  	[bflag:$0x0] =	sbarrier.arrive $0xFFFF  }
0x4ad: {  	_ =	strace $0x90000047  }
0x4ae: {  	s0 =	stileid.u32;
	[bflag:$0x2] =	sbarrier.arrive $0xFFFF  }
0x4af: {  	p0 =	sne.s32 s0, $0x0;
	s0 =	rddreg [dreg:$0x4]  }
0x4b0: {  	s0 =	sadd.s32 @!p0 $0x100000, s0  }
0x4b1: {  	[sflag:s0] =	ssyncadd.tile.s32 @!p0 $0x1;
	_ =	shalt  }
.Lfunc_end2:
_tile_overlayer_lowered:
.L_overlay_start_2:
0x4b2: {  	(tag) =	ssettag $0x2  }
0x4b3: {  	s0 =	rddreg [dreg:$0x0];
	s2 =	stileid.u32  }
0x4b4: {  	s1 =	rddreg [dreg:$0x1];
	p0 =	sne.s32 s2, $0x0  }
0x4b5: {  	s3 =	rddreg [dreg:$0x2];
	[bflag:$0x3] =	sbarrier.arrive $0xFFFF;
	s2 =	simm.s32 @!p0 $0x1C05  }
0x4b6: {  	[timem:s3], [sflag:s2] =	dma.local @!p0 [hbm:s0], s1  }
0x4b7: {  	s0 =	simm.s32 @!p0 $0x5  }
0x4b8: {  	_ =	swait.ge @!p0 [sflag:s0], s1  }
0x4b9: {  	s1 =	ssub.s32 @!p0 $0x0, s1;
	[sflag:s0] =	ssyncset.done @!p0 $0x0  }
0x4ba: {  	[sflag:s0] =	ssyncadd.s32 @!p0 s1  }
0x4bb: {  	[bflag:$0x3] =	sbarrier.arrive $0xFFFF  }
0x4bc: {  	_ =	shalt  }

// kernel: kernel.9.cloned.1.call-start
scs
__scs_entry_jumppad:
0x0: {  	(pc) =	sbr.rel $0x88, $3  }
0x1: {  	(tag) =	ssettag $0x0;
	lr =	simm.s32 $0x1  }
0x2: {  	[smem:$0x3F89] =	sst lr;
	_ =	strace $0xD0000000  }
0x3: {  	_ = 	snop  }
0x4: {  	_ = 	snop  }
0x5: {  	_ = 	snop  }
0x6: {  	_ = 	snop  }
0x7: {  	_ = 	snop  }
__scs_overlays_trampoline_lowered:
0x8: {  	[smem:$0x3F98] =	sst s0  }
0x9: {  	[smem:$0x3F99] =	sst s1  }
0xa: {  	[smem:$0x3F9A] =	sst s2  }
0xb: {  	[smem:$0x3F9B] =	sst s3  }
0xc: {  	[smem:$0x3F9C] =	sst s4  }
0xd: {  	[smem:$0x3F9D] =	sst s5  }
0xe: {  	[smem:$0x3F9E] =	sst s6  }
0xf: {  	[smem:$0x3F9F] =	sst s7  }
0x10: {  	[smem:$0x3FA0] =	sst s8  }
0x11: {  	[smem:$0x3FA1] =	sst s9;
	s0 =	simm.s32 @!p0 $0x0  }
0x12: {  	s1 =	sld [smem:$0x3F87];
	s0 =	simm.s32 @p0 $0x1  }
0x13: {  	[smem:$0x3FA2] =	sst s0;
	s0 =	simm.s32 @!p1 $0x0  }
0x14: {  	s2 =	sld [smem:$0x3F86];
	s0 =	simm.s32 @p1 $0x1  }
0x15: {  	[smem:$0x3FA3] =	sst s0;
	s0 =	simm.s32 @!p2 $0x0  }
0x16: {  	s3 =	sld [smem:$0x3FDB];
	s0 =	simm.s32 @p2 $0x1  }
0x17: {  	s4 =	simm.s32 $0x1BF5;
	[smem:$0x3FA5] =	sst s0  }
0x18: {  	s0 =	sld [smem:$0x3F88];
	_ =	swait.ge [sflag:s4], $0x0  }
0x19: {  	s7 =	sld [smem:$0x3F89]  }
0x1a: {  	s8 =	sadd.s32 $0xFFFFE003, lr  }
0x1b: {  	s9 =	sadd.s32 $0xFFFFFEF7, lr;
	s5 =	simm.s32 $0xFFFFFFFF;
	p2 =	slt.u32 s8, $0xFFFFF086  }
0x1c: {  	p1 =	slt.u32 s9, $0xF7A;
	s5 =	simm.s32 @!p2 $0x0  }
0x1d: {  	s5 =	simm.s32 @p1 $0x1;
	p0 =	seq.s32 s7, s2  }
0x1e: {  	s7 =	smul.u32 @!p0 $0xF7A, s2;
	p2 =	seq.s32 @!p0 s5, $0x0  }
0x1f: {  	s9 =	smul.u32 $0xF7A, s1;
	s8 =	simm.s32 @!p0 $0x1BF5;
	p2 =	por !p2, p0  }
0x20: {  	[sflag:s8] =	ssyncset.s32 @!p0 $0xFFFFF086;
	s6 =	sadd.s32 @!p0 s3, s7;
	s7 =	simm.s32 @!p0 $0x108  }
0x21: {  	s3 =	sadd.s32 s3, s9;
	s6 =	sadd.s32 @!p0 $0x88, s6;
	s7 =	simm.s32 @p2 $0x1082  }
0x22: {  	[simem:s7], [sflag:s8] =	dma.local @!p0 [hbm:s6], $0xF7A  }
0x23: {  	s9 =	sor.u32 $0xD0000000, s2;
	s6 =	simm.s32 $0x108;
	_ =	swait.ge @!p0 [sflag:s8], $0x0  }
0x24: {  	s3 =	sadd.s32 $0x88, s3;
	s6 =	simm.s32 @!p1 $0x1082;
	[sflag:s4] =	ssyncset.s32 $0xFFFFF086  }
0x25: {  	[simem:s6], [sflag:s4] =	dma.local [hbm:s3], $0xF7A  }
0x26: {  	[smem:$0x3F89] =	sst s1;
	(tag) =	ssettag s2;
	_ =	strace s9  }
0x27: {  	s1 =	sld [smem:$0x3F99]  }
0x28: {  	s2 =	sld [smem:$0x3F9A]  }
0x29: {  	s4 =	sld [smem:$0x3F9C]  }
0x2a: {  	p0 =	seq.s32 s5, $0x0;
	s5 =	sld [smem:$0x3F9D]  }
0x2b: {  	s6 =	sld [smem:$0x3F9E]  }
0x2c: {  	s7 =	sld [smem:$0x3F9F]  }
0x2d: {  	s3 =	simm.s32 $0x108;
	s8 =	sld [smem:$0x3FA0]  }
0x2e: {  	s3 =	simm.s32 @!p0 $0x1082;
	s9 =	sld [smem:$0x3FA1]  }
0x2f: {  	lr =	sadd.s32 s0, s3;
	s0 =	sld [smem:$0x3F98]  }
0x30: {  	s3 =	sld [smem:$0x3F9B]  }
0x31: {  	[smem:$0x3FA4] =	sst s10  }
0x32: {  	s10 =	sld [smem:$0x3FA2];
	_ =	sdelay $0x3  }
0x33: {  	p0 =	seq.s32 s10, $0x1;
	s10 =	sld [smem:$0x3FA4];
	_ =	sdelay $0x3  }
0x34: {  	[smem:$0x3FA4] =	sst s10  }
0x35: {  	s10 =	sld [smem:$0x3FA3];
	_ =	sdelay $0x3  }
0x36: {  	p1 =	seq.s32 s10, $0x1;
	s10 =	sld [smem:$0x3FA4];
	_ =	sdelay $0x3  }
0x37: {  	[smem:$0x3FA4] =	sst s10  }
0x38: {  	s10 =	sld [smem:$0x3FA5]  }
0x39: {  	_ = 	snop;
	(pc) =	sbr.ind lr, $3  }
0x3a: {  	_ = 	snop  }
0x3b: {  	_ = 	snop  }
0x3c: {  	p2 =	seq.s32 s10, $0x1;
	s10 =	sld [smem:$0x3FA4]  }
0x3d: {  	_ =	shalt  }
0x3e: {  	_ =	shalt  }
0x3f: {  	_ =	shalt  }
0x40: {  	_ =	shalt  }
0x41: {  	_ =	shalt  }
0x42: {  	_ =	shalt  }
0x43: {  	_ =	shalt  }
0x44: {  	_ =	shalt  }
0x45: {  	_ =	shalt  }
0x46: {  	_ =	shalt  }
0x47: {  	_ =	shalt  }
0x48: {  	_ =	shalt  }
0x49: {  	_ =	shalt  }
0x4a: {  	_ =	shalt  }
0x4b: {  	_ =	shalt  }
0x4c: {  	_ =	shalt  }
0x4d: {  	_ =	shalt  }
0x4e: {  	_ =	shalt  }
0x4f: {  	_ =	shalt  }
0x50: {  	_ =	shalt  }
0x51: {  	_ =	shalt  }
0x52: {  	_ =	shalt  }
0x53: {  	_ =	shalt  }
0x54: {  	_ =	shalt  }
0x55: {  	_ =	shalt  }
0x56: {  	_ =	shalt  }
0x57: {  	_ =	shalt  }
0x58: {  	_ =	shalt  }
0x59: {  	_ =	shalt  }
0x5a: {  	_ =	shalt  }
0x5b: {  	_ =	shalt  }
0x5c: {  	_ =	shalt  }
0x5d: {  	_ =	shalt  }
0x5e: {  	_ =	shalt  }
0x5f: {  	_ =	shalt  }
0x60: {  	_ =	shalt  }
0x61: {  	_ =	shalt  }
0x62: {  	_ =	shalt  }
0x63: {  	_ =	shalt  }
0x64: {  	_ =	shalt  }
0x65: {  	_ =	shalt  }
0x66: {  	_ =	shalt  }
0x67: {  	_ =	shalt  }
0x68: {  	_ =	shalt  }
0x69: {  	_ =	shalt  }
0x6a: {  	_ =	shalt  }
0x6b: {  	_ =	shalt  }
0x6c: {  	_ =	shalt  }
0x6d: {  	_ =	shalt  }
0x6e: {  	_ =	shalt  }
0x6f: {  	_ =	shalt  }
0x70: {  	_ =	shalt  }
0x71: {  	_ =	shalt  }
0x72: {  	_ =	shalt  }
0x73: {  	_ =	shalt  }
0x74: {  	_ =	shalt  }
0x75: {  	_ =	shalt  }
0x76: {  	_ =	shalt  }
0x77: {  	_ =	shalt  }
0x78: {  	_ =	shalt  }
0x79: {  	_ =	shalt  }
0x7a: {  	_ =	shalt  }
0x7b: {  	_ =	shalt  }
0x7c: {  	_ =	shalt  }
0x7d: {  	_ =	shalt  }
0x7e: {  	_ =	shalt  }
0x7f: {  	_ =	shalt  }
0x80: {  	_ =	shalt  }
0x81: {  	_ =	shalt  }
0x82: {  	_ =	shalt  }
0x83: {  	_ =	shalt  }
0x84: {  	_ =	shalt  }
0x85: {  	_ =	shalt  }
0x86: {  	_ =	shalt  }
0x87: {  	_ =	shalt  }
.Lfunc_end0:
.L_simem_size_0:
called_computation.1_lowered:
.L_overlay_start_0:
0x88: {  	s2 =	sld [smem:$0x3FD9]  }
0x89: {  	s3 =	sld [smem:$0x3FFE];
	_ =	sdelay $0x1  }
0x8a: {  	s1 =	srdreg.scid  }
0x8b: {  	s0 =	sand.u32 $0x1, s1  }
0x8c: {  	s14 =	sshll.u32 s0, $0xA;
	s2 =	sadd.s32 s3, s2  }
0x8d: {  	s2 =	sadd.s32 s2, s14  }
0x8e: {  	[smem:$0x3FB0] =	sst s2  }
0x8f: {  	_ = 	snop  }
0x90: {  	s2 =	sld [smem:$0x3FD0];
	_ =	sdelay $0x2  }
0x91: {  	s15 =	simm.s32 $0xA;
	s4 =	simm.s32 $0x10  }
0x92: {  	[smem:s4], [sflag:s15] =	dma.local [hbm:s2], $0x1  }
0x93: {  	_ =	swait.eq [sflag:s15], $0x1  }
0x94: {  	[sflag:s15] =	ssyncset.done $0x0  }
0x95: {  	[sflag:s15] =	ssyncadd.s32 $0xFFFFFFFF  }
0x96: {  	s16 =	sld [smem:$0x11];
	(tm) =	ssettm $0x1  }
0x97: {  	s17 =	sld [smem:$0x3FFB];
	_ =	sdelay $0x3  }
0x98: {  	_ =	strace s17  }
0x99: {  	s3 =	sld [smem:$0x3FFC];
	_ =	sdelay $0x3  }
0x9a: {  	_ =	strace s3  }
0x9b: {  	s3 =	sld [smem:$0x3FFD];
	_ =	sdelay $0x3  }
0x9c: {  	_ =	strace s3  }
0x9d: {  	_ =	strace $0x8FFFFFFF  }
0x9e: {  	s18 =	sld [smem:$0x3FDB];
	_ =	sdelay $0x1  }
0x9f: {  	s19 =	simm.s32 $_scs_section_size  }
0xa0: {  	s5 =	simm.s32 $_size__tile_overlayer_lowered;
	s6 =	simm.s32 $_tile_overlayer_lowered  }
0xa1: {  	s22 =	simm.s32 $0x1BFF;
	s21 =	sshll.u32 s6, $0x1;
	s3 =	sadd.s32 s19, s18  }
0xa2: {  	s7 =	simm.s32 $0x0;
	s20 =	sshll.u32 s5, $0x1;
	s5 =	sadd.s32 s21, s3  }
0xa3: {  	[timem:s7], [sflag:s22] =	dma.local [hbm:s5], s20  }
0xa4: {  	_ =	swait.ge [sflag:s22], s20  }
0xa5: {  	s4 =	ssub.s32 $0x0, s20;
	[sflag:s22] =	ssyncset.done $0x0  }
0xa6: {  	[sflag:s22] =	ssyncadd.s32 s4;
	_ =	sdelay $0x1  }
0xa7: {  	s23 =	simm.s32 $0x1B8B  }
0xa8: {  	_ =	swait.ge [sflag:s23], $0x1  }
0xa9: {  	[sflag:s23] =	ssyncset.done $0x0  }
0xaa: {  	s25 =	simm.s32 $0x1B8E;
	s24 =	sld [smem:$0x3FFE];
	[sflag:s23] =	ssyncadd.s32 $0xFFFFFFFF  }
0xab: {  	s26 =	simm.s32 $execute0_lowered;
	[smem:$0x3FD2] =	sst s25  }
0xac: {  	s5 =	sshll.u32 s26, $0x1;
	_ =	strace $0x80000049;
	[dreg:$0x1] =	wrdreg $0xFFFFFFFF  }
0xad: {  	s28 =	simm.s32 $_size_execute0_lowered;
	s3 =	sadd.s32 s3, s5;
	[dreg:$0x0] =	wrdreg $0x0  }
0xae: {  	s5 =	sshll.u32 s28, $0x1;
	[dreg:$0x2] =	wrdreg s3  }
0xaf: {  	[dreg:$0x3] =	wrdreg s5  }
0xb0: {  	[dreg:$0x4] =	wrdreg $0xC0  }
0xb1: {  	_ =	task [dreg:s7], $0x5FFFF  }
0xb2: {  	[dreg:$0x1] =	wrdreg $0xFFFFFFFF  }
0xb3: {  	[dreg:$0x0] =	wrdreg $0x60  }
0xb4: {  	[dreg:$0x2] =	wrdreg s16  }
0xb5: {  	[dreg:$0x3] =	wrdreg s24  }
0xb6: {  	[dreg:$0x4] =	wrdreg $0x9F800  }
0xb7: {  	[dreg:$0x5] =	wrdreg $0x9  }
0xb8: {  	_ =	task.clear_ibuf [dreg:s7], $0x6FFFF;
	_ =	strace $0x90000049  }
0xb9: {  	s29 =	simm.s32 $0x9;
	_ =	strace $0x8000004B  }
0xba: {  	_ =	swait.ge [sflag:s29], $0x1  }
0xbb: {  	[sflag:s29] =	ssyncadd.s32 $0xFFFFFFFF  }
0xbc: {  	_ =	strace $0x9000004B  }
0xbd: {  	_ =	sfence  }
0xbe: {  	s30 =	sld [smem:$0x0];
	_ =	sdelay $0x2  }
0xbf: {  	s31 =	sshll.u32 s1, $0xD;
	s1 =	sshrl.u32 s1, $0x2  }
0xc0: {  	s3 =	sand.u32 $0x4000, s31;
	s1 =	sadd.s32 s1, s30  }
0xc1: {  	s0 =	sor.u32 s3, s0;
	s1 =	sshll.u32 s1, $0x11  }
0xc2: {  	s0 =	sor.u32 s1, s0  }
0xc3: {  	s0 =	sadd.s32 $0x8F2B, s0  }
0xc4: {  	[sflag:s0] =	ssyncadd.remote.s32 $0x1  }
0xc5: {  	_ =	sfence.sel $0xFFFF  }
0xc6: {  	[dreg:$0x0] =	wrdreg $0xFFFFFFFF;
	(pc) =	sbr.abs _section_cstart, $3  }
0xc7: {  	[dreg:$0x1] =	wrdreg $0xFFFFFFFF  }
0xc8: {  	_ =	task.clear_ibuf [dreg:s7], $0x2FFFF;
	_ =	strace $0x9FFFFFFF  }
0xc9: {  	(tm) =	ssettm $0x7FFFFFFF  }
tec
execute0_lowered:
.L_overlay_start_1:
0x0: {  	(tag) =	ssettag $0x1  }
0x1: {  	s1 =	rddreg [dreg:$0x0]  }
0x2: {  	s0 =	rddreg [dreg:$0x1];
	s2 =	srdreg.scid  }
0x3: {  	s7 =	stileid.u32;
	s3 =	rddreg [dreg:$0x2];
	s4 =	simm.s32 $0x0  }
0x4: {  	s28 =	simm.s32 $0x3;
	s29 =	simm.s32 $0x50;
	s30 =	simm.s32 $0x7780  }
0x5: {  	s31 =	simm.s32 $0x1;
	s2 =	sand.u32 $0x1, s2;
	s6 =	smul.u32 $0x50000, s7  }
0x6: {  	s5 =	sshll.u32 s7, $0x1;
	[smem:$0x7FF] =	sst s4;
	s14 =	smul.u32 $0x14000, s7  }
0x7: {  	s5 =	sor.u32 s2, s5;
	s11 =	ssub.s32 $0x2, s2;
	s2 =	smul.u32 $0x140000, s2  }
0x8: {  	_ =	strace $0x8000004A;
	s5 =	smul.u32 $0x4E2, s5;
	s12 =	sshrl.u32 s11, $0x1  }
0x9: {  	s6 =	sshrl.u32 s6, $0x2;
	s16 =	sor.u32 $0x2800, s14;
	s17 =	sadd.s32 $0x5000, s14  }
0xa: {  	s18 =	sadd.s32 $0x7800, s14;
	s19 =	sadd.s32 $0xA000, s14;
	s20 =	sadd.s32 $0xC800, s14  }
0xb: {  	s21 =	sadd.s32 $0xF000, s14;
	s22 =	sadd.s32 $0x11800, s14;
	s15 =	ssub.s32 s11, s12  }
0xc: {  	s7 =	sadd.s32 s17, s3;
	s8 =	sadd.s32 s18, s3;
	s9 =	sadd.s32 s19, s3  }
0xd: {  	s10 =	sadd.s32 s20, s3;
	s11 =	sadd.s32 s21, s3;
	s12 =	sadd.s32 s22, s3  }
0xe: {  	s14 =	sadd.s32 s14, s2;
	s17 =	sadd.s32 s2, s17;
	s18 =	sadd.s32 s2, s18  }
0xf: {  	s19 =	sadd.s32 s2, s19;
	s25 =	sadd.s32 s2, s20;
	s26 =	sadd.s32 s2, s21  }
0x10: {  	s13 =	sadd.s32 s5, s0;
	s0 =	sadd.s32 $0x17000, s0;
	s5 =	sadd.s32 s6, s3  }
0x11: {  	s6 =	sadd.s32 s16, s3;
	s14 =	sshrl.u32 s14, $0x3;
	s16 =	sadd.s32 s2, s16  }
0x12: {  	s24 =	sshrl.u32 s19, $0x3;
	s2 =	sadd.s32 s2, s22;
	s23 =	sadd.s32 $0xD200, s13  }
0x13: {  	s13 =	sadd.s32 $0x3400, s13;
	s14 =	sadd.s32 s0, s14;
	[dreg:$0x4] =	wrdreg s23  }
0x14: {  	s16 =	sshrl.u32 s16, $0x3;
	s19 =	sadd.s32 s0, s24;
	[dreg:$0x5] =	wrdreg s13  }
0x15: {  	s2 =	sshrl.u32 s2, $0x3;
	s24 =	simm.s32 $0x4F80;
	[dreg:$0x6] =	wrdreg s14  }
0x16: {  	s13 =	sadd.s32 s0, s16;
	s14 =	sshrl.u32 s18, $0x3;
	s22 =	sadd.s32 s0, s2  }
0x17: {  	s2 =	simm.s32 $0x4F00;
	[dreg:$0x7] =	wrdreg s13;
	s13 =	sshrl.u32 s17, $0x3  }
0x18: {  	s23 =	sadd.s32 s0, s14;
	s14 =	sshrl.u32 s26, $0x3;
	s26 =	simm.s32 $0x0  }
0x19: {  	s13 =	sadd.s32 s0, s13;
	[dreg:$0x9] =	wrdreg s23;
	s21 =	sadd.s32 s0, s14  }
0x1a: {  	s23 =	smax.u32 s15, $0x1;
	[dreg:$0x8] =	wrdreg s13;
	s13 =	sshrl.u32 s25, $0x3  }
0x1b: {  	v0 =	vimm.f32 $0.0e+00;
	s25 =	simm.s32 $0x4;
	s20 =	sadd.s32 s0, s13;
	s0 =	simm.s32 $0x2  }
.LBB2_1:
0x1c: {  	s13 =	sand.u32 $0xFE00, s4  }
0x1d: {  	s14 =	sand.u32 $0x70, s4;
	s15 =	sshrl.u32 s13, $0x2  }
0x1e: {  	s13 =	simm.s32 $0x40;
	s15 =	sor.u32 s14, s15;
	s14 =	simm.s32 $0x0  }
.LBB2_2:
0x1f: {  	p0 =	sne.s32 s13, $0x9FC0  }
0x20: {  	[tilespmem:s15+$0x4F80] =	vst v0;
	s14 =	sadd.s32 $0x10, s14;
	s15 =	smov.u32 s13;
	s13 =	sadd.s32 $0x40, s13  }
.Ltmp0:
0x21: {  	(pc) =	sbr.rel @p0 .LBB2_2-.Ltmp0, $4  }
0x22: {  	_ = 	snop  }
0x23: {  	s15 =	sand.u32 $0xFE00, s15  }
0x24: {  	s16 =	sand.u32 $0x70, s14;
	s15 =	sshrl.u32 s15, $0x2  }
0x25: {  	s15 =	sor.u32 s16, s15  }
0x26: {  	[tilespmem:s15+$0x4F80] =	vst v0  }
0x27: {  	[spmem:s5] =	stream.linear.scatter [tilespmem:s24], [sflag:$0x3], $0x2800, $0x38;
	[tilespmem:$0x1DF80] =	vst v63  }
0x28: {  	_ = 	snop  }
0x29: {  	[spmem:s6] =	stream.linear.scatter [tilespmem:s24], [sflag:$0x3], $0x2800, $0x38;
	[tilespmem:$0x1DF80] =	vst v63  }
0x2a: {  	_ = 	snop  }
0x2b: {  	[spmem:s7] =	stream.linear.scatter [tilespmem:s24], [sflag:$0x3], $0x2800, $0x38;
	[tilespmem:$0x1DF80] =	vst v63  }
0x2c: {  	_ = 	snop  }
0x2d: {  	[spmem:s8] =	stream.linear.scatter [tilespmem:s24], [sflag:$0x3], $0x2800, $0x38;
	[tilespmem:$0x1DF80] =	vst v63  }
0x2e: {  	_ = 	snop  }
0x2f: {  	[spmem:s9] =	stream.linear.scatter [tilespmem:s24], [sflag:$0x3], $0x2800, $0x38;
	[tilespmem:$0x1DF80] =	vst v63  }
0x30: {  	_ = 	snop  }
0x31: {  	[spmem:s10] =	stream.linear.scatter [tilespmem:s24], [sflag:$0x3], $0x2800, $0x38;
	[tilespmem:$0x1DF80] =	vst v63  }
0x32: {  	_ = 	snop  }
0x33: {  	[spmem:s11] =	stream.linear.scatter [tilespmem:s24], [sflag:$0x3], $0x2800, $0x38;
	[tilespmem:$0x1DF80] =	vst v63  }
0x34: {  	_ = 	snop  }
0x35: {  	[spmem:s12] =	stream.linear.scatter [tilespmem:s24], [sflag:$0x3], $0x2800, $0x38;
	[tilespmem:$0x1DF80] =	vst v63  }
0x36: {  	s14 =	simm.s32 $0x0;
	s13 =	rddreg [dreg:$0x4]  }
0x37: {  	[tilespmem:s14], [sflag:$0x4] =	stream.linear.gather [hbm4b:s13+s14], $0x2710, $0x38;
	[tilespmem:$0x1DF80] =	vst v63  }
0x38: {  	_ =	swait.ge [sflag:s25], $0x2710  }
0x39: {  	[sflag:s25] =	ssyncset.done $0x0  }
0x3a: {  	s16 =	simm.s32 $0x2780;
	s15 =	rddreg [dreg:$0x5];
	[sflag:s25] =	ssyncadd.s32 $0xFFFFD8F0  }
0x3b: {  	[tilespmem:s16], [sflag:$0x4] =	stream.linear.gather [hbm4b:s15+s14], $0x2710, $0x38;
	[tilespmem:$0x1DF80] =	vst v63  }
0x3c: {  	_ =	swait.ge [sflag:s25], $0x2710  }
0x3d: {  	[sflag:s25] =	ssyncset.done $0x0  }
0x3e: {  	[sflag:s25] =	ssyncadd.s32 $0xFFFFD8F0  }
0x3f: {  	_ =	swait.ge [sflag:s28], $0x2800  }
0x40: {  	[sflag:s28] =	ssyncset.done $0x0  }
0x41: {  	[sflag:s28] =	ssyncadd.s32 $0xFFFFD800  }
0x42: {  	_ =	swait.ge [sflag:s28], $0x2800  }
0x43: {  	[sflag:s28] =	ssyncset.done $0x0  }
0x44: {  	[sflag:s28] =	ssyncadd.s32 $0xFFFFD800  }
0x45: {  	_ =	swait.ge [sflag:s28], $0x2800  }
0x46: {  	[sflag:s28] =	ssyncset.done $0x0  }
0x47: {  	[sflag:s28] =	ssyncadd.s32 $0xFFFFD800  }
0x48: {  	_ =	swait.ge [sflag:s28], $0x2800  }
0x49: {  	[sflag:s28] =	ssyncset.done $0x0  }
0x4a: {  	[sflag:s28] =	ssyncadd.s32 $0xFFFFD800  }
0x4b: {  	_ =	swait.ge [sflag:s28], $0x2800  }
0x4c: {  	[sflag:s28] =	ssyncset.done $0x0  }
0x4d: {  	[sflag:s28] =	ssyncadd.s32 $0xFFFFD800  }
0x4e: {  	_ =	swait.ge [sflag:s28], $0x2800  }
0x4f: {  	[sflag:s28] =	ssyncset.done $0x0  }
0x50: {  	[sflag:s28] =	ssyncadd.s32 $0xFFFFD800  }
0x51: {  	_ =	swait.ge [sflag:s28], $0x2800  }
0x52: {  	[sflag:s28] =	ssyncset.done $0x0  }
0x53: {  	[sflag:s28] =	ssyncadd.s32 $0xFFFFD800  }
0x54: {  	_ =	swait.ge [sflag:s28], $0x2800  }
0x55: {  	[sflag:s28] =	ssyncset.done $0x0  }
0x56: {  	[sflag:s28] =	ssyncadd.s32 $0xFFFFD800  }
0x57: {  	[bflag:$0x0] =	sbarrier.arrive $0xFFFF  }
0x58: {  	[tilespmem:s24], [sflag:$0x1] =	stream.indirect.gather [hbm4b:s1+s29], $0x80, s14, s29, $0xb8;
	[tilespmem:$0x1DF80] =	vst v63  }
0x59: {  	s17 =	simm.s32 $0x50  }
0x5a: {  	[tilespmem:s30], [sflag:$0x2] =	stream.indirect.gather [hbm4b:s1+s29], $0x80, s17, s29, $0xb8;
	[tilespmem:$0x1DF80] =	vst v63  }
0x5b: {  	_ =	swait.ge [sflag:s31], $0x2800  }
0x5c: {  	[sflag:s31] =	ssyncset.done $0x0  }
0x5d: {  	s13 =	simm.s32 $0x27D0;
	[sflag:s31] =	ssyncadd.s32 $0xFFFFD800  }
0x5e: {  	v1 =	vld [tilespmem:s13+$0xFFFFFFB0];
	_ =	sdelay $0x4  }
0x5f: {  	[tilespmem:$0x4F00] =	vst v1  }
0x60: {  	v1 =	vld [tilespmem:s13+$0xFFFFFFC0];
	_ =	sdelay $0x4  }
0x61: {  	[tilespmem:$0x4F10] =	vst v1  }
0x62: {  	v1 =	vld [tilespmem:s13+$0xFFFFFFD0];
	_ =	sdelay $0x4  }
0x63: {  	[tilespmem:$0x4F20] =	vst v1  }
0x64: {  	v1 =	vld [tilespmem:s13+$0xFFFFFFE0];
	_ =	sdelay $0x4  }
0x65: {  	[tilespmem:$0x4F30] =	vst v1  }
0x66: {  	v1 =	vld [tilespmem:s13+$0xFFFFFFF0];
	_ =	sdelay $0x4  }
0x67: {  	[tilespmem:$0x4F40] =	vst v1  }
0x68: {  	[spmem:s3] =	stream.indirect.scatter.add.f32 [tilespmem:s24], [sflag:$0x4], $0x80, s2, s29, $0xb8;
	[tilespmem:$0x1DF80] =	vst v63  }
0x69: {  	_ =	swait.ge [sflag:s25], $0x2800  }
0x6a: {  	[sflag:s25] =	ssyncset.done $0x0  }
0x6b: {  	s18 =	simm.s32 $0xA0;
	[sflag:s25] =	ssyncadd.s32 $0xFFFFD800  }
0x6c: {  	[tilespmem:s24], [sflag:$0x1] =	stream.indirect.gather [hbm4b:s1+s29], $0x80, s18, s29, $0xb8;
	[tilespmem:$0x1DF80] =	vst v63  }
0x6d: {  	_ =	swait.ge [sflag:s0], $0x2800  }
0x6e: {  	[sflag:s0] =	ssyncset.done $0x0  }
0x6f: {  	[sflag:s0] =	ssyncadd.s32 $0xFFFFD800  }
0x70: {  	v1 =	vld [tilespmem:s13+$0x0];
	_ =	sdelay $0x4  }
0x71: {  	[tilespmem:$0x4F00] =	vst v1  }
0x72: {  	v1 =	vld [tilespmem:s13+$0x10];
	_ =	sdelay $0x4  }
0x73: {  	[tilespmem:$0x4F10] =	vst v1  }
0x74: {  	v1 =	vld [tilespmem:s13+$0x20];
	_ =	sdelay $0x4  }
0x75: {  	s14 =	sand.u32 $0x3FE0, s14;
	[tilespmem:$0x4F20] =	vst v1  }
0x76: {  	v1 =	vld [tilespmem:s14+$0x2800];
	_ =	sdelay $0x4  }
0x77: {  	[tilespmem:$0x4F30] =	vst v1  }
0x78: {  	v1 =	vld [tilespmem:s13+$0x40];
	_ =	sdelay $0x4  }
0x79: {  	[tilespmem:$0x4F40] =	vst v1  }
0x7a: {  	[spmem:s3] =	stream.indirect.scatter.add.f32 [tilespmem:s30], [sflag:$0x4], $0x80, s2, s29, $0xb8;
	[tilespmem:$0x1DF80] =	vst v63  }
0x7b: {  	s16 =	simm.s32 $0x140;
	_ =	swait.ge [sflag:s25], $0x2800  }
0x7c: {  	s15 =	simm.s32 $0x140;
	s14 =	simm.s32 $0xA0;
	[sflag:s25] =	ssyncset.done $0x0  }
.LBB2_4:
0x7d: {  	s18 =	sadd.s32 $0xFFFFFFB0, s15  }
0x7e: {  	[sflag:s25] =	ssyncadd.s32 $0xFFFFD800;
	s13 =	sadd.s32 $0xA0, s13;
	s17 =	smov.u32 s16  }
0x7f: {  	[tilespmem:s30], [sflag:$0x2] =	stream.indirect.gather [hbm4b:s1+s29], $0x80, s18, s29, $0xb8;
	[tilespmem:$0x1DF80] =	vst v63  }
0x80: {  	p0 =	sne.s32 s16, $0x2620;
	s16 =	sadd.s32 $0xA0, s16;
	_ =	swait.ge [sflag:s31], $0x2800  }
0x81: {  	[sflag:s31] =	ssyncset.done $0x0  }
0x82: {  	[sflag:s31] =	ssyncadd.s32 $0xFFFFD800  }
0x83: {  	v1 =	vld [tilespmem:s13+$0xFFFFFFB0];
	_ =	sdelay $0x4  }
0x84: {  	[tilespmem:$0x4F00] =	vst v1  }
0x85: {  	v1 =	vld [tilespmem:s13+$0xFFFFFFC0];
	_ =	sdelay $0x4  }
0x86: {  	[tilespmem:$0x4F10] =	vst v1  }
0x87: {  	v1 =	vld [tilespmem:s13+$0xFFFFFFD0];
	_ =	sdelay $0x4  }
0x88: {  	[tilespmem:$0x4F20] =	vst v1  }
0x89: {  	v1 =	vld [tilespmem:s13+$0xFFFFFFE0];
	_ =	sdelay $0x4  }
0x8a: {  	[tilespmem:$0x4F30] =	vst v1  }
0x8b: {  	v1 =	vld [tilespmem:s13+$0xFFFFFFF0];
	_ =	sdelay $0x4  }
0x8c: {  	[tilespmem:$0x4F40] =	vst v1  }
0x8d: {  	[spmem:s3] =	stream.indirect.scatter.add.f32 [tilespmem:s24], [sflag:$0x4], $0x80, s2, s29, $0xb8;
	[tilespmem:$0x1DF80] =	vst v63  }
0x8e: {  	_ =	swait.ge [sflag:s25], $0x2800  }
0x8f: {  	[sflag:s25] =	ssyncset.done $0x0  }
0x90: {  	[sflag:s25] =	ssyncadd.s32 $0xFFFFD800  }
0x91: {  	[tilespmem:s24], [sflag:$0x1] =	stream.indirect.gather [hbm4b:s1+s29], $0x80, s15, s29, $0xb8;
	[tilespmem:$0x1DF80] =	vst v63  }
0x92: {  	_ =	swait.ge [sflag:s0], $0x2800  }
0x93: {  	[sflag:s0] =	ssyncset.done $0x0  }
0x94: {  	[sflag:s0] =	ssyncadd.s32 $0xFFFFD800  }
0x95: {  	v1 =	vld [tilespmem:s13+$0x0];
	_ =	sdelay $0x4  }
0x96: {  	[tilespmem:$0x4F00] =	vst v1  }
0x97: {  	v1 =	vld [tilespmem:s13+$0x10];
	_ =	sdelay $0x4  }
0x98: {  	[tilespmem:$0x4F10] =	vst v1  }
0x99: {  	v1 =	vld [tilespmem:s13+$0x20];
	_ =	sdelay $0x4  }
0x9a: {  	s18 =	sand.u32 $0x3FE0, s14;
	s14 =	smov.u32 s17;
	[tilespmem:$0x4F20] =	vst v1  }
0x9b: {  	v1 =	vld [tilespmem:s18+$0x2800];
	_ =	sdelay $0x4  }
0x9c: {  	[tilespmem:$0x4F30] =	vst v1  }
0x9d: {  	v1 =	vld [tilespmem:s13+$0x40];
	_ =	sdelay $0x3  }
.Ltmp1:
0x9e: {  	(pc) =	sbr.rel @p0 .LBB2_4-.Ltmp1, $4  }
0x9f: {  	[tilespmem:$0x4F40] =	vst v1  }
0xa0: {  	[spmem:s3] =	stream.indirect.scatter.add.f32 [tilespmem:s30], [sflag:$0x4], $0x80, s2, s29, $0xb8;
	[tilespmem:$0x1DF80] =	vst v63  }
0xa1: {  	_ =	swait.ge [sflag:s25], $0x2800  }
0xa2: {  	s15 =	sadd.s32 $0xA0, s15;
	[sflag:s25] =	ssyncset.done $0x0  }
0xa3: {  	s16 =	sadd.s32 $0xFFFFFFB0, s15;
	[sflag:s25] =	ssyncadd.s32 $0xFFFFD800  }
0xa4: {  	[tilespmem:s30], [sflag:$0x2] =	stream.indirect.gather [hbm4b:s1+s29], $0x80, s16, s29, $0xb8;
	[tilespmem:$0x1DF80] =	vst v63  }
0xa5: {  	_ =	swait.ge [sflag:s31], $0x2800  }
0xa6: {  	[sflag:s31] =	ssyncset.done $0x0  }
0xa7: {  	s13 =	sadd.s32 $0xA0, s13;
	[sflag:s31] =	ssyncadd.s32 $0xFFFFD800  }
0xa8: {  	v1 =	vld [tilespmem:s13+$0xFFFFFFB0];
	_ =	sdelay $0x4  }
0xa9: {  	[tilespmem:$0x4F00] =	vst v1  }
0xaa: {  	v1 =	vld [tilespmem:s13+$0xFFFFFFC0];
	_ =	sdelay $0x4  }
0xab: {  	[tilespmem:$0x4F10] =	vst v1  }
0xac: {  	v1 =	vld [tilespmem:s13+$0xFFFFFFD0];
	_ =	sdelay $0x4  }
0xad: {  	[tilespmem:$0x4F20] =	vst v1  }
0xae: {  	v1 =	vld [tilespmem:s13+$0xFFFFFFE0];
	_ =	sdelay $0x4  }
0xaf: {  	[tilespmem:$0x4F30] =	vst v1  }
0xb0: {  	v1 =	vld [tilespmem:s13+$0xFFFFFFF0];
	_ =	sdelay $0x4  }
0xb1: {  	[tilespmem:$0x4F40] =	vst v1  }
0xb2: {  	[spmem:s3] =	stream.indirect.scatter.add.f32 [tilespmem:s24], [sflag:$0x4], $0x80, s2, s29, $0xb8;
	[tilespmem:$0x1DF80] =	vst v63  }
0xb3: {  	_ =	swait.ge [sflag:s25], $0x2800  }
0xb4: {  	[sflag:s25] =	ssyncset.done $0x0  }
0xb5: {  	[sflag:s25] =	ssyncadd.s32 $0xFFFFD800  }
0xb6: {  	[tilespmem:s24], [sflag:$0x1] =	stream.indirect.gather [hbm4b:s1+s29], $0x80, s15, s29, $0xb8;
	[tilespmem:$0x1DF80] =	vst v63  }
0xb7: {  	_ =	swait.ge [sflag:s0], $0x2800  }
0xb8: {  	[sflag:s0] =	ssyncset.done $0x0  }
0xb9: {  	[sflag:s0] =	ssyncadd.s32 $0xFFFFD800  }
0xba: {  	v1 =	vld [tilespmem:s13+$0x0];
	_ =	sdelay $0x4  }
0xbb: {  	[tilespmem:$0x4F00] =	vst v1  }
0xbc: {  	v1 =	vld [tilespmem:s13+$0x10];
	_ =	sdelay $0x4  }
0xbd: {  	[tilespmem:$0x4F10] =	vst v1  }
0xbe: {  	v1 =	vld [tilespmem:s13+$0x20];
	_ =	sdelay $0x4  }
0xbf: {  	s14 =	sand.u32 $0x3FE0, s14;
	[tilespmem:$0x4F20] =	vst v1  }
0xc0: {  	v1 =	vld [tilespmem:s14+$0x2800];
	_ =	sdelay $0x4  }
0xc1: {  	[tilespmem:$0x4F30] =	vst v1  }
0xc2: {  	v1 =	vld [tilespmem:s13+$0x40];
	_ =	sdelay $0x4  }
0xc3: {  	[tilespmem:$0x4F40] =	vst v1  }
0xc4: {  	[spmem:s3] =	stream.indirect.scatter.add.f32 [tilespmem:s30], [sflag:$0x4], $0x80, s2, s29, $0xb8;
	[tilespmem:$0x1DF80] =	vst v63  }
0xc5: {  	_ =	swait.ge [sflag:s25], $0x2800  }
0xc6: {  	[sflag:s25] =	ssyncset.done $0x0  }
0xc7: {  	[sflag:s25] =	ssyncadd.s32 $0xFFFFD800  }
0xc8: {  	_ =	swait.ge [sflag:s31], $0x2800  }
0xc9: {  	[sflag:s31] =	ssyncset.done $0x0  }
0xca: {  	[sflag:s31] =	ssyncadd.s32 $0xFFFFD800  }
0xcb: {  	v1 =	vld [tilespmem:$0x4E40]  }
0xcc: {  	v2 =	vld [tilespmem:$0x4E50]  }
0xcd: {  	v3 =	vld [tilespmem:$0x4E60]  }
0xce: {  	v4 =	vld [tilespmem:$0x4E70]  }
0xcf: {  	v5 =	vld [tilespmem:$0x4E80]  }
0xd0: {  	[tilespmem:$0x4F00] =	vst v1  }
0xd1: {  	[tilespmem:$0x4F10] =	vst v2  }
0xd2: {  	[tilespmem:$0x4F20] =	vst v3  }
0xd3: {  	[tilespmem:$0x4F30] =	vst v4  }
0xd4: {  	[tilespmem:$0x4F40] =	vst v5  }
0xd5: {  	[spmem:s3] =	stream.indirect.scatter.add.f32 [tilespmem:s24], [sflag:$0x4], $0x80, s2, s29, $0xb8;
	[tilespmem:$0x1DF80] =	vst v63  }
0xd6: {  	_ =	swait.ge [sflag:s25], $0x2800  }
0xd7: {  	[sflag:s25] =	ssyncset.done $0x0  }
0xd8: {  	[sflag:s25] =	ssyncadd.s32 $0xFFFFD800  }
0xd9: {  	[bflag:$0x0] =	sbarrier.arrive $0xFFFF  }
0xda: {  	[tilespmem:s24], [sflag:$0x4] =	stream.linear.gather [spmem:s5], $0x2800, $0x38;
	[tilespmem:$0x1DF80] =	vst v63  }
0xdb: {  	_ =	swait.ge [sflag:s25], $0x2800  }
0xdc: {  	[sflag:s25] =	ssyncset.done $0x0  }
0xdd: {  	s15 =	rddreg [dreg:$0x6];
	[sflag:s25] =	ssyncadd.s32 $0xFFFFD800  }
0xde: {  	[hbm4b:s15+s4] =	stream.linear.scatter [tilespmem:s24], [sflag:$0x1], $0x2800, $0x38;
	[tilespmem:$0x1DF80] =	vst v63  }
0xdf: {  	_ = 	snop  }
0xe0: {  	[tilespmem:s30], [sflag:$0x4] =	stream.linear.gather [spmem:s6], $0x2800, $0x38;
	[tilespmem:$0x1DF80] =	vst v63  }
0xe1: {  	_ =	swait.ge [sflag:s25], $0x2800  }
0xe2: {  	[sflag:s25] =	ssyncset.done $0x0  }
0xe3: {  	s16 =	rddreg [dreg:$0x7];
	[sflag:s25] =	ssyncadd.s32 $0xFFFFD800  }
0xe4: {  	[hbm4b:s16+s4] =	stream.linear.scatter [tilespmem:s30], [sflag:$0x2], $0x2800, $0x38;
	[tilespmem:$0x1DF80] =	vst v63  }
0xe5: {  	_ =	swait.ge [sflag:s31], $0x2800  }
0xe6: {  	[sflag:s31] =	ssyncset.done $0x0  }
0xe7: {  	[sflag:s31] =	ssyncadd.s32 $0xFFFFD800  }
0xe8: {  	[tilespmem:s24], [sflag:$0x4] =	stream.linear.gather [spmem:s7], $0x2800, $0x38;
	[tilespmem:$0x1DF80] =	vst v63  }
0xe9: {  	_ =	swait.ge [sflag:s25], $0x2800  }
0xea: {  	[sflag:s25] =	ssyncset.done $0x0  }
0xeb: {  	s17 =	rddreg [dreg:$0x8];
	[sflag:s25] =	ssyncadd.s32 $0xFFFFD800  }
0xec: {  	[hbm4b:s17+s4] =	stream.linear.scatter [tilespmem:s24], [sflag:$0x1], $0x2800, $0x38;
	[tilespmem:$0x1DF80] =	vst v63  }
0xed: {  	_ =	swait.ge [sflag:s0], $0x2800  }
0xee: {  	[sflag:s0] =	ssyncset.done $0x0  }
0xef: {  	[sflag:s0] =	ssyncadd.s32 $0xFFFFD800  }
0xf0: {  	[tilespmem:s30], [sflag:$0x4] =	stream.linear.gather [spmem:s8], $0x2800, $0x38;
	[tilespmem:$0x1DF80] =	vst v63  }
0xf1: {  	_ =	swait.ge [sflag:s25], $0x2800  }
0xf2: {  	[sflag:s25] =	ssyncset.done $0x0  }
0xf3: {  	s18 =	rddreg [dreg:$0x9];
	[sflag:s25] =	ssyncadd.s32 $0xFFFFD800  }
0xf4: {  	[hbm4b:s18+s4] =	stream.linear.scatter [tilespmem:s30], [sflag:$0x2], $0x2800, $0x38;
	[tilespmem:$0x1DF80] =	vst v63  }
0xf5: {  	_ =	swait.ge [sflag:s31], $0x2800  }
0xf6: {  	[sflag:s31] =	ssyncset.done $0x0  }
0xf7: {  	[sflag:s31] =	ssyncadd.s32 $0xFFFFD800  }
0xf8: {  	[tilespmem:s24], [sflag:$0x4] =	stream.linear.gather [spmem:s9], $0x2800, $0x38;
	[tilespmem:$0x1DF80] =	vst v63  }
0xf9: {  	_ =	swait.ge [sflag:s25], $0x2800  }
0xfa: {  	[sflag:s25] =	ssyncset.done $0x0  }
0xfb: {  	[sflag:s25] =	ssyncadd.s32 $0xFFFFD800  }
0xfc: {  	[hbm4b:s19+s4] =	stream.linear.scatter [tilespmem:s24], [sflag:$0x1], $0x2800, $0x38;
	[tilespmem:$0x1DF80] =	vst v63  }
0xfd: {  	_ =	swait.ge [sflag:s0], $0x2800  }
0xfe: {  	[sflag:s0] =	ssyncset.done $0x0  }
0xff: {  	[sflag:s0] =	ssyncadd.s32 $0xFFFFD800  }
0x100: {  	[tilespmem:s30], [sflag:$0x4] =	stream.linear.gather [spmem:s10], $0x2800, $0x38;
	[tilespmem:$0x1DF80] =	vst v63  }
0x101: {  	_ =	swait.ge [sflag:s25], $0x2800  }
0x102: {  	[sflag:s25] =	ssyncset.done $0x0  }
0x103: {  	[sflag:s25] =	ssyncadd.s32 $0xFFFFD800  }
0x104: {  	[hbm4b:s20+s4] =	stream.linear.scatter [tilespmem:s30], [sflag:$0x2], $0x2800, $0x38;
	[tilespmem:$0x1DF80] =	vst v63  }
0x105: {  	_ =	swait.ge [sflag:s31], $0x2800  }
0x106: {  	[sflag:s31] =	ssyncset.done $0x0  }
0x107: {  	[sflag:s31] =	ssyncadd.s32 $0xFFFFD800  }
0x108: {  	[tilespmem:s24], [sflag:$0x4] =	stream.linear.gather [spmem:s11], $0x2800, $0x38;
	[tilespmem:$0x1DF80] =	vst v63  }
0x109: {  	_ =	swait.ge [sflag:s25], $0x2800  }
0x10a: {  	[sflag:s25] =	ssyncset.done $0x0  }
0x10b: {  	[sflag:s25] =	ssyncadd.s32 $0xFFFFD800  }
0x10c: {  	[hbm4b:s21+s4] =	stream.linear.scatter [tilespmem:s24], [sflag:$0x1], $0x2800, $0x38;
	[tilespmem:$0x1DF80] =	vst v63  }
0x10d: {  	_ =	swait.ge [sflag:s0], $0x2800  }
0x10e: {  	[sflag:s0] =	ssyncset.done $0x0  }
0x10f: {  	[sflag:s0] =	ssyncadd.s32 $0xFFFFD800  }
0x110: {  	[tilespmem:s30], [sflag:$0x4] =	stream.linear.gather [spmem:s12], $0x2800, $0x38;
	[tilespmem:$0x1DF80] =	vst v63  }
0x111: {  	_ =	swait.ge [sflag:s25], $0x2800  }
0x112: {  	[sflag:s25] =	ssyncset.done $0x0  }
0x113: {  	s26 =	sadd.s32 $0x1, s26;
	[sflag:s25] =	ssyncadd.s32 $0xFFFFD800  }
0x114: {  	[hbm4b:s22+s4] =	stream.linear.scatter [tilespmem:s30], [sflag:$0x2], $0x2800, $0x38;
	[tilespmem:$0x1DF80] =	vst v63  }
0x115: {  	p0 =	sne.s32 s26, s23;
	_ =	swait.ge [sflag:s31], $0x2800  }
.Ltmp2:
0x116: {  	[sflag:s31] =	ssyncset.done $0x0;
	(pc) =	sbr.rel @p0 .LBB2_1-.Ltmp2, $4  }
0x117: {  	[sflag:s31] =	ssyncadd.s32 $0xFFFFD800  }
0x118: {  	_ =	swait.ge [sflag:s0], $0x2800  }
0x119: {  	[sflag:s0] =	ssyncset.done $0x0  }
0x11a: {  	[sflag:s0] =	ssyncadd.s32 $0xFFFFD800  }
0x11b: {  	_ =	sfence.sel $0x180000  }
0x11c: {  	[bflag:$0x0] =	sbarrier.arrive $0xFFFF  }
0x11d: {  	_ =	strace $0x9000004A  }
0x11e: {  	s0 =	stileid.u32;
	[bflag:$0x2] =	sbarrier.arrive $0xFFFF  }
0x11f: {  	p0 =	sne.s32 s0, $0x0;
	s0 =	rddreg [dreg:$0x3]  }
0x120: {  	s0 =	sadd.s32 @!p0 $0x100000, s0  }
0x121: {  	[sflag:s0] =	ssyncadd.tile.s32 @!p0 $0x1;
	_ =	shalt  }
.Lfunc_end2:
_tile_overlayer_lowered:
.L_overlay_start_2:
0x122: {  	(tag) =	ssettag $0x2  }
0x123: {  	s0 =	rddreg [dreg:$0x0];
	s2 =	stileid.u32  }
0x124: {  	s1 =	rddreg [dreg:$0x1];
	p0 =	sne.s32 s2, $0x0  }
0x125: {  	s3 =	rddreg [dreg:$0x2];
	[bflag:$0x3] =	sbarrier.arrive $0xFFFF;
	s2 =	simm.s32 @!p0 $0x1C04  }
0x126: {  	[timem:s3], [sflag:s2] =	dma.local @!p0 [hbm:s0], s1  }
0x127: {  	s0 =	simm.s32 @!p0 $0x4  }
0x128: {  	_ =	swait.ge @!p0 [sflag:s0], s1  }
0x129: {  	s1 =	ssub.s32 @!p0 $0x0, s1;
	[sflag:s0] =	ssyncset.done @!p0 $0x0  }
0x12a: {  	[sflag:s0] =	ssyncadd.s32 @!p0 s1  }
0x12b: {  	[bflag:$0x3] =	sbarrier.arrive $0xFFFF  }
0x12c: {  	_ =	shalt  }

</sc_bundles>
